<compile_context>
chip_gen: v7x
topology: tpu7x:2x2x1
jax: 0.10.2.dev20260603
libtpu: 0.0.44.dev20260713+nightly
codegen_flags: <defaults>
</compile_context>

<pallas_src>
import jax
import jax.numpy as jnp
from jax import lax
from jax.experimental import pallas as pl
from jax.experimental.pallas import tpu as pltpu
from jax.experimental.pallas import tpu_sc as plsc

NC, NS, L = 2, 16, 16
N_NODES = 10000
D = 128
N_EDGES = 320000
NP = 10240
EP = 327680
NPT = NP // NS
_BW = 64
_BROWS = EP // _BW
_BPW = _BROWS // (NC * NS)
_CH = 32
_NCH = _BPW // _CH
_RING = 4

_sc_mesh = plsc.VectorSubcoreMesh(core_axis_name="c", subcore_axis_name="s")



def _deg_body(ei_hbm, deg_hbm, idx_v, ones_v, buf_v, deg_sh, sem, sem2):
    c = lax.axis_index("c")
    s = lax.axis_index("s")
    row0 = (c * NS + s) * _BPW
    for i in range(_BW // 16):
        ones_v[pl.ds(i * 16, 16)] = jnp.ones((16,), jnp.float32)
    for i in range(NPT // 16):
        buf_v[pl.ds(i * 16, 16)] = jnp.zeros((16,), jnp.float32)
    pltpu.sync_copy(buf_v, deg_sh.at[pl.ds(s * NPT, NPT)])
    pltpu.sync_copy(ei_hbm.at[1, pl.ds(row0, _BPW)], idx_v)
    plsc.subcore_barrier()

    pltpu.async_copy(ones_v, deg_sh.at[idx_v.at[0]], sem, add=True)

    def step(p, carry):
        pltpu.async_copy(ones_v, deg_sh.at[idx_v.at[2 * p + 1]], sem2, add=True)
        pltpu.make_async_copy(ones_v, deg_sh.at[idx_v.at[0]], sem).wait()
        pltpu.async_copy(ones_v, deg_sh.at[idx_v.at[2 * p + 2]], sem, add=True)
        pltpu.make_async_copy(ones_v, deg_sh.at[idx_v.at[0]], sem2).wait()
        return carry

    lax.fori_loop(0, _BPW // 2 - 1, step, 0)
    pltpu.async_copy(ones_v, deg_sh.at[idx_v.at[_BPW - 1]], sem2, add=True)
    pltpu.make_async_copy(ones_v, deg_sh.at[idx_v.at[0]], sem).wait()
    pltpu.make_async_copy(ones_v, deg_sh.at[idx_v.at[0]], sem2).wait()
    plsc.subcore_barrier()
    pltpu.sync_copy(deg_sh.at[pl.ds(s * NPT, NPT)], buf_v)
    pltpu.sync_copy(buf_v, deg_hbm.at[c, pl.ds(s * NPT, NPT)])


_deg_call = pl.kernel(
    _deg_body,
    out_type=jax.ShapeDtypeStruct((NC, NP), jnp.float32),
    mesh=_sc_mesh,
    scratch_types=[
        pltpu.VMEM((_BPW, _BW), jnp.int32),
        pltpu.VMEM((_BW,), jnp.float32),
        pltpu.VMEM((NPT,), jnp.float32),
        pltpu.VMEM_SHARED((NP,), jnp.float32),
        pltpu.SemaphoreType.DMA,
        pltpu.SemaphoreType.DMA,
    ],
)



def _agg_body(ei_hbm, h2_hbm, acc_hbm, sidx, didx,
              r0, r1, r2, r3, acc_sh, s0, s1, s2, s3):
    c = lax.axis_index("c")
    s = lax.axis_index("s")
    rows = [r0, r1, r2, r3]
    sems = [s0, s1, s2, s3]
    row0 = (c * NS + s) * _BPW
    pltpu.sync_copy(h2_hbm.at[pl.ds(NP - 64, 64)], r3)
    for t in range(NPT // 64):
        pltpu.sync_copy(r3, acc_sh.at[pl.ds(s * NPT + t * 64, 64)])
    plsc.subcore_barrier()

    for ch in range(_NCH):
        pltpu.sync_copy(ei_hbm.at[0, pl.ds(row0 + ch * _CH, _CH)], sidx)
        pltpu.sync_copy(ei_hbm.at[1, pl.ds(row0 + ch * _CH, _CH)], didx)
        for q in range(_RING - 1):
            pltpu.async_copy(h2_hbm.at[sidx.at[q]], rows[q], sems[q])

        def grp(p, carry):
            for q in range(_RING):
                i = _RING * p + q
                nxt = jnp.minimum(i + _RING - 1, _CH - 1)
                pltpu.async_copy(
                    h2_hbm.at[sidx.at[nxt]], rows[(q + 3) % 4], sems[(q + 3) % 4])
                pltpu.make_async_copy(h2_hbm.at[sidx.at[0]], rows[q], sems[q]).wait()
                pltpu.sync_copy(rows[q], acc_sh.at[didx.at[i]], add=True)
            return carry

        lax.fori_loop(0, _CH // _RING, grp, 0)
        for q in range(_RING - 1):
            pltpu.make_async_copy(h2_hbm.at[sidx.at[0]], rows[q], sems[q]).wait()
    plsc.subcore_barrier()
    for t in range(NPT // 64):
        pltpu.sync_copy(acc_sh.at[pl.ds(s * NPT + t * 64, 64)], r0)
        pltpu.sync_copy(r0, acc_hbm.at[c, pl.ds(s * NPT + t * 64, 64)])


_agg_call = pl.kernel(
    _agg_body,
    out_type=jax.ShapeDtypeStruct((NC, NP, D), jnp.float32),
    mesh=_sc_mesh,
    scratch_types=[
        pltpu.VMEM((_CH, _BW), jnp.int32),
        pltpu.VMEM((_CH, _BW), jnp.int32),
        pltpu.VMEM((_BW, D), jnp.float32),
        pltpu.VMEM((_BW, D), jnp.float32),
        pltpu.VMEM((_BW, D), jnp.float32),
        pltpu.VMEM((_BW, D), jnp.float32),
        pltpu.VMEM_SHARED((NP, D), jnp.float32),
        pltpu.SemaphoreType.DMA,
        pltpu.SemaphoreType.DMA,
        pltpu.SemaphoreType.DMA,
        pltpu.SemaphoreType.DMA,
    ],
)



_RB2 = 2048


def _zw_body(z_ref, w_ref, h_ref):
    h_ref[...] = jnp.dot(z_ref[...], w_ref[...], preferred_element_type=jnp.float32)


_zw_call = pl.pallas_call(
    _zw_body,
    grid=(NP // _RB2,),
    in_specs=[
        pl.BlockSpec((_RB2, D), lambda i: (i, 0)),
        pl.BlockSpec((D, D), lambda i: (0, 0)),
    ],
    out_specs=pl.BlockSpec((_RB2, D), lambda i: (i, 0)),
    out_shape=jax.ShapeDtypeStruct((NP, D), jnp.float32),
)


def _scale_body(h_ref, degp_ref, h2_ref):
    i = pl.program_id(0)
    deg = degp_ref[0, :] + degp_ref[1, :] + 1.0
    dis = lax.rsqrt(deg)
    row = i * _RB2 + lax.broadcasted_iota(jnp.int32, (_RB2, 1), 0)
    val = h_ref[...] * dis[:, None]
    h2_ref[...] = jnp.where(row < N_NODES, val, 0.0)


_scale_call = pl.pallas_call(
    _scale_body,
    grid=(NP // _RB2,),
    in_specs=[
        pl.BlockSpec((_RB2, D), lambda i: (i, 0)),
        pl.BlockSpec((NC, _RB2), lambda i: (0, i)),
    ],
    out_specs=pl.BlockSpec((_RB2, D), lambda i: (i, 0)),
    out_shape=jax.ShapeDtypeStruct((NP, D), jnp.float32),
)



def _g_body(acc_ref, h2_ref, degp_ref, b_ref, g_ref, gt_ref):
    deg = degp_ref[0, :] + degp_ref[1, :] + 1.0
    dis = lax.rsqrt(deg)
    t = (acc_ref[0] + acc_ref[1] + h2_ref[...]) * dis[:, None] + b_ref[...]
    gb = jnp.maximum(t, 0.0).astype(jnp.bfloat16)
    g_ref[...] = gb
    gt_ref[...] = gb.T


_g_call = pl.pallas_call(
    _g_body,
    grid=(NP // _RB2,),
    in_specs=[
        pl.BlockSpec((NC, _RB2, D), lambda i: (0, i, 0)),
        pl.BlockSpec((_RB2, D), lambda i: (i, 0)),
        pl.BlockSpec((NC, _RB2), lambda i: (0, i)),
        pl.BlockSpec((1, D), lambda i: (0, 0)),
    ],
    out_specs=[
        pl.BlockSpec((_RB2, D), lambda i: (i, 0)),
        pl.BlockSpec((D, _RB2), lambda i: (0, i)),
    ],
    out_shape=[
        jax.ShapeDtypeStruct((NP, D), jnp.bfloat16),
        jax.ShapeDtypeStruct((128, N_NODES), jnp.bfloat16),
    ],
)



_MB = 400


def _mm_body(gr_ref, gt_ref, out_ref):
    out_ref[...] = jnp.dot(gr_ref[...], gt_ref[...], preferred_element_type=jnp.float32)


_mm_call = pl.pallas_call(
    _mm_body,
    grid=(N_NODES // _MB,),
    in_specs=[
        pl.BlockSpec((_MB, D), lambda i: (i, 0)),
        pl.BlockSpec((D, N_NODES), lambda i: (0, 0)),
    ],
    out_specs=pl.BlockSpec((_MB, N_NODES), lambda i: (i, 0)),
    out_shape=jax.ShapeDtypeStruct((N_NODES, N_NODES), jnp.float32),
)



def kernel(z, edge_index, W, b):
    pad = (N_NODES + (jnp.arange(EP - N_EDGES) % (NP - N_NODES))).astype(jnp.int32)
    eip64 = jnp.concatenate(
        [edge_index.reshape(2, N_EDGES // _BW, _BW),
         jnp.broadcast_to(pad.reshape(1, -1, _BW), (2, (EP - N_EDGES) // _BW, _BW))],
        axis=1)

    h = _zw_call(z, W)
    degp = _deg_call(eip64)
    h2 = _scale_call(h, degp)
    accp = _agg_call(eip64, h2)
    g, gt = _g_call(accp, h2, degp, b.reshape(1, D))
    return _mm_call(g, gt)

# --- scband reference (transcript-rebuilt; emitter-appended) ---
"""Pipeline reference for scband-structure-decoder-76819785056522 (READ-ONLY COPY).

The authoritative reference and input builder live on the scoring server;
editing this copy changes nothing except your own understanding.
"""

import jax, jax.numpy as jnp
import numpy as np

N_NODES = 10000
D = 128
N_EDGES = 320000


def setup_inputs(seed: int = 0) -> dict:
    key = jax.random.key(seed)
    k1, k2, k3, k4 = jax.random.split(key, 4)
    z = jax.random.normal(k1, (N_NODES, D), dtype=jnp.float32)
    edge_index = jax.random.randint(k2, (2, N_EDGES), 0, N_NODES, dtype=jnp.int32)
    # GCNConv learned parameters (glorot-style init for weight, zeros for bias)
    W = jax.random.normal(k3, (D, D), dtype=jnp.float32) * (1.0 / np.sqrt(D))
    b = jnp.zeros((D,), dtype=jnp.float32)
    return {"z": z, "edge_index": edge_index, "W": W, "b": b}


def _gcn_conv(x, edge_index, W, b):
    # Faithful PyG GCNConv: add self-loops, symmetric normalization,
    # linear transform, scatter-add aggregation, bias.
    N = x.shape[0]
    self_loops = jnp.arange(N, dtype=edge_index.dtype)
    src = jnp.concatenate([edge_index[0], self_loops])
    dst = jnp.concatenate([edge_index[1], self_loops])
    deg = jnp.zeros((N,), dtype=x.dtype).at[dst].add(1.0)
    deg_inv_sqrt = jnp.where(deg > 0, 1.0 / jnp.sqrt(deg), 0.0)
    norm = deg_inv_sqrt[src] * deg_inv_sqrt[dst]
    h = x @ W
    msg = h[src] * norm[:, None]
    out = jnp.zeros_like(h).at[dst].add(msg)
    return out + b


def reference(z, edge_index, W, b):
    h = _gcn_conv(z, edge_index, W, b)
    h = jax.nn.relu(h)
    a_hat = h @ h.T
    return a_hat

if __name__ == "__main__":
    import jax
    _d = setup_inputs()
    print(jax.jit(kernel)(*tuple(_d.values())))

</pallas_src>

<mosaic_0001>
#map = affine_map<(d0, d1) -> (0, 0, 0)>
#map1 = affine_map<(d0, d1) -> (0, 0)>
module attributes {stable_mosaic.version = 14 : i64} {
  func.func @_deg_body(%arg0: i32, %arg1: i32, %arg2: memref<2x5120x64xi32, #tpu.memory_space<hbm>>, %arg3: memref<2x10240xf32, #tpu.memory_space<hbm>>, %arg4: memref<160x64xi32, #tpu.memory_space<vmem>>, %arg5: memref<64xf32, #tpu.memory_space<vmem>>, %arg6: memref<640xf32, #tpu.memory_space<vmem>>, %arg7: memref<10240xf32, #tpu.memory_space<vmem_shared>>, %arg8: memref<!tpu.dma_semaphore, #tpu.memory_space<semaphore_mem>>, %arg9: memref<!tpu.dma_semaphore, #tpu.memory_space<semaphore_mem>>) attributes {dimension_semantics = [#tpu.dimension_semantics<core_parallel>, #tpu.dimension_semantics<subcore_parallel>], iteration_bounds = array<i64: 2, 16>, scalar_prefetch = 0 : i64, scratch_operands = 6 : i64, tpu.core_type = #tpu.core_type<sc_vector_subcore>, window_params = [{transform_indices = #map}, {transform_indices = #map1}]} {
    %mul3A = arith.constant 16 : i32
    %mul3A_0 = arith.muli %arg0, %mul3A : i32
    %add3A = arith.addi %mul3A_0, %arg1 : i32
    %mul3A_1 = arith.constant 160 : i32
    %mul3A_2 = arith.muli %add3A, %mul3A_1 : i32
    %broadcast_in_dim3A = arith.constant 1.000000e+00 : f32
    %broadcast_in_dim3A_3 = vector.broadcast %broadcast_in_dim3A : f32 to vector<16xf32>
    %swap3A = arith.constant 0 : index
    %swap3A_4 = tpu.vector_load %arg5[%swap3A] {strides = array<i32>} : memref<64xf32, #tpu.memory_space<vmem>>, vector<16xf32>,
    %swap3A_5 = vector.shape_cast %swap3A_4 : vector<16xf32> to vector<16xf32>
    %swap3A_6 = vector.shape_cast %broadcast_in_dim3A_3 : vector<16xf32> to vector<16xf32>
    tpu.vector_store %arg5[%swap3A], %swap3A_6 {strides = array<i32>} : memref<64xf32, #tpu.memory_space<vmem>>, vector<16xf32>,
    %broadcast_in_dim3A_7 = arith.constant 1.000000e+00 : f32
    %broadcast_in_dim3A_8 = vector.broadcast %broadcast_in_dim3A_7 : f32 to vector<16xf32>
    %swap3A_9 = arith.constant 16 : index
    %swap3A_10 = tpu.vector_load %arg5[%swap3A_9] {strides = array<i32>} : memref<64xf32, #tpu.memory_space<vmem>>, vector<16xf32>,
    %swap3A_11 = vector.shape_cast %swap3A_10 : vector<16xf32> to vector<16xf32>
    %swap3A_12 = vector.shape_cast %broadcast_in_dim3A_8 : vector<16xf32> to vector<16xf32>
    tpu.vector_store %arg5[%swap3A_9], %swap3A_12 {strides = array<i32>} : memref<64xf32, #tpu.memory_space<vmem>>, vector<16xf32>,
    %broadcast_in_dim3A_13 = arith.constant 1.000000e+00 : f32
    %broadcast_in_dim3A_14 = vector.broadcast %broadcast_in_dim3A_13 : f32 to vector<16xf32>
    %swap3A_15 = arith.constant 32 : index
    %swap3A_16 = tpu.vector_load %arg5[%swap3A_15] {strides = array<i32>} : memref<64xf32, #tpu.memory_space<vmem>>, vector<16xf32>,
    %swap3A_17 = vector.shape_cast %swap3A_16 : vector<16xf32> to vector<16xf32>
    %swap3A_18 = vector.shape_cast %broadcast_in_dim3A_14 : vector<16xf32> to vector<16xf32>
    tpu.vector_store %arg5[%swap3A_15], %swap3A_18 {strides = array<i32>} : memref<64xf32, #tpu.memory_space<vmem>>, vector<16xf32>,
    %broadcast_in_dim3A_19 = arith.constant 1.000000e+00 : f32
    %broadcast_in_dim3A_20 = vector.broadcast %broadcast_in_dim3A_19 : f32 to vector<16xf32>
    %swap3A_21 = arith.constant 48 : index
    %swap3A_22 = tpu.vector_load %arg5[%swap3A_21] {strides = array<i32>} : memref<64xf32, #tpu.memory_space<vmem>>, vector<16xf32>,
    %swap3A_23 = vector.shape_cast %swap3A_22 : vector<16xf32> to vector<16xf32>
    %swap3A_24 = vector.shape_cast %broadcast_in_dim3A_20 : vector<16xf32> to vector<16xf32>
    tpu.vector_store %arg5[%swap3A_21], %swap3A_24 {strides = array<i32>} : memref<64xf32, #tpu.memory_space<vmem>>, vector<16xf32>,
    %broadcast_in_dim3A_25 = arith.constant 0.000000e+00 : f32
    %broadcast_in_dim3A_26 = vector.broadcast %broadcast_in_dim3A_25 : f32 to vector<16xf32>
    %swap3A_27 = arith.constant 0 : index
    %swap3A_28 = tpu.vector_load %arg6[%swap3A_27] {strides = array<i32>} : memref<640xf32, #tpu.memory_space<vmem>>, vector<16xf32>,
    %swap3A_29 = vector.shape_cast %swap3A_28 : vector<16xf32> to vector<16xf32>
    %swap3A_30 = vector.shape_cast %broadcast_in_dim3A_26 : vector<16xf32> to vector<16xf32>
    tpu.vector_store %arg6[%swap3A_27], %swap3A_30 {strides = array<i32>} : memref<640xf32, #tpu.memory_space<vmem>>, vector<16xf32>,
    %broadcast_in_dim3A_31 = arith.constant 0.000000e+00 : f32
    %broadcast_in_dim3A_32 = vector.broadcast %broadcast_in_dim3A_31 : f32 to vector<16xf32>
    %swap3A_33 = arith.constant 16 : index
    %swap3A_34 = tpu.vector_load %arg6[%swap3A_33] {strides = array<i32>} : memref<640xf32, #tpu.memory_space<vmem>>, vector<16xf32>,
    %swap3A_35 = vector.shape_cast %swap3A_34 : vector<16xf32> to vector<16xf32>
    %swap3A_36 = vector.shape_cast %broadcast_in_dim3A_32 : vector<16xf32> to vector<16xf32>
    tpu.vector_store %arg6[%swap3A_33], %swap3A_36 {strides = array<i32>} : memref<640xf32, #tpu.memory_space<vmem>>, vector<16xf32>,
    %broadcast_in_dim3A_37 = arith.constant 0.000000e+00 : f32
    %broadcast_in_dim3A_38 = vector.broadcast %broadcast_in_dim3A_37 : f32 to vector<16xf32>
    %swap3A_39 = arith.constant 32 : index
    %swap3A_40 = tpu.vector_load %arg6[%swap3A_39] {strides = array<i32>} : memref<640xf32, #tpu.memory_space<vmem>>, vector<16xf32>,
    %swap3A_41 = vector.shape_cast %swap3A_40 : vector<16xf32> to vector<16xf32>
    %swap3A_42 = vector.shape_cast %broadcast_in_dim3A_38 : vector<16xf32> to vector<16xf32>
    tpu.vector_store %arg6[%swap3A_39], %swap3A_42 {strides = array<i32>} : memref<640xf32, #tpu.memory_space<vmem>>, vector<16xf32>,
    %broadcast_in_dim3A_43 = arith.constant 0.000000e+00 : f32
    %broadcast_in_dim3A_44 = vector.broadcast %broadcast_in_dim3A_43 : f32 to vector<16xf32>
    %swap3A_45 = arith.constant 48 : index
    %swap3A_46 = tpu.vector_load %arg6[%swap3A_45] {strides = array<i32>} : memref<640xf32, #tpu.memory_space<vmem>>, vector<16xf32>,
    %swap3A_47 = vector.shape_cast %swap3A_46 : vector<16xf32> to vector<16xf32>
    %swap3A_48 = vector.shape_cast %broadcast_in_dim3A_44 : vector<16xf32> to vector<16xf32>
    tpu.vector_store %arg6[%swap3A_45], %swap3A_48 {strides = array<i32>} : memref<640xf32, #tpu.memory_space<vmem>>, vector<16xf32>,
    %broadcast_in_dim3A_49 = arith.constant 0.000000e+00 : f32
    %broadcast_in_dim3A_50 = vector.broadcast %broadcast_in_dim3A_49 : f32 to vector<16xf32>
    %swap3A_51 = arith.constant 64 : index
    %swap3A_52 = tpu.vector_load %arg6[%swap3A_51] {strides = array<i32>} : memref<640xf32, #tpu.memory_space<vmem>>, vector<16xf32>,
    %swap3A_53 = vector.shape_cast %swap3A_52 : vector<16xf32> to vector<16xf32>
    %swap3A_54 = vector.shape_cast %broadcast_in_dim3A_50 : vector<16xf32> to vector<16xf32>
    tpu.vector_store %arg6[%swap3A_51], %swap3A_54 {strides = array<i32>} : memref<640xf32, #tpu.memory_space<vmem>>, vector<16xf32>,
    %broadcast_in_dim3A_55 = arith.constant 0.000000e+00 : f32
    %broadcast_in_dim3A_56 = vector.broadcast %broadcast_in_dim3A_55 : f32 to vector<16xf32>
    %swap3A_57 = arith.constant 80 : index
    %swap3A_58 = tpu.vector_load %arg6[%swap3A_57] {strides = array<i32>} : memref<640xf32, #tpu.memory_space<vmem>>, vector<16xf32>,
    %swap3A_59 = vector.shape_cast %swap3A_58 : vector<16xf32> to vector<16xf32>
    %swap3A_60 = vector.shape_cast %broadcast_in_dim3A_56 : vector<16xf32> to vector<16xf32>
    tpu.vector_store %arg6[%swap3A_57], %swap3A_60 {strides = array<i32>} : memref<640xf32, #tpu.memory_space<vmem>>, vector<16xf32>,
    %broadcast_in_dim3A_61 = arith.constant 0.000000e+00 : f32
    %broadcast_in_dim3A_62 = vector.broadcast %broadcast_in_dim3A_61 : f32 to vector<16xf32>
    %swap3A_63 = arith.constant 96 : index
    %swap3A_64 = tpu.vector_load %arg6[%swap3A_63] {strides = array<i32>} : memref<640xf32, #tpu.memory_space<vmem>>, vector<16xf32>,
    %swap3A_65 = vector.shape_cast %swap3A_64 : vector<16xf32> to vector<16xf32>
    %swap3A_66 = vector.shape_cast %broadcast_in_dim3A_62 : vector<16xf32> to vector<16xf32>
    tpu.vector_store %arg6[%swap3A_63], %swap3A_66 {strides = array<i32>} : memref<640xf32, #tpu.memory_space<vmem>>, vector<16xf32>,
    %broadcast_in_dim3A_67 = arith.constant 0.000000e+00 : f32
    %broadcast_in_dim3A_68 = vector.broadcast %broadcast_in_dim3A_67 : f32 to vector<16xf32>
    %swap3A_69 = arith.constant 112 : index
    %swap3A_70 = tpu.vector_load %arg6[%swap3A_69] {strides = array<i32>} : memref<640xf32, #tpu.memory_space<vmem>>, vector<16xf32>,
    %swap3A_71 = vector.shape_cast %swap3A_70 : vector<16xf32> to vector<16xf32>
    %swap3A_72 = vector.shape_cast %broadcast_in_dim3A_68 : vector<16xf32> to vector<16xf32>
    tpu.vector_store %arg6[%swap3A_69], %swap3A_72 {strides = array<i32>} : memref<640xf32, #tpu.memory_space<vmem>>, vector<16xf32>,
    %broadcast_in_dim3A_73 = arith.constant 0.000000e+00 : f32
    %broadcast_in_dim3A_74 = vector.broadcast %broadcast_in_dim3A_73 : f32 to vector<16xf32>
    %swap3A_75 = arith.constant 128 : index
    %swap3A_76 = tpu.vector_load %arg6[%swap3A_75] {strides = array<i32>} : memref<640xf32, #tpu.memory_space<vmem>>, vector<16xf32>,
    %swap3A_77 = vector.shape_cast %swap3A_76 : vector<16xf32> to vector<16xf32>
    %swap3A_78 = vector.shape_cast %broadcast_in_dim3A_74 : vector<16xf32> to vector<16xf32>
    tpu.vector_store %arg6[%swap3A_75], %swap3A_78 {strides = array<i32>} : memref<640xf32, #tpu.memory_space<vmem>>, vector<16xf32>,
    %broadcast_in_dim3A_79 = arith.constant 0.000000e+00 : f32
    %broadcast_in_dim3A_80 = vector.broadcast %broadcast_in_dim3A_79 : f32 to vector<16xf32>
    %swap3A_81 = arith.constant 144 : index
    %swap3A_82 = tpu.vector_load %arg6[%swap3A_81] {strides = array<i32>} : memref<640xf32, #tpu.memory_space<vmem>>, vector<16xf32>,
    %swap3A_83 = vector.shape_cast %swap3A_82 : vector<16xf32> to vector<16xf32>
    %swap3A_84 = vector.shape_cast %broadcast_in_dim3A_80 : vector<16xf32> to vector<16xf32>
    tpu.vector_store %arg6[%swap3A_81], %swap3A_84 {strides = array<i32>} : memref<640xf32, #tpu.memory_space<vmem>>, vector<16xf32>,
    %broadcast_in_dim3A_85 = arith.constant 0.000000e+00 : f32
    %broadcast_in_dim3A_86 = vector.broadcast %broadcast_in_dim3A_85 : f32 to vector<16xf32>
    %swap3A_87 = arith.constant 160 : index
    %swap3A_88 = tpu.vector_load %arg6[%swap3A_87] {strides = array<i32>} : memref<640xf32, #tpu.memory_space<vmem>>, vector<16xf32>,
    %swap3A_89 = vector.shape_cast %swap3A_88 : vector<16xf32> to vector<16xf32>
    %swap3A_90 = vector.shape_cast %broadcast_in_dim3A_86 : vector<16xf32> to vector<16xf32>
    tpu.vector_store %arg6[%swap3A_87], %swap3A_90 {strides = array<i32>} : memref<640xf32, #tpu.memory_space<vmem>>, vector<16xf32>,
    %broadcast_in_dim3A_91 = arith.constant 0.000000e+00 : f32
    %broadcast_in_dim3A_92 = vector.broadcast %broadcast_in_dim3A_91 : f32 to vector<16xf32>
    %swap3A_93 = arith.constant 176 : index
    %swap3A_94 = tpu.vector_load %arg6[%swap3A_93] {strides = array<i32>} : memref<640xf32, #tpu.memory_space<vmem>>, vector<16xf32>,
    %swap3A_95 = vector.shape_cast %swap3A_94 : vector<16xf32> to vector<16xf32>
    %swap3A_96 = vector.shape_cast %broadcast_in_dim3A_92 : vector<16xf32> to vector<16xf32>
    tpu.vector_store %arg6[%swap3A_93], %swap3A_96 {strides = array<i32>} : memref<640xf32, #tpu.memory_space<vmem>>, vector<16xf32>,
    %broadcast_in_dim3A_97 = arith.constant 0.000000e+00 : f32
    %broadcast_in_dim3A_98 = vector.broadcast %broadcast_in_dim3A_97 : f32 to vector<16xf32>
    %swap3A_99 = arith.constant 192 : index
    %swap3A_100 = tpu.vector_load %arg6[%swap3A_99] {strides = array<i32>} : memref<640xf32, #tpu.memory_space<vmem>>, vector<16xf32>,
    %swap3A_101 = vector.shape_cast %swap3A_100 : vector<16xf32> to vector<16xf32>
    %swap3A_102 = vector.shape_cast %broadcast_in_dim3A_98 : vector<16xf32> to vector<16xf32>
    tpu.vector_store %arg6[%swap3A_99], %swap3A_102 {strides = array<i32>} : memref<640xf32, #tpu.memory_space<vmem>>, vector<16xf32>,
    %broadcast_in_dim3A_103 = arith.constant 0.000000e+00 : f32
    %broadcast_in_dim3A_104 = vector.broadcast %broadcast_in_dim3A_103 : f32 to vector<16xf32>
    %swap3A_105 = arith.constant 208 : index
    %swap3A_106 = tpu.vector_load %arg6[%swap3A_105] {strides = array<i32>} : memref<640xf32, #tpu.memory_space<vmem>>, vector<16xf32>,
    %swap3A_107 = vector.shape_cast %swap3A_106 : vector<16xf32> to vector<16xf32>
    %swap3A_108 = vector.shape_cast %broadcast_in_dim3A_104 : vector<16xf32> to vector<16xf32>
    tpu.vector_store %arg6[%swap3A_105], %swap3A_108 {strides = array<i32>} : memref<640xf32, #tpu.memory_space<vmem>>, vector<16xf32>,
    %broadcast_in_dim3A_109 = arith.constant 0.000000e+00 : f32
    %broadcast_in_dim3A_110 = vector.broadcast %broadcast_in_dim3A_109 : f32 to vector<16xf32>
    %swap3A_111 = arith.constant 224 : index
    %swap3A_112 = tpu.vector_load %arg6[%swap3A_111] {strides = array<i32>} : memref<640xf32, #tpu.memory_space<vmem>>, vector<16xf32>,
    %swap3A_113 = vector.shape_cast %swap3A_112 : vector<16xf32> to vector<16xf32>
    %swap3A_114 = vector.shape_cast %broadcast_in_dim3A_110 : vector<16xf32> to vector<16xf32>
    tpu.vector_store %arg6[%swap3A_111], %swap3A_114 {strides = array<i32>} : memref<640xf32, #tpu.memory_space<vmem>>, vector<16xf32>,
    %broadcast_in_dim3A_115 = arith.constant 0.000000e+00 : f32
    %broadcast_in_dim3A_116 = vector.broadcast %broadcast_in_dim3A_115 : f32 to vector<16xf32>
    %swap3A_117 = arith.constant 240 : index
    %swap3A_118 = tpu.vector_load %arg6[%swap3A_117] {strides = array<i32>} : memref<640xf32, #tpu.memory_space<vmem>>, vector<16xf32>,
    %swap3A_119 = vector.shape_cast %swap3A_118 : vector<16xf32> to vector<16xf32>
    %swap3A_120 = vector.shape_cast %broadcast_in_dim3A_116 : vector<16xf32> to vector<16xf32>
    tpu.vector_store %arg6[%swap3A_117], %swap3A_120 {strides = array<i32>} : memref<640xf32, #tpu.memory_space<vmem>>, vector<16xf32>,
    %broadcast_in_dim3A_121 = arith.constant 0.000000e+00 : f32
    %broadcast_in_dim3A_122 = vector.broadcast %broadcast_in_dim3A_121 : f32 to vector<16xf32>
    %swap3A_123 = arith.constant 256 : index
    %swap3A_124 = tpu.vector_load %arg6[%swap3A_123] {strides = array<i32>} : memref<640xf32, #tpu.memory_space<vmem>>, vector<16xf32>,
    %swap3A_125 = vector.shape_cast %swap3A_124 : vector<16xf32> to vector<16xf32>
    %swap3A_126 = vector.shape_cast %broadcast_in_dim3A_122 : vector<16xf32> to vector<16xf32>
    tpu.vector_store %arg6[%swap3A_123], %swap3A_126 {strides = array<i32>} : memref<640xf32, #tpu.memory_space<vmem>>, vector<16xf32>,
    %broadcast_in_dim3A_127 = arith.constant 0.000000e+00 : f32
    %broadcast_in_dim3A_128 = vector.broadcast %broadcast_in_dim3A_127 : f32 to vector<16xf32>
    %swap3A_129 = arith.constant 272 : index
    %swap3A_130 = tpu.vector_load %arg6[%swap3A_129] {strides = array<i32>} : memref<640xf32, #tpu.memory_space<vmem>>, vector<16xf32>,
    %swap3A_131 = vector.shape_cast %swap3A_130 : vector<16xf32> to vector<16xf32>
    %swap3A_132 = vector.shape_cast %broadcast_in_dim3A_128 : vector<16xf32> to vector<16xf32>
    tpu.vector_store %arg6[%swap3A_129], %swap3A_132 {strides = array<i32>} : memref<640xf32, #tpu.memory_space<vmem>>, vector<16xf32>,
    %broadcast_in_dim3A_133 = arith.constant 0.000000e+00 : f32
    %broadcast_in_dim3A_134 = vector.broadcast %broadcast_in_dim3A_133 : f32 to vector<16xf32>
    %swap3A_135 = arith.constant 288 : index
    %swap3A_136 = tpu.vector_load %arg6[%swap3A_135] {strides = array<i32>} : memref<640xf32, #tpu.memory_space<vmem>>, vector<16xf32>,
    %swap3A_137 = vector.shape_cast %swap3A_136 : vector<16xf32> to vector<16xf32>
    %swap3A_138 = vector.shape_cast %broadcast_in_dim3A_134 : vector<16xf32> to vector<16xf32>
    tpu.vector_store %arg6[%swap3A_135], %swap3A_138 {strides = array<i32>} : memref<640xf32, #tpu.memory_space<vmem>>, vector<16xf32>,
    %broadcast_in_dim3A_139 = arith.constant 0.000000e+00 : f32
    %broadcast_in_dim3A_140 = vector.broadcast %broadcast_in_dim3A_139 : f32 to vector<16xf32>
    %swap3A_141 = arith.constant 304 : index
    %swap3A_142 = tpu.vector_load %arg6[%swap3A_141] {strides = array<i32>} : memref<640xf32, #tpu.memory_space<vmem>>, vector<16xf32>,
    %swap3A_143 = vector.shape_cast %swap3A_142 : vector<16xf32> to vector<16xf32>
    %swap3A_144 = vector.shape_cast %broadcast_in_dim3A_140 : vector<16xf32> to vector<16xf32>
    tpu.vector_store %arg6[%swap3A_141], %swap3A_144 {strides = array<i32>} : memref<640xf32, #tpu.memory_space<vmem>>, vector<16xf32>,
    %broadcast_in_dim3A_145 = arith.constant 0.000000e+00 : f32
    %broadcast_in_dim3A_146 = vector.broadcast %broadcast_in_dim3A_145 : f32 to vector<16xf32>
    %swap3A_147 = arith.constant 320 : index
    %swap3A_148 = tpu.vector_load %arg6[%swap3A_147] {strides = array<i32>} : memref<640xf32, #tpu.memory_space<vmem>>, vector<16xf32>,
    %swap3A_149 = vector.shape_cast %swap3A_148 : vector<16xf32> to vector<16xf32>
    %swap3A_150 = vector.shape_cast %broadcast_in_dim3A_146 : vector<16xf32> to vector<16xf32>
    tpu.vector_store %arg6[%swap3A_147], %swap3A_150 {strides = array<i32>} : memref<640xf32, #tpu.memory_space<vmem>>, vector<16xf32>,
    %broadcast_in_dim3A_151 = arith.constant 0.000000e+00 : f32
    %broadcast_in_dim3A_152 = vector.broadcast %broadcast_in_dim3A_151 : f32 to vector<16xf32>
    %swap3A_153 = arith.constant 336 : index
    %swap3A_154 = tpu.vector_load %arg6[%swap3A_153] {strides = array<i32>} : memref<640xf32, #tpu.memory_space<vmem>>, vector<16xf32>,
    %swap3A_155 = vector.shape_cast %swap3A_154 : vector<16xf32> to vector<16xf32>
    %swap3A_156 = vector.shape_cast %broadcast_in_dim3A_152 : vector<16xf32> to vector<16xf32>
    tpu.vector_store %arg6[%swap3A_153], %swap3A_156 {strides = array<i32>} : memref<640xf32, #tpu.memory_space<vmem>>, vector<16xf32>,
    %broadcast_in_dim3A_157 = arith.constant 0.000000e+00 : f32
    %broadcast_in_dim3A_158 = vector.broadcast %broadcast_in_dim3A_157 : f32 to vector<16xf32>
    %swap3A_159 = arith.constant 352 : index
    %swap3A_160 = tpu.vector_load %arg6[%swap3A_159] {strides = array<i32>} : memref<640xf32, #tpu.memory_space<vmem>>, vector<16xf32>,
    %swap3A_161 = vector.shape_cast %swap3A_160 : vector<16xf32> to vector<16xf32>
    %swap3A_162 = vector.shape_cast %broadcast_in_dim3A_158 : vector<16xf32> to vector<16xf32>
    tpu.vector_store %arg6[%swap3A_159], %swap3A_162 {strides = array<i32>} : memref<640xf32, #tpu.memory_space<vmem>>, vector<16xf32>,
    %broadcast_in_dim3A_163 = arith.constant 0.000000e+00 : f32
    %broadcast_in_dim3A_164 = vector.broadcast %broadcast_in_dim3A_163 : f32 to vector<16xf32>
    %swap3A_165 = arith.constant 368 : index
    %swap3A_166 = tpu.vector_load %arg6[%swap3A_165] {strides = array<i32>} : memref<640xf32, #tpu.memory_space<vmem>>, vector<16xf32>,
    %swap3A_167 = vector.shape_cast %swap3A_166 : vector<16xf32> to vector<16xf32>
    %swap3A_168 = vector.shape_cast %broadcast_in_dim3A_164 : vector<16xf32> to vector<16xf32>
    tpu.vector_store %arg6[%swap3A_165], %swap3A_168 {strides = array<i32>} : memref<640xf32, #tpu.memory_space<vmem>>, vector<16xf32>,
    %broadcast_in_dim3A_169 = arith.constant 0.000000e+00 : f32
    %broadcast_in_dim3A_170 = vector.broadcast %broadcast_in_dim3A_169 : f32 to vector<16xf32>
    %swap3A_171 = arith.constant 384 : index
    %swap3A_172 = tpu.vector_load %arg6[%swap3A_171] {strides = array<i32>} : memref<640xf32, #tpu.memory_space<vmem>>, vector<16xf32>,
    %swap3A_173 = vector.shape_cast %swap3A_172 : vector<16xf32> to vector<16xf32>
    %swap3A_174 = vector.shape_cast %broadcast_in_dim3A_170 : vector<16xf32> to vector<16xf32>
    tpu.vector_store %arg6[%swap3A_171], %swap3A_174 {strides = array<i32>} : memref<640xf32, #tpu.memory_space<vmem>>, vector<16xf32>,
    %broadcast_in_dim3A_175 = arith.constant 0.000000e+00 : f32
    %broadcast_in_dim3A_176 = vector.broadcast %broadcast_in_dim3A_175 : f32 to vector<16xf32>
    %swap3A_177 = arith.constant 400 : index
    %swap3A_178 = tpu.vector_load %arg6[%swap3A_177] {strides = array<i32>} : memref<640xf32, #tpu.memory_space<vmem>>, vector<16xf32>,
    %swap3A_179 = vector.shape_cast %swap3A_178 : vector<16xf32> to vector<16xf32>
    %swap3A_180 = vector.shape_cast %broadcast_in_dim3A_176 : vector<16xf32> to vector<16xf32>
    tpu.vector_store %arg6[%swap3A_177], %swap3A_180 {strides = array<i32>} : memref<640xf32, #tpu.memory_space<vmem>>, vector<16xf32>,
    %broadcast_in_dim3A_181 = arith.constant 0.000000e+00 : f32
    %broadcast_in_dim3A_182 = vector.broadcast %broadcast_in_dim3A_181 : f32 to vector<16xf32>
    %swap3A_183 = arith.constant 416 : index
    %swap3A_184 = tpu.vector_load %arg6[%swap3A_183] {strides = array<i32>} : memref<640xf32, #tpu.memory_space<vmem>>, vector<16xf32>,
    %swap3A_185 = vector.shape_cast %swap3A_184 : vector<16xf32> to vector<16xf32>
    %swap3A_186 = vector.shape_cast %broadcast_in_dim3A_182 : vector<16xf32> to vector<16xf32>
    tpu.vector_store %arg6[%swap3A_183], %swap3A_186 {strides = array<i32>} : memref<640xf32, #tpu.memory_space<vmem>>, vector<16xf32>,
    %broadcast_in_dim3A_187 = arith.constant 0.000000e+00 : f32
    %broadcast_in_dim3A_188 = vector.broadcast %broadcast_in_dim3A_187 : f32 to vector<16xf32>
    %swap3A_189 = arith.constant 432 : index
    %swap3A_190 = tpu.vector_load %arg6[%swap3A_189] {strides = array<i32>} : memref<640xf32, #tpu.memory_space<vmem>>, vector<16xf32>,
    %swap3A_191 = vector.shape_cast %swap3A_190 : vector<16xf32> to vector<16xf32>
    %swap3A_192 = vector.shape_cast %broadcast_in_dim3A_188 : vector<16xf32> to vector<16xf32>
    tpu.vector_store %arg6[%swap3A_189], %swap3A_192 {strides = array<i32>} : memref<640xf32, #tpu.memory_space<vmem>>, vector<16xf32>,
    %broadcast_in_dim3A_193 = arith.constant 0.000000e+00 : f32
    %broadcast_in_dim3A_194 = vector.broadcast %broadcast_in_dim3A_193 : f32 to vector<16xf32>
    %swap3A_195 = arith.constant 448 : index
    %swap3A_196 = tpu.vector_load %arg6[%swap3A_195] {strides = array<i32>} : memref<640xf32, #tpu.memory_space<vmem>>, vector<16xf32>,
    %swap3A_197 = vector.shape_cast %swap3A_196 : vector<16xf32> to vector<16xf32>
    %swap3A_198 = vector.shape_cast %broadcast_in_dim3A_194 : vector<16xf32> to vector<16xf32>
    tpu.vector_store %arg6[%swap3A_195], %swap3A_198 {strides = array<i32>} : memref<640xf32, #tpu.memory_space<vmem>>, vector<16xf32>,
    %broadcast_in_dim3A_199 = arith.constant 0.000000e+00 : f32
    %broadcast_in_dim3A_200 = vector.broadcast %broadcast_in_dim3A_199 : f32 to vector<16xf32>
    %swap3A_201 = arith.constant 464 : index
    %swap3A_202 = tpu.vector_load %arg6[%swap3A_201] {strides = array<i32>} : memref<640xf32, #tpu.memory_space<vmem>>, vector<16xf32>,
    %swap3A_203 = vector.shape_cast %swap3A_202 : vector<16xf32> to vector<16xf32>
    %swap3A_204 = vector.shape_cast %broadcast_in_dim3A_200 : vector<16xf32> to vector<16xf32>
    tpu.vector_store %arg6[%swap3A_201], %swap3A_204 {strides = array<i32>} : memref<640xf32, #tpu.memory_space<vmem>>, vector<16xf32>,
    %broadcast_in_dim3A_205 = arith.constant 0.000000e+00 : f32
    %broadcast_in_dim3A_206 = vector.broadcast %broadcast_in_dim3A_205 : f32 to vector<16xf32>
    %swap3A_207 = arith.constant 480 : index
    %swap3A_208 = tpu.vector_load %arg6[%swap3A_207] {strides = array<i32>} : memref<640xf32, #tpu.memory_space<vmem>>, vector<16xf32>,
    %swap3A_209 = vector.shape_cast %swap3A_208 : vector<16xf32> to vector<16xf32>
    %swap3A_210 = vector.shape_cast %broadcast_in_dim3A_206 : vector<16xf32> to vector<16xf32>
    tpu.vector_store %arg6[%swap3A_207], %swap3A_210 {strides = array<i32>} : memref<640xf32, #tpu.memory_space<vmem>>, vector<16xf32>,
    %broadcast_in_dim3A_211 = arith.constant 0.000000e+00 : f32
    %broadcast_in_dim3A_212 = vector.broadcast %broadcast_in_dim3A_211 : f32 to vector<16xf32>
    %swap3A_213 = arith.constant 496 : index
    %swap3A_214 = tpu.vector_load %arg6[%swap3A_213] {strides = array<i32>} : memref<640xf32, #tpu.memory_space<vmem>>, vector<16xf32>,
    %swap3A_215 = vector.shape_cast %swap3A_214 : vector<16xf32> to vector<16xf32>
    %swap3A_216 = vector.shape_cast %broadcast_in_dim3A_212 : vector<16xf32> to vector<16xf32>
    tpu.vector_store %arg6[%swap3A_213], %swap3A_216 {strides = array<i32>} : memref<640xf32, #tpu.memory_space<vmem>>, vector<16xf32>,
    %broadcast_in_dim3A_217 = arith.constant 0.000000e+00 : f32
    %broadcast_in_dim3A_218 = vector.broadcast %broadcast_in_dim3A_217 : f32 to vector<16xf32>
    %swap3A_219 = arith.constant 512 : index
    %swap3A_220 = tpu.vector_load %arg6[%swap3A_219] {strides = array<i32>} : memref<640xf32, #tpu.memory_space<vmem>>, vector<16xf32>,
    %swap3A_221 = vector.shape_cast %swap3A_220 : vector<16xf32> to vector<16xf32>
    %swap3A_222 = vector.shape_cast %broadcast_in_dim3A_218 : vector<16xf32> to vector<16xf32>
    tpu.vector_store %arg6[%swap3A_219], %swap3A_222 {strides = array<i32>} : memref<640xf32, #tpu.memory_space<vmem>>, vector<16xf32>,
    %broadcast_in_dim3A_223 = arith.constant 0.000000e+00 : f32
    %broadcast_in_dim3A_224 = vector.broadcast %broadcast_in_dim3A_223 : f32 to vector<16xf32>
    %swap3A_225 = arith.constant 528 : index
    %swap3A_226 = tpu.vector_load %arg6[%swap3A_225] {strides = array<i32>} : memref<640xf32, #tpu.memory_space<vmem>>, vector<16xf32>,
    %swap3A_227 = vector.shape_cast %swap3A_226 : vector<16xf32> to vector<16xf32>
    %swap3A_228 = vector.shape_cast %broadcast_in_dim3A_224 : vector<16xf32> to vector<16xf32>
    tpu.vector_store %arg6[%swap3A_225], %swap3A_228 {strides = array<i32>} : memref<640xf32, #tpu.memory_space<vmem>>, vector<16xf32>,
    %broadcast_in_dim3A_229 = arith.constant 0.000000e+00 : f32
    %broadcast_in_dim3A_230 = vector.broadcast %broadcast_in_dim3A_229 : f32 to vector<16xf32>
    %swap3A_231 = arith.constant 544 : index
    %swap3A_232 = tpu.vector_load %arg6[%swap3A_231] {strides = array<i32>} : memref<640xf32, #tpu.memory_space<vmem>>, vector<16xf32>,
    %swap3A_233 = vector.shape_cast %swap3A_232 : vector<16xf32> to vector<16xf32>
    %swap3A_234 = vector.shape_cast %broadcast_in_dim3A_230 : vector<16xf32> to vector<16xf32>
    tpu.vector_store %arg6[%swap3A_231], %swap3A_234 {strides = array<i32>} : memref<640xf32, #tpu.memory_space<vmem>>, vector<16xf32>,
    %broadcast_in_dim3A_235 = arith.constant 0.000000e+00 : f32
    %broadcast_in_dim3A_236 = vector.broadcast %broadcast_in_dim3A_235 : f32 to vector<16xf32>
    %swap3A_237 = arith.constant 560 : index
    %swap3A_238 = tpu.vector_load %arg6[%swap3A_237] {strides = array<i32>} : memref<640xf32, #tpu.memory_space<vmem>>, vector<16xf32>,
    %swap3A_239 = vector.shape_cast %swap3A_238 : vector<16xf32> to vector<16xf32>
    %swap3A_240 = vector.shape_cast %broadcast_in_dim3A_236 : vector<16xf32> to vector<16xf32>
    tpu.vector_store %arg6[%swap3A_237], %swap3A_240 {strides = array<i32>} : memref<640xf32, #tpu.memory_space<vmem>>, vector<16xf32>,
    %broadcast_in_dim3A_241 = arith.constant 0.000000e+00 : f32
    %broadcast_in_dim3A_242 = vector.broadcast %broadcast_in_dim3A_241 : f32 to vector<16xf32>
    %swap3A_243 = arith.constant 576 : index
    %swap3A_244 = tpu.vector_load %arg6[%swap3A_243] {strides = array<i32>} : memref<640xf32, #tpu.memory_space<vmem>>, vector<16xf32>,
    %swap3A_245 = vector.shape_cast %swap3A_244 : vector<16xf32> to vector<16xf32>
    %swap3A_246 = vector.shape_cast %broadcast_in_dim3A_242 : vector<16xf32> to vector<16xf32>
    tpu.vector_store %arg6[%swap3A_243], %swap3A_246 {strides = array<i32>} : memref<640xf32, #tpu.memory_space<vmem>>, vector<16xf32>,
    %broadcast_in_dim3A_247 = arith.constant 0.000000e+00 : f32
    %broadcast_in_dim3A_248 = vector.broadcast %broadcast_in_dim3A_247 : f32 to vector<16xf32>
    %swap3A_249 = arith.constant 592 : index
    %swap3A_250 = tpu.vector_load %arg6[%swap3A_249] {strides = array<i32>} : memref<640xf32, #tpu.memory_space<vmem>>, vector<16xf32>,
    %swap3A_251 = vector.shape_cast %swap3A_250 : vector<16xf32> to vector<16xf32>
    %swap3A_252 = vector.shape_cast %broadcast_in_dim3A_248 : vector<16xf32> to vector<16xf32>
    tpu.vector_store %arg6[%swap3A_249], %swap3A_252 {strides = array<i32>} : memref<640xf32, #tpu.memory_space<vmem>>, vector<16xf32>,
    %broadcast_in_dim3A_253 = arith.constant 0.000000e+00 : f32
    %broadcast_in_dim3A_254 = vector.broadcast %broadcast_in_dim3A_253 : f32 to vector<16xf32>
    %swap3A_255 = arith.constant 608 : index
    %swap3A_256 = tpu.vector_load %arg6[%swap3A_255] {strides = array<i32>} : memref<640xf32, #tpu.memory_space<vmem>>, vector<16xf32>,
    %swap3A_257 = vector.shape_cast %swap3A_256 : vector<16xf32> to vector<16xf32>
    %swap3A_258 = vector.shape_cast %broadcast_in_dim3A_254 : vector<16xf32> to vector<16xf32>
    tpu.vector_store %arg6[%swap3A_255], %swap3A_258 {strides = array<i32>} : memref<640xf32, #tpu.memory_space<vmem>>, vector<16xf32>,
    %broadcast_in_dim3A_259 = arith.constant 0.000000e+00 : f32
    %broadcast_in_dim3A_260 = vector.broadcast %broadcast_in_dim3A_259 : f32 to vector<16xf32>
    %swap3A_261 = arith.constant 624 : index
    %swap3A_262 = tpu.vector_load %arg6[%swap3A_261] {strides = array<i32>} : memref<640xf32, #tpu.memory_space<vmem>>, vector<16xf32>,
    %swap3A_263 = vector.shape_cast %swap3A_262 : vector<16xf32> to vector<16xf32>
    %swap3A_264 = vector.shape_cast %broadcast_in_dim3A_260 : vector<16xf32> to vector<16xf32>
    tpu.vector_store %arg6[%swap3A_261], %swap3A_264 {strides = array<i32>} : memref<640xf32, #tpu.memory_space<vmem>>, vector<16xf32>,
    %mul3A_265 = arith.constant 640 : i32
    %mul3A_266 = arith.muli %arg1, %mul3A_265 : i32
    "tpu.region"() ({
      %run_scoped3A_299 = tpu.sem_alloc : memref<!tpu.dma_semaphore, #tpu.memory_space<semaphore_mem>>
      %dma_start3A_300 = tpu.memref_slice %arg7[%mul3A_266] : memref<10240xf32, #tpu.memory_space<vmem_shared>> -> memref<640xf32, #tpu.memory_space<vmem_shared>>
      %dma_start3A_301 = tpu.memref_slice %arg7[%mul3A_266] : memref<10240xf32, #tpu.memory_space<vmem_shared>> -> memref<640xf32, #tpu.memory_space<vmem_shared>>
      tpu.enqueue_dma source(%arg6 : memref<640xf32, #tpu.memory_space<vmem>>) target(%dma_start3A_301 : memref<640xf32, #tpu.memory_space<vmem_shared>>) target_semaphore(%run_scoped3A_299 : memref<!tpu.dma_semaphore, #tpu.memory_space<semaphore_mem>>)
      %dma_wait3A_302 = tpu.memref_slice %arg7[%mul3A_266] : memref<10240xf32, #tpu.memory_space<vmem_shared>> -> memref<640xf32, #tpu.memory_space<vmem_shared>>
      %dma_wait3A_303 = tpu.memref_slice %arg7[%mul3A_266] : memref<10240xf32, #tpu.memory_space<vmem_shared>> -> memref<640xf32, #tpu.memory_space<vmem_shared>>
      tpu.wait_dma2 semaphore(%run_scoped3A_299 : memref<!tpu.dma_semaphore, #tpu.memory_space<semaphore_mem>>) src(%arg6 : memref<640xf32, #tpu.memory_space<vmem>>) dst(%dma_wait3A_303 : memref<640xf32, #tpu.memory_space<vmem_shared>>)
      tpu.yield
    }) : () -> ()
    %run_scoped3A = arith.constant 1 : i32
    "tpu.region"() ({
      %run_scoped3A_299 = tpu.sem_alloc : memref<!tpu.dma_semaphore, #tpu.memory_space<semaphore_mem>>
      %dma_start3A_300 = arith.constant 0 : i32
      %dma_start3A_301 = tpu.memref_slice %arg2[%run_scoped3A, %mul3A_2, %dma_start3A_300] : memref<2x5120x64xi32, #tpu.memory_space<hbm>> -> memref<1x160x64xi32, #tpu.memory_space<hbm>>
      %dma_start3A_302 = tpu.memref_squeeze %dma_start3A_301 : memref<1x160x64xi32, #tpu.memory_space<hbm>> -> memref<160x64xi32, #tpu.memory_space<hbm>>
      %dma_start3A_303 = arith.constant 0 : i32
      %dma_start3A_304 = tpu.memref_slice %arg2[%run_scoped3A, %mul3A_2, %dma_start3A_303] : memref<2x5120x64xi32, #tpu.memory_space<hbm>> -> memref<1x160x64xi32, #tpu.memory_space<hbm>>
      %dma_start3A_305 = tpu.memref_squeeze %dma_start3A_304 : memref<1x160x64xi32, #tpu.memory_space<hbm>> -> memref<160x64xi32, #tpu.memory_space<hbm>>
      tpu.enqueue_dma source(%dma_start3A_305 : memref<160x64xi32, #tpu.memory_space<hbm>>) target(%arg4 : memref<160x64xi32, #tpu.memory_space<vmem>>) target_semaphore(%run_scoped3A_299 : memref<!tpu.dma_semaphore, #tpu.memory_space<semaphore_mem>>)
      %dma_wait3A_306 = arith.constant 0 : i32
      %dma_wait3A_307 = tpu.memref_slice %arg2[%run_scoped3A, %mul3A_2, %dma_wait3A_306] : memref<2x5120x64xi32, #tpu.memory_space<hbm>> -> memref<1x160x64xi32, #tpu.memory_space<hbm>>
      %dma_wait3A_308 = tpu.memref_squeeze %dma_wait3A_307 : memref<1x160x64xi32, #tpu.memory_space<hbm>> -> memref<160x64xi32, #tpu.memory_space<hbm>>
      %dma_wait3A_309 = arith.constant 0 : i32
      %dma_wait3A_310 = tpu.memref_slice %arg2[%run_scoped3A, %mul3A_2, %dma_wait3A_309] : memref<2x5120x64xi32, #tpu.memory_space<hbm>> -> memref<1x160x64xi32, #tpu.memory_space<hbm>>
      %dma_wait3A_311 = tpu.memref_squeeze %dma_wait3A_310 : memref<1x160x64xi32, #tpu.memory_space<hbm>> -> memref<160x64xi32, #tpu.memory_space<hbm>>
      tpu.wait_dma2 semaphore(%run_scoped3A_299 : memref<!tpu.dma_semaphore, #tpu.memory_space<semaphore_mem>>) src(%dma_wait3A_311 : memref<160x64xi32, #tpu.memory_space<hbm>>) dst(%arg4 : memref<160x64xi32, #tpu.memory_space<vmem>>)
      tpu.yield
    }) : () -> ()
    %barrier3A = arith.constant 0 : index
    tpu.barrier barrier_id(%barrier3A)
    %dma_start3A = arith.constant 0 : i32
    %dma_start3A_267 = arith.constant 0 : i32
    %dma_start3A_268 = tpu.memref_slice %arg4[%dma_start3A, %dma_start3A_267] : memref<160x64xi32, #tpu.memory_space<vmem>> -> memref<1x64xi32, #tpu.memory_space<vmem>>
    %dma_start3A_269 = tpu.memref_squeeze %dma_start3A_268 : memref<1x64xi32, #tpu.memory_space<vmem>> -> memref<64xi32, #tpu.memory_space<vmem>>
    %dma_start3A_270 = arith.constant 0 : i32
    %dma_start3A_271 = tpu.memref_slice %arg7[%dma_start3A_270] : memref<10240xf32, #tpu.memory_space<vmem_shared>> -> memref<10240xf32, #tpu.memory_space<vmem_shared>>
    tpu.enqueue_indirect_dma source(%arg5 : memref<64xf32, #tpu.memory_space<vmem>>) target(%dma_start3A_271 : memref<10240xf32, #tpu.memory_space<vmem_shared>>) offsets(%dma_start3A_269 : memref<64xi32, #tpu.memory_space<vmem>>) semaphore(%arg8 : memref<!tpu.dma_semaphore, #tpu.memory_space<semaphore_mem>>) {add = true}
    %scan3A = arith.constant 0 : i32
    %scan3A_272 = arith.constant 0 : i32
    %scan3A_273 = arith.constant 79 : i32
    %scan3A_274 = arith.addi %scan3A_272, %scan3A_273 : i32
    %scan3A_275 = arith.constant 1 : i32
    scf.for %scan3A_299 = %scan3A_272 to %scan3A_274 step %scan3A_275  : i32 {
      %mul3A_300 = arith.constant 2 : i32
      %mul3A_301 = arith.muli %mul3A_300, %scan3A_299 : i32
      %add3A_302 = arith.constant 1 : i32
      %add3A_303 = arith.addi %mul3A_301, %add3A_302 : i32
      %dma_start3A_304 = arith.constant 0 : i32
      %dma_start3A_305 = tpu.memref_slice %arg4[%add3A_303, %dma_start3A_304] : memref<160x64xi32, #tpu.memory_space<vmem>> -> memref<1x64xi32, #tpu.memory_space<vmem>>
      %dma_start3A_306 = tpu.memref_squeeze %dma_start3A_305 : memref<1x64xi32, #tpu.memory_space<vmem>> -> memref<64xi32, #tpu.memory_space<vmem>>
      %dma_start3A_307 = arith.constant 0 : i32
      %dma_start3A_308 = tpu.memref_slice %arg7[%dma_start3A_307] : memref<10240xf32, #tpu.memory_space<vmem_shared>> -> memref<10240xf32, #tpu.memory_space<vmem_shared>>
      tpu.enqueue_indirect_dma source(%arg5 : memref<64xf32, #tpu.memory_space<vmem>>) target(%dma_start3A_308 : memref<10240xf32, #tpu.memory_space<vmem_shared>>) offsets(%dma_start3A_306 : memref<64xi32, #tpu.memory_space<vmem>>) semaphore(%arg9 : memref<!tpu.dma_semaphore, #tpu.memory_space<semaphore_mem>>) {add = true}
      %dma_wait3A_309 = arith.constant 0 : i32
      %dma_wait3A_310 = arith.constant 0 : i32
      %dma_wait3A_311 = tpu.memref_slice %arg4[%dma_wait3A_309, %dma_wait3A_310] : memref<160x64xi32, #tpu.memory_space<vmem>> -> memref<1x64xi32, #tpu.memory_space<vmem>>
      %dma_wait3A_312 = tpu.memref_squeeze %dma_wait3A_311 : memref<1x64xi32, #tpu.memory_space<vmem>> -> memref<64xi32, #tpu.memory_space<vmem>>
      %dma_wait3A_313 = arith.constant 0 : i32
      %dma_wait3A_314 = tpu.memref_slice %arg7[%dma_wait3A_313] : memref<10240xf32, #tpu.memory_space<vmem_shared>> -> memref<10240xf32, #tpu.memory_space<vmem_shared>>
      tpu.wait_indirect_dma semaphore(%arg8 : memref<!tpu.dma_semaphore, #tpu.memory_space<semaphore_mem>>) src(%arg5 : memref<64xf32, #tpu.memory_space<vmem>>) dst(%dma_wait3A_314 : memref<10240xf32, #tpu.memory_space<vmem_shared>>)
      %mul3A_315 = arith.constant 2 : i32
      %mul3A_316 = arith.muli %mul3A_315, %scan3A_299 : i32
      %add3A_317 = arith.constant 2 : i32
      %add3A_318 = arith.addi %mul3A_316, %add3A_317 : i32
      %dma_start3A_319 = arith.constant 0 : i32
      %dma_start3A_320 = tpu.memref_slice %arg4[%add3A_318, %dma_start3A_319] : memref<160x64xi32, #tpu.memory_space<vmem>> -> memref<1x64xi32, #tpu.memory_space<vmem>>
      %dma_start3A_321 = tpu.memref_squeeze %dma_start3A_320 : memref<1x64xi32, #tpu.memory_space<vmem>> -> memref<64xi32, #tpu.memory_space<vmem>>
      %dma_start3A_322 = arith.constant 0 : i32
      %dma_start3A_323 = tpu.memref_slice %arg7[%dma_start3A_322] : memref<10240xf32, #tpu.memory_space<vmem_shared>> -> memref<10240xf32, #tpu.memory_space<vmem_shared>>
      tpu.enqueue_indirect_dma source(%arg5 : memref<64xf32, #tpu.memory_space<vmem>>) target(%dma_start3A_323 : memref<10240xf32, #tpu.memory_space<vmem_shared>>) offsets(%dma_start3A_321 : memref<64xi32, #tpu.memory_space<vmem>>) semaphore(%arg8 : memref<!tpu.dma_semaphore, #tpu.memory_space<semaphore_mem>>) {add = true}
      %dma_wait3A_324 = arith.constant 0 : i32
      %dma_wait3A_325 = arith.constant 0 : i32
      %dma_wait3A_326 = tpu.memref_slice %arg4[%dma_wait3A_324, %dma_wait3A_325] : memref<160x64xi32, #tpu.memory_space<vmem>> -> memref<1x64xi32, #tpu.memory_space<vmem>>
      %dma_wait3A_327 = tpu.memref_squeeze %dma_wait3A_326 : memref<1x64xi32, #tpu.memory_space<vmem>> -> memref<64xi32, #tpu.memory_space<vmem>>
      %dma_wait3A_328 = arith.constant 0 : i32
      %dma_wait3A_329 = tpu.memref_slice %arg7[%dma_wait3A_328] : memref<10240xf32, #tpu.memory_space<vmem_shared>> -> memref<10240xf32, #tpu.memory_space<vmem_shared>>
      tpu.wait_indirect_dma semaphore(%arg9 : memref<!tpu.dma_semaphore, #tpu.memory_space<semaphore_mem>>) src(%arg5 : memref<64xf32, #tpu.memory_space<vmem>>) dst(%dma_wait3A_329 : memref<10240xf32, #tpu.memory_space<vmem_shared>>)
    }
    %scan3A_276 = arith.constant 79 : i32
    %dma_start3A_277 = arith.constant 159 : i32
    %dma_start3A_278 = arith.constant 0 : i32
    %dma_start3A_279 = tpu.memref_slice %arg4[%dma_start3A_277, %dma_start3A_278] : memref<160x64xi32, #tpu.memory_space<vmem>> -> memref<1x64xi32, #tpu.memory_space<vmem>>
    %dma_start3A_280 = tpu.memref_squeeze %dma_start3A_279 : memref<1x64xi32, #tpu.memory_space<vmem>> -> memref<64xi32, #tpu.memory_space<vmem>>
    %dma_start3A_281 = arith.constant 0 : i32
    %dma_start3A_282 = tpu.memref_slice %arg7[%dma_start3A_281] : memref<10240xf32, #tpu.memory_space<vmem_shared>> -> memref<10240xf32, #tpu.memory_space<vmem_shared>>
    tpu.enqueue_indirect_dma source(%arg5 : memref<64xf32, #tpu.memory_space<vmem>>) target(%dma_start3A_282 : memref<10240xf32, #tpu.memory_space<vmem_shared>>) offsets(%dma_start3A_280 : memref<64xi32, #tpu.memory_space<vmem>>) semaphore(%arg9 : memref<!tpu.dma_semaphore, #tpu.memory_space<semaphore_mem>>) {add = true}
    %dma_wait3A = arith.constant 0 : i32
    %dma_wait3A_283 = arith.constant 0 : i32
    %dma_wait3A_284 = tpu.memref_slice %arg4[%dma_wait3A, %dma_wait3A_283] : memref<160x64xi32, #tpu.memory_space<vmem>> -> memref<1x64xi32, #tpu.memory_space<vmem>>
    %dma_wait3A_285 = tpu.memref_squeeze %dma_wait3A_284 : memref<1x64xi32, #tpu.memory_space<vmem>> -> memref<64xi32, #tpu.memory_space<vmem>>
    %dma_wait3A_286 = arith.constant 0 : i32
    %dma_wait3A_287 = tpu.memref_slice %arg7[%dma_wait3A_286] : memref<10240xf32, #tpu.memory_space<vmem_shared>> -> memref<10240xf32, #tpu.memory_space<vmem_shared>>
    tpu.wait_indirect_dma semaphore(%arg8 : memref<!tpu.dma_semaphore, #tpu.memory_space<semaphore_mem>>) src(%arg5 : memref<64xf32, #tpu.memory_space<vmem>>) dst(%dma_wait3A_287 : memref<10240xf32, #tpu.memory_space<vmem_shared>>)
    %dma_wait3A_288 = arith.constant 0 : i32
    %dma_wait3A_289 = arith.constant 0 : i32
    %dma_wait3A_290 = tpu.memref_slice %arg4[%dma_wait3A_288, %dma_wait3A_289] : memref<160x64xi32, #tpu.memory_space<vmem>> -> memref<1x64xi32, #tpu.memory_space<vmem>>
    %dma_wait3A_291 = tpu.memref_squeeze %dma_wait3A_290 : memref<1x64xi32, #tpu.memory_space<vmem>> -> memref<64xi32, #tpu.memory_space<vmem>>
    %dma_wait3A_292 = arith.constant 0 : i32
    %dma_wait3A_293 = tpu.memref_slice %arg7[%dma_wait3A_292] : memref<10240xf32, #tpu.memory_space<vmem_shared>> -> memref<10240xf32, #tpu.memory_space<vmem_shared>>
    tpu.wait_indirect_dma semaphore(%arg9 : memref<!tpu.dma_semaphore, #tpu.memory_space<semaphore_mem>>) src(%arg5 : memref<64xf32, #tpu.memory_space<vmem>>) dst(%dma_wait3A_293 : memref<10240xf32, #tpu.memory_space<vmem_shared>>)
    %barrier3A_294 = arith.constant 0 : index
    tpu.barrier barrier_id(%barrier3A_294)
    %mul3A_295 = arith.constant 640 : i32
    %mul3A_296 = arith.muli %arg1, %mul3A_295 : i32
    "tpu.region"() ({
      %run_scoped3A_299 = tpu.sem_alloc : memref<!tpu.dma_semaphore, #tpu.memory_space<semaphore_mem>>
      %dma_start3A_300 = tpu.memref_slice %arg7[%mul3A_296] : memref<10240xf32, #tpu.memory_space<vmem_shared>> -> memref<640xf32, #tpu.memory_space<vmem_shared>>
      %dma_start3A_301 = tpu.memref_slice %arg7[%mul3A_296] : memref<10240xf32, #tpu.memory_space<vmem_shared>> -> memref<640xf32, #tpu.memory_space<vmem_shared>>
      tpu.enqueue_dma source(%dma_start3A_301 : memref<640xf32, #tpu.memory_space<vmem_shared>>) target(%arg6 : memref<640xf32, #tpu.memory_space<vmem>>) target_semaphore(%run_scoped3A_299 : memref<!tpu.dma_semaphore, #tpu.memory_space<semaphore_mem>>)
      %dma_wait3A_302 = tpu.memref_slice %arg7[%mul3A_296] : memref<10240xf32, #tpu.memory_space<vmem_shared>> -> memref<640xf32, #tpu.memory_space<vmem_shared>>
      %dma_wait3A_303 = tpu.memref_slice %arg7[%mul3A_296] : memref<10240xf32, #tpu.memory_space<vmem_shared>> -> memref<640xf32, #tpu.memory_space<vmem_shared>>
      tpu.wait_dma2 semaphore(%run_scoped3A_299 : memref<!tpu.dma_semaphore, #tpu.memory_space<semaphore_mem>>) src(%dma_wait3A_303 : memref<640xf32, #tpu.memory_space<vmem_shared>>) dst(%arg6 : memref<640xf32, #tpu.memory_space<vmem>>)
      tpu.yield
    }) : () -> ()
    %mul3A_297 = arith.constant 640 : i32
    %mul3A_298 = arith.muli %arg1, %mul3A_297 : i32
    "tpu.region"() ({
      %run_scoped3A_299 = tpu.sem_alloc : memref<!tpu.dma_semaphore, #tpu.memory_space<semaphore_mem>>
      %dma_start3A_300 = tpu.memref_slice %arg3[%arg0, %mul3A_298] : memref<2x10240xf32, #tpu.memory_space<hbm>> -> memref<1x640xf32, #tpu.memory_space<hbm>>
      %dma_start3A_301 = tpu.memref_squeeze %dma_start3A_300 : memref<1x640xf32, #tpu.memory_space<hbm>> -> memref<640xf32, #tpu.memory_space<hbm>>
      %dma_start3A_302 = tpu.memref_slice %arg3[%arg0, %mul3A_298] : memref<2x10240xf32, #tpu.memory_space<hbm>> -> memref<1x640xf32, #tpu.memory_space<hbm>>
      %dma_start3A_303 = tpu.memref_squeeze %dma_start3A_302 : memref<1x640xf32, #tpu.memory_space<hbm>> -> memref<640xf32, #tpu.memory_space<hbm>>
      tpu.enqueue_dma source(%arg6 : memref<640xf32, #tpu.memory_space<vmem>>) target(%dma_start3A_303 : memref<640xf32, #tpu.memory_space<hbm>>) target_semaphore(%run_scoped3A_299 : memref<!tpu.dma_semaphore, #tpu.memory_space<semaphore_mem>>)
      %dma_wait3A_304 = tpu.memref_slice %arg3[%arg0, %mul3A_298] : memref<2x10240xf32, #tpu.memory_space<hbm>> -> memref<1x640xf32, #tpu.memory_space<hbm>>
      %dma_wait3A_305 = tpu.memref_squeeze %dma_wait3A_304 : memref<1x640xf32, #tpu.memory_space<hbm>> -> memref<640xf32, #tpu.memory_space<hbm>>
      %dma_wait3A_306 = tpu.memref_slice %arg3[%arg0, %mul3A_298] : memref<2x10240xf32, #tpu.memory_space<hbm>> -> memref<1x640xf32, #tpu.memory_space<hbm>>
      %dma_wait3A_307 = tpu.memref_squeeze %dma_wait3A_306 : memref<1x640xf32, #tpu.memory_space<hbm>> -> memref<640xf32, #tpu.memory_space<hbm>>
      tpu.wait_dma2 semaphore(%run_scoped3A_299 : memref<!tpu.dma_semaphore, #tpu.memory_space<semaphore_mem>>) src(%arg6 : memref<640xf32, #tpu.memory_space<vmem>>) dst(%dma_wait3A_307 : memref<640xf32, #tpu.memory_space<hbm>>)
      tpu.yield
    }) : () -> ()
    return
  }
}

#map = affine_map<(d0, d1) -> (0, 0, 0)>
#map1 = affine_map<(d0, d1) -> (0, 0)>
module attributes {stable_mosaic.version = 14 : i64} {
  func.func @_agg_body(%arg0: i32, %arg1: i32, %arg2: memref<2x5120x64xi32, #tpu.memory_space<hbm>>, %arg3: memref<10240x128xf32, #tpu.memory_space<hbm>>, %arg4: memref<2x10240x128xf32, #tpu.memory_space<hbm>>, %arg5: memref<32x64xi32, #tpu.memory_space<vmem>>, %arg6: memref<32x64xi32, #tpu.memory_space<vmem>>, %arg7: memref<64x128xf32, #tpu.memory_space<vmem>>, %arg8: memref<64x128xf32, #tpu.memory_space<vmem>>, %arg9: memref<64x128xf32, #tpu.memory_space<vmem>>, %arg10: memref<64x128xf32, #tpu.memory_space<vmem>>, %arg11: memref<10240x128xf32, #tpu.memory_space<vmem_shared>>, %arg12: memref<!tpu.dma_semaphore, #tpu.memory_space<semaphore_mem>>, %arg13: memref<!tpu.dma_semaphore, #tpu.memory_space<semaphore_mem>>, %arg14: memref<!tpu.dma_semaphore, #tpu.memory_space<semaphore_mem>>, %arg15: memref<!tpu.dma_semaphore, #tpu.memory_space<semaphore_mem>>) attributes {dimension_semantics = [#tpu.dimension_semantics<core_parallel>, #tpu.dimension_semantics<subcore_parallel>], iteration_bounds = array<i64: 2, 16>, scalar_prefetch = 0 : i64, scratch_operands = 11 : i64, tpu.core_type = #tpu.core_type<sc_vector_subcore>, window_params = [{transform_indices = #map}, {transform_indices = #map1}, {transform_indices = #map}]} {
    %mul3A = arith.constant 16 : i32
    %mul3A_0 = arith.muli %arg0, %mul3A : i32
    %add3A = arith.addi %mul3A_0, %arg1 : i32
    %mul3A_1 = arith.constant 160 : i32
    %mul3A_2 = arith.muli %add3A, %mul3A_1 : i32
    "tpu.region"() ({
      %run_scoped3A_390 = tpu.sem_alloc : memref<!tpu.dma_semaphore, #tpu.memory_space<semaphore_mem>>
      %dma_start3A_391 = arith.constant 10176 : i32
      %dma_start3A_392 = arith.constant 0 : i32
      %dma_start3A_393 = tpu.memref_slice %arg3[%dma_start3A_391, %dma_start3A_392] : memref<10240x128xf32, #tpu.memory_space<hbm>> -> memref<64x128xf32, #tpu.memory_space<hbm>>
      %dma_start3A_394 = arith.constant 10176 : i32
      %dma_start3A_395 = arith.constant 0 : i32
      %dma_start3A_396 = tpu.memref_slice %arg3[%dma_start3A_394, %dma_start3A_395] : memref<10240x128xf32, #tpu.memory_space<hbm>> -> memref<64x128xf32, #tpu.memory_space<hbm>>
      tpu.enqueue_dma source(%dma_start3A_396 : memref<64x128xf32, #tpu.memory_space<hbm>>) target(%arg10 : memref<64x128xf32, #tpu.memory_space<vmem>>) target_semaphore(%run_scoped3A_390 : memref<!tpu.dma_semaphore, #tpu.memory_space<semaphore_mem>>)
      %dma_wait3A_397 = arith.constant 10176 : i32
      %dma_wait3A_398 = arith.constant 0 : i32
      %dma_wait3A_399 = tpu.memref_slice %arg3[%dma_wait3A_397, %dma_wait3A_398] : memref<10240x128xf32, #tpu.memory_space<hbm>> -> memref<64x128xf32, #tpu.memory_space<hbm>>
      %dma_wait3A_400 = arith.constant 10176 : i32
      %dma_wait3A_401 = arith.constant 0 : i32
      %dma_wait3A_402 = tpu.memref_slice %arg3[%dma_wait3A_400, %dma_wait3A_401] : memref<10240x128xf32, #tpu.memory_space<hbm>> -> memref<64x128xf32, #tpu.memory_space<hbm>>
      tpu.wait_dma2 semaphore(%run_scoped3A_390 : memref<!tpu.dma_semaphore, #tpu.memory_space<semaphore_mem>>) src(%dma_wait3A_402 : memref<64x128xf32, #tpu.memory_space<hbm>>) dst(%arg10 : memref<64x128xf32, #tpu.memory_space<vmem>>)
      tpu.yield
    }) : () -> ()
    %mul3A_3 = arith.constant 640 : i32
    %mul3A_4 = arith.muli %arg1, %mul3A_3 : i32
    %add3A_5 = arith.constant 0 : i32
    %add3A_6 = arith.addi %mul3A_4, %add3A_5 : i32
    "tpu.region"() ({
      %run_scoped3A_390 = tpu.sem_alloc : memref<!tpu.dma_semaphore, #tpu.memory_space<semaphore_mem>>
      %dma_start3A_391 = arith.constant 0 : i32
      %dma_start3A_392 = tpu.memref_slice %arg11[%add3A_6, %dma_start3A_391] : memref<10240x128xf32, #tpu.memory_space<vmem_shared>> -> memref<64x128xf32, #tpu.memory_space<vmem_shared>>
      %dma_start3A_393 = arith.constant 0 : i32
      %dma_start3A_394 = tpu.memref_slice %arg11[%add3A_6, %dma_start3A_393] : memref<10240x128xf32, #tpu.memory_space<vmem_shared>> -> memref<64x128xf32, #tpu.memory_space<vmem_shared>>
      tpu.enqueue_dma source(%arg10 : memref<64x128xf32, #tpu.memory_space<vmem>>) target(%dma_start3A_394 : memref<64x128xf32, #tpu.memory_space<vmem_shared>>) target_semaphore(%run_scoped3A_390 : memref<!tpu.dma_semaphore, #tpu.memory_space<semaphore_mem>>)
      %dma_wait3A_395 = arith.constant 0 : i32
      %dma_wait3A_396 = tpu.memref_slice %arg11[%add3A_6, %dma_wait3A_395] : memref<10240x128xf32, #tpu.memory_space<vmem_shared>> -> memref<64x128xf32, #tpu.memory_space<vmem_shared>>
      %dma_wait3A_397 = arith.constant 0 : i32
      %dma_wait3A_398 = tpu.memref_slice %arg11[%add3A_6, %dma_wait3A_397] : memref<10240x128xf32, #tpu.memory_space<vmem_shared>> -> memref<64x128xf32, #tpu.memory_space<vmem_shared>>
      tpu.wait_dma2 semaphore(%run_scoped3A_390 : memref<!tpu.dma_semaphore, #tpu.memory_space<semaphore_mem>>) src(%arg10 : memref<64x128xf32, #tpu.memory_space<vmem>>) dst(%dma_wait3A_398 : memref<64x128xf32, #tpu.memory_space<vmem_shared>>)
      tpu.yield
    }) : () -> ()
    %mul3A_7 = arith.constant 640 : i32
    %mul3A_8 = arith.muli %arg1, %mul3A_7 : i32
    %add3A_9 = arith.constant 64 : i32
    %add3A_10 = arith.addi %mul3A_8, %add3A_9 : i32
    "tpu.region"() ({
      %run_scoped3A_390 = tpu.sem_alloc : memref<!tpu.dma_semaphore, #tpu.memory_space<semaphore_mem>>
      %dma_start3A_391 = arith.constant 0 : i32
      %dma_start3A_392 = tpu.memref_slice %arg11[%add3A_10, %dma_start3A_391] : memref<10240x128xf32, #tpu.memory_space<vmem_shared>> -> memref<64x128xf32, #tpu.memory_space<vmem_shared>>
      %dma_start3A_393 = arith.constant 0 : i32
      %dma_start3A_394 = tpu.memref_slice %arg11[%add3A_10, %dma_start3A_393] : memref<10240x128xf32, #tpu.memory_space<vmem_shared>> -> memref<64x128xf32, #tpu.memory_space<vmem_shared>>
      tpu.enqueue_dma source(%arg10 : memref<64x128xf32, #tpu.memory_space<vmem>>) target(%dma_start3A_394 : memref<64x128xf32, #tpu.memory_space<vmem_shared>>) target_semaphore(%run_scoped3A_390 : memref<!tpu.dma_semaphore, #tpu.memory_space<semaphore_mem>>)
      %dma_wait3A_395 = arith.constant 0 : i32
      %dma_wait3A_396 = tpu.memref_slice %arg11[%add3A_10, %dma_wait3A_395] : memref<10240x128xf32, #tpu.memory_space<vmem_shared>> -> memref<64x128xf32, #tpu.memory_space<vmem_shared>>
      %dma_wait3A_397 = arith.constant 0 : i32
      %dma_wait3A_398 = tpu.memref_slice %arg11[%add3A_10, %dma_wait3A_397] : memref<10240x128xf32, #tpu.memory_space<vmem_shared>> -> memref<64x128xf32, #tpu.memory_space<vmem_shared>>
      tpu.wait_dma2 semaphore(%run_scoped3A_390 : memref<!tpu.dma_semaphore, #tpu.memory_space<semaphore_mem>>) src(%arg10 : memref<64x128xf32, #tpu.memory_space<vmem>>) dst(%dma_wait3A_398 : memref<64x128xf32, #tpu.memory_space<vmem_shared>>)
      tpu.yield
    }) : () -> ()
    %mul3A_11 = arith.constant 640 : i32
    %mul3A_12 = arith.muli %arg1, %mul3A_11 : i32
    %add3A_13 = arith.constant 128 : i32
    %add3A_14 = arith.addi %mul3A_12, %add3A_13 : i32
    "tpu.region"() ({
      %run_scoped3A_390 = tpu.sem_alloc : memref<!tpu.dma_semaphore, #tpu.memory_space<semaphore_mem>>
      %dma_start3A_391 = arith.constant 0 : i32
      %dma_start3A_392 = tpu.memref_slice %arg11[%add3A_14, %dma_start3A_391] : memref<10240x128xf32, #tpu.memory_space<vmem_shared>> -> memref<64x128xf32, #tpu.memory_space<vmem_shared>>
      %dma_start3A_393 = arith.constant 0 : i32
      %dma_start3A_394 = tpu.memref_slice %arg11[%add3A_14, %dma_start3A_393] : memref<10240x128xf32, #tpu.memory_space<vmem_shared>> -> memref<64x128xf32, #tpu.memory_space<vmem_shared>>
      tpu.enqueue_dma source(%arg10 : memref<64x128xf32, #tpu.memory_space<vmem>>) target(%dma_start3A_394 : memref<64x128xf32, #tpu.memory_space<vmem_shared>>) target_semaphore(%run_scoped3A_390 : memref<!tpu.dma_semaphore, #tpu.memory_space<semaphore_mem>>)
      %dma_wait3A_395 = arith.constant 0 : i32
      %dma_wait3A_396 = tpu.memref_slice %arg11[%add3A_14, %dma_wait3A_395] : memref<10240x128xf32, #tpu.memory_space<vmem_shared>> -> memref<64x128xf32, #tpu.memory_space<vmem_shared>>
      %dma_wait3A_397 = arith.constant 0 : i32
      %dma_wait3A_398 = tpu.memref_slice %arg11[%add3A_14, %dma_wait3A_397] : memref<10240x128xf32, #tpu.memory_space<vmem_shared>> -> memref<64x128xf32, #tpu.memory_space<vmem_shared>>
      tpu.wait_dma2 semaphore(%run_scoped3A_390 : memref<!tpu.dma_semaphore, #tpu.memory_space<semaphore_mem>>) src(%arg10 : memref<64x128xf32, #tpu.memory_space<vmem>>) dst(%dma_wait3A_398 : memref<64x128xf32, #tpu.memory_space<vmem_shared>>)
      tpu.yield
    }) : () -> ()
    %mul3A_15 = arith.constant 640 : i32
    %mul3A_16 = arith.muli %arg1, %mul3A_15 : i32
    %add3A_17 = arith.constant 192 : i32
    %add3A_18 = arith.addi %mul3A_16, %add3A_17 : i32
    "tpu.region"() ({
      %run_scoped3A_390 = tpu.sem_alloc : memref<!tpu.dma_semaphore, #tpu.memory_space<semaphore_mem>>
      %dma_start3A_391 = arith.constant 0 : i32
      %dma_start3A_392 = tpu.memref_slice %arg11[%add3A_18, %dma_start3A_391] : memref<10240x128xf32, #tpu.memory_space<vmem_shared>> -> memref<64x128xf32, #tpu.memory_space<vmem_shared>>
      %dma_start3A_393 = arith.constant 0 : i32
      %dma_start3A_394 = tpu.memref_slice %arg11[%add3A_18, %dma_start3A_393] : memref<10240x128xf32, #tpu.memory_space<vmem_shared>> -> memref<64x128xf32, #tpu.memory_space<vmem_shared>>
      tpu.enqueue_dma source(%arg10 : memref<64x128xf32, #tpu.memory_space<vmem>>) target(%dma_start3A_394 : memref<64x128xf32, #tpu.memory_space<vmem_shared>>) target_semaphore(%run_scoped3A_390 : memref<!tpu.dma_semaphore, #tpu.memory_space<semaphore_mem>>)
      %dma_wait3A_395 = arith.constant 0 : i32
      %dma_wait3A_396 = tpu.memref_slice %arg11[%add3A_18, %dma_wait3A_395] : memref<10240x128xf32, #tpu.memory_space<vmem_shared>> -> memref<64x128xf32, #tpu.memory_space<vmem_shared>>
      %dma_wait3A_397 = arith.constant 0 : i32
      %dma_wait3A_398 = tpu.memref_slice %arg11[%add3A_18, %dma_wait3A_397] : memref<10240x128xf32, #tpu.memory_space<vmem_shared>> -> memref<64x128xf32, #tpu.memory_space<vmem_shared>>
      tpu.wait_dma2 semaphore(%run_scoped3A_390 : memref<!tpu.dma_semaphore, #tpu.memory_space<semaphore_mem>>) src(%arg10 : memref<64x128xf32, #tpu.memory_space<vmem>>) dst(%dma_wait3A_398 : memref<64x128xf32, #tpu.memory_space<vmem_shared>>)
      tpu.yield
    }) : () -> ()
    %mul3A_19 = arith.constant 640 : i32
    %mul3A_20 = arith.muli %arg1, %mul3A_19 : i32
    %add3A_21 = arith.constant 256 : i32
    %add3A_22 = arith.addi %mul3A_20, %add3A_21 : i32
    "tpu.region"() ({
      %run_scoped3A_390 = tpu.sem_alloc : memref<!tpu.dma_semaphore, #tpu.memory_space<semaphore_mem>>
      %dma_start3A_391 = arith.constant 0 : i32
      %dma_start3A_392 = tpu.memref_slice %arg11[%add3A_22, %dma_start3A_391] : memref<10240x128xf32, #tpu.memory_space<vmem_shared>> -> memref<64x128xf32, #tpu.memory_space<vmem_shared>>
      %dma_start3A_393 = arith.constant 0 : i32
      %dma_start3A_394 = tpu.memref_slice %arg11[%add3A_22, %dma_start3A_393] : memref<10240x128xf32, #tpu.memory_space<vmem_shared>> -> memref<64x128xf32, #tpu.memory_space<vmem_shared>>
      tpu.enqueue_dma source(%arg10 : memref<64x128xf32, #tpu.memory_space<vmem>>) target(%dma_start3A_394 : memref<64x128xf32, #tpu.memory_space<vmem_shared>>) target_semaphore(%run_scoped3A_390 : memref<!tpu.dma_semaphore, #tpu.memory_space<semaphore_mem>>)
      %dma_wait3A_395 = arith.constant 0 : i32
      %dma_wait3A_396 = tpu.memref_slice %arg11[%add3A_22, %dma_wait3A_395] : memref<10240x128xf32, #tpu.memory_space<vmem_shared>> -> memref<64x128xf32, #tpu.memory_space<vmem_shared>>
      %dma_wait3A_397 = arith.constant 0 : i32
      %dma_wait3A_398 = tpu.memref_slice %arg11[%add3A_22, %dma_wait3A_397] : memref<10240x128xf32, #tpu.memory_space<vmem_shared>> -> memref<64x128xf32, #tpu.memory_space<vmem_shared>>
      tpu.wait_dma2 semaphore(%run_scoped3A_390 : memref<!tpu.dma_semaphore, #tpu.memory_space<semaphore_mem>>) src(%arg10 : memref<64x128xf32, #tpu.memory_space<vmem>>) dst(%dma_wait3A_398 : memref<64x128xf32, #tpu.memory_space<vmem_shared>>)
      tpu.yield
    }) : () -> ()
    %mul3A_23 = arith.constant 640 : i32
    %mul3A_24 = arith.muli %arg1, %mul3A_23 : i32
    %add3A_25 = arith.constant 320 : i32
    %add3A_26 = arith.addi %mul3A_24, %add3A_25 : i32
    "tpu.region"() ({
      %run_scoped3A_390 = tpu.sem_alloc : memref<!tpu.dma_semaphore, #tpu.memory_space<semaphore_mem>>
      %dma_start3A_391 = arith.constant 0 : i32
      %dma_start3A_392 = tpu.memref_slice %arg11[%add3A_26, %dma_start3A_391] : memref<10240x128xf32, #tpu.memory_space<vmem_shared>> -> memref<64x128xf32, #tpu.memory_space<vmem_shared>>
      %dma_start3A_393 = arith.constant 0 : i32
      %dma_start3A_394 = tpu.memref_slice %arg11[%add3A_26, %dma_start3A_393] : memref<10240x128xf32, #tpu.memory_space<vmem_shared>> -> memref<64x128xf32, #tpu.memory_space<vmem_shared>>
      tpu.enqueue_dma source(%arg10 : memref<64x128xf32, #tpu.memory_space<vmem>>) target(%dma_start3A_394 : memref<64x128xf32, #tpu.memory_space<vmem_shared>>) target_semaphore(%run_scoped3A_390 : memref<!tpu.dma_semaphore, #tpu.memory_space<semaphore_mem>>)
      %dma_wait3A_395 = arith.constant 0 : i32
      %dma_wait3A_396 = tpu.memref_slice %arg11[%add3A_26, %dma_wait3A_395] : memref<10240x128xf32, #tpu.memory_space<vmem_shared>> -> memref<64x128xf32, #tpu.memory_space<vmem_shared>>
      %dma_wait3A_397 = arith.constant 0 : i32
      %dma_wait3A_398 = tpu.memref_slice %arg11[%add3A_26, %dma_wait3A_397] : memref<10240x128xf32, #tpu.memory_space<vmem_shared>> -> memref<64x128xf32, #tpu.memory_space<vmem_shared>>
      tpu.wait_dma2 semaphore(%run_scoped3A_390 : memref<!tpu.dma_semaphore, #tpu.memory_space<semaphore_mem>>) src(%arg10 : memref<64x128xf32, #tpu.memory_space<vmem>>) dst(%dma_wait3A_398 : memref<64x128xf32, #tpu.memory_space<vmem_shared>>)
      tpu.yield
    }) : () -> ()
    %mul3A_27 = arith.constant 640 : i32
    %mul3A_28 = arith.muli %arg1, %mul3A_27 : i32
    %add3A_29 = arith.constant 384 : i32
    %add3A_30 = arith.addi %mul3A_28, %add3A_29 : i32
    "tpu.region"() ({
      %run_scoped3A_390 = tpu.sem_alloc : memref<!tpu.dma_semaphore, #tpu.memory_space<semaphore_mem>>
      %dma_start3A_391 = arith.constant 0 : i32
      %dma_start3A_392 = tpu.memref_slice %arg11[%add3A_30, %dma_start3A_391] : memref<10240x128xf32, #tpu.memory_space<vmem_shared>> -> memref<64x128xf32, #tpu.memory_space<vmem_shared>>
      %dma_start3A_393 = arith.constant 0 : i32
      %dma_start3A_394 = tpu.memref_slice %arg11[%add3A_30, %dma_start3A_393] : memref<10240x128xf32, #tpu.memory_space<vmem_shared>> -> memref<64x128xf32, #tpu.memory_space<vmem_shared>>
      tpu.enqueue_dma source(%arg10 : memref<64x128xf32, #tpu.memory_space<vmem>>) target(%dma_start3A_394 : memref<64x128xf32, #tpu.memory_space<vmem_shared>>) target_semaphore(%run_scoped3A_390 : memref<!tpu.dma_semaphore, #tpu.memory_space<semaphore_mem>>)
      %dma_wait3A_395 = arith.constant 0 : i32
      %dma_wait3A_396 = tpu.memref_slice %arg11[%add3A_30, %dma_wait3A_395] : memref<10240x128xf32, #tpu.memory_space<vmem_shared>> -> memref<64x128xf32, #tpu.memory_space<vmem_shared>>
      %dma_wait3A_397 = arith.constant 0 : i32
      %dma_wait3A_398 = tpu.memref_slice %arg11[%add3A_30, %dma_wait3A_397] : memref<10240x128xf32, #tpu.memory_space<vmem_shared>> -> memref<64x128xf32, #tpu.memory_space<vmem_shared>>
      tpu.wait_dma2 semaphore(%run_scoped3A_390 : memref<!tpu.dma_semaphore, #tpu.memory_space<semaphore_mem>>) src(%arg10 : memref<64x128xf32, #tpu.memory_space<vmem>>) dst(%dma_wait3A_398 : memref<64x128xf32, #tpu.memory_space<vmem_shared>>)
      tpu.yield
    }) : () -> ()
    %mul3A_31 = arith.constant 640 : i32
    %mul3A_32 = arith.muli %arg1, %mul3A_31 : i32
    %add3A_33 = arith.constant 448 : i32
    %add3A_34 = arith.addi %mul3A_32, %add3A_33 : i32
    "tpu.region"() ({
      %run_scoped3A_390 = tpu.sem_alloc : memref<!tpu.dma_semaphore, #tpu.memory_space<semaphore_mem>>
      %dma_start3A_391 = arith.constant 0 : i32
      %dma_start3A_392 = tpu.memref_slice %arg11[%add3A_34, %dma_start3A_391] : memref<10240x128xf32, #tpu.memory_space<vmem_shared>> -> memref<64x128xf32, #tpu.memory_space<vmem_shared>>
      %dma_start3A_393 = arith.constant 0 : i32
      %dma_start3A_394 = tpu.memref_slice %arg11[%add3A_34, %dma_start3A_393] : memref<10240x128xf32, #tpu.memory_space<vmem_shared>> -> memref<64x128xf32, #tpu.memory_space<vmem_shared>>
      tpu.enqueue_dma source(%arg10 : memref<64x128xf32, #tpu.memory_space<vmem>>) target(%dma_start3A_394 : memref<64x128xf32, #tpu.memory_space<vmem_shared>>) target_semaphore(%run_scoped3A_390 : memref<!tpu.dma_semaphore, #tpu.memory_space<semaphore_mem>>)
      %dma_wait3A_395 = arith.constant 0 : i32
      %dma_wait3A_396 = tpu.memref_slice %arg11[%add3A_34, %dma_wait3A_395] : memref<10240x128xf32, #tpu.memory_space<vmem_shared>> -> memref<64x128xf32, #tpu.memory_space<vmem_shared>>
      %dma_wait3A_397 = arith.constant 0 : i32
      %dma_wait3A_398 = tpu.memref_slice %arg11[%add3A_34, %dma_wait3A_397] : memref<10240x128xf32, #tpu.memory_space<vmem_shared>> -> memref<64x128xf32, #tpu.memory_space<vmem_shared>>
      tpu.wait_dma2 semaphore(%run_scoped3A_390 : memref<!tpu.dma_semaphore, #tpu.memory_space<semaphore_mem>>) src(%arg10 : memref<64x128xf32, #tpu.memory_space<vmem>>) dst(%dma_wait3A_398 : memref<64x128xf32, #tpu.memory_space<vmem_shared>>)
      tpu.yield
    }) : () -> ()
    %mul3A_35 = arith.constant 640 : i32
    %mul3A_36 = arith.muli %arg1, %mul3A_35 : i32
    %add3A_37 = arith.constant 512 : i32
    %add3A_38 = arith.addi %mul3A_36, %add3A_37 : i32
    "tpu.region"() ({
      %run_scoped3A_390 = tpu.sem_alloc : memref<!tpu.dma_semaphore, #tpu.memory_space<semaphore_mem>>
      %dma_start3A_391 = arith.constant 0 : i32
      %dma_start3A_392 = tpu.memref_slice %arg11[%add3A_38, %dma_start3A_391] : memref<10240x128xf32, #tpu.memory_space<vmem_shared>> -> memref<64x128xf32, #tpu.memory_space<vmem_shared>>
      %dma_start3A_393 = arith.constant 0 : i32
      %dma_start3A_394 = tpu.memref_slice %arg11[%add3A_38, %dma_start3A_393] : memref<10240x128xf32, #tpu.memory_space<vmem_shared>> -> memref<64x128xf32, #tpu.memory_space<vmem_shared>>
      tpu.enqueue_dma source(%arg10 : memref<64x128xf32, #tpu.memory_space<vmem>>) target(%dma_start3A_394 : memref<64x128xf32, #tpu.memory_space<vmem_shared>>) target_semaphore(%run_scoped3A_390 : memref<!tpu.dma_semaphore, #tpu.memory_space<semaphore_mem>>)
      %dma_wait3A_395 = arith.constant 0 : i32
      %dma_wait3A_396 = tpu.memref_slice %arg11[%add3A_38, %dma_wait3A_395] : memref<10240x128xf32, #tpu.memory_space<vmem_shared>> -> memref<64x128xf32, #tpu.memory_space<vmem_shared>>
      %dma_wait3A_397 = arith.constant 0 : i32
      %dma_wait3A_398 = tpu.memref_slice %arg11[%add3A_38, %dma_wait3A_397] : memref<10240x128xf32, #tpu.memory_space<vmem_shared>> -> memref<64x128xf32, #tpu.memory_space<vmem_shared>>
      tpu.wait_dma2 semaphore(%run_scoped3A_390 : memref<!tpu.dma_semaphore, #tpu.memory_space<semaphore_mem>>) src(%arg10 : memref<64x128xf32, #tpu.memory_space<vmem>>) dst(%dma_wait3A_398 : memref<64x128xf32, #tpu.memory_space<vmem_shared>>)
      tpu.yield
    }) : () -> ()
    %mul3A_39 = arith.constant 640 : i32
    %mul3A_40 = arith.muli %arg1, %mul3A_39 : i32
    %add3A_41 = arith.constant 576 : i32
    %add3A_42 = arith.addi %mul3A_40, %add3A_41 : i32
    "tpu.region"() ({
      %run_scoped3A_390 = tpu.sem_alloc : memref<!tpu.dma_semaphore, #tpu.memory_space<semaphore_mem>>
      %dma_start3A_391 = arith.constant 0 : i32
      %dma_start3A_392 = tpu.memref_slice %arg11[%add3A_42, %dma_start3A_391] : memref<10240x128xf32, #tpu.memory_space<vmem_shared>> -> memref<64x128xf32, #tpu.memory_space<vmem_shared>>
      %dma_start3A_393 = arith.constant 0 : i32
      %dma_start3A_394 = tpu.memref_slice %arg11[%add3A_42, %dma_start3A_393] : memref<10240x128xf32, #tpu.memory_space<vmem_shared>> -> memref<64x128xf32, #tpu.memory_space<vmem_shared>>
      tpu.enqueue_dma source(%arg10 : memref<64x128xf32, #tpu.memory_space<vmem>>) target(%dma_start3A_394 : memref<64x128xf32, #tpu.memory_space<vmem_shared>>) target_semaphore(%run_scoped3A_390 : memref<!tpu.dma_semaphore, #tpu.memory_space<semaphore_mem>>)
      %dma_wait3A_395 = arith.constant 0 : i32
      %dma_wait3A_396 = tpu.memref_slice %arg11[%add3A_42, %dma_wait3A_395] : memref<10240x128xf32, #tpu.memory_space<vmem_shared>> -> memref<64x128xf32, #tpu.memory_space<vmem_shared>>
      %dma_wait3A_397 = arith.constant 0 : i32
      %dma_wait3A_398 = tpu.memref_slice %arg11[%add3A_42, %dma_wait3A_397] : memref<10240x128xf32, #tpu.memory_space<vmem_shared>> -> memref<64x128xf32, #tpu.memory_space<vmem_shared>>
      tpu.wait_dma2 semaphore(%run_scoped3A_390 : memref<!tpu.dma_semaphore, #tpu.memory_space<semaphore_mem>>) src(%arg10 : memref<64x128xf32, #tpu.memory_space<vmem>>) dst(%dma_wait3A_398 : memref<64x128xf32, #tpu.memory_space<vmem_shared>>)
      tpu.yield
    }) : () -> ()
    %barrier3A = arith.constant 0 : index
    tpu.barrier barrier_id(%barrier3A)
    %add3A_43 = arith.constant 0 : i32
    %add3A_44 = arith.addi %mul3A_2, %add3A_43 : i32
    %run_scoped3A = arith.constant 0 : i32
    "tpu.region"() ({
      %run_scoped3A_390 = tpu.sem_alloc : memref<!tpu.dma_semaphore, #tpu.memory_space<semaphore_mem>>
      %dma_start3A_391 = arith.constant 0 : i32
      %dma_start3A_392 = tpu.memref_slice %arg2[%run_scoped3A, %add3A_44, %dma_start3A_391] : memref<2x5120x64xi32, #tpu.memory_space<hbm>> -> memref<1x32x64xi32, #tpu.memory_space<hbm>>
      %dma_start3A_393 = tpu.memref_squeeze %dma_start3A_392 : memref<1x32x64xi32, #tpu.memory_space<hbm>> -> memref<32x64xi32, #tpu.memory_space<hbm>>
      %dma_start3A_394 = arith.constant 0 : i32
      %dma_start3A_395 = tpu.memref_slice %arg2[%run_scoped3A, %add3A_44, %dma_start3A_394] : memref<2x5120x64xi32, #tpu.memory_space<hbm>> -> memref<1x32x64xi32, #tpu.memory_space<hbm>>
      %dma_start3A_396 = tpu.memref_squeeze %dma_start3A_395 : memref<1x32x64xi32, #tpu.memory_space<hbm>> -> memref<32x64xi32, #tpu.memory_space<hbm>>
      tpu.enqueue_dma source(%dma_start3A_396 : memref<32x64xi32, #tpu.memory_space<hbm>>) target(%arg5 : memref<32x64xi32, #tpu.memory_space<vmem>>) target_semaphore(%run_scoped3A_390 : memref<!tpu.dma_semaphore, #tpu.memory_space<semaphore_mem>>)
      %dma_wait3A_397 = arith.constant 0 : i32
      %dma_wait3A_398 = tpu.memref_slice %arg2[%run_scoped3A, %add3A_44, %dma_wait3A_397] : memref<2x5120x64xi32, #tpu.memory_space<hbm>> -> memref<1x32x64xi32, #tpu.memory_space<hbm>>
      %dma_wait3A_399 = tpu.memref_squeeze %dma_wait3A_398 : memref<1x32x64xi32, #tpu.memory_space<hbm>> -> memref<32x64xi32, #tpu.memory_space<hbm>>
      %dma_wait3A_400 = arith.constant 0 : i32
      %dma_wait3A_401 = tpu.memref_slice %arg2[%run_scoped3A, %add3A_44, %dma_wait3A_400] : memref<2x5120x64xi32, #tpu.memory_space<hbm>> -> memref<1x32x64xi32, #tpu.memory_space<hbm>>
      %dma_wait3A_402 = tpu.memref_squeeze %dma_wait3A_401 : memref<1x32x64xi32, #tpu.memory_space<hbm>> -> memref<32x64xi32, #tpu.memory_space<hbm>>
      tpu.wait_dma2 semaphore(%run_scoped3A_390 : memref<!tpu.dma_semaphore, #tpu.memory_space<semaphore_mem>>) src(%dma_wait3A_402 : memref<32x64xi32, #tpu.memory_space<hbm>>) dst(%arg5 : memref<32x64xi32, #tpu.memory_space<vmem>>)
      tpu.yield
    }) : () -> ()
    %add3A_45 = arith.constant 0 : i32
    %add3A_46 = arith.addi %mul3A_2, %add3A_45 : i32
    %run_scoped3A_47 = arith.constant 1 : i32
    "tpu.region"() ({
      %run_scoped3A_390 = tpu.sem_alloc : memref<!tpu.dma_semaphore, #tpu.memory_space<semaphore_mem>>
      %dma_start3A_391 = arith.constant 0 : i32
      %dma_start3A_392 = tpu.memref_slice %arg2[%run_scoped3A_47, %add3A_46, %dma_start3A_391] : memref<2x5120x64xi32, #tpu.memory_space<hbm>> -> memref<1x32x64xi32, #tpu.memory_space<hbm>>
      %dma_start3A_393 = tpu.memref_squeeze %dma_start3A_392 : memref<1x32x64xi32, #tpu.memory_space<hbm>> -> memref<32x64xi32, #tpu.memory_space<hbm>>
      %dma_start3A_394 = arith.constant 0 : i32
      %dma_start3A_395 = tpu.memref_slice %arg2[%run_scoped3A_47, %add3A_46, %dma_start3A_394] : memref<2x5120x64xi32, #tpu.memory_space<hbm>> -> memref<1x32x64xi32, #tpu.memory_space<hbm>>
      %dma_start3A_396 = tpu.memref_squeeze %dma_start3A_395 : memref<1x32x64xi32, #tpu.memory_space<hbm>> -> memref<32x64xi32, #tpu.memory_space<hbm>>
      tpu.enqueue_dma source(%dma_start3A_396 : memref<32x64xi32, #tpu.memory_space<hbm>>) target(%arg6 : memref<32x64xi32, #tpu.memory_space<vmem>>) target_semaphore(%run_scoped3A_390 : memref<!tpu.dma_semaphore, #tpu.memory_space<semaphore_mem>>)
      %dma_wait3A_397 = arith.constant 0 : i32
      %dma_wait3A_398 = tpu.memref_slice %arg2[%run_scoped3A_47, %add3A_46, %dma_wait3A_397] : memref<2x5120x64xi32, #tpu.memory_space<hbm>> -> memref<1x32x64xi32, #tpu.memory_space<hbm>>
      %dma_wait3A_399 = tpu.memref_squeeze %dma_wait3A_398 : memref<1x32x64xi32, #tpu.memory_space<hbm>> -> memref<32x64xi32, #tpu.memory_space<hbm>>
      %dma_wait3A_400 = arith.constant 0 : i32
      %dma_wait3A_401 = tpu.memref_slice %arg2[%run_scoped3A_47, %add3A_46, %dma_wait3A_400] : memref<2x5120x64xi32, #tpu.memory_space<hbm>> -> memref<1x32x64xi32, #tpu.memory_space<hbm>>
      %dma_wait3A_402 = tpu.memref_squeeze %dma_wait3A_401 : memref<1x32x64xi32, #tpu.memory_space<hbm>> -> memref<32x64xi32, #tpu.memory_space<hbm>>
      tpu.wait_dma2 semaphore(%run_scoped3A_390 : memref<!tpu.dma_semaphore, #tpu.memory_space<semaphore_mem>>) src(%dma_wait3A_402 : memref<32x64xi32, #tpu.memory_space<hbm>>) dst(%arg6 : memref<32x64xi32, #tpu.memory_space<vmem>>)
      tpu.yield
    }) : () -> ()
    %dma_start3A = arith.constant 0 : i32
    %dma_start3A_48 = arith.constant 0 : i32
    %dma_start3A_49 = tpu.memref_slice %arg5[%dma_start3A, %dma_start3A_48] : memref<32x64xi32, #tpu.memory_space<vmem>> -> memref<1x64xi32, #tpu.memory_space<vmem>>
    %dma_start3A_50 = tpu.memref_squeeze %dma_start3A_49 : memref<1x64xi32, #tpu.memory_space<vmem>> -> memref<64xi32, #tpu.memory_space<vmem>>
    %dma_start3A_51 = arith.constant 0 : i32
    %dma_start3A_52 = arith.constant 0 : i32
    %dma_start3A_53 = tpu.memref_slice %arg3[%dma_start3A_51, %dma_start3A_52] : memref<10240x128xf32, #tpu.memory_space<hbm>> -> memref<10240x128xf32, #tpu.memory_space<hbm>>
    tpu.enqueue_indirect_dma source(%dma_start3A_53 : memref<10240x128xf32, #tpu.memory_space<hbm>>) target(%arg7 : memref<64x128xf32, #tpu.memory_space<vmem>>) offsets(%dma_start3A_50 : memref<64xi32, #tpu.memory_space<vmem>>) semaphore(%arg12 : memref<!tpu.dma_semaphore, #tpu.memory_space<semaphore_mem>>)
    %dma_start3A_54 = arith.constant 1 : i32
    %dma_start3A_55 = arith.constant 0 : i32
    %dma_start3A_56 = tpu.memref_slice %arg5[%dma_start3A_54, %dma_start3A_55] : memref<32x64xi32, #tpu.memory_space<vmem>> -> memref<1x64xi32, #tpu.memory_space<vmem>>
    %dma_start3A_57 = tpu.memref_squeeze %dma_start3A_56 : memref<1x64xi32, #tpu.memory_space<vmem>> -> memref<64xi32, #tpu.memory_space<vmem>>
    %dma_start3A_58 = arith.constant 0 : i32
    %dma_start3A_59 = arith.constant 0 : i32
    %dma_start3A_60 = tpu.memref_slice %arg3[%dma_start3A_58, %dma_start3A_59] : memref<10240x128xf32, #tpu.memory_space<hbm>> -> memref<10240x128xf32, #tpu.memory_space<hbm>>
    tpu.enqueue_indirect_dma source(%dma_start3A_60 : memref<10240x128xf32, #tpu.memory_space<hbm>>) target(%arg8 : memref<64x128xf32, #tpu.memory_space<vmem>>) offsets(%dma_start3A_57 : memref<64xi32, #tpu.memory_space<vmem>>) semaphore(%arg13 : memref<!tpu.dma_semaphore, #tpu.memory_space<semaphore_mem>>)
    %dma_start3A_61 = arith.constant 2 : i32
    %dma_start3A_62 = arith.constant 0 : i32
    %dma_start3A_63 = tpu.memref_slice %arg5[%dma_start3A_61, %dma_start3A_62] : memref<32x64xi32, #tpu.memory_space<vmem>> -> memref<1x64xi32, #tpu.memory_space<vmem>>
    %dma_start3A_64 = tpu.memref_squeeze %dma_start3A_63 : memref<1x64xi32, #tpu.memory_space<vmem>> -> memref<64xi32, #tpu.memory_space<vmem>>
    %dma_start3A_65 = arith.constant 0 : i32
    %dma_start3A_66 = arith.constant 0 : i32
    %dma_start3A_67 = tpu.memref_slice %arg3[%dma_start3A_65, %dma_start3A_66] : memref<10240x128xf32, #tpu.memory_space<hbm>> -> memref<10240x128xf32, #tpu.memory_space<hbm>>
    tpu.enqueue_indirect_dma source(%dma_start3A_67 : memref<10240x128xf32, #tpu.memory_space<hbm>>) target(%arg9 : memref<64x128xf32, #tpu.memory_space<vmem>>) offsets(%dma_start3A_64 : memref<64xi32, #tpu.memory_space<vmem>>) semaphore(%arg14 : memref<!tpu.dma_semaphore, #tpu.memory_space<semaphore_mem>>)
    %scan3A = arith.constant 0 : i32
    %scan3A_68 = arith.constant 0 : i32
    %scan3A_69 = arith.constant 8 : i32
    %scan3A_70 = arith.addi %scan3A_68, %scan3A_69 : i32
    %scan3A_71 = arith.constant 1 : i32
    scf.for %scan3A_390 = %scan3A_68 to %scan3A_70 step %scan3A_71  : i32 {
      %mul3A_391 = arith.constant 4 : i32
      %mul3A_392 = arith.muli %mul3A_391, %scan3A_390 : i32
      %add3A_393 = arith.constant 0 : i32
      %add3A_394 = arith.addi %mul3A_392, %add3A_393 : i32
      %add3A_395 = arith.constant 4 : i32
      %add3A_396 = arith.addi %add3A_394, %add3A_395 : i32
      %sub3A = arith.constant 1 : i32
      %sub3A_397 = arith.subi %add3A_396, %sub3A : i32
      %min3A = arith.constant 31 : i32
      %min3A_398 = arith.minsi %sub3A_397, %min3A : i32
      %dma_start3A_399 = arith.constant 0 : i32
      %dma_start3A_400 = tpu.memref_slice %arg5[%min3A_398, %dma_start3A_399] : memref<32x64xi32, #tpu.memory_space<vmem>> -> memref<1x64xi32, #tpu.memory_space<vmem>>
      %dma_start3A_401 = tpu.memref_squeeze %dma_start3A_400 : memref<1x64xi32, #tpu.memory_space<vmem>> -> memref<64xi32, #tpu.memory_space<vmem>>
      %dma_start3A_402 = arith.constant 0 : i32
      %dma_start3A_403 = arith.constant 0 : i32
      %dma_start3A_404 = tpu.memref_slice %arg3[%dma_start3A_402, %dma_start3A_403] : memref<10240x128xf32, #tpu.memory_space<hbm>> -> memref<10240x128xf32, #tpu.memory_space<hbm>>
      tpu.enqueue_indirect_dma source(%dma_start3A_404 : memref<10240x128xf32, #tpu.memory_space<hbm>>) target(%arg10 : memref<64x128xf32, #tpu.memory_space<vmem>>) offsets(%dma_start3A_401 : memref<64xi32, #tpu.memory_space<vmem>>) semaphore(%arg15 : memref<!tpu.dma_semaphore, #tpu.memory_space<semaphore_mem>>)
      %dma_wait3A_405 = arith.constant 0 : i32
      %dma_wait3A_406 = arith.constant 0 : i32
      %dma_wait3A_407 = tpu.memref_slice %arg5[%dma_wait3A_405, %dma_wait3A_406] : memref<32x64xi32, #tpu.memory_space<vmem>> -> memref<1x64xi32, #tpu.memory_space<vmem>>
      %dma_wait3A_408 = tpu.memref_squeeze %dma_wait3A_407 : memref<1x64xi32, #tpu.memory_space<vmem>> -> memref<64xi32, #tpu.memory_space<vmem>>
      %dma_wait3A_409 = arith.constant 0 : i32
      %dma_wait3A_410 = arith.constant 0 : i32
      %dma_wait3A_411 = tpu.memref_slice %arg3[%dma_wait3A_409, %dma_wait3A_410] : memref<10240x128xf32, #tpu.memory_space<hbm>> -> memref<10240x128xf32, #tpu.memory_space<hbm>>
      tpu.wait_indirect_dma semaphore(%arg12 : memref<!tpu.dma_semaphore, #tpu.memory_space<semaphore_mem>>) src(%dma_wait3A_411 : memref<10240x128xf32, #tpu.memory_space<hbm>>) dst(%arg7 : memref<64x128xf32, #tpu.memory_space<vmem>>)
      "tpu.region"() ({
        %run_scoped3A_481 = tpu.sem_alloc : memref<!tpu.dma_semaphore, #tpu.memory_space<semaphore_mem>>
        %dma_start3A_482 = arith.constant 0 : i32
        %dma_start3A_483 = tpu.memref_slice %arg6[%add3A_394, %dma_start3A_482] : memref<32x64xi32, #tpu.memory_space<vmem>> -> memref<1x64xi32, #tpu.memory_space<vmem>>
        %dma_start3A_484 = tpu.memref_squeeze %dma_start3A_483 : memref<1x64xi32, #tpu.memory_space<vmem>> -> memref<64xi32, #tpu.memory_space<vmem>>
        %dma_start3A_485 = arith.constant 0 : i32
        %dma_start3A_486 = arith.constant 0 : i32
        %dma_start3A_487 = tpu.memref_slice %arg11[%dma_start3A_485, %dma_start3A_486] : memref<10240x128xf32, #tpu.memory_space<vmem_shared>> -> memref<10240x128xf32, #tpu.memory_space<vmem_shared>>
        tpu.enqueue_indirect_dma source(%arg7 : memref<64x128xf32, #tpu.memory_space<vmem>>) target(%dma_start3A_487 : memref<10240x128xf32, #tpu.memory_space<vmem_shared>>) offsets(%dma_start3A_484 : memref<64xi32, #tpu.memory_space<vmem>>) semaphore(%run_scoped3A_481 : memref<!tpu.dma_semaphore, #tpu.memory_space<semaphore_mem>>) {add = true}
        %dma_wait3A_488 = arith.constant 0 : i32
        %dma_wait3A_489 = tpu.memref_slice %arg6[%add3A_394, %dma_wait3A_488] : memref<32x64xi32, #tpu.memory_space<vmem>> -> memref<1x64xi32, #tpu.memory_space<vmem>>
        %dma_wait3A_490 = tpu.memref_squeeze %dma_wait3A_489 : memref<1x64xi32, #tpu.memory_space<vmem>> -> memref<64xi32, #tpu.memory_space<vmem>>
        %dma_wait3A_491 = arith.constant 0 : i32
        %dma_wait3A_492 = arith.constant 0 : i32
        %dma_wait3A_493 = tpu.memref_slice %arg11[%dma_wait3A_491, %dma_wait3A_492] : memref<10240x128xf32, #tpu.memory_space<vmem_shared>> -> memref<10240x128xf32, #tpu.memory_space<vmem_shared>>
        tpu.wait_indirect_dma semaphore(%run_scoped3A_481 : memref<!tpu.dma_semaphore, #tpu.memory_space<semaphore_mem>>) src(%arg7 : memref<64x128xf32, #tpu.memory_space<vmem>>) dst(%dma_wait3A_493 : memref<10240x128xf32, #tpu.memory_space<vmem_shared>>)
        tpu.yield
      }) : () -> ()
      %mul3A_412 = arith.constant 4 : i32
      %mul3A_413 = arith.muli %mul3A_412, %scan3A_390 : i32
      %add3A_414 = arith.constant 1 : i32
      %add3A_415 = arith.addi %mul3A_413, %add3A_414 : i32
      %add3A_416 = arith.constant 4 : i32
      %add3A_417 = arith.addi %add3A_415, %add3A_416 : i32
      %sub3A_418 = arith.constant 1 : i32
      %sub3A_419 = arith.subi %add3A_417, %sub3A_418 : i32
      %min3A_420 = arith.constant 31 : i32
      %min3A_421 = arith.minsi %sub3A_419, %min3A_420 : i32
      %dma_start3A_422 = arith.constant 0 : i32
      %dma_start3A_423 = tpu.memref_slice %arg5[%min3A_421, %dma_start3A_422] : memref<32x64xi32, #tpu.memory_space<vmem>> -> memref<1x64xi32, #tpu.memory_space<vmem>>
      %dma_start3A_424 = tpu.memref_squeeze %dma_start3A_423 : memref<1x64xi32, #tpu.memory_space<vmem>> -> memref<64xi32, #tpu.memory_space<vmem>>
      %dma_start3A_425 = arith.constant 0 : i32
      %dma_start3A_426 = arith.constant 0 : i32
      %dma_start3A_427 = tpu.memref_slice %arg3[%dma_start3A_425, %dma_start3A_426] : memref<10240x128xf32, #tpu.memory_space<hbm>> -> memref<10240x128xf32, #tpu.memory_space<hbm>>
      tpu.enqueue_indirect_dma source(%dma_start3A_427 : memref<10240x128xf32, #tpu.memory_space<hbm>>) target(%arg7 : memref<64x128xf32, #tpu.memory_space<vmem>>) offsets(%dma_start3A_424 : memref<64xi32, #tpu.memory_space<vmem>>) semaphore(%arg12 : memref<!tpu.dma_semaphore, #tpu.memory_space<semaphore_mem>>)
      %dma_wait3A_428 = arith.constant 0 : i32
      %dma_wait3A_429 = arith.constant 0 : i32
      %dma_wait3A_430 = tpu.memref_slice %arg5[%dma_wait3A_428, %dma_wait3A_429] : memref<32x64xi32, #tpu.memory_space<vmem>> -> memref<1x64xi32, #tpu.memory_space<vmem>>
      %dma_wait3A_431 = tpu.memref_squeeze %dma_wait3A_430 : memref<1x64xi32, #tpu.memory_space<vmem>> -> memref<64xi32, #tpu.memory_space<vmem>>
      %dma_wait3A_432 = arith.constant 0 : i32
      %dma_wait3A_433 = arith.constant 0 : i32
      %dma_wait3A_434 = tpu.memref_slice %arg3[%dma_wait3A_432, %dma_wait3A_433] : memref<10240x128xf32, #tpu.memory_space<hbm>> -> memref<10240x128xf32, #tpu.memory_space<hbm>>
      tpu.wait_indirect_dma semaphore(%arg13 : memref<!tpu.dma_semaphore, #tpu.memory_space<semaphore_mem>>) src(%dma_wait3A_434 : memref<10240x128xf32, #tpu.memory_space<hbm>>) dst(%arg8 : memref<64x128xf32, #tpu.memory_space<vmem>>)
      "tpu.region"() ({
        %run_scoped3A_481 = tpu.sem_alloc : memref<!tpu.dma_semaphore, #tpu.memory_space<semaphore_mem>>
        %dma_start3A_482 = arith.constant 0 : i32
        %dma_start3A_483 = tpu.memref_slice %arg6[%add3A_415, %dma_start3A_482] : memref<32x64xi32, #tpu.memory_space<vmem>> -> memref<1x64xi32, #tpu.memory_space<vmem>>
        %dma_start3A_484 = tpu.memref_squeeze %dma_start3A_483 : memref<1x64xi32, #tpu.memory_space<vmem>> -> memref<64xi32, #tpu.memory_space<vmem>>
        %dma_start3A_485 = arith.constant 0 : i32
        %dma_start3A_486 = arith.constant 0 : i32
        %dma_start3A_487 = tpu.memref_slice %arg11[%dma_start3A_485, %dma_start3A_486] : memref<10240x128xf32, #tpu.memory_space<vmem_shared>> -> memref<10240x128xf32, #tpu.memory_space<vmem_shared>>
        tpu.enqueue_indirect_dma source(%arg8 : memref<64x128xf32, #tpu.memory_space<vmem>>) target(%dma_start3A_487 : memref<10240x128xf32, #tpu.memory_space<vmem_shared>>) offsets(%dma_start3A_484 : memref<64xi32, #tpu.memory_space<vmem>>) semaphore(%run_scoped3A_481 : memref<!tpu.dma_semaphore, #tpu.memory_space<semaphore_mem>>) {add = true}
        %dma_wait3A_488 = arith.constant 0 : i32
        %dma_wait3A_489 = tpu.memref_slice %arg6[%add3A_415, %dma_wait3A_488] : memref<32x64xi32, #tpu.memory_space<vmem>> -> memref<1x64xi32, #tpu.memory_space<vmem>>
        %dma_wait3A_490 = tpu.memref_squeeze %dma_wait3A_489 : memref<1x64xi32, #tpu.memory_space<vmem>> -> memref<64xi32, #tpu.memory_space<vmem>>
        %dma_wait3A_491 = arith.constant 0 : i32
        %dma_wait3A_492 = arith.constant 0 : i32
        %dma_wait3A_493 = tpu.memref_slice %arg11[%dma_wait3A_491, %dma_wait3A_492] : memref<10240x128xf32, #tpu.memory_space<vmem_shared>> -> memref<10240x128xf32, #tpu.memory_space<vmem_shared>>
        tpu.wait_indirect_dma semaphore(%run_scoped3A_481 : memref<!tpu.dma_semaphore, #tpu.memory_space<semaphore_mem>>) src(%arg8 : memref<64x128xf32, #tpu.memory_space<vmem>>) dst(%dma_wait3A_493 : memref<10240x128xf32, #tpu.memory_space<vmem_shared>>)
        tpu.yield
      }) : () -> ()
      %mul3A_435 = arith.constant 4 : i32
      %mul3A_436 = arith.muli %mul3A_435, %scan3A_390 : i32
      %add3A_437 = arith.constant 2 : i32
      %add3A_438 = arith.addi %mul3A_436, %add3A_437 : i32
      %add3A_439 = arith.constant 4 : i32
      %add3A_440 = arith.addi %add3A_438, %add3A_439 : i32
      %sub3A_441 = arith.constant 1 : i32
      %sub3A_442 = arith.subi %add3A_440, %sub3A_441 : i32
      %min3A_443 = arith.constant 31 : i32
      %min3A_444 = arith.minsi %sub3A_442, %min3A_443 : i32
      %dma_start3A_445 = arith.constant 0 : i32
      %dma_start3A_446 = tpu.memref_slice %arg5[%min3A_444, %dma_start3A_445] : memref<32x64xi32, #tpu.memory_space<vmem>> -> memref<1x64xi32, #tpu.memory_space<vmem>>
      %dma_start3A_447 = tpu.memref_squeeze %dma_start3A_446 : memref<1x64xi32, #tpu.memory_space<vmem>> -> memref<64xi32, #tpu.memory_space<vmem>>
      %dma_start3A_448 = arith.constant 0 : i32
      %dma_start3A_449 = arith.constant 0 : i32
      %dma_start3A_450 = tpu.memref_slice %arg3[%dma_start3A_448, %dma_start3A_449] : memref<10240x128xf32, #tpu.memory_space<hbm>> -> memref<10240x128xf32, #tpu.memory_space<hbm>>
      tpu.enqueue_indirect_dma source(%dma_start3A_450 : memref<10240x128xf32, #tpu.memory_space<hbm>>) target(%arg8 : memref<64x128xf32, #tpu.memory_space<vmem>>) offsets(%dma_start3A_447 : memref<64xi32, #tpu.memory_space<vmem>>) semaphore(%arg13 : memref<!tpu.dma_semaphore, #tpu.memory_space<semaphore_mem>>)
      %dma_wait3A_451 = arith.constant 0 : i32
      %dma_wait3A_452 = arith.constant 0 : i32
      %dma_wait3A_453 = tpu.memref_slice %arg5[%dma_wait3A_451, %dma_wait3A_452] : memref<32x64xi32, #tpu.memory_space<vmem>> -> memref<1x64xi32, #tpu.memory_space<vmem>>
      %dma_wait3A_454 = tpu.memref_squeeze %dma_wait3A_453 : memref<1x64xi32, #tpu.memory_space<vmem>> -> memref<64xi32, #tpu.memory_space<vmem>>
      %dma_wait3A_455 = arith.constant 0 : i32
      %dma_wait3A_456 = arith.constant 0 : i32
      %dma_wait3A_457 = tpu.memref_slice %arg3[%dma_wait3A_455, %dma_wait3A_456] : memref<10240x128xf32, #tpu.memory_space<hbm>> -> memref<10240x128xf32, #tpu.memory_space<hbm>>
      tpu.wait_indirect_dma semaphore(%arg14 : memref<!tpu.dma_semaphore, #tpu.memory_space<semaphore_mem>>) src(%dma_wait3A_457 : memref<10240x128xf32, #tpu.memory_space<hbm>>) dst(%arg9 : memref<64x128xf32, #tpu.memory_space<vmem>>)
      "tpu.region"() ({
        %run_scoped3A_481 = tpu.sem_alloc : memref<!tpu.dma_semaphore, #tpu.memory_space<semaphore_mem>>
        %dma_start3A_482 = arith.constant 0 : i32
        %dma_start3A_483 = tpu.memref_slice %arg6[%add3A_438, %dma_start3A_482] : memref<32x64xi32, #tpu.memory_space<vmem>> -> memref<1x64xi32, #tpu.memory_space<vmem>>
        %dma_start3A_484 = tpu.memref_squeeze %dma_start3A_483 : memref<1x64xi32, #tpu.memory_space<vmem>> -> memref<64xi32, #tpu.memory_space<vmem>>
        %dma_start3A_485 = arith.constant 0 : i32
        %dma_start3A_486 = arith.constant 0 : i32
        %dma_start3A_487 = tpu.memref_slice %arg11[%dma_start3A_485, %dma_start3A_486] : memref<10240x128xf32, #tpu.memory_space<vmem_shared>> -> memref<10240x128xf32, #tpu.memory_space<vmem_shared>>
        tpu.enqueue_indirect_dma source(%arg9 : memref<64x128xf32, #tpu.memory_space<vmem>>) target(%dma_start3A_487 : memref<10240x128xf32, #tpu.memory_space<vmem_shared>>) offsets(%dma_start3A_484 : memref<64xi32, #tpu.memory_space<vmem>>) semaphore(%run_scoped3A_481 : memref<!tpu.dma_semaphore, #tpu.memory_space<semaphore_mem>>) {add = true}
        %dma_wait3A_488 = arith.constant 0 : i32
        %dma_wait3A_489 = tpu.memref_slice %arg6[%add3A_438, %dma_wait3A_488] : memref<32x64xi32, #tpu.memory_space<vmem>> -> memref<1x64xi32, #tpu.memory_space<vmem>>
        %dma_wait3A_490 = tpu.memref_squeeze %dma_wait3A_489 : memref<1x64xi32, #tpu.memory_space<vmem>> -> memref<64xi32, #tpu.memory_space<vmem>>
        %dma_wait3A_491 = arith.constant 0 : i32
        %dma_wait3A_492 = arith.constant 0 : i32
        %dma_wait3A_493 = tpu.memref_slice %arg11[%dma_wait3A_491, %dma_wait3A_492] : memref<10240x128xf32, #tpu.memory_space<vmem_shared>> -> memref<10240x128xf32, #tpu.memory_space<vmem_shared>>
        tpu.wait_indirect_dma semaphore(%run_scoped3A_481 : memref<!tpu.dma_semaphore, #tpu.memory_space<semaphore_mem>>) src(%arg9 : memref<64x128xf32, #tpu.memory_space<vmem>>) dst(%dma_wait3A_493 : memref<10240x128xf32, #tpu.memory_space<vmem_shared>>)
        tpu.yield
      }) : () -> ()
      %mul3A_458 = arith.constant 4 : i32
      %mul3A_459 = arith.muli %mul3A_458, %scan3A_390 : i32
      %add3A_460 = arith.constant 3 : i32
      %add3A_461 = arith.addi %mul3A_459, %add3A_460 : i32
      %add3A_462 = arith.constant 4 : i32
      %add3A_463 = arith.addi %add3A_461, %add3A_462 : i32
      %sub3A_464 = arith.constant 1 : i32
      %sub3A_465 = arith.subi %add3A_463, %sub3A_464 : i32
      %min3A_466 = arith.constant 31 : i32
      %min3A_467 = arith.minsi %sub3A_465, %min3A_466 : i32
      %dma_start3A_468 = arith.constant 0 : i32
      %dma_start3A_469 = tpu.memref_slice %arg5[%min3A_467, %dma_start3A_468] : memref<32x64xi32, #tpu.memory_space<vmem>> -> memref<1x64xi32, #tpu.memory_space<vmem>>
      %dma_start3A_470 = tpu.memref_squeeze %dma_start3A_469 : memref<1x64xi32, #tpu.memory_space<vmem>> -> memref<64xi32, #tpu.memory_space<vmem>>
      %dma_start3A_471 = arith.constant 0 : i32
      %dma_start3A_472 = arith.constant 0 : i32
      %dma_start3A_473 = tpu.memref_slice %arg3[%dma_start3A_471, %dma_start3A_472] : memref<10240x128xf32, #tpu.memory_space<hbm>> -> memref<10240x128xf32, #tpu.memory_space<hbm>>
      tpu.enqueue_indirect_dma source(%dma_start3A_473 : memref<10240x128xf32, #tpu.memory_space<hbm>>) target(%arg9 : memref<64x128xf32, #tpu.memory_space<vmem>>) offsets(%dma_start3A_470 : memref<64xi32, #tpu.memory_space<vmem>>) semaphore(%arg14 : memref<!tpu.dma_semaphore, #tpu.memory_space<semaphore_mem>>)
      %dma_wait3A_474 = arith.constant 0 : i32
      %dma_wait3A_475 = arith.constant 0 : i32
      %dma_wait3A_476 = tpu.memref_slice %arg5[%dma_wait3A_474, %dma_wait3A_475] : memref<32x64xi32, #tpu.memory_space<vmem>> -> memref<1x64xi32, #tpu.memory_space<vmem>>
      %dma_wait3A_477 = tpu.memref_squeeze %dma_wait3A_476 : memref<1x64xi32, #tpu.memory_space<vmem>> -> memref<64xi32, #tpu.memory_space<vmem>>
      %dma_wait3A_478 = arith.constant 0 : i32
      %dma_wait3A_479 = arith.constant 0 : i32
      %dma_wait3A_480 = tpu.memref_slice %arg3[%dma_wait3A_478, %dma_wait3A_479] : memref<10240x128xf32, #tpu.memory_space<hbm>> -> memref<10240x128xf32, #tpu.memory_space<hbm>>
      tpu.wait_indirect_dma semaphore(%arg15 : memref<!tpu.dma_semaphore, #tpu.memory_space<semaphore_mem>>) src(%dma_wait3A_480 : memref<10240x128xf32, #tpu.memory_space<hbm>>) dst(%arg10 : memref<64x128xf32, #tpu.memory_space<vmem>>)
      "tpu.region"() ({
        %run_scoped3A_481 = tpu.sem_alloc : memref<!tpu.dma_semaphore, #tpu.memory_space<semaphore_mem>>
        %dma_start3A_482 = arith.constant 0 : i32
        %dma_start3A_483 = tpu.memref_slice %arg6[%add3A_461, %dma_start3A_482] : memref<32x64xi32, #tpu.memory_space<vmem>> -> memref<1x64xi32, #tpu.memory_space<vmem>>
        %dma_start3A_484 = tpu.memref_squeeze %dma_start3A_483 : memref<1x64xi32, #tpu.memory_space<vmem>> -> memref<64xi32, #tpu.memory_space<vmem>>
        %dma_start3A_485 = arith.constant 0 : i32
        %dma_start3A_486 = arith.constant 0 : i32
        %dma_start3A_487 = tpu.memref_slice %arg11[%dma_start3A_485, %dma_start3A_486] : memref<10240x128xf32, #tpu.memory_space<vmem_shared>> -> memref<10240x128xf32, #tpu.memory_space<vmem_shared>>
        tpu.enqueue_indirect_dma source(%arg10 : memref<64x128xf32, #tpu.memory_space<vmem>>) target(%dma_start3A_487 : memref<10240x128xf32, #tpu.memory_space<vmem_shared>>) offsets(%dma_start3A_484 : memref<64xi32, #tpu.memory_space<vmem>>) semaphore(%run_scoped3A_481 : memref<!tpu.dma_semaphore, #tpu.memory_space<semaphore_mem>>) {add = true}
        %dma_wait3A_488 = arith.constant 0 : i32
        %dma_wait3A_489 = tpu.memref_slice %arg6[%add3A_461, %dma_wait3A_488] : memref<32x64xi32, #tpu.memory_space<vmem>> -> memref<1x64xi32, #tpu.memory_space<vmem>>
        %dma_wait3A_490 = tpu.memref_squeeze %dma_wait3A_489 : memref<1x64xi32, #tpu.memory_space<vmem>> -> memref<64xi32, #tpu.memory_space<vmem>>
        %dma_wait3A_491 = arith.constant 0 : i32
        %dma_wait3A_492 = arith.constant 0 : i32
        %dma_wait3A_493 = tpu.memref_slice %arg11[%dma_wait3A_491, %dma_wait3A_492] : memref<10240x128xf32, #tpu.memory_space<vmem_shared>> -> memref<10240x128xf32, #tpu.memory_space<vmem_shared>>
        tpu.wait_indirect_dma semaphore(%run_scoped3A_481 : memref<!tpu.dma_semaphore, #tpu.memory_space<semaphore_mem>>) src(%arg10 : memref<64x128xf32, #tpu.memory_space<vmem>>) dst(%dma_wait3A_493 : memref<10240x128xf32, #tpu.memory_space<vmem_shared>>)
        tpu.yield
      }) : () -> ()
    }
    %scan3A_72 = arith.constant 8 : i32
    %dma_wait3A = arith.constant 0 : i32
    %dma_wait3A_73 = arith.constant 0 : i32
    %dma_wait3A_74 = tpu.memref_slice %arg5[%dma_wait3A, %dma_wait3A_73] : memref<32x64xi32, #tpu.memory_space<vmem>> -> memref<1x64xi32, #tpu.memory_space<vmem>>
    %dma_wait3A_75 = tpu.memref_squeeze %dma_wait3A_74 : memref<1x64xi32, #tpu.memory_space<vmem>> -> memref<64xi32, #tpu.memory_space<vmem>>
    %dma_wait3A_76 = arith.constant 0 : i32
    %dma_wait3A_77 = arith.constant 0 : i32
    %dma_wait3A_78 = tpu.memref_slice %arg3[%dma_wait3A_76, %dma_wait3A_77] : memref<10240x128xf32, #tpu.memory_space<hbm>> -> memref<10240x128xf32, #tpu.memory_space<hbm>>
    tpu.wait_indirect_dma semaphore(%arg12 : memref<!tpu.dma_semaphore, #tpu.memory_space<semaphore_mem>>) src(%dma_wait3A_78 : memref<10240x128xf32, #tpu.memory_space<hbm>>) dst(%arg7 : memref<64x128xf32, #tpu.memory_space<vmem>>)
    %dma_wait3A_79 = arith.constant 0 : i32
    %dma_wait3A_80 = arith.constant 0 : i32
    %dma_wait3A_81 = tpu.memref_slice %arg5[%dma_wait3A_79, %dma_wait3A_80] : memref<32x64xi32, #tpu.memory_space<vmem>> -> memref<1x64xi32, #tpu.memory_space<vmem>>
    %dma_wait3A_82 = tpu.memref_squeeze %dma_wait3A_81 : memref<1x64xi32, #tpu.memory_space<vmem>> -> memref<64xi32, #tpu.memory_space<vmem>>
    %dma_wait3A_83 = arith.constant 0 : i32
    %dma_wait3A_84 = arith.constant 0 : i32
    %dma_wait3A_85 = tpu.memref_slice %arg3[%dma_wait3A_83, %dma_wait3A_84] : memref<10240x128xf32, #tpu.memory_space<hbm>> -> memref<10240x128xf32, #tpu.memory_space<hbm>>
    tpu.wait_indirect_dma semaphore(%arg13 : memref<!tpu.dma_semaphore, #tpu.memory_space<semaphore_mem>>) src(%dma_wait3A_85 : memref<10240x128xf32, #tpu.memory_space<hbm>>) dst(%arg8 : memref<64x128xf32, #tpu.memory_space<vmem>>)
    %dma_wait3A_86 = arith.constant 0 : i32
    %dma_wait3A_87 = arith.constant 0 : i32
    %dma_wait3A_88 = tpu.memref_slice %arg5[%dma_wait3A_86, %dma_wait3A_87] : memref<32x64xi32, #tpu.memory_space<vmem>> -> memref<1x64xi32, #tpu.memory_space<vmem>>
    %dma_wait3A_89 = tpu.memref_squeeze %dma_wait3A_88 : memref<1x64xi32, #tpu.memory_space<vmem>> -> memref<64xi32, #tpu.memory_space<vmem>>
    %dma_wait3A_90 = arith.constant 0 : i32
    %dma_wait3A_91 = arith.constant 0 : i32
    %dma_wait3A_92 = tpu.memref_slice %arg3[%dma_wait3A_90, %dma_wait3A_91] : memref<10240x128xf32, #tpu.memory_space<hbm>> -> memref<10240x128xf32, #tpu.memory_space<hbm>>
    tpu.wait_indirect_dma semaphore(%arg14 : memref<!tpu.dma_semaphore, #tpu.memory_space<semaphore_mem>>) src(%dma_wait3A_92 : memref<10240x128xf32, #tpu.memory_space<hbm>>) dst(%arg9 : memref<64x128xf32, #tpu.memory_space<vmem>>)
    %add3A_93 = arith.constant 32 : i32
    %add3A_94 = arith.addi %mul3A_2, %add3A_93 : i32
    %run_scoped3A_95 = arith.constant 0 : i32
    "tpu.region"() ({
      %run_scoped3A_390 = tpu.sem_alloc : memref<!tpu.dma_semaphore, #tpu.memory_space<semaphore_mem>>
      %dma_start3A_391 = arith.constant 0 : i32
      %dma_start3A_392 = tpu.memref_slice %arg2[%run_scoped3A_95, %add3A_94, %dma_start3A_391] : memref<2x5120x64xi32, #tpu.memory_space<hbm>> -> memref<1x32x64xi32, #tpu.memory_space<hbm>>
      %dma_start3A_393 = tpu.memref_squeeze %dma_start3A_392 : memref<1x32x64xi32, #tpu.memory_space<hbm>> -> memref<32x64xi32, #tpu.memory_space<hbm>>
      %dma_start3A_394 = arith.constant 0 : i32
      %dma_start3A_395 = tpu.memref_slice %arg2[%run_scoped3A_95, %add3A_94, %dma_start3A_394] : memref<2x5120x64xi32, #tpu.memory_space<hbm>> -> memref<1x32x64xi32, #tpu.memory_space<hbm>>
      %dma_start3A_396 = tpu.memref_squeeze %dma_start3A_395 : memref<1x32x64xi32, #tpu.memory_space<hbm>> -> memref<32x64xi32, #tpu.memory_space<hbm>>
      tpu.enqueue_dma source(%dma_start3A_396 : memref<32x64xi32, #tpu.memory_space<hbm>>) target(%arg5 : memref<32x64xi32, #tpu.memory_space<vmem>>) target_semaphore(%run_scoped3A_390 : memref<!tpu.dma_semaphore, #tpu.memory_space<semaphore_mem>>)
      %dma_wait3A_397 = arith.constant 0 : i32
      %dma_wait3A_398 = tpu.memref_slice %arg2[%run_scoped3A_95, %add3A_94, %dma_wait3A_397] : memref<2x5120x64xi32, #tpu.memory_space<hbm>> -> memref<1x32x64xi32, #tpu.memory_space<hbm>>
      %dma_wait3A_399 = tpu.memref_squeeze %dma_wait3A_398 : memref<1x32x64xi32, #tpu.memory_space<hbm>> -> memref<32x64xi32, #tpu.memory_space<hbm>>
      %dma_wait3A_400 = arith.constant 0 : i32
      %dma_wait3A_401 = tpu.memref_slice %arg2[%run_scoped3A_95, %add3A_94, %dma_wait3A_400] : memref<2x5120x64xi32, #tpu.memory_space<hbm>> -> memref<1x32x64xi32, #tpu.memory_space<hbm>>
      %dma_wait3A_402 = tpu.memref_squeeze %dma_wait3A_401 : memref<1x32x64xi32, #tpu.memory_space<hbm>> -> memref<32x64xi32, #tpu.memory_space<hbm>>
      tpu.wait_dma2 semaphore(%run_scoped3A_390 : memref<!tpu.dma_semaphore, #tpu.memory_space<semaphore_mem>>) src(%dma_wait3A_402 : memref<32x64xi32, #tpu.memory_space<hbm>>) dst(%arg5 : memref<32x64xi32, #tpu.memory_space<vmem>>)
      tpu.yield
    }) : () -> ()
    %add3A_96 = arith.constant 32 : i32
    %add3A_97 = arith.addi %mul3A_2, %add3A_96 : i32
    %run_scoped3A_98 = arith.constant 1 : i32
    "tpu.region"() ({
      %run_scoped3A_390 = tpu.sem_alloc : memref<!tpu.dma_semaphore, #tpu.memory_space<semaphore_mem>>
      %dma_start3A_391 = arith.constant 0 : i32
      %dma_start3A_392 = tpu.memref_slice %arg2[%run_scoped3A_98, %add3A_97, %dma_start3A_391] : memref<2x5120x64xi32, #tpu.memory_space<hbm>> -> memref<1x32x64xi32, #tpu.memory_space<hbm>>
      %dma_start3A_393 = tpu.memref_squeeze %dma_start3A_392 : memref<1x32x64xi32, #tpu.memory_space<hbm>> -> memref<32x64xi32, #tpu.memory_space<hbm>>
      %dma_start3A_394 = arith.constant 0 : i32
      %dma_start3A_395 = tpu.memref_slice %arg2[%run_scoped3A_98, %add3A_97, %dma_start3A_394] : memref<2x5120x64xi32, #tpu.memory_space<hbm>> -> memref<1x32x64xi32, #tpu.memory_space<hbm>>
      %dma_start3A_396 = tpu.memref_squeeze %dma_start3A_395 : memref<1x32x64xi32, #tpu.memory_space<hbm>> -> memref<32x64xi32, #tpu.memory_space<hbm>>
      tpu.enqueue_dma source(%dma_start3A_396 : memref<32x64xi32, #tpu.memory_space<hbm>>) target(%arg6 : memref<32x64xi32, #tpu.memory_space<vmem>>) target_semaphore(%run_scoped3A_390 : memref<!tpu.dma_semaphore, #tpu.memory_space<semaphore_mem>>)
      %dma_wait3A_397 = arith.constant 0 : i32
      %dma_wait3A_398 = tpu.memref_slice %arg2[%run_scoped3A_98, %add3A_97, %dma_wait3A_397] : memref<2x5120x64xi32, #tpu.memory_space<hbm>> -> memref<1x32x64xi32, #tpu.memory_space<hbm>>
      %dma_wait3A_399 = tpu.memref_squeeze %dma_wait3A_398 : memref<1x32x64xi32, #tpu.memory_space<hbm>> -> memref<32x64xi32, #tpu.memory_space<hbm>>
      %dma_wait3A_400 = arith.constant 0 : i32
      %dma_wait3A_401 = tpu.memref_slice %arg2[%run_scoped3A_98, %add3A_97, %dma_wait3A_400] : memref<2x5120x64xi32, #tpu.memory_space<hbm>> -> memref<1x32x64xi32, #tpu.memory_space<hbm>>
      %dma_wait3A_402 = tpu.memref_squeeze %dma_wait3A_401 : memref<1x32x64xi32, #tpu.memory_space<hbm>> -> memref<32x64xi32, #tpu.memory_space<hbm>>
      tpu.wait_dma2 semaphore(%run_scoped3A_390 : memref<!tpu.dma_semaphore, #tpu.memory_space<semaphore_mem>>) src(%dma_wait3A_402 : memref<32x64xi32, #tpu.memory_space<hbm>>) dst(%arg6 : memref<32x64xi32, #tpu.memory_space<vmem>>)
      tpu.yield
    }) : () -> ()
    %dma_start3A_99 = arith.constant 0 : i32
    %dma_start3A_100 = arith.constant 0 : i32
    %dma_start3A_101 = tpu.memref_slice %arg5[%dma_start3A_99, %dma_start3A_100] : memref<32x64xi32, #tpu.memory_space<vmem>> -> memref<1x64xi32, #tpu.memory_space<vmem>>
    %dma_start3A_102 = tpu.memref_squeeze %dma_start3A_101 : memref<1x64xi32, #tpu.memory_space<vmem>> -> memref<64xi32, #tpu.memory_space<vmem>>
    %dma_start3A_103 = arith.constant 0 : i32
    %dma_start3A_104 = arith.constant 0 : i32
    %dma_start3A_105 = tpu.memref_slice %arg3[%dma_start3A_103, %dma_start3A_104] : memref<10240x128xf32, #tpu.memory_space<hbm>> -> memref<10240x128xf32, #tpu.memory_space<hbm>>
    tpu.enqueue_indirect_dma source(%dma_start3A_105 : memref<10240x128xf32, #tpu.memory_space<hbm>>) target(%arg7 : memref<64x128xf32, #tpu.memory_space<vmem>>) offsets(%dma_start3A_102 : memref<64xi32, #tpu.memory_space<vmem>>) semaphore(%arg12 : memref<!tpu.dma_semaphore, #tpu.memory_space<semaphore_mem>>)
    %dma_start3A_106 = arith.constant 1 : i32
    %dma_start3A_107 = arith.constant 0 : i32
    %dma_start3A_108 = tpu.memref_slice %arg5[%dma_start3A_106, %dma_start3A_107] : memref<32x64xi32, #tpu.memory_space<vmem>> -> memref<1x64xi32, #tpu.memory_space<vmem>>
    %dma_start3A_109 = tpu.memref_squeeze %dma_start3A_108 : memref<1x64xi32, #tpu.memory_space<vmem>> -> memref<64xi32, #tpu.memory_space<vmem>>
    %dma_start3A_110 = arith.constant 0 : i32
    %dma_start3A_111 = arith.constant 0 : i32
    %dma_start3A_112 = tpu.memref_slice %arg3[%dma_start3A_110, %dma_start3A_111] : memref<10240x128xf32, #tpu.memory_space<hbm>> -> memref<10240x128xf32, #tpu.memory_space<hbm>>
    tpu.enqueue_indirect_dma source(%dma_start3A_112 : memref<10240x128xf32, #tpu.memory_space<hbm>>) target(%arg8 : memref<64x128xf32, #tpu.memory_space<vmem>>) offsets(%dma_start3A_109 : memref<64xi32, #tpu.memory_space<vmem>>) semaphore(%arg13 : memref<!tpu.dma_semaphore, #tpu.memory_space<semaphore_mem>>)
    %dma_start3A_113 = arith.constant 2 : i32
    %dma_start3A_114 = arith.constant 0 : i32
    %dma_start3A_115 = tpu.memref_slice %arg5[%dma_start3A_113, %dma_start3A_114] : memref<32x64xi32, #tpu.memory_space<vmem>> -> memref<1x64xi32, #tpu.memory_space<vmem>>
    %dma_start3A_116 = tpu.memref_squeeze %dma_start3A_115 : memref<1x64xi32, #tpu.memory_space<vmem>> -> memref<64xi32, #tpu.memory_space<vmem>>
    %dma_start3A_117 = arith.constant 0 : i32
    %dma_start3A_118 = arith.constant 0 : i32
    %dma_start3A_119 = tpu.memref_slice %arg3[%dma_start3A_117, %dma_start3A_118] : memref<10240x128xf32, #tpu.memory_space<hbm>> -> memref<10240x128xf32, #tpu.memory_space<hbm>>
    tpu.enqueue_indirect_dma source(%dma_start3A_119 : memref<10240x128xf32, #tpu.memory_space<hbm>>) target(%arg9 : memref<64x128xf32, #tpu.memory_space<vmem>>) offsets(%dma_start3A_116 : memref<64xi32, #tpu.memory_space<vmem>>) semaphore(%arg14 : memref<!tpu.dma_semaphore, #tpu.memory_space<semaphore_mem>>)
    %scan3A_120 = arith.constant 0 : i32
    %scan3A_121 = arith.constant 0 : i32
    %scan3A_122 = arith.constant 8 : i32
    %scan3A_123 = arith.addi %scan3A_121, %scan3A_122 : i32
    %scan3A_124 = arith.constant 1 : i32
    scf.for %scan3A_390 = %scan3A_121 to %scan3A_123 step %scan3A_124  : i32 {
      %mul3A_391 = arith.constant 4 : i32
      %mul3A_392 = arith.muli %mul3A_391, %scan3A_390 : i32
      %add3A_393 = arith.constant 0 : i32
      %add3A_394 = arith.addi %mul3A_392, %add3A_393 : i32
      %add3A_395 = arith.constant 4 : i32
      %add3A_396 = arith.addi %add3A_394, %add3A_395 : i32
      %sub3A = arith.constant 1 : i32
      %sub3A_397 = arith.subi %add3A_396, %sub3A : i32
      %min3A = arith.constant 31 : i32
      %min3A_398 = arith.minsi %sub3A_397, %min3A : i32
      %dma_start3A_399 = arith.constant 0 : i32
      %dma_start3A_400 = tpu.memref_slice %arg5[%min3A_398, %dma_start3A_399] : memref<32x64xi32, #tpu.memory_space<vmem>> -> memref<1x64xi32, #tpu.memory_space<vmem>>
      %dma_start3A_401 = tpu.memref_squeeze %dma_start3A_400 : memref<1x64xi32, #tpu.memory_space<vmem>> -> memref<64xi32, #tpu.memory_space<vmem>>
      %dma_start3A_402 = arith.constant 0 : i32
      %dma_start3A_403 = arith.constant 0 : i32
      %dma_start3A_404 = tpu.memref_slice %arg3[%dma_start3A_402, %dma_start3A_403] : memref<10240x128xf32, #tpu.memory_space<hbm>> -> memref<10240x128xf32, #tpu.memory_space<hbm>>
      tpu.enqueue_indirect_dma source(%dma_start3A_404 : memref<10240x128xf32, #tpu.memory_space<hbm>>) target(%arg10 : memref<64x128xf32, #tpu.memory_space<vmem>>) offsets(%dma_start3A_401 : memref<64xi32, #tpu.memory_space<vmem>>) semaphore(%arg15 : memref<!tpu.dma_semaphore, #tpu.memory_space<semaphore_mem>>)
      %dma_wait3A_405 = arith.constant 0 : i32
      %dma_wait3A_406 = arith.constant 0 : i32
      %dma_wait3A_407 = tpu.memref_slice %arg5[%dma_wait3A_405, %dma_wait3A_406] : memref<32x64xi32, #tpu.memory_space<vmem>> -> memref<1x64xi32, #tpu.memory_space<vmem>>
      %dma_wait3A_408 = tpu.memref_squeeze %dma_wait3A_407 : memref<1x64xi32, #tpu.memory_space<vmem>> -> memref<64xi32, #tpu.memory_space<vmem>>
      %dma_wait3A_409 = arith.constant 0 : i32
      %dma_wait3A_410 = arith.constant 0 : i32
      %dma_wait3A_411 = tpu.memref_slice %arg3[%dma_wait3A_409, %dma_wait3A_410] : memref<10240x128xf32, #tpu.memory_space<hbm>> -> memref<10240x128xf32, #tpu.memory_space<hbm>>
      tpu.wait_indirect_dma semaphore(%arg12 : memref<!tpu.dma_semaphore, #tpu.memory_space<semaphore_mem>>) src(%dma_wait3A_411 : memref<10240x128xf32, #tpu.memory_space<hbm>>) dst(%arg7 : memref<64x128xf32, #tpu.memory_space<vmem>>)
      "tpu.region"() ({
        %run_scoped3A_481 = tpu.sem_alloc : memref<!tpu.dma_semaphore, #tpu.memory_space<semaphore_mem>>
        %dma_start3A_482 = arith.constant 0 : i32
        %dma_start3A_483 = tpu.memref_slice %arg6[%add3A_394, %dma_start3A_482] : memref<32x64xi32, #tpu.memory_space<vmem>> -> memref<1x64xi32, #tpu.memory_space<vmem>>
        %dma_start3A_484 = tpu.memref_squeeze %dma_start3A_483 : memref<1x64xi32, #tpu.memory_space<vmem>> -> memref<64xi32, #tpu.memory_space<vmem>>
        %dma_start3A_485 = arith.constant 0 : i32
        %dma_start3A_486 = arith.constant 0 : i32
        %dma_start3A_487 = tpu.memref_slice %arg11[%dma_start3A_485, %dma_start3A_486] : memref<10240x128xf32, #tpu.memory_space<vmem_shared>> -> memref<10240x128xf32, #tpu.memory_space<vmem_shared>>
        tpu.enqueue_indirect_dma source(%arg7 : memref<64x128xf32, #tpu.memory_space<vmem>>) target(%dma_start3A_487 : memref<10240x128xf32, #tpu.memory_space<vmem_shared>>) offsets(%dma_start3A_484 : memref<64xi32, #tpu.memory_space<vmem>>) semaphore(%run_scoped3A_481 : memref<!tpu.dma_semaphore, #tpu.memory_space<semaphore_mem>>) {add = true}
        %dma_wait3A_488 = arith.constant 0 : i32
        %dma_wait3A_489 = tpu.memref_slice %arg6[%add3A_394, %dma_wait3A_488] : memref<32x64xi32, #tpu.memory_space<vmem>> -> memref<1x64xi32, #tpu.memory_space<vmem>>
        %dma_wait3A_490 = tpu.memref_squeeze %dma_wait3A_489 : memref<1x64xi32, #tpu.memory_space<vmem>> -> memref<64xi32, #tpu.memory_space<vmem>>
        %dma_wait3A_491 = arith.constant 0 : i32
        %dma_wait3A_492 = arith.constant 0 : i32
        %dma_wait3A_493 = tpu.memref_slice %arg11[%dma_wait3A_491, %dma_wait3A_492] : memref<10240x128xf32, #tpu.memory_space<vmem_shared>> -> memref<10240x128xf32, #tpu.memory_space<vmem_shared>>
        tpu.wait_indirect_dma semaphore(%run_scoped3A_481 : memref<!tpu.dma_semaphore, #tpu.memory_space<semaphore_mem>>) src(%arg7 : memref<64x128xf32, #tpu.memory_space<vmem>>) dst(%dma_wait3A_493 : memref<10240x128xf32, #tpu.memory_space<vmem_shared>>)
        tpu.yield
      }) : () -> ()
      %mul3A_412 = arith.constant 4 : i32
      %mul3A_413 = arith.muli %mul3A_412, %scan3A_390 : i32
      %add3A_414 = arith.constant 1 : i32
      %add3A_415 = arith.addi %mul3A_413, %add3A_414 : i32
      %add3A_416 = arith.constant 4 : i32
      %add3A_417 = arith.addi %add3A_415, %add3A_416 : i32
      %sub3A_418 = arith.constant 1 : i32
      %sub3A_419 = arith.subi %add3A_417, %sub3A_418 : i32
      %min3A_420 = arith.constant 31 : i32
      %min3A_421 = arith.minsi %sub3A_419, %min3A_420 : i32
      %dma_start3A_422 = arith.constant 0 : i32
      %dma_start3A_423 = tpu.memref_slice %arg5[%min3A_421, %dma_start3A_422] : memref<32x64xi32, #tpu.memory_space<vmem>> -> memref<1x64xi32, #tpu.memory_space<vmem>>
      %dma_start3A_424 = tpu.memref_squeeze %dma_start3A_423 : memref<1x64xi32, #tpu.memory_space<vmem>> -> memref<64xi32, #tpu.memory_space<vmem>>
      %dma_start3A_425 = arith.constant 0 : i32
      %dma_start3A_426 = arith.constant 0 : i32
      %dma_start3A_427 = tpu.memref_slice %arg3[%dma_start3A_425, %dma_start3A_426] : memref<10240x128xf32, #tpu.memory_space<hbm>> -> memref<10240x128xf32, #tpu.memory_space<hbm>>
      tpu.enqueue_indirect_dma source(%dma_start3A_427 : memref<10240x128xf32, #tpu.memory_space<hbm>>) target(%arg7 : memref<64x128xf32, #tpu.memory_space<vmem>>) offsets(%dma_start3A_424 : memref<64xi32, #tpu.memory_space<vmem>>) semaphore(%arg12 : memref<!tpu.dma_semaphore, #tpu.memory_space<semaphore_mem>>)
      %dma_wait3A_428 = arith.constant 0 : i32
      %dma_wait3A_429 = arith.constant 0 : i32
      %dma_wait3A_430 = tpu.memref_slice %arg5[%dma_wait3A_428, %dma_wait3A_429] : memref<32x64xi32, #tpu.memory_space<vmem>> -> memref<1x64xi32, #tpu.memory_space<vmem>>
      %dma_wait3A_431 = tpu.memref_squeeze %dma_wait3A_430 : memref<1x64xi32, #tpu.memory_space<vmem>> -> memref<64xi32, #tpu.memory_space<vmem>>
      %dma_wait3A_432 = arith.constant 0 : i32
      %dma_wait3A_433 = arith.constant 0 : i32
      %dma_wait3A_434 = tpu.memref_slice %arg3[%dma_wait3A_432, %dma_wait3A_433] : memref<10240x128xf32, #tpu.memory_space<hbm>> -> memref<10240x128xf32, #tpu.memory_space<hbm>>
      tpu.wait_indirect_dma semaphore(%arg13 : memref<!tpu.dma_semaphore, #tpu.memory_space<semaphore_mem>>) src(%dma_wait3A_434 : memref<10240x128xf32, #tpu.memory_space<hbm>>) dst(%arg8 : memref<64x128xf32, #tpu.memory_space<vmem>>)
      "tpu.region"() ({
        %run_scoped3A_481 = tpu.sem_alloc : memref<!tpu.dma_semaphore, #tpu.memory_space<semaphore_mem>>
        %dma_start3A_482 = arith.constant 0 : i32
        %dma_start3A_483 = tpu.memref_slice %arg6[%add3A_415, %dma_start3A_482] : memref<32x64xi32, #tpu.memory_space<vmem>> -> memref<1x64xi32, #tpu.memory_space<vmem>>
        %dma_start3A_484 = tpu.memref_squeeze %dma_start3A_483 : memref<1x64xi32, #tpu.memory_space<vmem>> -> memref<64xi32, #tpu.memory_space<vmem>>
        %dma_start3A_485 = arith.constant 0 : i32
        %dma_start3A_486 = arith.constant 0 : i32
        %dma_start3A_487 = tpu.memref_slice %arg11[%dma_start3A_485, %dma_start3A_486] : memref<10240x128xf32, #tpu.memory_space<vmem_shared>> -> memref<10240x128xf32, #tpu.memory_space<vmem_shared>>
        tpu.enqueue_indirect_dma source(%arg8 : memref<64x128xf32, #tpu.memory_space<vmem>>) target(%dma_start3A_487 : memref<10240x128xf32, #tpu.memory_space<vmem_shared>>) offsets(%dma_start3A_484 : memref<64xi32, #tpu.memory_space<vmem>>) semaphore(%run_scoped3A_481 : memref<!tpu.dma_semaphore, #tpu.memory_space<semaphore_mem>>) {add = true}
        %dma_wait3A_488 = arith.constant 0 : i32
        %dma_wait3A_489 = tpu.memref_slice %arg6[%add3A_415, %dma_wait3A_488] : memref<32x64xi32, #tpu.memory_space<vmem>> -> memref<1x64xi32, #tpu.memory_space<vmem>>
        %dma_wait3A_490 = tpu.memref_squeeze %dma_wait3A_489 : memref<1x64xi32, #tpu.memory_space<vmem>> -> memref<64xi32, #tpu.memory_space<vmem>>
        %dma_wait3A_491 = arith.constant 0 : i32
        %dma_wait3A_492 = arith.constant 0 : i32
        %dma_wait3A_493 = tpu.memref_slice %arg11[%dma_wait3A_491, %dma_wait3A_492] : memref<10240x128xf32, #tpu.memory_space<vmem_shared>> -> memref<10240x128xf32, #tpu.memory_space<vmem_shared>>
        tpu.wait_indirect_dma semaphore(%run_scoped3A_481 : memref<!tpu.dma_semaphore, #tpu.memory_space<semaphore_mem>>) src(%arg8 : memref<64x128xf32, #tpu.memory_space<vmem>>) dst(%dma_wait3A_493 : memref<10240x128xf32, #tpu.memory_space<vmem_shared>>)
        tpu.yield
      }) : () -> ()
      %mul3A_435 = arith.constant 4 : i32
      %mul3A_436 = arith.muli %mul3A_435, %scan3A_390 : i32
      %add3A_437 = arith.constant 2 : i32
      %add3A_438 = arith.addi %mul3A_436, %add3A_437 : i32
      %add3A_439 = arith.constant 4 : i32
      %add3A_440 = arith.addi %add3A_438, %add3A_439 : i32
      %sub3A_441 = arith.constant 1 : i32
      %sub3A_442 = arith.subi %add3A_440, %sub3A_441 : i32
      %min3A_443 = arith.constant 31 : i32
      %min3A_444 = arith.minsi %sub3A_442, %min3A_443 : i32
      %dma_start3A_445 = arith.constant 0 : i32
      %dma_start3A_446 = tpu.memref_slice %arg5[%min3A_444, %dma_start3A_445] : memref<32x64xi32, #tpu.memory_space<vmem>> -> memref<1x64xi32, #tpu.memory_space<vmem>>
      %dma_start3A_447 = tpu.memref_squeeze %dma_start3A_446 : memref<1x64xi32, #tpu.memory_space<vmem>> -> memref<64xi32, #tpu.memory_space<vmem>>
      %dma_start3A_448 = arith.constant 0 : i32
      %dma_start3A_449 = arith.constant 0 : i32
      %dma_start3A_450 = tpu.memref_slice %arg3[%dma_start3A_448, %dma_start3A_449] : memref<10240x128xf32, #tpu.memory_space<hbm>> -> memref<10240x128xf32, #tpu.memory_space<hbm>>
      tpu.enqueue_indirect_dma source(%dma_start3A_450 : memref<10240x128xf32, #tpu.memory_space<hbm>>) target(%arg8 : memref<64x128xf32, #tpu.memory_space<vmem>>) offsets(%dma_start3A_447 : memref<64xi32, #tpu.memory_space<vmem>>) semaphore(%arg13 : memref<!tpu.dma_semaphore, #tpu.memory_space<semaphore_mem>>)
      %dma_wait3A_451 = arith.constant 0 : i32
      %dma_wait3A_452 = arith.constant 0 : i32
      %dma_wait3A_453 = tpu.memref_slice %arg5[%dma_wait3A_451, %dma_wait3A_452] : memref<32x64xi32, #tpu.memory_space<vmem>> -> memref<1x64xi32, #tpu.memory_space<vmem>>
      %dma_wait3A_454 = tpu.memref_squeeze %dma_wait3A_453 : memref<1x64xi32, #tpu.memory_space<vmem>> -> memref<64xi32, #tpu.memory_space<vmem>>
      %dma_wait3A_455 = arith.constant 0 : i32
      %dma_wait3A_456 = arith.constant 0 : i32
      %dma_wait3A_457 = tpu.memref_slice %arg3[%dma_wait3A_455, %dma_wait3A_456] : memref<10240x128xf32, #tpu.memory_space<hbm>> -> memref<10240x128xf32, #tpu.memory_space<hbm>>
      tpu.wait_indirect_dma semaphore(%arg14 : memref<!tpu.dma_semaphore, #tpu.memory_space<semaphore_mem>>) src(%dma_wait3A_457 : memref<10240x128xf32, #tpu.memory_space<hbm>>) dst(%arg9 : memref<64x128xf32, #tpu.memory_space<vmem>>)
      "tpu.region"() ({
        %run_scoped3A_481 = tpu.sem_alloc : memref<!tpu.dma_semaphore, #tpu.memory_space<semaphore_mem>>
        %dma_start3A_482 = arith.constant 0 : i32
        %dma_start3A_483 = tpu.memref_slice %arg6[%add3A_438, %dma_start3A_482] : memref<32x64xi32, #tpu.memory_space<vmem>> -> memref<1x64xi32, #tpu.memory_space<vmem>>
        %dma_start3A_484 = tpu.memref_squeeze %dma_start3A_483 : memref<1x64xi32, #tpu.memory_space<vmem>> -> memref<64xi32, #tpu.memory_space<vmem>>
        %dma_start3A_485 = arith.constant 0 : i32
        %dma_start3A_486 = arith.constant 0 : i32
        %dma_start3A_487 = tpu.memref_slice %arg11[%dma_start3A_485, %dma_start3A_486] : memref<10240x128xf32, #tpu.memory_space<vmem_shared>> -> memref<10240x128xf32, #tpu.memory_space<vmem_shared>>
        tpu.enqueue_indirect_dma source(%arg9 : memref<64x128xf32, #tpu.memory_space<vmem>>) target(%dma_start3A_487 : memref<10240x128xf32, #tpu.memory_space<vmem_shared>>) offsets(%dma_start3A_484 : memref<64xi32, #tpu.memory_space<vmem>>) semaphore(%run_scoped3A_481 : memref<!tpu.dma_semaphore, #tpu.memory_space<semaphore_mem>>) {add = true}
        %dma_wait3A_488 = arith.constant 0 : i32
        %dma_wait3A_489 = tpu.memref_slice %arg6[%add3A_438, %dma_wait3A_488] : memref<32x64xi32, #tpu.memory_space<vmem>> -> memref<1x64xi32, #tpu.memory_space<vmem>>
        %dma_wait3A_490 = tpu.memref_squeeze %dma_wait3A_489 : memref<1x64xi32, #tpu.memory_space<vmem>> -> memref<64xi32, #tpu.memory_space<vmem>>
        %dma_wait3A_491 = arith.constant 0 : i32
        %dma_wait3A_492 = arith.constant 0 : i32
        %dma_wait3A_493 = tpu.memref_slice %arg11[%dma_wait3A_491, %dma_wait3A_492] : memref<10240x128xf32, #tpu.memory_space<vmem_shared>> -> memref<10240x128xf32, #tpu.memory_space<vmem_shared>>
        tpu.wait_indirect_dma semaphore(%run_scoped3A_481 : memref<!tpu.dma_semaphore, #tpu.memory_space<semaphore_mem>>) src(%arg9 : memref<64x128xf32, #tpu.memory_space<vmem>>) dst(%dma_wait3A_493 : memref<10240x128xf32, #tpu.memory_space<vmem_shared>>)
        tpu.yield
      }) : () -> ()
      %mul3A_458 = arith.constant 4 : i32
      %mul3A_459 = arith.muli %mul3A_458, %scan3A_390 : i32
      %add3A_460 = arith.constant 3 : i32
      %add3A_461 = arith.addi %mul3A_459, %add3A_460 : i32
      %add3A_462 = arith.constant 4 : i32
      %add3A_463 = arith.addi %add3A_461, %add3A_462 : i32
      %sub3A_464 = arith.constant 1 : i32
      %sub3A_465 = arith.subi %add3A_463, %sub3A_464 : i32
      %min3A_466 = arith.constant 31 : i32
      %min3A_467 = arith.minsi %sub3A_465, %min3A_466 : i32
      %dma_start3A_468 = arith.constant 0 : i32
      %dma_start3A_469 = tpu.memref_slice %arg5[%min3A_467, %dma_start3A_468] : memref<32x64xi32, #tpu.memory_space<vmem>> -> memref<1x64xi32, #tpu.memory_space<vmem>>
      %dma_start3A_470 = tpu.memref_squeeze %dma_start3A_469 : memref<1x64xi32, #tpu.memory_space<vmem>> -> memref<64xi32, #tpu.memory_space<vmem>>
      %dma_start3A_471 = arith.constant 0 : i32
      %dma_start3A_472 = arith.constant 0 : i32
      %dma_start3A_473 = tpu.memref_slice %arg3[%dma_start3A_471, %dma_start3A_472] : memref<10240x128xf32, #tpu.memory_space<hbm>> -> memref<10240x128xf32, #tpu.memory_space<hbm>>
      tpu.enqueue_indirect_dma source(%dma_start3A_473 : memref<10240x128xf32, #tpu.memory_space<hbm>>) target(%arg9 : memref<64x128xf32, #tpu.memory_space<vmem>>) offsets(%dma_start3A_470 : memref<64xi32, #tpu.memory_space<vmem>>) semaphore(%arg14 : memref<!tpu.dma_semaphore, #tpu.memory_space<semaphore_mem>>)
      %dma_wait3A_474 = arith.constant 0 : i32
      %dma_wait3A_475 = arith.constant 0 : i32
      %dma_wait3A_476 = tpu.memref_slice %arg5[%dma_wait3A_474, %dma_wait3A_475] : memref<32x64xi32, #tpu.memory_space<vmem>> -> memref<1x64xi32, #tpu.memory_space<vmem>>
      %dma_wait3A_477 = tpu.memref_squeeze %dma_wait3A_476 : memref<1x64xi32, #tpu.memory_space<vmem>> -> memref<64xi32, #tpu.memory_space<vmem>>
      %dma_wait3A_478 = arith.constant 0 : i32
      %dma_wait3A_479 = arith.constant 0 : i32
      %dma_wait3A_480 = tpu.memref_slice %arg3[%dma_wait3A_478, %dma_wait3A_479] : memref<10240x128xf32, #tpu.memory_space<hbm>> -> memref<10240x128xf32, #tpu.memory_space<hbm>>
      tpu.wait_indirect_dma semaphore(%arg15 : memref<!tpu.dma_semaphore, #tpu.memory_space<semaphore_mem>>) src(%dma_wait3A_480 : memref<10240x128xf32, #tpu.memory_space<hbm>>) dst(%arg10 : memref<64x128xf32, #tpu.memory_space<vmem>>)
      "tpu.region"() ({
        %run_scoped3A_481 = tpu.sem_alloc : memref<!tpu.dma_semaphore, #tpu.memory_space<semaphore_mem>>
        %dma_start3A_482 = arith.constant 0 : i32
        %dma_start3A_483 = tpu.memref_slice %arg6[%add3A_461, %dma_start3A_482] : memref<32x64xi32, #tpu.memory_space<vmem>> -> memref<1x64xi32, #tpu.memory_space<vmem>>
        %dma_start3A_484 = tpu.memref_squeeze %dma_start3A_483 : memref<1x64xi32, #tpu.memory_space<vmem>> -> memref<64xi32, #tpu.memory_space<vmem>>
        %dma_start3A_485 = arith.constant 0 : i32
        %dma_start3A_486 = arith.constant 0 : i32
        %dma_start3A_487 = tpu.memref_slice %arg11[%dma_start3A_485, %dma_start3A_486] : memref<10240x128xf32, #tpu.memory_space<vmem_shared>> -> memref<10240x128xf32, #tpu.memory_space<vmem_shared>>
        tpu.enqueue_indirect_dma source(%arg10 : memref<64x128xf32, #tpu.memory_space<vmem>>) target(%dma_start3A_487 : memref<10240x128xf32, #tpu.memory_space<vmem_shared>>) offsets(%dma_start3A_484 : memref<64xi32, #tpu.memory_space<vmem>>) semaphore(%run_scoped3A_481 : memref<!tpu.dma_semaphore, #tpu.memory_space<semaphore_mem>>) {add = true}
        %dma_wait3A_488 = arith.constant 0 : i32
        %dma_wait3A_489 = tpu.memref_slice %arg6[%add3A_461, %dma_wait3A_488] : memref<32x64xi32, #tpu.memory_space<vmem>> -> memref<1x64xi32, #tpu.memory_space<vmem>>
        %dma_wait3A_490 = tpu.memref_squeeze %dma_wait3A_489 : memref<1x64xi32, #tpu.memory_space<vmem>> -> memref<64xi32, #tpu.memory_space<vmem>>
        %dma_wait3A_491 = arith.constant 0 : i32
        %dma_wait3A_492 = arith.constant 0 : i32
        %dma_wait3A_493 = tpu.memref_slice %arg11[%dma_wait3A_491, %dma_wait3A_492] : memref<10240x128xf32, #tpu.memory_space<vmem_shared>> -> memref<10240x128xf32, #tpu.memory_space<vmem_shared>>
        tpu.wait_indirect_dma semaphore(%run_scoped3A_481 : memref<!tpu.dma_semaphore, #tpu.memory_space<semaphore_mem>>) src(%arg10 : memref<64x128xf32, #tpu.memory_space<vmem>>) dst(%dma_wait3A_493 : memref<10240x128xf32, #tpu.memory_space<vmem_shared>>)
        tpu.yield
      }) : () -> ()
    }
    %scan3A_125 = arith.constant 8 : i32
    %dma_wait3A_126 = arith.constant 0 : i32
    %dma_wait3A_127 = arith.constant 0 : i32
    %dma_wait3A_128 = tpu.memref_slice %arg5[%dma_wait3A_126, %dma_wait3A_127] : memref<32x64xi32, #tpu.memory_space<vmem>> -> memref<1x64xi32, #tpu.memory_space<vmem>>
    %dma_wait3A_129 = tpu.memref_squeeze %dma_wait3A_128 : memref<1x64xi32, #tpu.memory_space<vmem>> -> memref<64xi32, #tpu.memory_space<vmem>>
    %dma_wait3A_130 = arith.constant 0 : i32
    %dma_wait3A_131 = arith.constant 0 : i32
    %dma_wait3A_132 = tpu.memref_slice %arg3[%dma_wait3A_130, %dma_wait3A_131] : memref<10240x128xf32, #tpu.memory_space<hbm>> -> memref<10240x128xf32, #tpu.memory_space<hbm>>
    tpu.wait_indirect_dma semaphore(%arg12 : memref<!tpu.dma_semaphore, #tpu.memory_space<semaphore_mem>>) src(%dma_wait3A_132 : memref<10240x128xf32, #tpu.memory_space<hbm>>) dst(%arg7 : memref<64x128xf32, #tpu.memory_space<vmem>>)
    %dma_wait3A_133 = arith.constant 0 : i32
    %dma_wait3A_134 = arith.constant 0 : i32
    %dma_wait3A_135 = tpu.memref_slice %arg5[%dma_wait3A_133, %dma_wait3A_134] : memref<32x64xi32, #tpu.memory_space<vmem>> -> memref<1x64xi32, #tpu.memory_space<vmem>>
    %dma_wait3A_136 = tpu.memref_squeeze %dma_wait3A_135 : memref<1x64xi32, #tpu.memory_space<vmem>> -> memref<64xi32, #tpu.memory_space<vmem>>
    %dma_wait3A_137 = arith.constant 0 : i32
    %dma_wait3A_138 = arith.constant 0 : i32
    %dma_wait3A_139 = tpu.memref_slice %arg3[%dma_wait3A_137, %dma_wait3A_138] : memref<10240x128xf32, #tpu.memory_space<hbm>> -> memref<10240x128xf32, #tpu.memory_space<hbm>>
    tpu.wait_indirect_dma semaphore(%arg13 : memref<!tpu.dma_semaphore, #tpu.memory_space<semaphore_mem>>) src(%dma_wait3A_139 : memref<10240x128xf32, #tpu.memory_space<hbm>>) dst(%arg8 : memref<64x128xf32, #tpu.memory_space<vmem>>)
    %dma_wait3A_140 = arith.constant 0 : i32
    %dma_wait3A_141 = arith.constant 0 : i32
    %dma_wait3A_142 = tpu.memref_slice %arg5[%dma_wait3A_140, %dma_wait3A_141] : memref<32x64xi32, #tpu.memory_space<vmem>> -> memref<1x64xi32, #tpu.memory_space<vmem>>
    %dma_wait3A_143 = tpu.memref_squeeze %dma_wait3A_142 : memref<1x64xi32, #tpu.memory_space<vmem>> -> memref<64xi32, #tpu.memory_space<vmem>>
    %dma_wait3A_144 = arith.constant 0 : i32
    %dma_wait3A_145 = arith.constant 0 : i32
    %dma_wait3A_146 = tpu.memref_slice %arg3[%dma_wait3A_144, %dma_wait3A_145] : memref<10240x128xf32, #tpu.memory_space<hbm>> -> memref<10240x128xf32, #tpu.memory_space<hbm>>
    tpu.wait_indirect_dma semaphore(%arg14 : memref<!tpu.dma_semaphore, #tpu.memory_space<semaphore_mem>>) src(%dma_wait3A_146 : memref<10240x128xf32, #tpu.memory_space<hbm>>) dst(%arg9 : memref<64x128xf32, #tpu.memory_space<vmem>>)
    %add3A_147 = arith.constant 64 : i32
    %add3A_148 = arith.addi %mul3A_2, %add3A_147 : i32
    %run_scoped3A_149 = arith.constant 0 : i32
    "tpu.region"() ({
      %run_scoped3A_390 = tpu.sem_alloc : memref<!tpu.dma_semaphore, #tpu.memory_space<semaphore_mem>>
      %dma_start3A_391 = arith.constant 0 : i32
      %dma_start3A_392 = tpu.memref_slice %arg2[%run_scoped3A_149, %add3A_148, %dma_start3A_391] : memref<2x5120x64xi32, #tpu.memory_space<hbm>> -> memref<1x32x64xi32, #tpu.memory_space<hbm>>
      %dma_start3A_393 = tpu.memref_squeeze %dma_start3A_392 : memref<1x32x64xi32, #tpu.memory_space<hbm>> -> memref<32x64xi32, #tpu.memory_space<hbm>>
      %dma_start3A_394 = arith.constant 0 : i32
      %dma_start3A_395 = tpu.memref_slice %arg2[%run_scoped3A_149, %add3A_148, %dma_start3A_394] : memref<2x5120x64xi32, #tpu.memory_space<hbm>> -> memref<1x32x64xi32, #tpu.memory_space<hbm>>
      %dma_start3A_396 = tpu.memref_squeeze %dma_start3A_395 : memref<1x32x64xi32, #tpu.memory_space<hbm>> -> memref<32x64xi32, #tpu.memory_space<hbm>>
      tpu.enqueue_dma source(%dma_start3A_396 : memref<32x64xi32, #tpu.memory_space<hbm>>) target(%arg5 : memref<32x64xi32, #tpu.memory_space<vmem>>) target_semaphore(%run_scoped3A_390 : memref<!tpu.dma_semaphore, #tpu.memory_space<semaphore_mem>>)
      %dma_wait3A_397 = arith.constant 0 : i32
      %dma_wait3A_398 = tpu.memref_slice %arg2[%run_scoped3A_149, %add3A_148, %dma_wait3A_397] : memref<2x5120x64xi32, #tpu.memory_space<hbm>> -> memref<1x32x64xi32, #tpu.memory_space<hbm>>
      %dma_wait3A_399 = tpu.memref_squeeze %dma_wait3A_398 : memref<1x32x64xi32, #tpu.memory_space<hbm>> -> memref<32x64xi32, #tpu.memory_space<hbm>>
      %dma_wait3A_400 = arith.constant 0 : i32
      %dma_wait3A_401 = tpu.memref_slice %arg2[%run_scoped3A_149, %add3A_148, %dma_wait3A_400] : memref<2x5120x64xi32, #tpu.memory_space<hbm>> -> memref<1x32x64xi32, #tpu.memory_space<hbm>>
      %dma_wait3A_402 = tpu.memref_squeeze %dma_wait3A_401 : memref<1x32x64xi32, #tpu.memory_space<hbm>> -> memref<32x64xi32, #tpu.memory_space<hbm>>
      tpu.wait_dma2 semaphore(%run_scoped3A_390 : memref<!tpu.dma_semaphore, #tpu.memory_space<semaphore_mem>>) src(%dma_wait3A_402 : memref<32x64xi32, #tpu.memory_space<hbm>>) dst(%arg5 : memref<32x64xi32, #tpu.memory_space<vmem>>)
      tpu.yield
    }) : () -> ()
    %add3A_150 = arith.constant 64 : i32
    %add3A_151 = arith.addi %mul3A_2, %add3A_150 : i32
    %run_scoped3A_152 = arith.constant 1 : i32
    "tpu.region"() ({
      %run_scoped3A_390 = tpu.sem_alloc : memref<!tpu.dma_semaphore, #tpu.memory_space<semaphore_mem>>
      %dma_start3A_391 = arith.constant 0 : i32
      %dma_start3A_392 = tpu.memref_slice %arg2[%run_scoped3A_152, %add3A_151, %dma_start3A_391] : memref<2x5120x64xi32, #tpu.memory_space<hbm>> -> memref<1x32x64xi32, #tpu.memory_space<hbm>>
      %dma_start3A_393 = tpu.memref_squeeze %dma_start3A_392 : memref<1x32x64xi32, #tpu.memory_space<hbm>> -> memref<32x64xi32, #tpu.memory_space<hbm>>
      %dma_start3A_394 = arith.constant 0 : i32
      %dma_start3A_395 = tpu.memref_slice %arg2[%run_scoped3A_152, %add3A_151, %dma_start3A_394] : memref<2x5120x64xi32, #tpu.memory_space<hbm>> -> memref<1x32x64xi32, #tpu.memory_space<hbm>>
      %dma_start3A_396 = tpu.memref_squeeze %dma_start3A_395 : memref<1x32x64xi32, #tpu.memory_space<hbm>> -> memref<32x64xi32, #tpu.memory_space<hbm>>
      tpu.enqueue_dma source(%dma_start3A_396 : memref<32x64xi32, #tpu.memory_space<hbm>>) target(%arg6 : memref<32x64xi32, #tpu.memory_space<vmem>>) target_semaphore(%run_scoped3A_390 : memref<!tpu.dma_semaphore, #tpu.memory_space<semaphore_mem>>)
      %dma_wait3A_397 = arith.constant 0 : i32
      %dma_wait3A_398 = tpu.memref_slice %arg2[%run_scoped3A_152, %add3A_151, %dma_wait3A_397] : memref<2x5120x64xi32, #tpu.memory_space<hbm>> -> memref<1x32x64xi32, #tpu.memory_space<hbm>>
      %dma_wait3A_399 = tpu.memref_squeeze %dma_wait3A_398 : memref<1x32x64xi32, #tpu.memory_space<hbm>> -> memref<32x64xi32, #tpu.memory_space<hbm>>
      %dma_wait3A_400 = arith.constant 0 : i32
      %dma_wait3A_401 = tpu.memref_slice %arg2[%run_scoped3A_152, %add3A_151, %dma_wait3A_400] : memref<2x5120x64xi32, #tpu.memory_space<hbm>> -> memref<1x32x64xi32, #tpu.memory_space<hbm>>
      %dma_wait3A_402 = tpu.memref_squeeze %dma_wait3A_401 : memref<1x32x64xi32, #tpu.memory_space<hbm>> -> memref<32x64xi32, #tpu.memory_space<hbm>>
      tpu.wait_dma2 semaphore(%run_scoped3A_390 : memref<!tpu.dma_semaphore, #tpu.memory_space<semaphore_mem>>) src(%dma_wait3A_402 : memref<32x64xi32, #tpu.memory_space<hbm>>) dst(%arg6 : memref<32x64xi32, #tpu.memory_space<vmem>>)
      tpu.yield
    }) : () -> ()
    %dma_start3A_153 = arith.constant 0 : i32
    %dma_start3A_154 = arith.constant 0 : i32
    %dma_start3A_155 = tpu.memref_slice %arg5[%dma_start3A_153, %dma_start3A_154] : memref<32x64xi32, #tpu.memory_space<vmem>> -> memref<1x64xi32, #tpu.memory_space<vmem>>
    %dma_start3A_156 = tpu.memref_squeeze %dma_start3A_155 : memref<1x64xi32, #tpu.memory_space<vmem>> -> memref<64xi32, #tpu.memory_space<vmem>>
    %dma_start3A_157 = arith.constant 0 : i32
    %dma_start3A_158 = arith.constant 0 : i32
    %dma_start3A_159 = tpu.memref_slice %arg3[%dma_start3A_157, %dma_start3A_158] : memref<10240x128xf32, #tpu.memory_space<hbm>> -> memref<10240x128xf32, #tpu.memory_space<hbm>>
    tpu.enqueue_indirect_dma source(%dma_start3A_159 : memref<10240x128xf32, #tpu.memory_space<hbm>>) target(%arg7 : memref<64x128xf32, #tpu.memory_space<vmem>>) offsets(%dma_start3A_156 : memref<64xi32, #tpu.memory_space<vmem>>) semaphore(%arg12 : memref<!tpu.dma_semaphore, #tpu.memory_space<semaphore_mem>>)
    %dma_start3A_160 = arith.constant 1 : i32
    %dma_start3A_161 = arith.constant 0 : i32
    %dma_start3A_162 = tpu.memref_slice %arg5[%dma_start3A_160, %dma_start3A_161] : memref<32x64xi32, #tpu.memory_space<vmem>> -> memref<1x64xi32, #tpu.memory_space<vmem>>
    %dma_start3A_163 = tpu.memref_squeeze %dma_start3A_162 : memref<1x64xi32, #tpu.memory_space<vmem>> -> memref<64xi32, #tpu.memory_space<vmem>>
    %dma_start3A_164 = arith.constant 0 : i32
    %dma_start3A_165 = arith.constant 0 : i32
    %dma_start3A_166 = tpu.memref_slice %arg3[%dma_start3A_164, %dma_start3A_165] : memref<10240x128xf32, #tpu.memory_space<hbm>> -> memref<10240x128xf32, #tpu.memory_space<hbm>>
    tpu.enqueue_indirect_dma source(%dma_start3A_166 : memref<10240x128xf32, #tpu.memory_space<hbm>>) target(%arg8 : memref<64x128xf32, #tpu.memory_space<vmem>>) offsets(%dma_start3A_163 : memref<64xi32, #tpu.memory_space<vmem>>) semaphore(%arg13 : memref<!tpu.dma_semaphore, #tpu.memory_space<semaphore_mem>>)
    %dma_start3A_167 = arith.constant 2 : i32
    %dma_start3A_168 = arith.constant 0 : i32
    %dma_start3A_169 = tpu.memref_slice %arg5[%dma_start3A_167, %dma_start3A_168] : memref<32x64xi32, #tpu.memory_space<vmem>> -> memref<1x64xi32, #tpu.memory_space<vmem>>
    %dma_start3A_170 = tpu.memref_squeeze %dma_start3A_169 : memref<1x64xi32, #tpu.memory_space<vmem>> -> memref<64xi32, #tpu.memory_space<vmem>>
    %dma_start3A_171 = arith.constant 0 : i32
    %dma_start3A_172 = arith.constant 0 : i32
    %dma_start3A_173 = tpu.memref_slice %arg3[%dma_start3A_171, %dma_start3A_172] : memref<10240x128xf32, #tpu.memory_space<hbm>> -> memref<10240x128xf32, #tpu.memory_space<hbm>>
    tpu.enqueue_indirect_dma source(%dma_start3A_173 : memref<10240x128xf32, #tpu.memory_space<hbm>>) target(%arg9 : memref<64x128xf32, #tpu.memory_space<vmem>>) offsets(%dma_start3A_170 : memref<64xi32, #tpu.memory_space<vmem>>) semaphore(%arg14 : memref<!tpu.dma_semaphore, #tpu.memory_space<semaphore_mem>>)
    %scan3A_174 = arith.constant 0 : i32
    %scan3A_175 = arith.constant 0 : i32
    %scan3A_176 = arith.constant 8 : i32
    %scan3A_177 = arith.addi %scan3A_175, %scan3A_176 : i32
    %scan3A_178 = arith.constant 1 : i32
    scf.for %scan3A_390 = %scan3A_175 to %scan3A_177 step %scan3A_178  : i32 {
      %mul3A_391 = arith.constant 4 : i32
      %mul3A_392 = arith.muli %mul3A_391, %scan3A_390 : i32
      %add3A_393 = arith.constant 0 : i32
      %add3A_394 = arith.addi %mul3A_392, %add3A_393 : i32
      %add3A_395 = arith.constant 4 : i32
      %add3A_396 = arith.addi %add3A_394, %add3A_395 : i32
      %sub3A = arith.constant 1 : i32
      %sub3A_397 = arith.subi %add3A_396, %sub3A : i32
      %min3A = arith.constant 31 : i32
      %min3A_398 = arith.minsi %sub3A_397, %min3A : i32
      %dma_start3A_399 = arith.constant 0 : i32
      %dma_start3A_400 = tpu.memref_slice %arg5[%min3A_398, %dma_start3A_399] : memref<32x64xi32, #tpu.memory_space<vmem>> -> memref<1x64xi32, #tpu.memory_space<vmem>>
      %dma_start3A_401 = tpu.memref_squeeze %dma_start3A_400 : memref<1x64xi32, #tpu.memory_space<vmem>> -> memref<64xi32, #tpu.memory_space<vmem>>
      %dma_start3A_402 = arith.constant 0 : i32
      %dma_start3A_403 = arith.constant 0 : i32
      %dma_start3A_404 = tpu.memref_slice %arg3[%dma_start3A_402, %dma_start3A_403] : memref<10240x128xf32, #tpu.memory_space<hbm>> -> memref<10240x128xf32, #tpu.memory_space<hbm>>
      tpu.enqueue_indirect_dma source(%dma_start3A_404 : memref<10240x128xf32, #tpu.memory_space<hbm>>) target(%arg10 : memref<64x128xf32, #tpu.memory_space<vmem>>) offsets(%dma_start3A_401 : memref<64xi32, #tpu.memory_space<vmem>>) semaphore(%arg15 : memref<!tpu.dma_semaphore, #tpu.memory_space<semaphore_mem>>)
      %dma_wait3A_405 = arith.constant 0 : i32
      %dma_wait3A_406 = arith.constant 0 : i32
      %dma_wait3A_407 = tpu.memref_slice %arg5[%dma_wait3A_405, %dma_wait3A_406] : memref<32x64xi32, #tpu.memory_space<vmem>> -> memref<1x64xi32, #tpu.memory_space<vmem>>
      %dma_wait3A_408 = tpu.memref_squeeze %dma_wait3A_407 : memref<1x64xi32, #tpu.memory_space<vmem>> -> memref<64xi32, #tpu.memory_space<vmem>>
      %dma_wait3A_409 = arith.constant 0 : i32
      %dma_wait3A_410 = arith.constant 0 : i32
      %dma_wait3A_411 = tpu.memref_slice %arg3[%dma_wait3A_409, %dma_wait3A_410] : memref<10240x128xf32, #tpu.memory_space<hbm>> -> memref<10240x128xf32, #tpu.memory_space<hbm>>
      tpu.wait_indirect_dma semaphore(%arg12 : memref<!tpu.dma_semaphore, #tpu.memory_space<semaphore_mem>>) src(%dma_wait3A_411 : memref<10240x128xf32, #tpu.memory_space<hbm>>) dst(%arg7 : memref<64x128xf32, #tpu.memory_space<vmem>>)
      "tpu.region"() ({
        %run_scoped3A_481 = tpu.sem_alloc : memref<!tpu.dma_semaphore, #tpu.memory_space<semaphore_mem>>
        %dma_start3A_482 = arith.constant 0 : i32
        %dma_start3A_483 = tpu.memref_slice %arg6[%add3A_394, %dma_start3A_482] : memref<32x64xi32, #tpu.memory_space<vmem>> -> memref<1x64xi32, #tpu.memory_space<vmem>>
        %dma_start3A_484 = tpu.memref_squeeze %dma_start3A_483 : memref<1x64xi32, #tpu.memory_space<vmem>> -> memref<64xi32, #tpu.memory_space<vmem>>
        %dma_start3A_485 = arith.constant 0 : i32
        %dma_start3A_486 = arith.constant 0 : i32
        %dma_start3A_487 = tpu.memref_slice %arg11[%dma_start3A_485, %dma_start3A_486] : memref<10240x128xf32, #tpu.memory_space<vmem_shared>> -> memref<10240x128xf32, #tpu.memory_space<vmem_shared>>
        tpu.enqueue_indirect_dma source(%arg7 : memref<64x128xf32, #tpu.memory_space<vmem>>) target(%dma_start3A_487 : memref<10240x128xf32, #tpu.memory_space<vmem_shared>>) offsets(%dma_start3A_484 : memref<64xi32, #tpu.memory_space<vmem>>) semaphore(%run_scoped3A_481 : memref<!tpu.dma_semaphore, #tpu.memory_space<semaphore_mem>>) {add = true}
        %dma_wait3A_488 = arith.constant 0 : i32
        %dma_wait3A_489 = tpu.memref_slice %arg6[%add3A_394, %dma_wait3A_488] : memref<32x64xi32, #tpu.memory_space<vmem>> -> memref<1x64xi32, #tpu.memory_space<vmem>>
        %dma_wait3A_490 = tpu.memref_squeeze %dma_wait3A_489 : memref<1x64xi32, #tpu.memory_space<vmem>> -> memref<64xi32, #tpu.memory_space<vmem>>
        %dma_wait3A_491 = arith.constant 0 : i32
        %dma_wait3A_492 = arith.constant 0 : i32
        %dma_wait3A_493 = tpu.memref_slice %arg11[%dma_wait3A_491, %dma_wait3A_492] : memref<10240x128xf32, #tpu.memory_space<vmem_shared>> -> memref<10240x128xf32, #tpu.memory_space<vmem_shared>>
        tpu.wait_indirect_dma semaphore(%run_scoped3A_481 : memref<!tpu.dma_semaphore, #tpu.memory_space<semaphore_mem>>) src(%arg7 : memref<64x128xf32, #tpu.memory_space<vmem>>) dst(%dma_wait3A_493 : memref<10240x128xf32, #tpu.memory_space<vmem_shared>>)
        tpu.yield
      }) : () -> ()
      %mul3A_412 = arith.constant 4 : i32
      %mul3A_413 = arith.muli %mul3A_412, %scan3A_390 : i32
      %add3A_414 = arith.constant 1 : i32
      %add3A_415 = arith.addi %mul3A_413, %add3A_414 : i32
      %add3A_416 = arith.constant 4 : i32
      %add3A_417 = arith.addi %add3A_415, %add3A_416 : i32
      %sub3A_418 = arith.constant 1 : i32
      %sub3A_419 = arith.subi %add3A_417, %sub3A_418 : i32
      %min3A_420 = arith.constant 31 : i32
      %min3A_421 = arith.minsi %sub3A_419, %min3A_420 : i32
      %dma_start3A_422 = arith.constant 0 : i32
      %dma_start3A_423 = tpu.memref_slice %arg5[%min3A_421, %dma_start3A_422] : memref<32x64xi32, #tpu.memory_space<vmem>> -> memref<1x64xi32, #tpu.memory_space<vmem>>
      %dma_start3A_424 = tpu.memref_squeeze %dma_start3A_423 : memref<1x64xi32, #tpu.memory_space<vmem>> -> memref<64xi32, #tpu.memory_space<vmem>>
      %dma_start3A_425 = arith.constant 0 : i32
      %dma_start3A_426 = arith.constant 0 : i32
      %dma_start3A_427 = tpu.memref_slice %arg3[%dma_start3A_425, %dma_start3A_426] : memref<10240x128xf32, #tpu.memory_space<hbm>> -> memref<10240x128xf32, #tpu.memory_space<hbm>>
      tpu.enqueue_indirect_dma source(%dma_start3A_427 : memref<10240x128xf32, #tpu.memory_space<hbm>>) target(%arg7 : memref<64x128xf32, #tpu.memory_space<vmem>>) offsets(%dma_start3A_424 : memref<64xi32, #tpu.memory_space<vmem>>) semaphore(%arg12 : memref<!tpu.dma_semaphore, #tpu.memory_space<semaphore_mem>>)
      %dma_wait3A_428 = arith.constant 0 : i32
      %dma_wait3A_429 = arith.constant 0 : i32
      %dma_wait3A_430 = tpu.memref_slice %arg5[%dma_wait3A_428, %dma_wait3A_429] : memref<32x64xi32, #tpu.memory_space<vmem>> -> memref<1x64xi32, #tpu.memory_space<vmem>>
      %dma_wait3A_431 = tpu.memref_squeeze %dma_wait3A_430 : memref<1x64xi32, #tpu.memory_space<vmem>> -> memref<64xi32, #tpu.memory_space<vmem>>
      %dma_wait3A_432 = arith.constant 0 : i32
      %dma_wait3A_433 = arith.constant 0 : i32
      %dma_wait3A_434 = tpu.memref_slice %arg3[%dma_wait3A_432, %dma_wait3A_433] : memref<10240x128xf32, #tpu.memory_space<hbm>> -> memref<10240x128xf32, #tpu.memory_space<hbm>>
      tpu.wait_indirect_dma semaphore(%arg13 : memref<!tpu.dma_semaphore, #tpu.memory_space<semaphore_mem>>) src(%dma_wait3A_434 : memref<10240x128xf32, #tpu.memory_space<hbm>>) dst(%arg8 : memref<64x128xf32, #tpu.memory_space<vmem>>)
      "tpu.region"() ({
        %run_scoped3A_481 = tpu.sem_alloc : memref<!tpu.dma_semaphore, #tpu.memory_space<semaphore_mem>>
        %dma_start3A_482 = arith.constant 0 : i32
        %dma_start3A_483 = tpu.memref_slice %arg6[%add3A_415, %dma_start3A_482] : memref<32x64xi32, #tpu.memory_space<vmem>> -> memref<1x64xi32, #tpu.memory_space<vmem>>
        %dma_start3A_484 = tpu.memref_squeeze %dma_start3A_483 : memref<1x64xi32, #tpu.memory_space<vmem>> -> memref<64xi32, #tpu.memory_space<vmem>>
        %dma_start3A_485 = arith.constant 0 : i32
        %dma_start3A_486 = arith.constant 0 : i32
        %dma_start3A_487 = tpu.memref_slice %arg11[%dma_start3A_485, %dma_start3A_486] : memref<10240x128xf32, #tpu.memory_space<vmem_shared>> -> memref<10240x128xf32, #tpu.memory_space<vmem_shared>>
        tpu.enqueue_indirect_dma source(%arg8 : memref<64x128xf32, #tpu.memory_space<vmem>>) target(%dma_start3A_487 : memref<10240x128xf32, #tpu.memory_space<vmem_shared>>) offsets(%dma_start3A_484 : memref<64xi32, #tpu.memory_space<vmem>>) semaphore(%run_scoped3A_481 : memref<!tpu.dma_semaphore, #tpu.memory_space<semaphore_mem>>) {add = true}
        %dma_wait3A_488 = arith.constant 0 : i32
        %dma_wait3A_489 = tpu.memref_slice %arg6[%add3A_415, %dma_wait3A_488] : memref<32x64xi32, #tpu.memory_space<vmem>> -> memref<1x64xi32, #tpu.memory_space<vmem>>
        %dma_wait3A_490 = tpu.memref_squeeze %dma_wait3A_489 : memref<1x64xi32, #tpu.memory_space<vmem>> -> memref<64xi32, #tpu.memory_space<vmem>>
        %dma_wait3A_491 = arith.constant 0 : i32
        %dma_wait3A_492 = arith.constant 0 : i32
        %dma_wait3A_493 = tpu.memref_slice %arg11[%dma_wait3A_491, %dma_wait3A_492] : memref<10240x128xf32, #tpu.memory_space<vmem_shared>> -> memref<10240x128xf32, #tpu.memory_space<vmem_shared>>
        tpu.wait_indirect_dma semaphore(%run_scoped3A_481 : memref<!tpu.dma_semaphore, #tpu.memory_space<semaphore_mem>>) src(%arg8 : memref<64x128xf32, #tpu.memory_space<vmem>>) dst(%dma_wait3A_493 : memref<10240x128xf32, #tpu.memory_space<vmem_shared>>)
        tpu.yield
      }) : () -> ()
      %mul3A_435 = arith.constant 4 : i32
      %mul3A_436 = arith.muli %mul3A_435, %scan3A_390 : i32
      %add3A_437 = arith.constant 2 : i32
      %add3A_438 = arith.addi %mul3A_436, %add3A_437 : i32
      %add3A_439 = arith.constant 4 : i32
      %add3A_440 = arith.addi %add3A_438, %add3A_439 : i32
      %sub3A_441 = arith.constant 1 : i32
      %sub3A_442 = arith.subi %add3A_440, %sub3A_441 : i32
      %min3A_443 = arith.constant 31 : i32
      %min3A_444 = arith.minsi %sub3A_442, %min3A_443 : i32
      %dma_start3A_445 = arith.constant 0 : i32
      %dma_start3A_446 = tpu.memref_slice %arg5[%min3A_444, %dma_start3A_445] : memref<32x64xi32, #tpu.memory_space<vmem>> -> memref<1x64xi32, #tpu.memory_space<vmem>>
      %dma_start3A_447 = tpu.memref_squeeze %dma_start3A_446 : memref<1x64xi32, #tpu.memory_space<vmem>> -> memref<64xi32, #tpu.memory_space<vmem>>
      %dma_start3A_448 = arith.constant 0 : i32
      %dma_start3A_449 = arith.constant 0 : i32
      %dma_start3A_450 = tpu.memref_slice %arg3[%dma_start3A_448, %dma_start3A_449] : memref<10240x128xf32, #tpu.memory_space<hbm>> -> memref<10240x128xf32, #tpu.memory_space<hbm>>
      tpu.enqueue_indirect_dma source(%dma_start3A_450 : memref<10240x128xf32, #tpu.memory_space<hbm>>) target(%arg8 : memref<64x128xf32, #tpu.memory_space<vmem>>) offsets(%dma_start3A_447 : memref<64xi32, #tpu.memory_space<vmem>>) semaphore(%arg13 : memref<!tpu.dma_semaphore, #tpu.memory_space<semaphore_mem>>)
      %dma_wait3A_451 = arith.constant 0 : i32
      %dma_wait3A_452 = arith.constant 0 : i32
      %dma_wait3A_453 = tpu.memref_slice %arg5[%dma_wait3A_451, %dma_wait3A_452] : memref<32x64xi32, #tpu.memory_space<vmem>> -> memref<1x64xi32, #tpu.memory_space<vmem>>
      %dma_wait3A_454 = tpu.memref_squeeze %dma_wait3A_453 : memref<1x64xi32, #tpu.memory_space<vmem>> -> memref<64xi32, #tpu.memory_space<vmem>>
      %dma_wait3A_455 = arith.constant 0 : i32
      %dma_wait3A_456 = arith.constant 0 : i32
      %dma_wait3A_457 = tpu.memref_slice %arg3[%dma_wait3A_455, %dma_wait3A_456] : memref<10240x128xf32, #tpu.memory_space<hbm>> -> memref<10240x128xf32, #tpu.memory_space<hbm>>
      tpu.wait_indirect_dma semaphore(%arg14 : memref<!tpu.dma_semaphore, #tpu.memory_space<semaphore_mem>>) src(%dma_wait3A_457 : memref<10240x128xf32, #tpu.memory_space<hbm>>) dst(%arg9 : memref<64x128xf32, #tpu.memory_space<vmem>>)
      "tpu.region"() ({
        %run_scoped3A_481 = tpu.sem_alloc : memref<!tpu.dma_semaphore, #tpu.memory_space<semaphore_mem>>
        %dma_start3A_482 = arith.constant 0 : i32
        %dma_start3A_483 = tpu.memref_slice %arg6[%add3A_438, %dma_start3A_482] : memref<32x64xi32, #tpu.memory_space<vmem>> -> memref<1x64xi32, #tpu.memory_space<vmem>>
        %dma_start3A_484 = tpu.memref_squeeze %dma_start3A_483 : memref<1x64xi32, #tpu.memory_space<vmem>> -> memref<64xi32, #tpu.memory_space<vmem>>
        %dma_start3A_485 = arith.constant 0 : i32
        %dma_start3A_486 = arith.constant 0 : i32
        %dma_start3A_487 = tpu.memref_slice %arg11[%dma_start3A_485, %dma_start3A_486] : memref<10240x128xf32, #tpu.memory_space<vmem_shared>> -> memref<10240x128xf32, #tpu.memory_space<vmem_shared>>
        tpu.enqueue_indirect_dma source(%arg9 : memref<64x128xf32, #tpu.memory_space<vmem>>) target(%dma_start3A_487 : memref<10240x128xf32, #tpu.memory_space<vmem_shared>>) offsets(%dma_start3A_484 : memref<64xi32, #tpu.memory_space<vmem>>) semaphore(%run_scoped3A_481 : memref<!tpu.dma_semaphore, #tpu.memory_space<semaphore_mem>>) {add = true}
        %dma_wait3A_488 = arith.constant 0 : i32
        %dma_wait3A_489 = tpu.memref_slice %arg6[%add3A_438, %dma_wait3A_488] : memref<32x64xi32, #tpu.memory_space<vmem>> -> memref<1x64xi32, #tpu.memory_space<vmem>>
        %dma_wait3A_490 = tpu.memref_squeeze %dma_wait3A_489 : memref<1x64xi32, #tpu.memory_space<vmem>> -> memref<64xi32, #tpu.memory_space<vmem>>
        %dma_wait3A_491 = arith.constant 0 : i32
        %dma_wait3A_492 = arith.constant 0 : i32
        %dma_wait3A_493 = tpu.memref_slice %arg11[%dma_wait3A_491, %dma_wait3A_492] : memref<10240x128xf32, #tpu.memory_space<vmem_shared>> -> memref<10240x128xf32, #tpu.memory_space<vmem_shared>>
        tpu.wait_indirect_dma semaphore(%run_scoped3A_481 : memref<!tpu.dma_semaphore, #tpu.memory_space<semaphore_mem>>) src(%arg9 : memref<64x128xf32, #tpu.memory_space<vmem>>) dst(%dma_wait3A_493 : memref<10240x128xf32, #tpu.memory_space<vmem_shared>>)
        tpu.yield
      }) : () -> ()
      %mul3A_458 = arith.constant 4 : i32
      %mul3A_459 = arith.muli %mul3A_458, %scan3A_390 : i32
      %add3A_460 = arith.constant 3 : i32
      %add3A_461 = arith.addi %mul3A_459, %add3A_460 : i32
      %add3A_462 = arith.constant 4 : i32
      %add3A_463 = arith.addi %add3A_461, %add3A_462 : i32
      %sub3A_464 = arith.constant 1 : i32
      %sub3A_465 = arith.subi %add3A_463, %sub3A_464 : i32
      %min3A_466 = arith.constant 31 : i32
      %min3A_467 = arith.minsi %sub3A_465, %min3A_466 : i32
      %dma_start3A_468 = arith.constant 0 : i32
      %dma_start3A_469 = tpu.memref_slice %arg5[%min3A_467, %dma_start3A_468] : memref<32x64xi32, #tpu.memory_space<vmem>> -> memref<1x64xi32, #tpu.memory_space<vmem>>
      %dma_start3A_470 = tpu.memref_squeeze %dma_start3A_469 : memref<1x64xi32, #tpu.memory_space<vmem>> -> memref<64xi32, #tpu.memory_space<vmem>>
      %dma_start3A_471 = arith.constant 0 : i32
      %dma_start3A_472 = arith.constant 0 : i32
      %dma_start3A_473 = tpu.memref_slice %arg3[%dma_start3A_471, %dma_start3A_472] : memref<10240x128xf32, #tpu.memory_space<hbm>> -> memref<10240x128xf32, #tpu.memory_space<hbm>>
      tpu.enqueue_indirect_dma source(%dma_start3A_473 : memref<10240x128xf32, #tpu.memory_space<hbm>>) target(%arg9 : memref<64x128xf32, #tpu.memory_space<vmem>>) offsets(%dma_start3A_470 : memref<64xi32, #tpu.memory_space<vmem>>) semaphore(%arg14 : memref<!tpu.dma_semaphore, #tpu.memory_space<semaphore_mem>>)
      %dma_wait3A_474 = arith.constant 0 : i32
      %dma_wait3A_475 = arith.constant 0 : i32
      %dma_wait3A_476 = tpu.memref_slice %arg5[%dma_wait3A_474, %dma_wait3A_475] : memref<32x64xi32, #tpu.memory_space<vmem>> -> memref<1x64xi32, #tpu.memory_space<vmem>>
      %dma_wait3A_477 = tpu.memref_squeeze %dma_wait3A_476 : memref<1x64xi32, #tpu.memory_space<vmem>> -> memref<64xi32, #tpu.memory_space<vmem>>
      %dma_wait3A_478 = arith.constant 0 : i32
      %dma_wait3A_479 = arith.constant 0 : i32
      %dma_wait3A_480 = tpu.memref_slice %arg3[%dma_wait3A_478, %dma_wait3A_479] : memref<10240x128xf32, #tpu.memory_space<hbm>> -> memref<10240x128xf32, #tpu.memory_space<hbm>>
      tpu.wait_indirect_dma semaphore(%arg15 : memref<!tpu.dma_semaphore, #tpu.memory_space<semaphore_mem>>) src(%dma_wait3A_480 : memref<10240x128xf32, #tpu.memory_space<hbm>>) dst(%arg10 : memref<64x128xf32, #tpu.memory_space<vmem>>)
      "tpu.region"() ({
        %run_scoped3A_481 = tpu.sem_alloc : memref<!tpu.dma_semaphore, #tpu.memory_space<semaphore_mem>>
        %dma_start3A_482 = arith.constant 0 : i32
        %dma_start3A_483 = tpu.memref_slice %arg6[%add3A_461, %dma_start3A_482] : memref<32x64xi32, #tpu.memory_space<vmem>> -> memref<1x64xi32, #tpu.memory_space<vmem>>
        %dma_start3A_484 = tpu.memref_squeeze %dma_start3A_483 : memref<1x64xi32, #tpu.memory_space<vmem>> -> memref<64xi32, #tpu.memory_space<vmem>>
        %dma_start3A_485 = arith.constant 0 : i32
        %dma_start3A_486 = arith.constant 0 : i32
        %dma_start3A_487 = tpu.memref_slice %arg11[%dma_start3A_485, %dma_start3A_486] : memref<10240x128xf32, #tpu.memory_space<vmem_shared>> -> memref<10240x128xf32, #tpu.memory_space<vmem_shared>>
        tpu.enqueue_indirect_dma source(%arg10 : memref<64x128xf32, #tpu.memory_space<vmem>>) target(%dma_start3A_487 : memref<10240x128xf32, #tpu.memory_space<vmem_shared>>) offsets(%dma_start3A_484 : memref<64xi32, #tpu.memory_space<vmem>>) semaphore(%run_scoped3A_481 : memref<!tpu.dma_semaphore, #tpu.memory_space<semaphore_mem>>) {add = true}
        %dma_wait3A_488 = arith.constant 0 : i32
        %dma_wait3A_489 = tpu.memref_slice %arg6[%add3A_461, %dma_wait3A_488] : memref<32x64xi32, #tpu.memory_space<vmem>> -> memref<1x64xi32, #tpu.memory_space<vmem>>
        %dma_wait3A_490 = tpu.memref_squeeze %dma_wait3A_489 : memref<1x64xi32, #tpu.memory_space<vmem>> -> memref<64xi32, #tpu.memory_space<vmem>>
        %dma_wait3A_491 = arith.constant 0 : i32
        %dma_wait3A_492 = arith.constant 0 : i32
        %dma_wait3A_493 = tpu.memref_slice %arg11[%dma_wait3A_491, %dma_wait3A_492] : memref<10240x128xf32, #tpu.memory_space<vmem_shared>> -> memref<10240x128xf32, #tpu.memory_space<vmem_shared>>
        tpu.wait_indirect_dma semaphore(%run_scoped3A_481 : memref<!tpu.dma_semaphore, #tpu.memory_space<semaphore_mem>>) src(%arg10 : memref<64x128xf32, #tpu.memory_space<vmem>>) dst(%dma_wait3A_493 : memref<10240x128xf32, #tpu.memory_space<vmem_shared>>)
        tpu.yield
      }) : () -> ()
    }
    %scan3A_179 = arith.constant 8 : i32
    %dma_wait3A_180 = arith.constant 0 : i32
    %dma_wait3A_181 = arith.constant 0 : i32
    %dma_wait3A_182 = tpu.memref_slice %arg5[%dma_wait3A_180, %dma_wait3A_181] : memref<32x64xi32, #tpu.memory_space<vmem>> -> memref<1x64xi32, #tpu.memory_space<vmem>>
    %dma_wait3A_183 = tpu.memref_squeeze %dma_wait3A_182 : memref<1x64xi32, #tpu.memory_space<vmem>> -> memref<64xi32, #tpu.memory_space<vmem>>
    %dma_wait3A_184 = arith.constant 0 : i32
    %dma_wait3A_185 = arith.constant 0 : i32
    %dma_wait3A_186 = tpu.memref_slice %arg3[%dma_wait3A_184, %dma_wait3A_185] : memref<10240x128xf32, #tpu.memory_space<hbm>> -> memref<10240x128xf32, #tpu.memory_space<hbm>>
    tpu.wait_indirect_dma semaphore(%arg12 : memref<!tpu.dma_semaphore, #tpu.memory_space<semaphore_mem>>) src(%dma_wait3A_186 : memref<10240x128xf32, #tpu.memory_space<hbm>>) dst(%arg7 : memref<64x128xf32, #tpu.memory_space<vmem>>)
    %dma_wait3A_187 = arith.constant 0 : i32
    %dma_wait3A_188 = arith.constant 0 : i32
    %dma_wait3A_189 = tpu.memref_slice %arg5[%dma_wait3A_187, %dma_wait3A_188] : memref<32x64xi32, #tpu.memory_space<vmem>> -> memref<1x64xi32, #tpu.memory_space<vmem>>
    %dma_wait3A_190 = tpu.memref_squeeze %dma_wait3A_189 : memref<1x64xi32, #tpu.memory_space<vmem>> -> memref<64xi32, #tpu.memory_space<vmem>>
    %dma_wait3A_191 = arith.constant 0 : i32
    %dma_wait3A_192 = arith.constant 0 : i32
    %dma_wait3A_193 = tpu.memref_slice %arg3[%dma_wait3A_191, %dma_wait3A_192] : memref<10240x128xf32, #tpu.memory_space<hbm>> -> memref<10240x128xf32, #tpu.memory_space<hbm>>
    tpu.wait_indirect_dma semaphore(%arg13 : memref<!tpu.dma_semaphore, #tpu.memory_space<semaphore_mem>>) src(%dma_wait3A_193 : memref<10240x128xf32, #tpu.memory_space<hbm>>) dst(%arg8 : memref<64x128xf32, #tpu.memory_space<vmem>>)
    %dma_wait3A_194 = arith.constant 0 : i32
    %dma_wait3A_195 = arith.constant 0 : i32
    %dma_wait3A_196 = tpu.memref_slice %arg5[%dma_wait3A_194, %dma_wait3A_195] : memref<32x64xi32, #tpu.memory_space<vmem>> -> memref<1x64xi32, #tpu.memory_space<vmem>>
    %dma_wait3A_197 = tpu.memref_squeeze %dma_wait3A_196 : memref<1x64xi32, #tpu.memory_space<vmem>> -> memref<64xi32, #tpu.memory_space<vmem>>
    %dma_wait3A_198 = arith.constant 0 : i32
    %dma_wait3A_199 = arith.constant 0 : i32
    %dma_wait3A_200 = tpu.memref_slice %arg3[%dma_wait3A_198, %dma_wait3A_199] : memref<10240x128xf32, #tpu.memory_space<hbm>> -> memref<10240x128xf32, #tpu.memory_space<hbm>>
    tpu.wait_indirect_dma semaphore(%arg14 : memref<!tpu.dma_semaphore, #tpu.memory_space<semaphore_mem>>) src(%dma_wait3A_200 : memref<10240x128xf32, #tpu.memory_space<hbm>>) dst(%arg9 : memref<64x128xf32, #tpu.memory_space<vmem>>)
    %add3A_201 = arith.constant 96 : i32
    %add3A_202 = arith.addi %mul3A_2, %add3A_201 : i32
    %run_scoped3A_203 = arith.constant 0 : i32
    "tpu.region"() ({
      %run_scoped3A_390 = tpu.sem_alloc : memref<!tpu.dma_semaphore, #tpu.memory_space<semaphore_mem>>
      %dma_start3A_391 = arith.constant 0 : i32
      %dma_start3A_392 = tpu.memref_slice %arg2[%run_scoped3A_203, %add3A_202, %dma_start3A_391] : memref<2x5120x64xi32, #tpu.memory_space<hbm>> -> memref<1x32x64xi32, #tpu.memory_space<hbm>>
      %dma_start3A_393 = tpu.memref_squeeze %dma_start3A_392 : memref<1x32x64xi32, #tpu.memory_space<hbm>> -> memref<32x64xi32, #tpu.memory_space<hbm>>
      %dma_start3A_394 = arith.constant 0 : i32
      %dma_start3A_395 = tpu.memref_slice %arg2[%run_scoped3A_203, %add3A_202, %dma_start3A_394] : memref<2x5120x64xi32, #tpu.memory_space<hbm>> -> memref<1x32x64xi32, #tpu.memory_space<hbm>>
      %dma_start3A_396 = tpu.memref_squeeze %dma_start3A_395 : memref<1x32x64xi32, #tpu.memory_space<hbm>> -> memref<32x64xi32, #tpu.memory_space<hbm>>
      tpu.enqueue_dma source(%dma_start3A_396 : memref<32x64xi32, #tpu.memory_space<hbm>>) target(%arg5 : memref<32x64xi32, #tpu.memory_space<vmem>>) target_semaphore(%run_scoped3A_390 : memref<!tpu.dma_semaphore, #tpu.memory_space<semaphore_mem>>)
      %dma_wait3A_397 = arith.constant 0 : i32
      %dma_wait3A_398 = tpu.memref_slice %arg2[%run_scoped3A_203, %add3A_202, %dma_wait3A_397] : memref<2x5120x64xi32, #tpu.memory_space<hbm>> -> memref<1x32x64xi32, #tpu.memory_space<hbm>>
      %dma_wait3A_399 = tpu.memref_squeeze %dma_wait3A_398 : memref<1x32x64xi32, #tpu.memory_space<hbm>> -> memref<32x64xi32, #tpu.memory_space<hbm>>
      %dma_wait3A_400 = arith.constant 0 : i32
      %dma_wait3A_401 = tpu.memref_slice %arg2[%run_scoped3A_203, %add3A_202, %dma_wait3A_400] : memref<2x5120x64xi32, #tpu.memory_space<hbm>> -> memref<1x32x64xi32, #tpu.memory_space<hbm>>
      %dma_wait3A_402 = tpu.memref_squeeze %dma_wait3A_401 : memref<1x32x64xi32, #tpu.memory_space<hbm>> -> memref<32x64xi32, #tpu.memory_space<hbm>>
      tpu.wait_dma2 semaphore(%run_scoped3A_390 : memref<!tpu.dma_semaphore, #tpu.memory_space<semaphore_mem>>) src(%dma_wait3A_402 : memref<32x64xi32, #tpu.memory_space<hbm>>) dst(%arg5 : memref<32x64xi32, #tpu.memory_space<vmem>>)
      tpu.yield
    }) : () -> ()
    %add3A_204 = arith.constant 96 : i32
    %add3A_205 = arith.addi %mul3A_2, %add3A_204 : i32
    %run_scoped3A_206 = arith.constant 1 : i32
    "tpu.region"() ({
      %run_scoped3A_390 = tpu.sem_alloc : memref<!tpu.dma_semaphore, #tpu.memory_space<semaphore_mem>>
      %dma_start3A_391 = arith.constant 0 : i32
      %dma_start3A_392 = tpu.memref_slice %arg2[%run_scoped3A_206, %add3A_205, %dma_start3A_391] : memref<2x5120x64xi32, #tpu.memory_space<hbm>> -> memref<1x32x64xi32, #tpu.memory_space<hbm>>
      %dma_start3A_393 = tpu.memref_squeeze %dma_start3A_392 : memref<1x32x64xi32, #tpu.memory_space<hbm>> -> memref<32x64xi32, #tpu.memory_space<hbm>>
      %dma_start3A_394 = arith.constant 0 : i32
      %dma_start3A_395 = tpu.memref_slice %arg2[%run_scoped3A_206, %add3A_205, %dma_start3A_394] : memref<2x5120x64xi32, #tpu.memory_space<hbm>> -> memref<1x32x64xi32, #tpu.memory_space<hbm>>
      %dma_start3A_396 = tpu.memref_squeeze %dma_start3A_395 : memref<1x32x64xi32, #tpu.memory_space<hbm>> -> memref<32x64xi32, #tpu.memory_space<hbm>>
      tpu.enqueue_dma source(%dma_start3A_396 : memref<32x64xi32, #tpu.memory_space<hbm>>) target(%arg6 : memref<32x64xi32, #tpu.memory_space<vmem>>) target_semaphore(%run_scoped3A_390 : memref<!tpu.dma_semaphore, #tpu.memory_space<semaphore_mem>>)
      %dma_wait3A_397 = arith.constant 0 : i32
      %dma_wait3A_398 = tpu.memref_slice %arg2[%run_scoped3A_206, %add3A_205, %dma_wait3A_397] : memref<2x5120x64xi32, #tpu.memory_space<hbm>> -> memref<1x32x64xi32, #tpu.memory_space<hbm>>
      %dma_wait3A_399 = tpu.memref_squeeze %dma_wait3A_398 : memref<1x32x64xi32, #tpu.memory_space<hbm>> -> memref<32x64xi32, #tpu.memory_space<hbm>>
      %dma_wait3A_400 = arith.constant 0 : i32
      %dma_wait3A_401 = tpu.memref_slice %arg2[%run_scoped3A_206, %add3A_205, %dma_wait3A_400] : memref<2x5120x64xi32, #tpu.memory_space<hbm>> -> memref<1x32x64xi32, #tpu.memory_space<hbm>>
      %dma_wait3A_402 = tpu.memref_squeeze %dma_wait3A_401 : memref<1x32x64xi32, #tpu.memory_space<hbm>> -> memref<32x64xi32, #tpu.memory_space<hbm>>
      tpu.wait_dma2 semaphore(%run_scoped3A_390 : memref<!tpu.dma_semaphore, #tpu.memory_space<semaphore_mem>>) src(%dma_wait3A_402 : memref<32x64xi32, #tpu.memory_space<hbm>>) dst(%arg6 : memref<32x64xi32, #tpu.memory_space<vmem>>)
      tpu.yield
    }) : () -> ()
    %dma_start3A_207 = arith.constant 0 : i32
    %dma_start3A_208 = arith.constant 0 : i32
    %dma_start3A_209 = tpu.memref_slice %arg5[%dma_start3A_207, %dma_start3A_208] : memref<32x64xi32, #tpu.memory_space<vmem>> -> memref<1x64xi32, #tpu.memory_space<vmem>>
    %dma_start3A_210 = tpu.memref_squeeze %dma_start3A_209 : memref<1x64xi32, #tpu.memory_space<vmem>> -> memref<64xi32, #tpu.memory_space<vmem>>
    %dma_start3A_211 = arith.constant 0 : i32
    %dma_start3A_212 = arith.constant 0 : i32
    %dma_start3A_213 = tpu.memref_slice %arg3[%dma_start3A_211, %dma_start3A_212] : memref<10240x128xf32, #tpu.memory_space<hbm>> -> memref<10240x128xf32, #tpu.memory_space<hbm>>
    tpu.enqueue_indirect_dma source(%dma_start3A_213 : memref<10240x128xf32, #tpu.memory_space<hbm>>) target(%arg7 : memref<64x128xf32, #tpu.memory_space<vmem>>) offsets(%dma_start3A_210 : memref<64xi32, #tpu.memory_space<vmem>>) semaphore(%arg12 : memref<!tpu.dma_semaphore, #tpu.memory_space<semaphore_mem>>)
    %dma_start3A_214 = arith.constant 1 : i32
    %dma_start3A_215 = arith.constant 0 : i32
    %dma_start3A_216 = tpu.memref_slice %arg5[%dma_start3A_214, %dma_start3A_215] : memref<32x64xi32, #tpu.memory_space<vmem>> -> memref<1x64xi32, #tpu.memory_space<vmem>>
    %dma_start3A_217 = tpu.memref_squeeze %dma_start3A_216 : memref<1x64xi32, #tpu.memory_space<vmem>> -> memref<64xi32, #tpu.memory_space<vmem>>
    %dma_start3A_218 = arith.constant 0 : i32
    %dma_start3A_219 = arith.constant 0 : i32
    %dma_start3A_220 = tpu.memref_slice %arg3[%dma_start3A_218, %dma_start3A_219] : memref<10240x128xf32, #tpu.memory_space<hbm>> -> memref<10240x128xf32, #tpu.memory_space<hbm>>
    tpu.enqueue_indirect_dma source(%dma_start3A_220 : memref<10240x128xf32, #tpu.memory_space<hbm>>) target(%arg8 : memref<64x128xf32, #tpu.memory_space<vmem>>) offsets(%dma_start3A_217 : memref<64xi32, #tpu.memory_space<vmem>>) semaphore(%arg13 : memref<!tpu.dma_semaphore, #tpu.memory_space<semaphore_mem>>)
    %dma_start3A_221 = arith.constant 2 : i32
    %dma_start3A_222 = arith.constant 0 : i32
    %dma_start3A_223 = tpu.memref_slice %arg5[%dma_start3A_221, %dma_start3A_222] : memref<32x64xi32, #tpu.memory_space<vmem>> -> memref<1x64xi32, #tpu.memory_space<vmem>>
    %dma_start3A_224 = tpu.memref_squeeze %dma_start3A_223 : memref<1x64xi32, #tpu.memory_space<vmem>> -> memref<64xi32, #tpu.memory_space<vmem>>
    %dma_start3A_225 = arith.constant 0 : i32
    %dma_start3A_226 = arith.constant 0 : i32
    %dma_start3A_227 = tpu.memref_slice %arg3[%dma_start3A_225, %dma_start3A_226] : memref<10240x128xf32, #tpu.memory_space<hbm>> -> memref<10240x128xf32, #tpu.memory_space<hbm>>
    tpu.enqueue_indirect_dma source(%dma_start3A_227 : memref<10240x128xf32, #tpu.memory_space<hbm>>) target(%arg9 : memref<64x128xf32, #tpu.memory_space<vmem>>) offsets(%dma_start3A_224 : memref<64xi32, #tpu.memory_space<vmem>>) semaphore(%arg14 : memref<!tpu.dma_semaphore, #tpu.memory_space<semaphore_mem>>)
    %scan3A_228 = arith.constant 0 : i32
    %scan3A_229 = arith.constant 0 : i32
    %scan3A_230 = arith.constant 8 : i32
    %scan3A_231 = arith.addi %scan3A_229, %scan3A_230 : i32
    %scan3A_232 = arith.constant 1 : i32
    scf.for %scan3A_390 = %scan3A_229 to %scan3A_231 step %scan3A_232  : i32 {
      %mul3A_391 = arith.constant 4 : i32
      %mul3A_392 = arith.muli %mul3A_391, %scan3A_390 : i32
      %add3A_393 = arith.constant 0 : i32
      %add3A_394 = arith.addi %mul3A_392, %add3A_393 : i32
      %add3A_395 = arith.constant 4 : i32
      %add3A_396 = arith.addi %add3A_394, %add3A_395 : i32
      %sub3A = arith.constant 1 : i32
      %sub3A_397 = arith.subi %add3A_396, %sub3A : i32
      %min3A = arith.constant 31 : i32
      %min3A_398 = arith.minsi %sub3A_397, %min3A : i32
      %dma_start3A_399 = arith.constant 0 : i32
      %dma_start3A_400 = tpu.memref_slice %arg5[%min3A_398, %dma_start3A_399] : memref<32x64xi32, #tpu.memory_space<vmem>> -> memref<1x64xi32, #tpu.memory_space<vmem>>
      %dma_start3A_401 = tpu.memref_squeeze %dma_start3A_400 : memref<1x64xi32, #tpu.memory_space<vmem>> -> memref<64xi32, #tpu.memory_space<vmem>>
      %dma_start3A_402 = arith.constant 0 : i32
      %dma_start3A_403 = arith.constant 0 : i32
      %dma_start3A_404 = tpu.memref_slice %arg3[%dma_start3A_402, %dma_start3A_403] : memref<10240x128xf32, #tpu.memory_space<hbm>> -> memref<10240x128xf32, #tpu.memory_space<hbm>>
      tpu.enqueue_indirect_dma source(%dma_start3A_404 : memref<10240x128xf32, #tpu.memory_space<hbm>>) target(%arg10 : memref<64x128xf32, #tpu.memory_space<vmem>>) offsets(%dma_start3A_401 : memref<64xi32, #tpu.memory_space<vmem>>) semaphore(%arg15 : memref<!tpu.dma_semaphore, #tpu.memory_space<semaphore_mem>>)
      %dma_wait3A_405 = arith.constant 0 : i32
      %dma_wait3A_406 = arith.constant 0 : i32
      %dma_wait3A_407 = tpu.memref_slice %arg5[%dma_wait3A_405, %dma_wait3A_406] : memref<32x64xi32, #tpu.memory_space<vmem>> -> memref<1x64xi32, #tpu.memory_space<vmem>>
      %dma_wait3A_408 = tpu.memref_squeeze %dma_wait3A_407 : memref<1x64xi32, #tpu.memory_space<vmem>> -> memref<64xi32, #tpu.memory_space<vmem>>
      %dma_wait3A_409 = arith.constant 0 : i32
      %dma_wait3A_410 = arith.constant 0 : i32
      %dma_wait3A_411 = tpu.memref_slice %arg3[%dma_wait3A_409, %dma_wait3A_410] : memref<10240x128xf32, #tpu.memory_space<hbm>> -> memref<10240x128xf32, #tpu.memory_space<hbm>>
      tpu.wait_indirect_dma semaphore(%arg12 : memref<!tpu.dma_semaphore, #tpu.memory_space<semaphore_mem>>) src(%dma_wait3A_411 : memref<10240x128xf32, #tpu.memory_space<hbm>>) dst(%arg7 : memref<64x128xf32, #tpu.memory_space<vmem>>)
      "tpu.region"() ({
        %run_scoped3A_481 = tpu.sem_alloc : memref<!tpu.dma_semaphore, #tpu.memory_space<semaphore_mem>>
        %dma_start3A_482 = arith.constant 0 : i32
        %dma_start3A_483 = tpu.memref_slice %arg6[%add3A_394, %dma_start3A_482] : memref<32x64xi32, #tpu.memory_space<vmem>> -> memref<1x64xi32, #tpu.memory_space<vmem>>
        %dma_start3A_484 = tpu.memref_squeeze %dma_start3A_483 : memref<1x64xi32, #tpu.memory_space<vmem>> -> memref<64xi32, #tpu.memory_space<vmem>>
        %dma_start3A_485 = arith.constant 0 : i32
        %dma_start3A_486 = arith.constant 0 : i32
        %dma_start3A_487 = tpu.memref_slice %arg11[%dma_start3A_485, %dma_start3A_486] : memref<10240x128xf32, #tpu.memory_space<vmem_shared>> -> memref<10240x128xf32, #tpu.memory_space<vmem_shared>>
        tpu.enqueue_indirect_dma source(%arg7 : memref<64x128xf32, #tpu.memory_space<vmem>>) target(%dma_start3A_487 : memref<10240x128xf32, #tpu.memory_space<vmem_shared>>) offsets(%dma_start3A_484 : memref<64xi32, #tpu.memory_space<vmem>>) semaphore(%run_scoped3A_481 : memref<!tpu.dma_semaphore, #tpu.memory_space<semaphore_mem>>) {add = true}
        %dma_wait3A_488 = arith.constant 0 : i32
        %dma_wait3A_489 = tpu.memref_slice %arg6[%add3A_394, %dma_wait3A_488] : memref<32x64xi32, #tpu.memory_space<vmem>> -> memref<1x64xi32, #tpu.memory_space<vmem>>
        %dma_wait3A_490 = tpu.memref_squeeze %dma_wait3A_489 : memref<1x64xi32, #tpu.memory_space<vmem>> -> memref<64xi32, #tpu.memory_space<vmem>>
        %dma_wait3A_491 = arith.constant 0 : i32
        %dma_wait3A_492 = arith.constant 0 : i32
        %dma_wait3A_493 = tpu.memref_slice %arg11[%dma_wait3A_491, %dma_wait3A_492] : memref<10240x128xf32, #tpu.memory_space<vmem_shared>> -> memref<10240x128xf32, #tpu.memory_space<vmem_shared>>
        tpu.wait_indirect_dma semaphore(%run_scoped3A_481 : memref<!tpu.dma_semaphore, #tpu.memory_space<semaphore_mem>>) src(%arg7 : memref<64x128xf32, #tpu.memory_space<vmem>>) dst(%dma_wait3A_493 : memref<10240x128xf32, #tpu.memory_space<vmem_shared>>)
        tpu.yield
      }) : () -> ()
      %mul3A_412 = arith.constant 4 : i32
      %mul3A_413 = arith.muli %mul3A_412, %scan3A_390 : i32
      %add3A_414 = arith.constant 1 : i32
      %add3A_415 = arith.addi %mul3A_413, %add3A_414 : i32
      %add3A_416 = arith.constant 4 : i32
      %add3A_417 = arith.addi %add3A_415, %add3A_416 : i32
      %sub3A_418 = arith.constant 1 : i32
      %sub3A_419 = arith.subi %add3A_417, %sub3A_418 : i32
      %min3A_420 = arith.constant 31 : i32
      %min3A_421 = arith.minsi %sub3A_419, %min3A_420 : i32
      %dma_start3A_422 = arith.constant 0 : i32
      %dma_start3A_423 = tpu.memref_slice %arg5[%min3A_421, %dma_start3A_422] : memref<32x64xi32, #tpu.memory_space<vmem>> -> memref<1x64xi32, #tpu.memory_space<vmem>>
      %dma_start3A_424 = tpu.memref_squeeze %dma_start3A_423 : memref<1x64xi32, #tpu.memory_space<vmem>> -> memref<64xi32, #tpu.memory_space<vmem>>
      %dma_start3A_425 = arith.constant 0 : i32
      %dma_start3A_426 = arith.constant 0 : i32
      %dma_start3A_427 = tpu.memref_slice %arg3[%dma_start3A_425, %dma_start3A_426] : memref<10240x128xf32, #tpu.memory_space<hbm>> -> memref<10240x128xf32, #tpu.memory_space<hbm>>
      tpu.enqueue_indirect_dma source(%dma_start3A_427 : memref<10240x128xf32, #tpu.memory_space<hbm>>) target(%arg7 : memref<64x128xf32, #tpu.memory_space<vmem>>) offsets(%dma_start3A_424 : memref<64xi32, #tpu.memory_space<vmem>>) semaphore(%arg12 : memref<!tpu.dma_semaphore, #tpu.memory_space<semaphore_mem>>)
      %dma_wait3A_428 = arith.constant 0 : i32
      %dma_wait3A_429 = arith.constant 0 : i32
      %dma_wait3A_430 = tpu.memref_slice %arg5[%dma_wait3A_428, %dma_wait3A_429] : memref<32x64xi32, #tpu.memory_space<vmem>> -> memref<1x64xi32, #tpu.memory_space<vmem>>
      %dma_wait3A_431 = tpu.memref_squeeze %dma_wait3A_430 : memref<1x64xi32, #tpu.memory_space<vmem>> -> memref<64xi32, #tpu.memory_space<vmem>>
      %dma_wait3A_432 = arith.constant 0 : i32
      %dma_wait3A_433 = arith.constant 0 : i32
      %dma_wait3A_434 = tpu.memref_slice %arg3[%dma_wait3A_432, %dma_wait3A_433] : memref<10240x128xf32, #tpu.memory_space<hbm>> -> memref<10240x128xf32, #tpu.memory_space<hbm>>
      tpu.wait_indirect_dma semaphore(%arg13 : memref<!tpu.dma_semaphore, #tpu.memory_space<semaphore_mem>>) src(%dma_wait3A_434 : memref<10240x128xf32, #tpu.memory_space<hbm>>) dst(%arg8 : memref<64x128xf32, #tpu.memory_space<vmem>>)
      "tpu.region"() ({
        %run_scoped3A_481 = tpu.sem_alloc : memref<!tpu.dma_semaphore, #tpu.memory_space<semaphore_mem>>
        %dma_start3A_482 = arith.constant 0 : i32
        %dma_start3A_483 = tpu.memref_slice %arg6[%add3A_415, %dma_start3A_482] : memref<32x64xi32, #tpu.memory_space<vmem>> -> memref<1x64xi32, #tpu.memory_space<vmem>>
        %dma_start3A_484 = tpu.memref_squeeze %dma_start3A_483 : memref<1x64xi32, #tpu.memory_space<vmem>> -> memref<64xi32, #tpu.memory_space<vmem>>
        %dma_start3A_485 = arith.constant 0 : i32
        %dma_start3A_486 = arith.constant 0 : i32
        %dma_start3A_487 = tpu.memref_slice %arg11[%dma_start3A_485, %dma_start3A_486] : memref<10240x128xf32, #tpu.memory_space<vmem_shared>> -> memref<10240x128xf32, #tpu.memory_space<vmem_shared>>
        tpu.enqueue_indirect_dma source(%arg8 : memref<64x128xf32, #tpu.memory_space<vmem>>) target(%dma_start3A_487 : memref<10240x128xf32, #tpu.memory_space<vmem_shared>>) offsets(%dma_start3A_484 : memref<64xi32, #tpu.memory_space<vmem>>) semaphore(%run_scoped3A_481 : memref<!tpu.dma_semaphore, #tpu.memory_space<semaphore_mem>>) {add = true}
        %dma_wait3A_488 = arith.constant 0 : i32
        %dma_wait3A_489 = tpu.memref_slice %arg6[%add3A_415, %dma_wait3A_488] : memref<32x64xi32, #tpu.memory_space<vmem>> -> memref<1x64xi32, #tpu.memory_space<vmem>>
        %dma_wait3A_490 = tpu.memref_squeeze %dma_wait3A_489 : memref<1x64xi32, #tpu.memory_space<vmem>> -> memref<64xi32, #tpu.memory_space<vmem>>
        %dma_wait3A_491 = arith.constant 0 : i32
        %dma_wait3A_492 = arith.constant 0 : i32
        %dma_wait3A_493 = tpu.memref_slice %arg11[%dma_wait3A_491, %dma_wait3A_492] : memref<10240x128xf32, #tpu.memory_space<vmem_shared>> -> memref<10240x128xf32, #tpu.memory_space<vmem_shared>>
        tpu.wait_indirect_dma semaphore(%run_scoped3A_481 : memref<!tpu.dma_semaphore, #tpu.memory_space<semaphore_mem>>) src(%arg8 : memref<64x128xf32, #tpu.memory_space<vmem>>) dst(%dma_wait3A_493 : memref<10240x128xf32, #tpu.memory_space<vmem_shared>>)
        tpu.yield
      }) : () -> ()
      %mul3A_435 = arith.constant 4 : i32
      %mul3A_436 = arith.muli %mul3A_435, %scan3A_390 : i32
      %add3A_437 = arith.constant 2 : i32
      %add3A_438 = arith.addi %mul3A_436, %add3A_437 : i32
      %add3A_439 = arith.constant 4 : i32
      %add3A_440 = arith.addi %add3A_438, %add3A_439 : i32
      %sub3A_441 = arith.constant 1 : i32
      %sub3A_442 = arith.subi %add3A_440, %sub3A_441 : i32
      %min3A_443 = arith.constant 31 : i32
      %min3A_444 = arith.minsi %sub3A_442, %min3A_443 : i32
      %dma_start3A_445 = arith.constant 0 : i32
      %dma_start3A_446 = tpu.memref_slice %arg5[%min3A_444, %dma_start3A_445] : memref<32x64xi32, #tpu.memory_space<vmem>> -> memref<1x64xi32, #tpu.memory_space<vmem>>
      %dma_start3A_447 = tpu.memref_squeeze %dma_start3A_446 : memref<1x64xi32, #tpu.memory_space<vmem>> -> memref<64xi32, #tpu.memory_space<vmem>>
      %dma_start3A_448 = arith.constant 0 : i32
      %dma_start3A_449 = arith.constant 0 : i32
      %dma_start3A_450 = tpu.memref_slice %arg3[%dma_start3A_448, %dma_start3A_449] : memref<10240x128xf32, #tpu.memory_space<hbm>> -> memref<10240x128xf32, #tpu.memory_space<hbm>>
      tpu.enqueue_indirect_dma source(%dma_start3A_450 : memref<10240x128xf32, #tpu.memory_space<hbm>>) target(%arg8 : memref<64x128xf32, #tpu.memory_space<vmem>>) offsets(%dma_start3A_447 : memref<64xi32, #tpu.memory_space<vmem>>) semaphore(%arg13 : memref<!tpu.dma_semaphore, #tpu.memory_space<semaphore_mem>>)
      %dma_wait3A_451 = arith.constant 0 : i32
      %dma_wait3A_452 = arith.constant 0 : i32
      %dma_wait3A_453 = tpu.memref_slice %arg5[%dma_wait3A_451, %dma_wait3A_452] : memref<32x64xi32, #tpu.memory_space<vmem>> -> memref<1x64xi32, #tpu.memory_space<vmem>>
      %dma_wait3A_454 = tpu.memref_squeeze %dma_wait3A_453 : memref<1x64xi32, #tpu.memory_space<vmem>> -> memref<64xi32, #tpu.memory_space<vmem>>
      %dma_wait3A_455 = arith.constant 0 : i32
      %dma_wait3A_456 = arith.constant 0 : i32
      %dma_wait3A_457 = tpu.memref_slice %arg3[%dma_wait3A_455, %dma_wait3A_456] : memref<10240x128xf32, #tpu.memory_space<hbm>> -> memref<10240x128xf32, #tpu.memory_space<hbm>>
      tpu.wait_indirect_dma semaphore(%arg14 : memref<!tpu.dma_semaphore, #tpu.memory_space<semaphore_mem>>) src(%dma_wait3A_457 : memref<10240x128xf32, #tpu.memory_space<hbm>>) dst(%arg9 : memref<64x128xf32, #tpu.memory_space<vmem>>)
      "tpu.region"() ({
        %run_scoped3A_481 = tpu.sem_alloc : memref<!tpu.dma_semaphore, #tpu.memory_space<semaphore_mem>>
        %dma_start3A_482 = arith.constant 0 : i32
        %dma_start3A_483 = tpu.memref_slice %arg6[%add3A_438, %dma_start3A_482] : memref<32x64xi32, #tpu.memory_space<vmem>> -> memref<1x64xi32, #tpu.memory_space<vmem>>
        %dma_start3A_484 = tpu.memref_squeeze %dma_start3A_483 : memref<1x64xi32, #tpu.memory_space<vmem>> -> memref<64xi32, #tpu.memory_space<vmem>>
        %dma_start3A_485 = arith.constant 0 : i32
        %dma_start3A_486 = arith.constant 0 : i32
        %dma_start3A_487 = tpu.memref_slice %arg11[%dma_start3A_485, %dma_start3A_486] : memref<10240x128xf32, #tpu.memory_space<vmem_shared>> -> memref<10240x128xf32, #tpu.memory_space<vmem_shared>>
        tpu.enqueue_indirect_dma source(%arg9 : memref<64x128xf32, #tpu.memory_space<vmem>>) target(%dma_start3A_487 : memref<10240x128xf32, #tpu.memory_space<vmem_shared>>) offsets(%dma_start3A_484 : memref<64xi32, #tpu.memory_space<vmem>>) semaphore(%run_scoped3A_481 : memref<!tpu.dma_semaphore, #tpu.memory_space<semaphore_mem>>) {add = true}
        %dma_wait3A_488 = arith.constant 0 : i32
        %dma_wait3A_489 = tpu.memref_slice %arg6[%add3A_438, %dma_wait3A_488] : memref<32x64xi32, #tpu.memory_space<vmem>> -> memref<1x64xi32, #tpu.memory_space<vmem>>
        %dma_wait3A_490 = tpu.memref_squeeze %dma_wait3A_489 : memref<1x64xi32, #tpu.memory_space<vmem>> -> memref<64xi32, #tpu.memory_space<vmem>>
        %dma_wait3A_491 = arith.constant 0 : i32
        %dma_wait3A_492 = arith.constant 0 : i32
        %dma_wait3A_493 = tpu.memref_slice %arg11[%dma_wait3A_491, %dma_wait3A_492] : memref<10240x128xf32, #tpu.memory_space<vmem_shared>> -> memref<10240x128xf32, #tpu.memory_space<vmem_shared>>
        tpu.wait_indirect_dma semaphore(%run_scoped3A_481 : memref<!tpu.dma_semaphore, #tpu.memory_space<semaphore_mem>>) src(%arg9 : memref<64x128xf32, #tpu.memory_space<vmem>>) dst(%dma_wait3A_493 : memref<10240x128xf32, #tpu.memory_space<vmem_shared>>)
        tpu.yield
      }) : () -> ()
      %mul3A_458 = arith.constant 4 : i32
      %mul3A_459 = arith.muli %mul3A_458, %scan3A_390 : i32
      %add3A_460 = arith.constant 3 : i32
      %add3A_461 = arith.addi %mul3A_459, %add3A_460 : i32
      %add3A_462 = arith.constant 4 : i32
      %add3A_463 = arith.addi %add3A_461, %add3A_462 : i32
      %sub3A_464 = arith.constant 1 : i32
      %sub3A_465 = arith.subi %add3A_463, %sub3A_464 : i32
      %min3A_466 = arith.constant 31 : i32
      %min3A_467 = arith.minsi %sub3A_465, %min3A_466 : i32
      %dma_start3A_468 = arith.constant 0 : i32
      %dma_start3A_469 = tpu.memref_slice %arg5[%min3A_467, %dma_start3A_468] : memref<32x64xi32, #tpu.memory_space<vmem>> -> memref<1x64xi32, #tpu.memory_space<vmem>>
      %dma_start3A_470 = tpu.memref_squeeze %dma_start3A_469 : memref<1x64xi32, #tpu.memory_space<vmem>> -> memref<64xi32, #tpu.memory_space<vmem>>
      %dma_start3A_471 = arith.constant 0 : i32
      %dma_start3A_472 = arith.constant 0 : i32
      %dma_start3A_473 = tpu.memref_slice %arg3[%dma_start3A_471, %dma_start3A_472] : memref<10240x128xf32, #tpu.memory_space<hbm>> -> memref<10240x128xf32, #tpu.memory_space<hbm>>
      tpu.enqueue_indirect_dma source(%dma_start3A_473 : memref<10240x128xf32, #tpu.memory_space<hbm>>) target(%arg9 : memref<64x128xf32, #tpu.memory_space<vmem>>) offsets(%dma_start3A_470 : memref<64xi32, #tpu.memory_space<vmem>>) semaphore(%arg14 : memref<!tpu.dma_semaphore, #tpu.memory_space<semaphore_mem>>)
      %dma_wait3A_474 = arith.constant 0 : i32
      %dma_wait3A_475 = arith.constant 0 : i32
      %dma_wait3A_476 = tpu.memref_slice %arg5[%dma_wait3A_474, %dma_wait3A_475] : memref<32x64xi32, #tpu.memory_space<vmem>> -> memref<1x64xi32, #tpu.memory_space<vmem>>
      %dma_wait3A_477 = tpu.memref_squeeze %dma_wait3A_476 : memref<1x64xi32, #tpu.memory_space<vmem>> -> memref<64xi32, #tpu.memory_space<vmem>>
      %dma_wait3A_478 = arith.constant 0 : i32
      %dma_wait3A_479 = arith.constant 0 : i32
      %dma_wait3A_480 = tpu.memref_slice %arg3[%dma_wait3A_478, %dma_wait3A_479] : memref<10240x128xf32, #tpu.memory_space<hbm>> -> memref<10240x128xf32, #tpu.memory_space<hbm>>
      tpu.wait_indirect_dma semaphore(%arg15 : memref<!tpu.dma_semaphore, #tpu.memory_space<semaphore_mem>>) src(%dma_wait3A_480 : memref<10240x128xf32, #tpu.memory_space<hbm>>) dst(%arg10 : memref<64x128xf32, #tpu.memory_space<vmem>>)
      "tpu.region"() ({
        %run_scoped3A_481 = tpu.sem_alloc : memref<!tpu.dma_semaphore, #tpu.memory_space<semaphore_mem>>
        %dma_start3A_482 = arith.constant 0 : i32
        %dma_start3A_483 = tpu.memref_slice %arg6[%add3A_461, %dma_start3A_482] : memref<32x64xi32, #tpu.memory_space<vmem>> -> memref<1x64xi32, #tpu.memory_space<vmem>>
        %dma_start3A_484 = tpu.memref_squeeze %dma_start3A_483 : memref<1x64xi32, #tpu.memory_space<vmem>> -> memref<64xi32, #tpu.memory_space<vmem>>
        %dma_start3A_485 = arith.constant 0 : i32
        %dma_start3A_486 = arith.constant 0 : i32
        %dma_start3A_487 = tpu.memref_slice %arg11[%dma_start3A_485, %dma_start3A_486] : memref<10240x128xf32, #tpu.memory_space<vmem_shared>> -> memref<10240x128xf32, #tpu.memory_space<vmem_shared>>
        tpu.enqueue_indirect_dma source(%arg10 : memref<64x128xf32, #tpu.memory_space<vmem>>) target(%dma_start3A_487 : memref<10240x128xf32, #tpu.memory_space<vmem_shared>>) offsets(%dma_start3A_484 : memref<64xi32, #tpu.memory_space<vmem>>) semaphore(%run_scoped3A_481 : memref<!tpu.dma_semaphore, #tpu.memory_space<semaphore_mem>>) {add = true}
        %dma_wait3A_488 = arith.constant 0 : i32
        %dma_wait3A_489 = tpu.memref_slice %arg6[%add3A_461, %dma_wait3A_488] : memref<32x64xi32, #tpu.memory_space<vmem>> -> memref<1x64xi32, #tpu.memory_space<vmem>>
        %dma_wait3A_490 = tpu.memref_squeeze %dma_wait3A_489 : memref<1x64xi32, #tpu.memory_space<vmem>> -> memref<64xi32, #tpu.memory_space<vmem>>
        %dma_wait3A_491 = arith.constant 0 : i32
        %dma_wait3A_492 = arith.constant 0 : i32
        %dma_wait3A_493 = tpu.memref_slice %arg11[%dma_wait3A_491, %dma_wait3A_492] : memref<10240x128xf32, #tpu.memory_space<vmem_shared>> -> memref<10240x128xf32, #tpu.memory_space<vmem_shared>>
        tpu.wait_indirect_dma semaphore(%run_scoped3A_481 : memref<!tpu.dma_semaphore, #tpu.memory_space<semaphore_mem>>) src(%arg10 : memref<64x128xf32, #tpu.memory_space<vmem>>) dst(%dma_wait3A_493 : memref<10240x128xf32, #tpu.memory_space<vmem_shared>>)
        tpu.yield
      }) : () -> ()
    }
    %scan3A_233 = arith.constant 8 : i32
    %dma_wait3A_234 = arith.constant 0 : i32
    %dma_wait3A_235 = arith.constant 0 : i32
    %dma_wait3A_236 = tpu.memref_slice %arg5[%dma_wait3A_234, %dma_wait3A_235] : memref<32x64xi32, #tpu.memory_space<vmem>> -> memref<1x64xi32, #tpu.memory_space<vmem>>
    %dma_wait3A_237 = tpu.memref_squeeze %dma_wait3A_236 : memref<1x64xi32, #tpu.memory_space<vmem>> -> memref<64xi32, #tpu.memory_space<vmem>>
    %dma_wait3A_238 = arith.constant 0 : i32
    %dma_wait3A_239 = arith.constant 0 : i32
    %dma_wait3A_240 = tpu.memref_slice %arg3[%dma_wait3A_238, %dma_wait3A_239] : memref<10240x128xf32, #tpu.memory_space<hbm>> -> memref<10240x128xf32, #tpu.memory_space<hbm>>
    tpu.wait_indirect_dma semaphore(%arg12 : memref<!tpu.dma_semaphore, #tpu.memory_space<semaphore_mem>>) src(%dma_wait3A_240 : memref<10240x128xf32, #tpu.memory_space<hbm>>) dst(%arg7 : memref<64x128xf32, #tpu.memory_space<vmem>>)
    %dma_wait3A_241 = arith.constant 0 : i32
    %dma_wait3A_242 = arith.constant 0 : i32
    %dma_wait3A_243 = tpu.memref_slice %arg5[%dma_wait3A_241, %dma_wait3A_242] : memref<32x64xi32, #tpu.memory_space<vmem>> -> memref<1x64xi32, #tpu.memory_space<vmem>>
    %dma_wait3A_244 = tpu.memref_squeeze %dma_wait3A_243 : memref<1x64xi32, #tpu.memory_space<vmem>> -> memref<64xi32, #tpu.memory_space<vmem>>
    %dma_wait3A_245 = arith.constant 0 : i32
    %dma_wait3A_246 = arith.constant 0 : i32
    %dma_wait3A_247 = tpu.memref_slice %arg3[%dma_wait3A_245, %dma_wait3A_246] : memref<10240x128xf32, #tpu.memory_space<hbm>> -> memref<10240x128xf32, #tpu.memory_space<hbm>>
    tpu.wait_indirect_dma semaphore(%arg13 : memref<!tpu.dma_semaphore, #tpu.memory_space<semaphore_mem>>) src(%dma_wait3A_247 : memref<10240x128xf32, #tpu.memory_space<hbm>>) dst(%arg8 : memref<64x128xf32, #tpu.memory_space<vmem>>)
    %dma_wait3A_248 = arith.constant 0 : i32
    %dma_wait3A_249 = arith.constant 0 : i32
    %dma_wait3A_250 = tpu.memref_slice %arg5[%dma_wait3A_248, %dma_wait3A_249] : memref<32x64xi32, #tpu.memory_space<vmem>> -> memref<1x64xi32, #tpu.memory_space<vmem>>
    %dma_wait3A_251 = tpu.memref_squeeze %dma_wait3A_250 : memref<1x64xi32, #tpu.memory_space<vmem>> -> memref<64xi32, #tpu.memory_space<vmem>>
    %dma_wait3A_252 = arith.constant 0 : i32
    %dma_wait3A_253 = arith.constant 0 : i32
    %dma_wait3A_254 = tpu.memref_slice %arg3[%dma_wait3A_252, %dma_wait3A_253] : memref<10240x128xf32, #tpu.memory_space<hbm>> -> memref<10240x128xf32, #tpu.memory_space<hbm>>
    tpu.wait_indirect_dma semaphore(%arg14 : memref<!tpu.dma_semaphore, #tpu.memory_space<semaphore_mem>>) src(%dma_wait3A_254 : memref<10240x128xf32, #tpu.memory_space<hbm>>) dst(%arg9 : memref<64x128xf32, #tpu.memory_space<vmem>>)
    %add3A_255 = arith.constant 128 : i32
    %add3A_256 = arith.addi %mul3A_2, %add3A_255 : i32
    %run_scoped3A_257 = arith.constant 0 : i32
    "tpu.region"() ({
      %run_scoped3A_390 = tpu.sem_alloc : memref<!tpu.dma_semaphore, #tpu.memory_space<semaphore_mem>>
      %dma_start3A_391 = arith.constant 0 : i32
      %dma_start3A_392 = tpu.memref_slice %arg2[%run_scoped3A_257, %add3A_256, %dma_start3A_391] : memref<2x5120x64xi32, #tpu.memory_space<hbm>> -> memref<1x32x64xi32, #tpu.memory_space<hbm>>
      %dma_start3A_393 = tpu.memref_squeeze %dma_start3A_392 : memref<1x32x64xi32, #tpu.memory_space<hbm>> -> memref<32x64xi32, #tpu.memory_space<hbm>>
      %dma_start3A_394 = arith.constant 0 : i32
      %dma_start3A_395 = tpu.memref_slice %arg2[%run_scoped3A_257, %add3A_256, %dma_start3A_394] : memref<2x5120x64xi32, #tpu.memory_space<hbm>> -> memref<1x32x64xi32, #tpu.memory_space<hbm>>
      %dma_start3A_396 = tpu.memref_squeeze %dma_start3A_395 : memref<1x32x64xi32, #tpu.memory_space<hbm>> -> memref<32x64xi32, #tpu.memory_space<hbm>>
      tpu.enqueue_dma source(%dma_start3A_396 : memref<32x64xi32, #tpu.memory_space<hbm>>) target(%arg5 : memref<32x64xi32, #tpu.memory_space<vmem>>) target_semaphore(%run_scoped3A_390 : memref<!tpu.dma_semaphore, #tpu.memory_space<semaphore_mem>>)
      %dma_wait3A_397 = arith.constant 0 : i32
      %dma_wait3A_398 = tpu.memref_slice %arg2[%run_scoped3A_257, %add3A_256, %dma_wait3A_397] : memref<2x5120x64xi32, #tpu.memory_space<hbm>> -> memref<1x32x64xi32, #tpu.memory_space<hbm>>
      %dma_wait3A_399 = tpu.memref_squeeze %dma_wait3A_398 : memref<1x32x64xi32, #tpu.memory_space<hbm>> -> memref<32x64xi32, #tpu.memory_space<hbm>>
      %dma_wait3A_400 = arith.constant 0 : i32
      %dma_wait3A_401 = tpu.memref_slice %arg2[%run_scoped3A_257, %add3A_256, %dma_wait3A_400] : memref<2x5120x64xi32, #tpu.memory_space<hbm>> -> memref<1x32x64xi32, #tpu.memory_space<hbm>>
      %dma_wait3A_402 = tpu.memref_squeeze %dma_wait3A_401 : memref<1x32x64xi32, #tpu.memory_space<hbm>> -> memref<32x64xi32, #tpu.memory_space<hbm>>
      tpu.wait_dma2 semaphore(%run_scoped3A_390 : memref<!tpu.dma_semaphore, #tpu.memory_space<semaphore_mem>>) src(%dma_wait3A_402 : memref<32x64xi32, #tpu.memory_space<hbm>>) dst(%arg5 : memref<32x64xi32, #tpu.memory_space<vmem>>)
      tpu.yield
    }) : () -> ()
    %add3A_258 = arith.constant 128 : i32
    %add3A_259 = arith.addi %mul3A_2, %add3A_258 : i32
    %run_scoped3A_260 = arith.constant 1 : i32
    "tpu.region"() ({
      %run_scoped3A_390 = tpu.sem_alloc : memref<!tpu.dma_semaphore, #tpu.memory_space<semaphore_mem>>
      %dma_start3A_391 = arith.constant 0 : i32
      %dma_start3A_392 = tpu.memref_slice %arg2[%run_scoped3A_260, %add3A_259, %dma_start3A_391] : memref<2x5120x64xi32, #tpu.memory_space<hbm>> -> memref<1x32x64xi32, #tpu.memory_space<hbm>>
      %dma_start3A_393 = tpu.memref_squeeze %dma_start3A_392 : memref<1x32x64xi32, #tpu.memory_space<hbm>> -> memref<32x64xi32, #tpu.memory_space<hbm>>
      %dma_start3A_394 = arith.constant 0 : i32
      %dma_start3A_395 = tpu.memref_slice %arg2[%run_scoped3A_260, %add3A_259, %dma_start3A_394] : memref<2x5120x64xi32, #tpu.memory_space<hbm>> -> memref<1x32x64xi32, #tpu.memory_space<hbm>>
      %dma_start3A_396 = tpu.memref_squeeze %dma_start3A_395 : memref<1x32x64xi32, #tpu.memory_space<hbm>> -> memref<32x64xi32, #tpu.memory_space<hbm>>
      tpu.enqueue_dma source(%dma_start3A_396 : memref<32x64xi32, #tpu.memory_space<hbm>>) target(%arg6 : memref<32x64xi32, #tpu.memory_space<vmem>>) target_semaphore(%run_scoped3A_390 : memref<!tpu.dma_semaphore, #tpu.memory_space<semaphore_mem>>)
      %dma_wait3A_397 = arith.constant 0 : i32
      %dma_wait3A_398 = tpu.memref_slice %arg2[%run_scoped3A_260, %add3A_259, %dma_wait3A_397] : memref<2x5120x64xi32, #tpu.memory_space<hbm>> -> memref<1x32x64xi32, #tpu.memory_space<hbm>>
      %dma_wait3A_399 = tpu.memref_squeeze %dma_wait3A_398 : memref<1x32x64xi32, #tpu.memory_space<hbm>> -> memref<32x64xi32, #tpu.memory_space<hbm>>
      %dma_wait3A_400 = arith.constant 0 : i32
      %dma_wait3A_401 = tpu.memref_slice %arg2[%run_scoped3A_260, %add3A_259, %dma_wait3A_400] : memref<2x5120x64xi32, #tpu.memory_space<hbm>> -> memref<1x32x64xi32, #tpu.memory_space<hbm>>
      %dma_wait3A_402 = tpu.memref_squeeze %dma_wait3A_401 : memref<1x32x64xi32, #tpu.memory_space<hbm>> -> memref<32x64xi32, #tpu.memory_space<hbm>>
      tpu.wait_dma2 semaphore(%run_scoped3A_390 : memref<!tpu.dma_semaphore, #tpu.memory_space<semaphore_mem>>) src(%dma_wait3A_402 : memref<32x64xi32, #tpu.memory_space<hbm>>) dst(%arg6 : memref<32x64xi32, #tpu.memory_space<vmem>>)
      tpu.yield
    }) : () -> ()
    %dma_start3A_261 = arith.constant 0 : i32
    %dma_start3A_262 = arith.constant 0 : i32
    %dma_start3A_263 = tpu.memref_slice %arg5[%dma_start3A_261, %dma_start3A_262] : memref<32x64xi32, #tpu.memory_space<vmem>> -> memref<1x64xi32, #tpu.memory_space<vmem>>
    %dma_start3A_264 = tpu.memref_squeeze %dma_start3A_263 : memref<1x64xi32, #tpu.memory_space<vmem>> -> memref<64xi32, #tpu.memory_space<vmem>>
    %dma_start3A_265 = arith.constant 0 : i32
    %dma_start3A_266 = arith.constant 0 : i32
    %dma_start3A_267 = tpu.memref_slice %arg3[%dma_start3A_265, %dma_start3A_266] : memref<10240x128xf32, #tpu.memory_space<hbm>> -> memref<10240x128xf32, #tpu.memory_space<hbm>>
    tpu.enqueue_indirect_dma source(%dma_start3A_267 : memref<10240x128xf32, #tpu.memory_space<hbm>>) target(%arg7 : memref<64x128xf32, #tpu.memory_space<vmem>>) offsets(%dma_start3A_264 : memref<64xi32, #tpu.memory_space<vmem>>) semaphore(%arg12 : memref<!tpu.dma_semaphore, #tpu.memory_space<semaphore_mem>>)
    %dma_start3A_268 = arith.constant 1 : i32
    %dma_start3A_269 = arith.constant 0 : i32
    %dma_start3A_270 = tpu.memref_slice %arg5[%dma_start3A_268, %dma_start3A_269] : memref<32x64xi32, #tpu.memory_space<vmem>> -> memref<1x64xi32, #tpu.memory_space<vmem>>
    %dma_start3A_271 = tpu.memref_squeeze %dma_start3A_270 : memref<1x64xi32, #tpu.memory_space<vmem>> -> memref<64xi32, #tpu.memory_space<vmem>>
    %dma_start3A_272 = arith.constant 0 : i32
    %dma_start3A_273 = arith.constant 0 : i32
    %dma_start3A_274 = tpu.memref_slice %arg3[%dma_start3A_272, %dma_start3A_273] : memref<10240x128xf32, #tpu.memory_space<hbm>> -> memref<10240x128xf32, #tpu.memory_space<hbm>>
    tpu.enqueue_indirect_dma source(%dma_start3A_274 : memref<10240x128xf32, #tpu.memory_space<hbm>>) target(%arg8 : memref<64x128xf32, #tpu.memory_space<vmem>>) offsets(%dma_start3A_271 : memref<64xi32, #tpu.memory_space<vmem>>) semaphore(%arg13 : memref<!tpu.dma_semaphore, #tpu.memory_space<semaphore_mem>>)
    %dma_start3A_275 = arith.constant 2 : i32
    %dma_start3A_276 = arith.constant 0 : i32
    %dma_start3A_277 = tpu.memref_slice %arg5[%dma_start3A_275, %dma_start3A_276] : memref<32x64xi32, #tpu.memory_space<vmem>> -> memref<1x64xi32, #tpu.memory_space<vmem>>
    %dma_start3A_278 = tpu.memref_squeeze %dma_start3A_277 : memref<1x64xi32, #tpu.memory_space<vmem>> -> memref<64xi32, #tpu.memory_space<vmem>>
    %dma_start3A_279 = arith.constant 0 : i32
    %dma_start3A_280 = arith.constant 0 : i32
    %dma_start3A_281 = tpu.memref_slice %arg3[%dma_start3A_279, %dma_start3A_280] : memref<10240x128xf32, #tpu.memory_space<hbm>> -> memref<10240x128xf32, #tpu.memory_space<hbm>>
    tpu.enqueue_indirect_dma source(%dma_start3A_281 : memref<10240x128xf32, #tpu.memory_space<hbm>>) target(%arg9 : memref<64x128xf32, #tpu.memory_space<vmem>>) offsets(%dma_start3A_278 : memref<64xi32, #tpu.memory_space<vmem>>) semaphore(%arg14 : memref<!tpu.dma_semaphore, #tpu.memory_space<semaphore_mem>>)
    %scan3A_282 = arith.constant 0 : i32
    %scan3A_283 = arith.constant 0 : i32
    %scan3A_284 = arith.constant 8 : i32
    %scan3A_285 = arith.addi %scan3A_283, %scan3A_284 : i32
    %scan3A_286 = arith.constant 1 : i32
    scf.for %scan3A_390 = %scan3A_283 to %scan3A_285 step %scan3A_286  : i32 {
      %mul3A_391 = arith.constant 4 : i32
      %mul3A_392 = arith.muli %mul3A_391, %scan3A_390 : i32
      %add3A_393 = arith.constant 0 : i32
      %add3A_394 = arith.addi %mul3A_392, %add3A_393 : i32
      %add3A_395 = arith.constant 4 : i32
      %add3A_396 = arith.addi %add3A_394, %add3A_395 : i32
      %sub3A = arith.constant 1 : i32
      %sub3A_397 = arith.subi %add3A_396, %sub3A : i32
      %min3A = arith.constant 31 : i32
      %min3A_398 = arith.minsi %sub3A_397, %min3A : i32
      %dma_start3A_399 = arith.constant 0 : i32
      %dma_start3A_400 = tpu.memref_slice %arg5[%min3A_398, %dma_start3A_399] : memref<32x64xi32, #tpu.memory_space<vmem>> -> memref<1x64xi32, #tpu.memory_space<vmem>>
      %dma_start3A_401 = tpu.memref_squeeze %dma_start3A_400 : memref<1x64xi32, #tpu.memory_space<vmem>> -> memref<64xi32, #tpu.memory_space<vmem>>
      %dma_start3A_402 = arith.constant 0 : i32
      %dma_start3A_403 = arith.constant 0 : i32
      %dma_start3A_404 = tpu.memref_slice %arg3[%dma_start3A_402, %dma_start3A_403] : memref<10240x128xf32, #tpu.memory_space<hbm>> -> memref<10240x128xf32, #tpu.memory_space<hbm>>
      tpu.enqueue_indirect_dma source(%dma_start3A_404 : memref<10240x128xf32, #tpu.memory_space<hbm>>) target(%arg10 : memref<64x128xf32, #tpu.memory_space<vmem>>) offsets(%dma_start3A_401 : memref<64xi32, #tpu.memory_space<vmem>>) semaphore(%arg15 : memref<!tpu.dma_semaphore, #tpu.memory_space<semaphore_mem>>)
      %dma_wait3A_405 = arith.constant 0 : i32
      %dma_wait3A_406 = arith.constant 0 : i32
      %dma_wait3A_407 = tpu.memref_slice %arg5[%dma_wait3A_405, %dma_wait3A_406] : memref<32x64xi32, #tpu.memory_space<vmem>> -> memref<1x64xi32, #tpu.memory_space<vmem>>
      %dma_wait3A_408 = tpu.memref_squeeze %dma_wait3A_407 : memref<1x64xi32, #tpu.memory_space<vmem>> -> memref<64xi32, #tpu.memory_space<vmem>>
      %dma_wait3A_409 = arith.constant 0 : i32
      %dma_wait3A_410 = arith.constant 0 : i32
      %dma_wait3A_411 = tpu.memref_slice %arg3[%dma_wait3A_409, %dma_wait3A_410] : memref<10240x128xf32, #tpu.memory_space<hbm>> -> memref<10240x128xf32, #tpu.memory_space<hbm>>
      tpu.wait_indirect_dma semaphore(%arg12 : memref<!tpu.dma_semaphore, #tpu.memory_space<semaphore_mem>>) src(%dma_wait3A_411 : memref<10240x128xf32, #tpu.memory_space<hbm>>) dst(%arg7 : memref<64x128xf32, #tpu.memory_space<vmem>>)
      "tpu.region"() ({
        %run_scoped3A_481 = tpu.sem_alloc : memref<!tpu.dma_semaphore, #tpu.memory_space<semaphore_mem>>
        %dma_start3A_482 = arith.constant 0 : i32
        %dma_start3A_483 = tpu.memref_slice %arg6[%add3A_394, %dma_start3A_482] : memref<32x64xi32, #tpu.memory_space<vmem>> -> memref<1x64xi32, #tpu.memory_space<vmem>>
        %dma_start3A_484 = tpu.memref_squeeze %dma_start3A_483 : memref<1x64xi32, #tpu.memory_space<vmem>> -> memref<64xi32, #tpu.memory_space<vmem>>
        %dma_start3A_485 = arith.constant 0 : i32
        %dma_start3A_486 = arith.constant 0 : i32
        %dma_start3A_487 = tpu.memref_slice %arg11[%dma_start3A_485, %dma_start3A_486] : memref<10240x128xf32, #tpu.memory_space<vmem_shared>> -> memref<10240x128xf32, #tpu.memory_space<vmem_shared>>
        tpu.enqueue_indirect_dma source(%arg7 : memref<64x128xf32, #tpu.memory_space<vmem>>) target(%dma_start3A_487 : memref<10240x128xf32, #tpu.memory_space<vmem_shared>>) offsets(%dma_start3A_484 : memref<64xi32, #tpu.memory_space<vmem>>) semaphore(%run_scoped3A_481 : memref<!tpu.dma_semaphore, #tpu.memory_space<semaphore_mem>>) {add = true}
        %dma_wait3A_488 = arith.constant 0 : i32
        %dma_wait3A_489 = tpu.memref_slice %arg6[%add3A_394, %dma_wait3A_488] : memref<32x64xi32, #tpu.memory_space<vmem>> -> memref<1x64xi32, #tpu.memory_space<vmem>>
        %dma_wait3A_490 = tpu.memref_squeeze %dma_wait3A_489 : memref<1x64xi32, #tpu.memory_space<vmem>> -> memref<64xi32, #tpu.memory_space<vmem>>
        %dma_wait3A_491 = arith.constant 0 : i32
        %dma_wait3A_492 = arith.constant 0 : i32
        %dma_wait3A_493 = tpu.memref_slice %arg11[%dma_wait3A_491, %dma_wait3A_492] : memref<10240x128xf32, #tpu.memory_space<vmem_shared>> -> memref<10240x128xf32, #tpu.memory_space<vmem_shared>>
        tpu.wait_indirect_dma semaphore(%run_scoped3A_481 : memref<!tpu.dma_semaphore, #tpu.memory_space<semaphore_mem>>) src(%arg7 : memref<64x128xf32, #tpu.memory_space<vmem>>) dst(%dma_wait3A_493 : memref<10240x128xf32, #tpu.memory_space<vmem_shared>>)
        tpu.yield
      }) : () -> ()
      %mul3A_412 = arith.constant 4 : i32
      %mul3A_413 = arith.muli %mul3A_412, %scan3A_390 : i32
      %add3A_414 = arith.constant 1 : i32
      %add3A_415 = arith.addi %mul3A_413, %add3A_414 : i32
      %add3A_416 = arith.constant 4 : i32
      %add3A_417 = arith.addi %add3A_415, %add3A_416 : i32
      %sub3A_418 = arith.constant 1 : i32
      %sub3A_419 = arith.subi %add3A_417, %sub3A_418 : i32
      %min3A_420 = arith.constant 31 : i32
      %min3A_421 = arith.minsi %sub3A_419, %min3A_420 : i32
      %dma_start3A_422 = arith.constant 0 : i32
      %dma_start3A_423 = tpu.memref_slice %arg5[%min3A_421, %dma_start3A_422] : memref<32x64xi32, #tpu.memory_space<vmem>> -> memref<1x64xi32, #tpu.memory_space<vmem>>
      %dma_start3A_424 = tpu.memref_squeeze %dma_start3A_423 : memref<1x64xi32, #tpu.memory_space<vmem>> -> memref<64xi32, #tpu.memory_space<vmem>>
      %dma_start3A_425 = arith.constant 0 : i32
      %dma_start3A_426 = arith.constant 0 : i32
      %dma_start3A_427 = tpu.memref_slice %arg3[%dma_start3A_425, %dma_start3A_426] : memref<10240x128xf32, #tpu.memory_space<hbm>> -> memref<10240x128xf32, #tpu.memory_space<hbm>>
      tpu.enqueue_indirect_dma source(%dma_start3A_427 : memref<10240x128xf32, #tpu.memory_space<hbm>>) target(%arg7 : memref<64x128xf32, #tpu.memory_space<vmem>>) offsets(%dma_start3A_424 : memref<64xi32, #tpu.memory_space<vmem>>) semaphore(%arg12 : memref<!tpu.dma_semaphore, #tpu.memory_space<semaphore_mem>>)
      %dma_wait3A_428 = arith.constant 0 : i32
      %dma_wait3A_429 = arith.constant 0 : i32
      %dma_wait3A_430 = tpu.memref_slice %arg5[%dma_wait3A_428, %dma_wait3A_429] : memref<32x64xi32, #tpu.memory_space<vmem>> -> memref<1x64xi32, #tpu.memory_space<vmem>>
      %dma_wait3A_431 = tpu.memref_squeeze %dma_wait3A_430 : memref<1x64xi32, #tpu.memory_space<vmem>> -> memref<64xi32, #tpu.memory_space<vmem>>
      %dma_wait3A_432 = arith.constant 0 : i32
      %dma_wait3A_433 = arith.constant 0 : i32
      %dma_wait3A_434 = tpu.memref_slice %arg3[%dma_wait3A_432, %dma_wait3A_433] : memref<10240x128xf32, #tpu.memory_space<hbm>> -> memref<10240x128xf32, #tpu.memory_space<hbm>>
      tpu.wait_indirect_dma semaphore(%arg13 : memref<!tpu.dma_semaphore, #tpu.memory_space<semaphore_mem>>) src(%dma_wait3A_434 : memref<10240x128xf32, #tpu.memory_space<hbm>>) dst(%arg8 : memref<64x128xf32, #tpu.memory_space<vmem>>)
      "tpu.region"() ({
        %run_scoped3A_481 = tpu.sem_alloc : memref<!tpu.dma_semaphore, #tpu.memory_space<semaphore_mem>>
        %dma_start3A_482 = arith.constant 0 : i32
        %dma_start3A_483 = tpu.memref_slice %arg6[%add3A_415, %dma_start3A_482] : memref<32x64xi32, #tpu.memory_space<vmem>> -> memref<1x64xi32, #tpu.memory_space<vmem>>
        %dma_start3A_484 = tpu.memref_squeeze %dma_start3A_483 : memref<1x64xi32, #tpu.memory_space<vmem>> -> memref<64xi32, #tpu.memory_space<vmem>>
        %dma_start3A_485 = arith.constant 0 : i32
        %dma_start3A_486 = arith.constant 0 : i32
        %dma_start3A_487 = tpu.memref_slice %arg11[%dma_start3A_485, %dma_start3A_486] : memref<10240x128xf32, #tpu.memory_space<vmem_shared>> -> memref<10240x128xf32, #tpu.memory_space<vmem_shared>>
        tpu.enqueue_indirect_dma source(%arg8 : memref<64x128xf32, #tpu.memory_space<vmem>>) target(%dma_start3A_487 : memref<10240x128xf32, #tpu.memory_space<vmem_shared>>) offsets(%dma_start3A_484 : memref<64xi32, #tpu.memory_space<vmem>>) semaphore(%run_scoped3A_481 : memref<!tpu.dma_semaphore, #tpu.memory_space<semaphore_mem>>) {add = true}
        %dma_wait3A_488 = arith.constant 0 : i32
        %dma_wait3A_489 = tpu.memref_slice %arg6[%add3A_415, %dma_wait3A_488] : memref<32x64xi32, #tpu.memory_space<vmem>> -> memref<1x64xi32, #tpu.memory_space<vmem>>
        %dma_wait3A_490 = tpu.memref_squeeze %dma_wait3A_489 : memref<1x64xi32, #tpu.memory_space<vmem>> -> memref<64xi32, #tpu.memory_space<vmem>>
        %dma_wait3A_491 = arith.constant 0 : i32
        %dma_wait3A_492 = arith.constant 0 : i32
        %dma_wait3A_493 = tpu.memref_slice %arg11[%dma_wait3A_491, %dma_wait3A_492] : memref<10240x128xf32, #tpu.memory_space<vmem_shared>> -> memref<10240x128xf32, #tpu.memory_space<vmem_shared>>
        tpu.wait_indirect_dma semaphore(%run_scoped3A_481 : memref<!tpu.dma_semaphore, #tpu.memory_space<semaphore_mem>>) src(%arg8 : memref<64x128xf32, #tpu.memory_space<vmem>>) dst(%dma_wait3A_493 : memref<10240x128xf32, #tpu.memory_space<vmem_shared>>)
        tpu.yield
      }) : () -> ()
      %mul3A_435 = arith.constant 4 : i32
      %mul3A_436 = arith.muli %mul3A_435, %scan3A_390 : i32
      %add3A_437 = arith.constant 2 : i32
      %add3A_438 = arith.addi %mul3A_436, %add3A_437 : i32
      %add3A_439 = arith.constant 4 : i32
      %add3A_440 = arith.addi %add3A_438, %add3A_439 : i32
      %sub3A_441 = arith.constant 1 : i32
      %sub3A_442 = arith.subi %add3A_440, %sub3A_441 : i32
      %min3A_443 = arith.constant 31 : i32
      %min3A_444 = arith.minsi %sub3A_442, %min3A_443 : i32
      %dma_start3A_445 = arith.constant 0 : i32
      %dma_start3A_446 = tpu.memref_slice %arg5[%min3A_444, %dma_start3A_445] : memref<32x64xi32, #tpu.memory_space<vmem>> -> memref<1x64xi32, #tpu.memory_space<vmem>>
      %dma_start3A_447 = tpu.memref_squeeze %dma_start3A_446 : memref<1x64xi32, #tpu.memory_space<vmem>> -> memref<64xi32, #tpu.memory_space<vmem>>
      %dma_start3A_448 = arith.constant 0 : i32
      %dma_start3A_449 = arith.constant 0 : i32
      %dma_start3A_450 = tpu.memref_slice %arg3[%dma_start3A_448, %dma_start3A_449] : memref<10240x128xf32, #tpu.memory_space<hbm>> -> memref<10240x128xf32, #tpu.memory_space<hbm>>
      tpu.enqueue_indirect_dma source(%dma_start3A_450 : memref<10240x128xf32, #tpu.memory_space<hbm>>) target(%arg8 : memref<64x128xf32, #tpu.memory_space<vmem>>) offsets(%dma_start3A_447 : memref<64xi32, #tpu.memory_space<vmem>>) semaphore(%arg13 : memref<!tpu.dma_semaphore, #tpu.memory_space<semaphore_mem>>)
      %dma_wait3A_451 = arith.constant 0 : i32
      %dma_wait3A_452 = arith.constant 0 : i32
      %dma_wait3A_453 = tpu.memref_slice %arg5[%dma_wait3A_451, %dma_wait3A_452] : memref<32x64xi32, #tpu.memory_space<vmem>> -> memref<1x64xi32, #tpu.memory_space<vmem>>
      %dma_wait3A_454 = tpu.memref_squeeze %dma_wait3A_453 : memref<1x64xi32, #tpu.memory_space<vmem>> -> memref<64xi32, #tpu.memory_space<vmem>>
      %dma_wait3A_455 = arith.constant 0 : i32
      %dma_wait3A_456 = arith.constant 0 : i32
      %dma_wait3A_457 = tpu.memref_slice %arg3[%dma_wait3A_455, %dma_wait3A_456] : memref<10240x128xf32, #tpu.memory_space<hbm>> -> memref<10240x128xf32, #tpu.memory_space<hbm>>
      tpu.wait_indirect_dma semaphore(%arg14 : memref<!tpu.dma_semaphore, #tpu.memory_space<semaphore_mem>>) src(%dma_wait3A_457 : memref<10240x128xf32, #tpu.memory_space<hbm>>) dst(%arg9 : memref<64x128xf32, #tpu.memory_space<vmem>>)
      "tpu.region"() ({
        %run_scoped3A_481 = tpu.sem_alloc : memref<!tpu.dma_semaphore, #tpu.memory_space<semaphore_mem>>
        %dma_start3A_482 = arith.constant 0 : i32
        %dma_start3A_483 = tpu.memref_slice %arg6[%add3A_438, %dma_start3A_482] : memref<32x64xi32, #tpu.memory_space<vmem>> -> memref<1x64xi32, #tpu.memory_space<vmem>>
        %dma_start3A_484 = tpu.memref_squeeze %dma_start3A_483 : memref<1x64xi32, #tpu.memory_space<vmem>> -> memref<64xi32, #tpu.memory_space<vmem>>
        %dma_start3A_485 = arith.constant 0 : i32
        %dma_start3A_486 = arith.constant 0 : i32
        %dma_start3A_487 = tpu.memref_slice %arg11[%dma_start3A_485, %dma_start3A_486] : memref<10240x128xf32, #tpu.memory_space<vmem_shared>> -> memref<10240x128xf32, #tpu.memory_space<vmem_shared>>
        tpu.enqueue_indirect_dma source(%arg9 : memref<64x128xf32, #tpu.memory_space<vmem>>) target(%dma_start3A_487 : memref<10240x128xf32, #tpu.memory_space<vmem_shared>>) offsets(%dma_start3A_484 : memref<64xi32, #tpu.memory_space<vmem>>) semaphore(%run_scoped3A_481 : memref<!tpu.dma_semaphore, #tpu.memory_space<semaphore_mem>>) {add = true}
        %dma_wait3A_488 = arith.constant 0 : i32
        %dma_wait3A_489 = tpu.memref_slice %arg6[%add3A_438, %dma_wait3A_488] : memref<32x64xi32, #tpu.memory_space<vmem>> -> memref<1x64xi32, #tpu.memory_space<vmem>>
        %dma_wait3A_490 = tpu.memref_squeeze %dma_wait3A_489 : memref<1x64xi32, #tpu.memory_space<vmem>> -> memref<64xi32, #tpu.memory_space<vmem>>
        %dma_wait3A_491 = arith.constant 0 : i32
        %dma_wait3A_492 = arith.constant 0 : i32
        %dma_wait3A_493 = tpu.memref_slice %arg11[%dma_wait3A_491, %dma_wait3A_492] : memref<10240x128xf32, #tpu.memory_space<vmem_shared>> -> memref<10240x128xf32, #tpu.memory_space<vmem_shared>>
        tpu.wait_indirect_dma semaphore(%run_scoped3A_481 : memref<!tpu.dma_semaphore, #tpu.memory_space<semaphore_mem>>) src(%arg9 : memref<64x128xf32, #tpu.memory_space<vmem>>) dst(%dma_wait3A_493 : memref<10240x128xf32, #tpu.memory_space<vmem_shared>>)
        tpu.yield
      }) : () -> ()
      %mul3A_458 = arith.constant 4 : i32
      %mul3A_459 = arith.muli %mul3A_458, %scan3A_390 : i32
      %add3A_460 = arith.constant 3 : i32
      %add3A_461 = arith.addi %mul3A_459, %add3A_460 : i32
      %add3A_462 = arith.constant 4 : i32
      %add3A_463 = arith.addi %add3A_461, %add3A_462 : i32
      %sub3A_464 = arith.constant 1 : i32
      %sub3A_465 = arith.subi %add3A_463, %sub3A_464 : i32
      %min3A_466 = arith.constant 31 : i32
      %min3A_467 = arith.minsi %sub3A_465, %min3A_466 : i32
      %dma_start3A_468 = arith.constant 0 : i32
      %dma_start3A_469 = tpu.memref_slice %arg5[%min3A_467, %dma_start3A_468] : memref<32x64xi32, #tpu.memory_space<vmem>> -> memref<1x64xi32, #tpu.memory_space<vmem>>
      %dma_start3A_470 = tpu.memref_squeeze %dma_start3A_469 : memref<1x64xi32, #tpu.memory_space<vmem>> -> memref<64xi32, #tpu.memory_space<vmem>>
      %dma_start3A_471 = arith.constant 0 : i32
      %dma_start3A_472 = arith.constant 0 : i32
      %dma_start3A_473 = tpu.memref_slice %arg3[%dma_start3A_471, %dma_start3A_472] : memref<10240x128xf32, #tpu.memory_space<hbm>> -> memref<10240x128xf32, #tpu.memory_space<hbm>>
      tpu.enqueue_indirect_dma source(%dma_start3A_473 : memref<10240x128xf32, #tpu.memory_space<hbm>>) target(%arg9 : memref<64x128xf32, #tpu.memory_space<vmem>>) offsets(%dma_start3A_470 : memref<64xi32, #tpu.memory_space<vmem>>) semaphore(%arg14 : memref<!tpu.dma_semaphore, #tpu.memory_space<semaphore_mem>>)
      %dma_wait3A_474 = arith.constant 0 : i32
      %dma_wait3A_475 = arith.constant 0 : i32
      %dma_wait3A_476 = tpu.memref_slice %arg5[%dma_wait3A_474, %dma_wait3A_475] : memref<32x64xi32, #tpu.memory_space<vmem>> -> memref<1x64xi32, #tpu.memory_space<vmem>>
      %dma_wait3A_477 = tpu.memref_squeeze %dma_wait3A_476 : memref<1x64xi32, #tpu.memory_space<vmem>> -> memref<64xi32, #tpu.memory_space<vmem>>
      %dma_wait3A_478 = arith.constant 0 : i32
      %dma_wait3A_479 = arith.constant 0 : i32
      %dma_wait3A_480 = tpu.memref_slice %arg3[%dma_wait3A_478, %dma_wait3A_479] : memref<10240x128xf32, #tpu.memory_space<hbm>> -> memref<10240x128xf32, #tpu.memory_space<hbm>>
      tpu.wait_indirect_dma semaphore(%arg15 : memref<!tpu.dma_semaphore, #tpu.memory_space<semaphore_mem>>) src(%dma_wait3A_480 : memref<10240x128xf32, #tpu.memory_space<hbm>>) dst(%arg10 : memref<64x128xf32, #tpu.memory_space<vmem>>)
      "tpu.region"() ({
        %run_scoped3A_481 = tpu.sem_alloc : memref<!tpu.dma_semaphore, #tpu.memory_space<semaphore_mem>>
        %dma_start3A_482 = arith.constant 0 : i32
        %dma_start3A_483 = tpu.memref_slice %arg6[%add3A_461, %dma_start3A_482] : memref<32x64xi32, #tpu.memory_space<vmem>> -> memref<1x64xi32, #tpu.memory_space<vmem>>
        %dma_start3A_484 = tpu.memref_squeeze %dma_start3A_483 : memref<1x64xi32, #tpu.memory_space<vmem>> -> memref<64xi32, #tpu.memory_space<vmem>>
        %dma_start3A_485 = arith.constant 0 : i32
        %dma_start3A_486 = arith.constant 0 : i32
        %dma_start3A_487 = tpu.memref_slice %arg11[%dma_start3A_485, %dma_start3A_486] : memref<10240x128xf32, #tpu.memory_space<vmem_shared>> -> memref<10240x128xf32, #tpu.memory_space<vmem_shared>>
        tpu.enqueue_indirect_dma source(%arg10 : memref<64x128xf32, #tpu.memory_space<vmem>>) target(%dma_start3A_487 : memref<10240x128xf32, #tpu.memory_space<vmem_shared>>) offsets(%dma_start3A_484 : memref<64xi32, #tpu.memory_space<vmem>>) semaphore(%run_scoped3A_481 : memref<!tpu.dma_semaphore, #tpu.memory_space<semaphore_mem>>) {add = true}
        %dma_wait3A_488 = arith.constant 0 : i32
        %dma_wait3A_489 = tpu.memref_slice %arg6[%add3A_461, %dma_wait3A_488] : memref<32x64xi32, #tpu.memory_space<vmem>> -> memref<1x64xi32, #tpu.memory_space<vmem>>
        %dma_wait3A_490 = tpu.memref_squeeze %dma_wait3A_489 : memref<1x64xi32, #tpu.memory_space<vmem>> -> memref<64xi32, #tpu.memory_space<vmem>>
        %dma_wait3A_491 = arith.constant 0 : i32
        %dma_wait3A_492 = arith.constant 0 : i32
        %dma_wait3A_493 = tpu.memref_slice %arg11[%dma_wait3A_491, %dma_wait3A_492] : memref<10240x128xf32, #tpu.memory_space<vmem_shared>> -> memref<10240x128xf32, #tpu.memory_space<vmem_shared>>
        tpu.wait_indirect_dma semaphore(%run_scoped3A_481 : memref<!tpu.dma_semaphore, #tpu.memory_space<semaphore_mem>>) src(%arg10 : memref<64x128xf32, #tpu.memory_space<vmem>>) dst(%dma_wait3A_493 : memref<10240x128xf32, #tpu.memory_space<vmem_shared>>)
        tpu.yield
      }) : () -> ()
    }
    %scan3A_287 = arith.constant 8 : i32
    %dma_wait3A_288 = arith.constant 0 : i32
    %dma_wait3A_289 = arith.constant 0 : i32
    %dma_wait3A_290 = tpu.memref_slice %arg5[%dma_wait3A_288, %dma_wait3A_289] : memref<32x64xi32, #tpu.memory_space<vmem>> -> memref<1x64xi32, #tpu.memory_space<vmem>>
    %dma_wait3A_291 = tpu.memref_squeeze %dma_wait3A_290 : memref<1x64xi32, #tpu.memory_space<vmem>> -> memref<64xi32, #tpu.memory_space<vmem>>
    %dma_wait3A_292 = arith.constant 0 : i32
    %dma_wait3A_293 = arith.constant 0 : i32
    %dma_wait3A_294 = tpu.memref_slice %arg3[%dma_wait3A_292, %dma_wait3A_293] : memref<10240x128xf32, #tpu.memory_space<hbm>> -> memref<10240x128xf32, #tpu.memory_space<hbm>>
    tpu.wait_indirect_dma semaphore(%arg12 : memref<!tpu.dma_semaphore, #tpu.memory_space<semaphore_mem>>) src(%dma_wait3A_294 : memref<10240x128xf32, #tpu.memory_space<hbm>>) dst(%arg7 : memref<64x128xf32, #tpu.memory_space<vmem>>)
    %dma_wait3A_295 = arith.constant 0 : i32
    %dma_wait3A_296 = arith.constant 0 : i32
    %dma_wait3A_297 = tpu.memref_slice %arg5[%dma_wait3A_295, %dma_wait3A_296] : memref<32x64xi32, #tpu.memory_space<vmem>> -> memref<1x64xi32, #tpu.memory_space<vmem>>
    %dma_wait3A_298 = tpu.memref_squeeze %dma_wait3A_297 : memref<1x64xi32, #tpu.memory_space<vmem>> -> memref<64xi32, #tpu.memory_space<vmem>>
    %dma_wait3A_299 = arith.constant 0 : i32
    %dma_wait3A_300 = arith.constant 0 : i32
    %dma_wait3A_301 = tpu.memref_slice %arg3[%dma_wait3A_299, %dma_wait3A_300] : memref<10240x128xf32, #tpu.memory_space<hbm>> -> memref<10240x128xf32, #tpu.memory_space<hbm>>
    tpu.wait_indirect_dma semaphore(%arg13 : memref<!tpu.dma_semaphore, #tpu.memory_space<semaphore_mem>>) src(%dma_wait3A_301 : memref<10240x128xf32, #tpu.memory_space<hbm>>) dst(%arg8 : memref<64x128xf32, #tpu.memory_space<vmem>>)
    %dma_wait3A_302 = arith.constant 0 : i32
    %dma_wait3A_303 = arith.constant 0 : i32
    %dma_wait3A_304 = tpu.memref_slice %arg5[%dma_wait3A_302, %dma_wait3A_303] : memref<32x64xi32, #tpu.memory_space<vmem>> -> memref<1x64xi32, #tpu.memory_space<vmem>>
    %dma_wait3A_305 = tpu.memref_squeeze %dma_wait3A_304 : memref<1x64xi32, #tpu.memory_space<vmem>> -> memref<64xi32, #tpu.memory_space<vmem>>
    %dma_wait3A_306 = arith.constant 0 : i32
    %dma_wait3A_307 = arith.constant 0 : i32
    %dma_wait3A_308 = tpu.memref_slice %arg3[%dma_wait3A_306, %dma_wait3A_307] : memref<10240x128xf32, #tpu.memory_space<hbm>> -> memref<10240x128xf32, #tpu.memory_space<hbm>>
    tpu.wait_indirect_dma semaphore(%arg14 : memref<!tpu.dma_semaphore, #tpu.memory_space<semaphore_mem>>) src(%dma_wait3A_308 : memref<10240x128xf32, #tpu.memory_space<hbm>>) dst(%arg9 : memref<64x128xf32, #tpu.memory_space<vmem>>)
    %barrier3A_309 = arith.constant 0 : index
    tpu.barrier barrier_id(%barrier3A_309)
    %mul3A_310 = arith.constant 640 : i32
    %mul3A_311 = arith.muli %arg1, %mul3A_310 : i32
    %add3A_312 = arith.constant 0 : i32
    %add3A_313 = arith.addi %mul3A_311, %add3A_312 : i32
    "tpu.region"() ({
      %run_scoped3A_390 = tpu.sem_alloc : memref<!tpu.dma_semaphore, #tpu.memory_space<semaphore_mem>>
      %dma_start3A_391 = arith.constant 0 : i32
      %dma_start3A_392 = tpu.memref_slice %arg11[%add3A_313, %dma_start3A_391] : memref<10240x128xf32, #tpu.memory_space<vmem_shared>> -> memref<64x128xf32, #tpu.memory_space<vmem_shared>>
      %dma_start3A_393 = arith.constant 0 : i32
      %dma_start3A_394 = tpu.memref_slice %arg11[%add3A_313, %dma_start3A_393] : memref<10240x128xf32, #tpu.memory_space<vmem_shared>> -> memref<64x128xf32, #tpu.memory_space<vmem_shared>>
      tpu.enqueue_dma source(%dma_start3A_394 : memref<64x128xf32, #tpu.memory_space<vmem_shared>>) target(%arg7 : memref<64x128xf32, #tpu.memory_space<vmem>>) target_semaphore(%run_scoped3A_390 : memref<!tpu.dma_semaphore, #tpu.memory_space<semaphore_mem>>)
      %dma_wait3A_395 = arith.constant 0 : i32
      %dma_wait3A_396 = tpu.memref_slice %arg11[%add3A_313, %dma_wait3A_395] : memref<10240x128xf32, #tpu.memory_space<vmem_shared>> -> memref<64x128xf32, #tpu.memory_space<vmem_shared>>
      %dma_wait3A_397 = arith.constant 0 : i32
      %dma_wait3A_398 = tpu.memref_slice %arg11[%add3A_313, %dma_wait3A_397] : memref<10240x128xf32, #tpu.memory_space<vmem_shared>> -> memref<64x128xf32, #tpu.memory_space<vmem_shared>>
      tpu.wait_dma2 semaphore(%run_scoped3A_390 : memref<!tpu.dma_semaphore, #tpu.memory_space<semaphore_mem>>) src(%dma_wait3A_398 : memref<64x128xf32, #tpu.memory_space<vmem_shared>>) dst(%arg7 : memref<64x128xf32, #tpu.memory_space<vmem>>)
      tpu.yield
    }) : () -> ()
    %mul3A_314 = arith.constant 640 : i32
    %mul3A_315 = arith.muli %arg1, %mul3A_314 : i32
    %add3A_316 = arith.constant 0 : i32
    %add3A_317 = arith.addi %mul3A_315, %add3A_316 : i32
    "tpu.region"() ({
      %run_scoped3A_390 = tpu.sem_alloc : memref<!tpu.dma_semaphore, #tpu.memory_space<semaphore_mem>>
      %dma_start3A_391 = arith.constant 0 : i32
      %dma_start3A_392 = tpu.memref_slice %arg4[%arg0, %add3A_317, %dma_start3A_391] : memref<2x10240x128xf32, #tpu.memory_space<hbm>> -> memref<1x64x128xf32, #tpu.memory_space<hbm>>
      %dma_start3A_393 = tpu.memref_squeeze %dma_start3A_392 : memref<1x64x128xf32, #tpu.memory_space<hbm>> -> memref<64x128xf32, #tpu.memory_space<hbm>>
      %dma_start3A_394 = arith.constant 0 : i32
      %dma_start3A_395 = tpu.memref_slice %arg4[%arg0, %add3A_317, %dma_start3A_394] : memref<2x10240x128xf32, #tpu.memory_space<hbm>> -> memref<1x64x128xf32, #tpu.memory_space<hbm>>
      %dma_start3A_396 = tpu.memref_squeeze %dma_start3A_395 : memref<1x64x128xf32, #tpu.memory_space<hbm>> -> memref<64x128xf32, #tpu.memory_space<hbm>>
      tpu.enqueue_dma source(%arg7 : memref<64x128xf32, #tpu.memory_space<vmem>>) target(%dma_start3A_396 : memref<64x128xf32, #tpu.memory_space<hbm>>) target_semaphore(%run_scoped3A_390 : memref<!tpu.dma_semaphore, #tpu.memory_space<semaphore_mem>>)
      %dma_wait3A_397 = arith.constant 0 : i32
      %dma_wait3A_398 = tpu.memref_slice %arg4[%arg0, %add3A_317, %dma_wait3A_397] : memref<2x10240x128xf32, #tpu.memory_space<hbm>> -> memref<1x64x128xf32, #tpu.memory_space<hbm>>
      %dma_wait3A_399 = tpu.memref_squeeze %dma_wait3A_398 : memref<1x64x128xf32, #tpu.memory_space<hbm>> -> memref<64x128xf32, #tpu.memory_space<hbm>>
      %dma_wait3A_400 = arith.constant 0 : i32
      %dma_wait3A_401 = tpu.memref_slice %arg4[%arg0, %add3A_317, %dma_wait3A_400] : memref<2x10240x128xf32, #tpu.memory_space<hbm>> -> memref<1x64x128xf32, #tpu.memory_space<hbm>>
      %dma_wait3A_402 = tpu.memref_squeeze %dma_wait3A_401 : memref<1x64x128xf32, #tpu.memory_space<hbm>> -> memref<64x128xf32, #tpu.memory_space<hbm>>
      tpu.wait_dma2 semaphore(%run_scoped3A_390 : memref<!tpu.dma_semaphore, #tpu.memory_space<semaphore_mem>>) src(%arg7 : memref<64x128xf32, #tpu.memory_space<vmem>>) dst(%dma_wait3A_402 : memref<64x128xf32, #tpu.memory_space<hbm>>)
      tpu.yield
    }) : () -> ()
    %mul3A_318 = arith.constant 640 : i32
    %mul3A_319 = arith.muli %arg1, %mul3A_318 : i32
    %add3A_320 = arith.constant 64 : i32
    %add3A_321 = arith.addi %mul3A_319, %add3A_320 : i32
    "tpu.region"() ({
      %run_scoped3A_390 = tpu.sem_alloc : memref<!tpu.dma_semaphore, #tpu.memory_space<semaphore_mem>>
      %dma_start3A_391 = arith.constant 0 : i32
      %dma_start3A_392 = tpu.memref_slice %arg11[%add3A_321, %dma_start3A_391] : memref<10240x128xf32, #tpu.memory_space<vmem_shared>> -> memref<64x128xf32, #tpu.memory_space<vmem_shared>>
      %dma_start3A_393 = arith.constant 0 : i32
      %dma_start3A_394 = tpu.memref_slice %arg11[%add3A_321, %dma_start3A_393] : memref<10240x128xf32, #tpu.memory_space<vmem_shared>> -> memref<64x128xf32, #tpu.memory_space<vmem_shared>>
      tpu.enqueue_dma source(%dma_start3A_394 : memref<64x128xf32, #tpu.memory_space<vmem_shared>>) target(%arg7 : memref<64x128xf32, #tpu.memory_space<vmem>>) target_semaphore(%run_scoped3A_390 : memref<!tpu.dma_semaphore, #tpu.memory_space<semaphore_mem>>)
      %dma_wait3A_395 = arith.constant 0 : i32
      %dma_wait3A_396 = tpu.memref_slice %arg11[%add3A_321, %dma_wait3A_395] : memref<10240x128xf32, #tpu.memory_space<vmem_shared>> -> memref<64x128xf32, #tpu.memory_space<vmem_shared>>
      %dma_wait3A_397 = arith.constant 0 : i32
      %dma_wait3A_398 = tpu.memref_slice %arg11[%add3A_321, %dma_wait3A_397] : memref<10240x128xf32, #tpu.memory_space<vmem_shared>> -> memref<64x128xf32, #tpu.memory_space<vmem_shared>>
      tpu.wait_dma2 semaphore(%run_scoped3A_390 : memref<!tpu.dma_semaphore, #tpu.memory_space<semaphore_mem>>) src(%dma_wait3A_398 : memref<64x128xf32, #tpu.memory_space<vmem_shared>>) dst(%arg7 : memref<64x128xf32, #tpu.memory_space<vmem>>)
      tpu.yield
    }) : () -> ()
    %mul3A_322 = arith.constant 640 : i32
    %mul3A_323 = arith.muli %arg1, %mul3A_322 : i32
    %add3A_324 = arith.constant 64 : i32
    %add3A_325 = arith.addi %mul3A_323, %add3A_324 : i32
    "tpu.region"() ({
      %run_scoped3A_390 = tpu.sem_alloc : memref<!tpu.dma_semaphore, #tpu.memory_space<semaphore_mem>>
      %dma_start3A_391 = arith.constant 0 : i32
      %dma_start3A_392 = tpu.memref_slice %arg4[%arg0, %add3A_325, %dma_start3A_391] : memref<2x10240x128xf32, #tpu.memory_space<hbm>> -> memref<1x64x128xf32, #tpu.memory_space<hbm>>
      %dma_start3A_393 = tpu.memref_squeeze %dma_start3A_392 : memref<1x64x128xf32, #tpu.memory_space<hbm>> -> memref<64x128xf32, #tpu.memory_space<hbm>>
      %dma_start3A_394 = arith.constant 0 : i32
      %dma_start3A_395 = tpu.memref_slice %arg4[%arg0, %add3A_325, %dma_start3A_394] : memref<2x10240x128xf32, #tpu.memory_space<hbm>> -> memref<1x64x128xf32, #tpu.memory_space<hbm>>
      %dma_start3A_396 = tpu.memref_squeeze %dma_start3A_395 : memref<1x64x128xf32, #tpu.memory_space<hbm>> -> memref<64x128xf32, #tpu.memory_space<hbm>>
      tpu.enqueue_dma source(%arg7 : memref<64x128xf32, #tpu.memory_space<vmem>>) target(%dma_start3A_396 : memref<64x128xf32, #tpu.memory_space<hbm>>) target_semaphore(%run_scoped3A_390 : memref<!tpu.dma_semaphore, #tpu.memory_space<semaphore_mem>>)
      %dma_wait3A_397 = arith.constant 0 : i32
      %dma_wait3A_398 = tpu.memref_slice %arg4[%arg0, %add3A_325, %dma_wait3A_397] : memref<2x10240x128xf32, #tpu.memory_space<hbm>> -> memref<1x64x128xf32, #tpu.memory_space<hbm>>
      %dma_wait3A_399 = tpu.memref_squeeze %dma_wait3A_398 : memref<1x64x128xf32, #tpu.memory_space<hbm>> -> memref<64x128xf32, #tpu.memory_space<hbm>>
      %dma_wait3A_400 = arith.constant 0 : i32
      %dma_wait3A_401 = tpu.memref_slice %arg4[%arg0, %add3A_325, %dma_wait3A_400] : memref<2x10240x128xf32, #tpu.memory_space<hbm>> -> memref<1x64x128xf32, #tpu.memory_space<hbm>>
      %dma_wait3A_402 = tpu.memref_squeeze %dma_wait3A_401 : memref<1x64x128xf32, #tpu.memory_space<hbm>> -> memref<64x128xf32, #tpu.memory_space<hbm>>
      tpu.wait_dma2 semaphore(%run_scoped3A_390 : memref<!tpu.dma_semaphore, #tpu.memory_space<semaphore_mem>>) src(%arg7 : memref<64x128xf32, #tpu.memory_space<vmem>>) dst(%dma_wait3A_402 : memref<64x128xf32, #tpu.memory_space<hbm>>)
      tpu.yield
    }) : () -> ()
    %mul3A_326 = arith.constant 640 : i32
    %mul3A_327 = arith.muli %arg1, %mul3A_326 : i32
    %add3A_328 = arith.constant 128 : i32
    %add3A_329 = arith.addi %mul3A_327, %add3A_328 : i32
    "tpu.region"() ({
      %run_scoped3A_390 = tpu.sem_alloc : memref<!tpu.dma_semaphore, #tpu.memory_space<semaphore_mem>>
      %dma_start3A_391 = arith.constant 0 : i32
      %dma_start3A_392 = tpu.memref_slice %arg11[%add3A_329, %dma_start3A_391] : memref<10240x128xf32, #tpu.memory_space<vmem_shared>> -> memref<64x128xf32, #tpu.memory_space<vmem_shared>>
      %dma_start3A_393 = arith.constant 0 : i32
      %dma_start3A_394 = tpu.memref_slice %arg11[%add3A_329, %dma_start3A_393] : memref<10240x128xf32, #tpu.memory_space<vmem_shared>> -> memref<64x128xf32, #tpu.memory_space<vmem_shared>>
      tpu.enqueue_dma source(%dma_start3A_394 : memref<64x128xf32, #tpu.memory_space<vmem_shared>>) target(%arg7 : memref<64x128xf32, #tpu.memory_space<vmem>>) target_semaphore(%run_scoped3A_390 : memref<!tpu.dma_semaphore, #tpu.memory_space<semaphore_mem>>)
      %dma_wait3A_395 = arith.constant 0 : i32
      %dma_wait3A_396 = tpu.memref_slice %arg11[%add3A_329, %dma_wait3A_395] : memref<10240x128xf32, #tpu.memory_space<vmem_shared>> -> memref<64x128xf32, #tpu.memory_space<vmem_shared>>
      %dma_wait3A_397 = arith.constant 0 : i32
      %dma_wait3A_398 = tpu.memref_slice %arg11[%add3A_329, %dma_wait3A_397] : memref<10240x128xf32, #tpu.memory_space<vmem_shared>> -> memref<64x128xf32, #tpu.memory_space<vmem_shared>>
      tpu.wait_dma2 semaphore(%run_scoped3A_390 : memref<!tpu.dma_semaphore, #tpu.memory_space<semaphore_mem>>) src(%dma_wait3A_398 : memref<64x128xf32, #tpu.memory_space<vmem_shared>>) dst(%arg7 : memref<64x128xf32, #tpu.memory_space<vmem>>)
      tpu.yield
    }) : () -> ()
    %mul3A_330 = arith.constant 640 : i32
    %mul3A_331 = arith.muli %arg1, %mul3A_330 : i32
    %add3A_332 = arith.constant 128 : i32
    %add3A_333 = arith.addi %mul3A_331, %add3A_332 : i32
    "tpu.region"() ({
      %run_scoped3A_390 = tpu.sem_alloc : memref<!tpu.dma_semaphore, #tpu.memory_space<semaphore_mem>>
      %dma_start3A_391 = arith.constant 0 : i32
      %dma_start3A_392 = tpu.memref_slice %arg4[%arg0, %add3A_333, %dma_start3A_391] : memref<2x10240x128xf32, #tpu.memory_space<hbm>> -> memref<1x64x128xf32, #tpu.memory_space<hbm>>
      %dma_start3A_393 = tpu.memref_squeeze %dma_start3A_392 : memref<1x64x128xf32, #tpu.memory_space<hbm>> -> memref<64x128xf32, #tpu.memory_space<hbm>>
      %dma_start3A_394 = arith.constant 0 : i32
      %dma_start3A_395 = tpu.memref_slice %arg4[%arg0, %add3A_333, %dma_start3A_394] : memref<2x10240x128xf32, #tpu.memory_space<hbm>> -> memref<1x64x128xf32, #tpu.memory_space<hbm>>
      %dma_start3A_396 = tpu.memref_squeeze %dma_start3A_395 : memref<1x64x128xf32, #tpu.memory_space<hbm>> -> memref<64x128xf32, #tpu.memory_space<hbm>>
      tpu.enqueue_dma source(%arg7 : memref<64x128xf32, #tpu.memory_space<vmem>>) target(%dma_start3A_396 : memref<64x128xf32, #tpu.memory_space<hbm>>) target_semaphore(%run_scoped3A_390 : memref<!tpu.dma_semaphore, #tpu.memory_space<semaphore_mem>>)
      %dma_wait3A_397 = arith.constant 0 : i32
      %dma_wait3A_398 = tpu.memref_slice %arg4[%arg0, %add3A_333, %dma_wait3A_397] : memref<2x10240x128xf32, #tpu.memory_space<hbm>> -> memref<1x64x128xf32, #tpu.memory_space<hbm>>
      %dma_wait3A_399 = tpu.memref_squeeze %dma_wait3A_398 : memref<1x64x128xf32, #tpu.memory_space<hbm>> -> memref<64x128xf32, #tpu.memory_space<hbm>>
      %dma_wait3A_400 = arith.constant 0 : i32
      %dma_wait3A_401 = tpu.memref_slice %arg4[%arg0, %add3A_333, %dma_wait3A_400] : memref<2x10240x128xf32, #tpu.memory_space<hbm>> -> memref<1x64x128xf32, #tpu.memory_space<hbm>>
      %dma_wait3A_402 = tpu.memref_squeeze %dma_wait3A_401 : memref<1x64x128xf32, #tpu.memory_space<hbm>> -> memref<64x128xf32, #tpu.memory_space<hbm>>
      tpu.wait_dma2 semaphore(%run_scoped3A_390 : memref<!tpu.dma_semaphore, #tpu.memory_space<semaphore_mem>>) src(%arg7 : memref<64x128xf32, #tpu.memory_space<vmem>>) dst(%dma_wait3A_402 : memref<64x128xf32, #tpu.memory_space<hbm>>)
      tpu.yield
    }) : () -> ()
    %mul3A_334 = arith.constant 640 : i32
    %mul3A_335 = arith.muli %arg1, %mul3A_334 : i32
    %add3A_336 = arith.constant 192 : i32
    %add3A_337 = arith.addi %mul3A_335, %add3A_336 : i32
    "tpu.region"() ({
      %run_scoped3A_390 = tpu.sem_alloc : memref<!tpu.dma_semaphore, #tpu.memory_space<semaphore_mem>>
      %dma_start3A_391 = arith.constant 0 : i32
      %dma_start3A_392 = tpu.memref_slice %arg11[%add3A_337, %dma_start3A_391] : memref<10240x128xf32, #tpu.memory_space<vmem_shared>> -> memref<64x128xf32, #tpu.memory_space<vmem_shared>>
      %dma_start3A_393 = arith.constant 0 : i32
      %dma_start3A_394 = tpu.memref_slice %arg11[%add3A_337, %dma_start3A_393] : memref<10240x128xf32, #tpu.memory_space<vmem_shared>> -> memref<64x128xf32, #tpu.memory_space<vmem_shared>>
      tpu.enqueue_dma source(%dma_start3A_394 : memref<64x128xf32, #tpu.memory_space<vmem_shared>>) target(%arg7 : memref<64x128xf32, #tpu.memory_space<vmem>>) target_semaphore(%run_scoped3A_390 : memref<!tpu.dma_semaphore, #tpu.memory_space<semaphore_mem>>)
      %dma_wait3A_395 = arith.constant 0 : i32
      %dma_wait3A_396 = tpu.memref_slice %arg11[%add3A_337, %dma_wait3A_395] : memref<10240x128xf32, #tpu.memory_space<vmem_shared>> -> memref<64x128xf32, #tpu.memory_space<vmem_shared>>
      %dma_wait3A_397 = arith.constant 0 : i32
      %dma_wait3A_398 = tpu.memref_slice %arg11[%add3A_337, %dma_wait3A_397] : memref<10240x128xf32, #tpu.memory_space<vmem_shared>> -> memref<64x128xf32, #tpu.memory_space<vmem_shared>>
      tpu.wait_dma2 semaphore(%run_scoped3A_390 : memref<!tpu.dma_semaphore, #tpu.memory_space<semaphore_mem>>) src(%dma_wait3A_398 : memref<64x128xf32, #tpu.memory_space<vmem_shared>>) dst(%arg7 : memref<64x128xf32, #tpu.memory_space<vmem>>)
      tpu.yield
    }) : () -> ()
    %mul3A_338 = arith.constant 640 : i32
    %mul3A_339 = arith.muli %arg1, %mul3A_338 : i32
    %add3A_340 = arith.constant 192 : i32
    %add3A_341 = arith.addi %mul3A_339, %add3A_340 : i32
    "tpu.region"() ({
      %run_scoped3A_390 = tpu.sem_alloc : memref<!tpu.dma_semaphore, #tpu.memory_space<semaphore_mem>>
      %dma_start3A_391 = arith.constant 0 : i32
      %dma_start3A_392 = tpu.memref_slice %arg4[%arg0, %add3A_341, %dma_start3A_391] : memref<2x10240x128xf32, #tpu.memory_space<hbm>> -> memref<1x64x128xf32, #tpu.memory_space<hbm>>
      %dma_start3A_393 = tpu.memref_squeeze %dma_start3A_392 : memref<1x64x128xf32, #tpu.memory_space<hbm>> -> memref<64x128xf32, #tpu.memory_space<hbm>>
      %dma_start3A_394 = arith.constant 0 : i32
      %dma_start3A_395 = tpu.memref_slice %arg4[%arg0, %add3A_341, %dma_start3A_394] : memref<2x10240x128xf32, #tpu.memory_space<hbm>> -> memref<1x64x128xf32, #tpu.memory_space<hbm>>
      %dma_start3A_396 = tpu.memref_squeeze %dma_start3A_395 : memref<1x64x128xf32, #tpu.memory_space<hbm>> -> memref<64x128xf32, #tpu.memory_space<hbm>>
      tpu.enqueue_dma source(%arg7 : memref<64x128xf32, #tpu.memory_space<vmem>>) target(%dma_start3A_396 : memref<64x128xf32, #tpu.memory_space<hbm>>) target_semaphore(%run_scoped3A_390 : memref<!tpu.dma_semaphore, #tpu.memory_space<semaphore_mem>>)
      %dma_wait3A_397 = arith.constant 0 : i32
      %dma_wait3A_398 = tpu.memref_slice %arg4[%arg0, %add3A_341, %dma_wait3A_397] : memref<2x10240x128xf32, #tpu.memory_space<hbm>> -> memref<1x64x128xf32, #tpu.memory_space<hbm>>
      %dma_wait3A_399 = tpu.memref_squeeze %dma_wait3A_398 : memref<1x64x128xf32, #tpu.memory_space<hbm>> -> memref<64x128xf32, #tpu.memory_space<hbm>>
      %dma_wait3A_400 = arith.constant 0 : i32
      %dma_wait3A_401 = tpu.memref_slice %arg4[%arg0, %add3A_341, %dma_wait3A_400] : memref<2x10240x128xf32, #tpu.memory_space<hbm>> -> memref<1x64x128xf32, #tpu.memory_space<hbm>>
      %dma_wait3A_402 = tpu.memref_squeeze %dma_wait3A_401 : memref<1x64x128xf32, #tpu.memory_space<hbm>> -> memref<64x128xf32, #tpu.memory_space<hbm>>
      tpu.wait_dma2 semaphore(%run_scoped3A_390 : memref<!tpu.dma_semaphore, #tpu.memory_space<semaphore_mem>>) src(%arg7 : memref<64x128xf32, #tpu.memory_space<vmem>>) dst(%dma_wait3A_402 : memref<64x128xf32, #tpu.memory_space<hbm>>)
      tpu.yield
    }) : () -> ()
    %mul3A_342 = arith.constant 640 : i32
    %mul3A_343 = arith.muli %arg1, %mul3A_342 : i32
    %add3A_344 = arith.constant 256 : i32
    %add3A_345 = arith.addi %mul3A_343, %add3A_344 : i32
    "tpu.region"() ({
      %run_scoped3A_390 = tpu.sem_alloc : memref<!tpu.dma_semaphore, #tpu.memory_space<semaphore_mem>>
      %dma_start3A_391 = arith.constant 0 : i32
      %dma_start3A_392 = tpu.memref_slice %arg11[%add3A_345, %dma_start3A_391] : memref<10240x128xf32, #tpu.memory_space<vmem_shared>> -> memref<64x128xf32, #tpu.memory_space<vmem_shared>>
      %dma_start3A_393 = arith.constant 0 : i32
      %dma_start3A_394 = tpu.memref_slice %arg11[%add3A_345, %dma_start3A_393] : memref<10240x128xf32, #tpu.memory_space<vmem_shared>> -> memref<64x128xf32, #tpu.memory_space<vmem_shared>>
      tpu.enqueue_dma source(%dma_start3A_394 : memref<64x128xf32, #tpu.memory_space<vmem_shared>>) target(%arg7 : memref<64x128xf32, #tpu.memory_space<vmem>>) target_semaphore(%run_scoped3A_390 : memref<!tpu.dma_semaphore, #tpu.memory_space<semaphore_mem>>)
      %dma_wait3A_395 = arith.constant 0 : i32
      %dma_wait3A_396 = tpu.memref_slice %arg11[%add3A_345, %dma_wait3A_395] : memref<10240x128xf32, #tpu.memory_space<vmem_shared>> -> memref<64x128xf32, #tpu.memory_space<vmem_shared>>
      %dma_wait3A_397 = arith.constant 0 : i32
      %dma_wait3A_398 = tpu.memref_slice %arg11[%add3A_345, %dma_wait3A_397] : memref<10240x128xf32, #tpu.memory_space<vmem_shared>> -> memref<64x128xf32, #tpu.memory_space<vmem_shared>>
      tpu.wait_dma2 semaphore(%run_scoped3A_390 : memref<!tpu.dma_semaphore, #tpu.memory_space<semaphore_mem>>) src(%dma_wait3A_398 : memref<64x128xf32, #tpu.memory_space<vmem_shared>>) dst(%arg7 : memref<64x128xf32, #tpu.memory_space<vmem>>)
      tpu.yield
    }) : () -> ()
    %mul3A_346 = arith.constant 640 : i32
    %mul3A_347 = arith.muli %arg1, %mul3A_346 : i32
    %add3A_348 = arith.constant 256 : i32
    %add3A_349 = arith.addi %mul3A_347, %add3A_348 : i32
    "tpu.region"() ({
      %run_scoped3A_390 = tpu.sem_alloc : memref<!tpu.dma_semaphore, #tpu.memory_space<semaphore_mem>>
      %dma_start3A_391 = arith.constant 0 : i32
      %dma_start3A_392 = tpu.memref_slice %arg4[%arg0, %add3A_349, %dma_start3A_391] : memref<2x10240x128xf32, #tpu.memory_space<hbm>> -> memref<1x64x128xf32, #tpu.memory_space<hbm>>
      %dma_start3A_393 = tpu.memref_squeeze %dma_start3A_392 : memref<1x64x128xf32, #tpu.memory_space<hbm>> -> memref<64x128xf32, #tpu.memory_space<hbm>>
      %dma_start3A_394 = arith.constant 0 : i32
      %dma_start3A_395 = tpu.memref_slice %arg4[%arg0, %add3A_349, %dma_start3A_394] : memref<2x10240x128xf32, #tpu.memory_space<hbm>> -> memref<1x64x128xf32, #tpu.memory_space<hbm>>
      %dma_start3A_396 = tpu.memref_squeeze %dma_start3A_395 : memref<1x64x128xf32, #tpu.memory_space<hbm>> -> memref<64x128xf32, #tpu.memory_space<hbm>>
      tpu.enqueue_dma source(%arg7 : memref<64x128xf32, #tpu.memory_space<vmem>>) target(%dma_start3A_396 : memref<64x128xf32, #tpu.memory_space<hbm>>) target_semaphore(%run_scoped3A_390 : memref<!tpu.dma_semaphore, #tpu.memory_space<semaphore_mem>>)
      %dma_wait3A_397 = arith.constant 0 : i32
      %dma_wait3A_398 = tpu.memref_slice %arg4[%arg0, %add3A_349, %dma_wait3A_397] : memref<2x10240x128xf32, #tpu.memory_space<hbm>> -> memref<1x64x128xf32, #tpu.memory_space<hbm>>
      %dma_wait3A_399 = tpu.memref_squeeze %dma_wait3A_398 : memref<1x64x128xf32, #tpu.memory_space<hbm>> -> memref<64x128xf32, #tpu.memory_space<hbm>>
      %dma_wait3A_400 = arith.constant 0 : i32
      %dma_wait3A_401 = tpu.memref_slice %arg4[%arg0, %add3A_349, %dma_wait3A_400] : memref<2x10240x128xf32, #tpu.memory_space<hbm>> -> memref<1x64x128xf32, #tpu.memory_space<hbm>>
      %dma_wait3A_402 = tpu.memref_squeeze %dma_wait3A_401 : memref<1x64x128xf32, #tpu.memory_space<hbm>> -> memref<64x128xf32, #tpu.memory_space<hbm>>
      tpu.wait_dma2 semaphore(%run_scoped3A_390 : memref<!tpu.dma_semaphore, #tpu.memory_space<semaphore_mem>>) src(%arg7 : memref<64x128xf32, #tpu.memory_space<vmem>>) dst(%dma_wait3A_402 : memref<64x128xf32, #tpu.memory_space<hbm>>)
      tpu.yield
    }) : () -> ()
    %mul3A_350 = arith.constant 640 : i32
    %mul3A_351 = arith.muli %arg1, %mul3A_350 : i32
    %add3A_352 = arith.constant 320 : i32
    %add3A_353 = arith.addi %mul3A_351, %add3A_352 : i32
    "tpu.region"() ({
      %run_scoped3A_390 = tpu.sem_alloc : memref<!tpu.dma_semaphore, #tpu.memory_space<semaphore_mem>>
      %dma_start3A_391 = arith.constant 0 : i32
      %dma_start3A_392 = tpu.memref_slice %arg11[%add3A_353, %dma_start3A_391] : memref<10240x128xf32, #tpu.memory_space<vmem_shared>> -> memref<64x128xf32, #tpu.memory_space<vmem_shared>>
      %dma_start3A_393 = arith.constant 0 : i32
      %dma_start3A_394 = tpu.memref_slice %arg11[%add3A_353, %dma_start3A_393] : memref<10240x128xf32, #tpu.memory_space<vmem_shared>> -> memref<64x128xf32, #tpu.memory_space<vmem_shared>>
      tpu.enqueue_dma source(%dma_start3A_394 : memref<64x128xf32, #tpu.memory_space<vmem_shared>>) target(%arg7 : memref<64x128xf32, #tpu.memory_space<vmem>>) target_semaphore(%run_scoped3A_390 : memref<!tpu.dma_semaphore, #tpu.memory_space<semaphore_mem>>)
      %dma_wait3A_395 = arith.constant 0 : i32
      %dma_wait3A_396 = tpu.memref_slice %arg11[%add3A_353, %dma_wait3A_395] : memref<10240x128xf32, #tpu.memory_space<vmem_shared>> -> memref<64x128xf32, #tpu.memory_space<vmem_shared>>
      %dma_wait3A_397 = arith.constant 0 : i32
      %dma_wait3A_398 = tpu.memref_slice %arg11[%add3A_353, %dma_wait3A_397] : memref<10240x128xf32, #tpu.memory_space<vmem_shared>> -> memref<64x128xf32, #tpu.memory_space<vmem_shared>>
      tpu.wait_dma2 semaphore(%run_scoped3A_390 : memref<!tpu.dma_semaphore, #tpu.memory_space<semaphore_mem>>) src(%dma_wait3A_398 : memref<64x128xf32, #tpu.memory_space<vmem_shared>>) dst(%arg7 : memref<64x128xf32, #tpu.memory_space<vmem>>)
      tpu.yield
    }) : () -> ()
    %mul3A_354 = arith.constant 640 : i32
    %mul3A_355 = arith.muli %arg1, %mul3A_354 : i32
    %add3A_356 = arith.constant 320 : i32
    %add3A_357 = arith.addi %mul3A_355, %add3A_356 : i32
    "tpu.region"() ({
      %run_scoped3A_390 = tpu.sem_alloc : memref<!tpu.dma_semaphore, #tpu.memory_space<semaphore_mem>>
      %dma_start3A_391 = arith.constant 0 : i32
      %dma_start3A_392 = tpu.memref_slice %arg4[%arg0, %add3A_357, %dma_start3A_391] : memref<2x10240x128xf32, #tpu.memory_space<hbm>> -> memref<1x64x128xf32, #tpu.memory_space<hbm>>
      %dma_start3A_393 = tpu.memref_squeeze %dma_start3A_392 : memref<1x64x128xf32, #tpu.memory_space<hbm>> -> memref<64x128xf32, #tpu.memory_space<hbm>>
      %dma_start3A_394 = arith.constant 0 : i32
      %dma_start3A_395 = tpu.memref_slice %arg4[%arg0, %add3A_357, %dma_start3A_394] : memref<2x10240x128xf32, #tpu.memory_space<hbm>> -> memref<1x64x128xf32, #tpu.memory_space<hbm>>
      %dma_start3A_396 = tpu.memref_squeeze %dma_start3A_395 : memref<1x64x128xf32, #tpu.memory_space<hbm>> -> memref<64x128xf32, #tpu.memory_space<hbm>>
      tpu.enqueue_dma source(%arg7 : memref<64x128xf32, #tpu.memory_space<vmem>>) target(%dma_start3A_396 : memref<64x128xf32, #tpu.memory_space<hbm>>) target_semaphore(%run_scoped3A_390 : memref<!tpu.dma_semaphore, #tpu.memory_space<semaphore_mem>>)
      %dma_wait3A_397 = arith.constant 0 : i32
      %dma_wait3A_398 = tpu.memref_slice %arg4[%arg0, %add3A_357, %dma_wait3A_397] : memref<2x10240x128xf32, #tpu.memory_space<hbm>> -> memref<1x64x128xf32, #tpu.memory_space<hbm>>
      %dma_wait3A_399 = tpu.memref_squeeze %dma_wait3A_398 : memref<1x64x128xf32, #tpu.memory_space<hbm>> -> memref<64x128xf32, #tpu.memory_space<hbm>>
      %dma_wait3A_400 = arith.constant 0 : i32
      %dma_wait3A_401 = tpu.memref_slice %arg4[%arg0, %add3A_357, %dma_wait3A_400] : memref<2x10240x128xf32, #tpu.memory_space<hbm>> -> memref<1x64x128xf32, #tpu.memory_space<hbm>>
      %dma_wait3A_402 = tpu.memref_squeeze %dma_wait3A_401 : memref<1x64x128xf32, #tpu.memory_space<hbm>> -> memref<64x128xf32, #tpu.memory_space<hbm>>
      tpu.wait_dma2 semaphore(%run_scoped3A_390 : memref<!tpu.dma_semaphore, #tpu.memory_space<semaphore_mem>>) src(%arg7 : memref<64x128xf32, #tpu.memory_space<vmem>>) dst(%dma_wait3A_402 : memref<64x128xf32, #tpu.memory_space<hbm>>)
      tpu.yield
    }) : () -> ()
    %mul3A_358 = arith.constant 640 : i32
    %mul3A_359 = arith.muli %arg1, %mul3A_358 : i32
    %add3A_360 = arith.constant 384 : i32
    %add3A_361 = arith.addi %mul3A_359, %add3A_360 : i32
    "tpu.region"() ({
      %run_scoped3A_390 = tpu.sem_alloc : memref<!tpu.dma_semaphore, #tpu.memory_space<semaphore_mem>>
      %dma_start3A_391 = arith.constant 0 : i32
      %dma_start3A_392 = tpu.memref_slice %arg11[%add3A_361, %dma_start3A_391] : memref<10240x128xf32, #tpu.memory_space<vmem_shared>> -> memref<64x128xf32, #tpu.memory_space<vmem_shared>>
      %dma_start3A_393 = arith.constant 0 : i32
      %dma_start3A_394 = tpu.memref_slice %arg11[%add3A_361, %dma_start3A_393] : memref<10240x128xf32, #tpu.memory_space<vmem_shared>> -> memref<64x128xf32, #tpu.memory_space<vmem_shared>>
      tpu.enqueue_dma source(%dma_start3A_394 : memref<64x128xf32, #tpu.memory_space<vmem_shared>>) target(%arg7 : memref<64x128xf32, #tpu.memory_space<vmem>>) target_semaphore(%run_scoped3A_390 : memref<!tpu.dma_semaphore, #tpu.memory_space<semaphore_mem>>)
      %dma_wait3A_395 = arith.constant 0 : i32
      %dma_wait3A_396 = tpu.memref_slice %arg11[%add3A_361, %dma_wait3A_395] : memref<10240x128xf32, #tpu.memory_space<vmem_shared>> -> memref<64x128xf32, #tpu.memory_space<vmem_shared>>
      %dma_wait3A_397 = arith.constant 0 : i32
      %dma_wait3A_398 = tpu.memref_slice %arg11[%add3A_361, %dma_wait3A_397] : memref<10240x128xf32, #tpu.memory_space<vmem_shared>> -> memref<64x128xf32, #tpu.memory_space<vmem_shared>>
      tpu.wait_dma2 semaphore(%run_scoped3A_390 : memref<!tpu.dma_semaphore, #tpu.memory_space<semaphore_mem>>) src(%dma_wait3A_398 : memref<64x128xf32, #tpu.memory_space<vmem_shared>>) dst(%arg7 : memref<64x128xf32, #tpu.memory_space<vmem>>)
      tpu.yield
    }) : () -> ()
    %mul3A_362 = arith.constant 640 : i32
    %mul3A_363 = arith.muli %arg1, %mul3A_362 : i32
    %add3A_364 = arith.constant 384 : i32
    %add3A_365 = arith.addi %mul3A_363, %add3A_364 : i32
    "tpu.region"() ({
      %run_scoped3A_390 = tpu.sem_alloc : memref<!tpu.dma_semaphore, #tpu.memory_space<semaphore_mem>>
      %dma_start3A_391 = arith.constant 0 : i32
      %dma_start3A_392 = tpu.memref_slice %arg4[%arg0, %add3A_365, %dma_start3A_391] : memref<2x10240x128xf32, #tpu.memory_space<hbm>> -> memref<1x64x128xf32, #tpu.memory_space<hbm>>
      %dma_start3A_393 = tpu.memref_squeeze %dma_start3A_392 : memref<1x64x128xf32, #tpu.memory_space<hbm>> -> memref<64x128xf32, #tpu.memory_space<hbm>>
      %dma_start3A_394 = arith.constant 0 : i32
      %dma_start3A_395 = tpu.memref_slice %arg4[%arg0, %add3A_365, %dma_start3A_394] : memref<2x10240x128xf32, #tpu.memory_space<hbm>> -> memref<1x64x128xf32, #tpu.memory_space<hbm>>
      %dma_start3A_396 = tpu.memref_squeeze %dma_start3A_395 : memref<1x64x128xf32, #tpu.memory_space<hbm>> -> memref<64x128xf32, #tpu.memory_space<hbm>>
      tpu.enqueue_dma source(%arg7 : memref<64x128xf32, #tpu.memory_space<vmem>>) target(%dma_start3A_396 : memref<64x128xf32, #tpu.memory_space<hbm>>) target_semaphore(%run_scoped3A_390 : memref<!tpu.dma_semaphore, #tpu.memory_space<semaphore_mem>>)
      %dma_wait3A_397 = arith.constant 0 : i32
      %dma_wait3A_398 = tpu.memref_slice %arg4[%arg0, %add3A_365, %dma_wait3A_397] : memref<2x10240x128xf32, #tpu.memory_space<hbm>> -> memref<1x64x128xf32, #tpu.memory_space<hbm>>
      %dma_wait3A_399 = tpu.memref_squeeze %dma_wait3A_398 : memref<1x64x128xf32, #tpu.memory_space<hbm>> -> memref<64x128xf32, #tpu.memory_space<hbm>>
      %dma_wait3A_400 = arith.constant 0 : i32
      %dma_wait3A_401 = tpu.memref_slice %arg4[%arg0, %add3A_365, %dma_wait3A_400] : memref<2x10240x128xf32, #tpu.memory_space<hbm>> -> memref<1x64x128xf32, #tpu.memory_space<hbm>>
      %dma_wait3A_402 = tpu.memref_squeeze %dma_wait3A_401 : memref<1x64x128xf32, #tpu.memory_space<hbm>> -> memref<64x128xf32, #tpu.memory_space<hbm>>
      tpu.wait_dma2 semaphore(%run_scoped3A_390 : memref<!tpu.dma_semaphore, #tpu.memory_space<semaphore_mem>>) src(%arg7 : memref<64x128xf32, #tpu.memory_space<vmem>>) dst(%dma_wait3A_402 : memref<64x128xf32, #tpu.memory_space<hbm>>)
      tpu.yield
    }) : () -> ()
    %mul3A_366 = arith.constant 640 : i32
    %mul3A_367 = arith.muli %arg1, %mul3A_366 : i32
    %add3A_368 = arith.constant 448 : i32
    %add3A_369 = arith.addi %mul3A_367, %add3A_368 : i32
    "tpu.region"() ({
      %run_scoped3A_390 = tpu.sem_alloc : memref<!tpu.dma_semaphore, #tpu.memory_space<semaphore_mem>>
      %dma_start3A_391 = arith.constant 0 : i32
      %dma_start3A_392 = tpu.memref_slice %arg11[%add3A_369, %dma_start3A_391] : memref<10240x128xf32, #tpu.memory_space<vmem_shared>> -> memref<64x128xf32, #tpu.memory_space<vmem_shared>>
      %dma_start3A_393 = arith.constant 0 : i32
      %dma_start3A_394 = tpu.memref_slice %arg11[%add3A_369, %dma_start3A_393] : memref<10240x128xf32, #tpu.memory_space<vmem_shared>> -> memref<64x128xf32, #tpu.memory_space<vmem_shared>>
      tpu.enqueue_dma source(%dma_start3A_394 : memref<64x128xf32, #tpu.memory_space<vmem_shared>>) target(%arg7 : memref<64x128xf32, #tpu.memory_space<vmem>>) target_semaphore(%run_scoped3A_390 : memref<!tpu.dma_semaphore, #tpu.memory_space<semaphore_mem>>)
      %dma_wait3A_395 = arith.constant 0 : i32
      %dma_wait3A_396 = tpu.memref_slice %arg11[%add3A_369, %dma_wait3A_395] : memref<10240x128xf32, #tpu.memory_space<vmem_shared>> -> memref<64x128xf32, #tpu.memory_space<vmem_shared>>
      %dma_wait3A_397 = arith.constant 0 : i32
      %dma_wait3A_398 = tpu.memref_slice %arg11[%add3A_369, %dma_wait3A_397] : memref<10240x128xf32, #tpu.memory_space<vmem_shared>> -> memref<64x128xf32, #tpu.memory_space<vmem_shared>>
      tpu.wait_dma2 semaphore(%run_scoped3A_390 : memref<!tpu.dma_semaphore, #tpu.memory_space<semaphore_mem>>) src(%dma_wait3A_398 : memref<64x128xf32, #tpu.memory_space<vmem_shared>>) dst(%arg7 : memref<64x128xf32, #tpu.memory_space<vmem>>)
      tpu.yield
    }) : () -> ()
    %mul3A_370 = arith.constant 640 : i32
    %mul3A_371 = arith.muli %arg1, %mul3A_370 : i32
    %add3A_372 = arith.constant 448 : i32
    %add3A_373 = arith.addi %mul3A_371, %add3A_372 : i32
    "tpu.region"() ({
      %run_scoped3A_390 = tpu.sem_alloc : memref<!tpu.dma_semaphore, #tpu.memory_space<semaphore_mem>>
      %dma_start3A_391 = arith.constant 0 : i32
      %dma_start3A_392 = tpu.memref_slice %arg4[%arg0, %add3A_373, %dma_start3A_391] : memref<2x10240x128xf32, #tpu.memory_space<hbm>> -> memref<1x64x128xf32, #tpu.memory_space<hbm>>
      %dma_start3A_393 = tpu.memref_squeeze %dma_start3A_392 : memref<1x64x128xf32, #tpu.memory_space<hbm>> -> memref<64x128xf32, #tpu.memory_space<hbm>>
      %dma_start3A_394 = arith.constant 0 : i32
      %dma_start3A_395 = tpu.memref_slice %arg4[%arg0, %add3A_373, %dma_start3A_394] : memref<2x10240x128xf32, #tpu.memory_space<hbm>> -> memref<1x64x128xf32, #tpu.memory_space<hbm>>
      %dma_start3A_396 = tpu.memref_squeeze %dma_start3A_395 : memref<1x64x128xf32, #tpu.memory_space<hbm>> -> memref<64x128xf32, #tpu.memory_space<hbm>>
      tpu.enqueue_dma source(%arg7 : memref<64x128xf32, #tpu.memory_space<vmem>>) target(%dma_start3A_396 : memref<64x128xf32, #tpu.memory_space<hbm>>) target_semaphore(%run_scoped3A_390 : memref<!tpu.dma_semaphore, #tpu.memory_space<semaphore_mem>>)
      %dma_wait3A_397 = arith.constant 0 : i32
      %dma_wait3A_398 = tpu.memref_slice %arg4[%arg0, %add3A_373, %dma_wait3A_397] : memref<2x10240x128xf32, #tpu.memory_space<hbm>> -> memref<1x64x128xf32, #tpu.memory_space<hbm>>
      %dma_wait3A_399 = tpu.memref_squeeze %dma_wait3A_398 : memref<1x64x128xf32, #tpu.memory_space<hbm>> -> memref<64x128xf32, #tpu.memory_space<hbm>>
      %dma_wait3A_400 = arith.constant 0 : i32
      %dma_wait3A_401 = tpu.memref_slice %arg4[%arg0, %add3A_373, %dma_wait3A_400] : memref<2x10240x128xf32, #tpu.memory_space<hbm>> -> memref<1x64x128xf32, #tpu.memory_space<hbm>>
      %dma_wait3A_402 = tpu.memref_squeeze %dma_wait3A_401 : memref<1x64x128xf32, #tpu.memory_space<hbm>> -> memref<64x128xf32, #tpu.memory_space<hbm>>
      tpu.wait_dma2 semaphore(%run_scoped3A_390 : memref<!tpu.dma_semaphore, #tpu.memory_space<semaphore_mem>>) src(%arg7 : memref<64x128xf32, #tpu.memory_space<vmem>>) dst(%dma_wait3A_402 : memref<64x128xf32, #tpu.memory_space<hbm>>)
      tpu.yield
    }) : () -> ()
    %mul3A_374 = arith.constant 640 : i32
    %mul3A_375 = arith.muli %arg1, %mul3A_374 : i32
    %add3A_376 = arith.constant 512 : i32
    %add3A_377 = arith.addi %mul3A_375, %add3A_376 : i32
    "tpu.region"() ({
      %run_scoped3A_390 = tpu.sem_alloc : memref<!tpu.dma_semaphore, #tpu.memory_space<semaphore_mem>>
      %dma_start3A_391 = arith.constant 0 : i32
      %dma_start3A_392 = tpu.memref_slice %arg11[%add3A_377, %dma_start3A_391] : memref<10240x128xf32, #tpu.memory_space<vmem_shared>> -> memref<64x128xf32, #tpu.memory_space<vmem_shared>>
      %dma_start3A_393 = arith.constant 0 : i32
      %dma_start3A_394 = tpu.memref_slice %arg11[%add3A_377, %dma_start3A_393] : memref<10240x128xf32, #tpu.memory_space<vmem_shared>> -> memref<64x128xf32, #tpu.memory_space<vmem_shared>>
      tpu.enqueue_dma source(%dma_start3A_394 : memref<64x128xf32, #tpu.memory_space<vmem_shared>>) target(%arg7 : memref<64x128xf32, #tpu.memory_space<vmem>>) target_semaphore(%run_scoped3A_390 : memref<!tpu.dma_semaphore, #tpu.memory_space<semaphore_mem>>)
      %dma_wait3A_395 = arith.constant 0 : i32
      %dma_wait3A_396 = tpu.memref_slice %arg11[%add3A_377, %dma_wait3A_395] : memref<10240x128xf32, #tpu.memory_space<vmem_shared>> -> memref<64x128xf32, #tpu.memory_space<vmem_shared>>
      %dma_wait3A_397 = arith.constant 0 : i32
      %dma_wait3A_398 = tpu.memref_slice %arg11[%add3A_377, %dma_wait3A_397] : memref<10240x128xf32, #tpu.memory_space<vmem_shared>> -> memref<64x128xf32, #tpu.memory_space<vmem_shared>>
      tpu.wait_dma2 semaphore(%run_scoped3A_390 : memref<!tpu.dma_semaphore, #tpu.memory_space<semaphore_mem>>) src(%dma_wait3A_398 : memref<64x128xf32, #tpu.memory_space<vmem_shared>>) dst(%arg7 : memref<64x128xf32, #tpu.memory_space<vmem>>)
      tpu.yield
    }) : () -> ()
    %mul3A_378 = arith.constant 640 : i32
    %mul3A_379 = arith.muli %arg1, %mul3A_378 : i32
    %add3A_380 = arith.constant 512 : i32
    %add3A_381 = arith.addi %mul3A_379, %add3A_380 : i32
    "tpu.region"() ({
      %run_scoped3A_390 = tpu.sem_alloc : memref<!tpu.dma_semaphore, #tpu.memory_space<semaphore_mem>>
      %dma_start3A_391 = arith.constant 0 : i32
      %dma_start3A_392 = tpu.memref_slice %arg4[%arg0, %add3A_381, %dma_start3A_391] : memref<2x10240x128xf32, #tpu.memory_space<hbm>> -> memref<1x64x128xf32, #tpu.memory_space<hbm>>
      %dma_start3A_393 = tpu.memref_squeeze %dma_start3A_392 : memref<1x64x128xf32, #tpu.memory_space<hbm>> -> memref<64x128xf32, #tpu.memory_space<hbm>>
      %dma_start3A_394 = arith.constant 0 : i32
      %dma_start3A_395 = tpu.memref_slice %arg4[%arg0, %add3A_381, %dma_start3A_394] : memref<2x10240x128xf32, #tpu.memory_space<hbm>> -> memref<1x64x128xf32, #tpu.memory_space<hbm>>
      %dma_start3A_396 = tpu.memref_squeeze %dma_start3A_395 : memref<1x64x128xf32, #tpu.memory_space<hbm>> -> memref<64x128xf32, #tpu.memory_space<hbm>>
      tpu.enqueue_dma source(%arg7 : memref<64x128xf32, #tpu.memory_space<vmem>>) target(%dma_start3A_396 : memref<64x128xf32, #tpu.memory_space<hbm>>) target_semaphore(%run_scoped3A_390 : memref<!tpu.dma_semaphore, #tpu.memory_space<semaphore_mem>>)
      %dma_wait3A_397 = arith.constant 0 : i32
      %dma_wait3A_398 = tpu.memref_slice %arg4[%arg0, %add3A_381, %dma_wait3A_397] : memref<2x10240x128xf32, #tpu.memory_space<hbm>> -> memref<1x64x128xf32, #tpu.memory_space<hbm>>
      %dma_wait3A_399 = tpu.memref_squeeze %dma_wait3A_398 : memref<1x64x128xf32, #tpu.memory_space<hbm>> -> memref<64x128xf32, #tpu.memory_space<hbm>>
      %dma_wait3A_400 = arith.constant 0 : i32
      %dma_wait3A_401 = tpu.memref_slice %arg4[%arg0, %add3A_381, %dma_wait3A_400] : memref<2x10240x128xf32, #tpu.memory_space<hbm>> -> memref<1x64x128xf32, #tpu.memory_space<hbm>>
      %dma_wait3A_402 = tpu.memref_squeeze %dma_wait3A_401 : memref<1x64x128xf32, #tpu.memory_space<hbm>> -> memref<64x128xf32, #tpu.memory_space<hbm>>
      tpu.wait_dma2 semaphore(%run_scoped3A_390 : memref<!tpu.dma_semaphore, #tpu.memory_space<semaphore_mem>>) src(%arg7 : memref<64x128xf32, #tpu.memory_space<vmem>>) dst(%dma_wait3A_402 : memref<64x128xf32, #tpu.memory_space<hbm>>)
      tpu.yield
    }) : () -> ()
    %mul3A_382 = arith.constant 640 : i32
    %mul3A_383 = arith.muli %arg1, %mul3A_382 : i32
    %add3A_384 = arith.constant 576 : i32
    %add3A_385 = arith.addi %mul3A_383, %add3A_384 : i32
    "tpu.region"() ({
      %run_scoped3A_390 = tpu.sem_alloc : memref<!tpu.dma_semaphore, #tpu.memory_space<semaphore_mem>>
      %dma_start3A_391 = arith.constant 0 : i32
      %dma_start3A_392 = tpu.memref_slice %arg11[%add3A_385, %dma_start3A_391] : memref<10240x128xf32, #tpu.memory_space<vmem_shared>> -> memref<64x128xf32, #tpu.memory_space<vmem_shared>>
      %dma_start3A_393 = arith.constant 0 : i32
      %dma_start3A_394 = tpu.memref_slice %arg11[%add3A_385, %dma_start3A_393] : memref<10240x128xf32, #tpu.memory_space<vmem_shared>> -> memref<64x128xf32, #tpu.memory_space<vmem_shared>>
      tpu.enqueue_dma source(%dma_start3A_394 : memref<64x128xf32, #tpu.memory_space<vmem_shared>>) target(%arg7 : memref<64x128xf32, #tpu.memory_space<vmem>>) target_semaphore(%run_scoped3A_390 : memref<!tpu.dma_semaphore, #tpu.memory_space<semaphore_mem>>)
      %dma_wait3A_395 = arith.constant 0 : i32
      %dma_wait3A_396 = tpu.memref_slice %arg11[%add3A_385, %dma_wait3A_395] : memref<10240x128xf32, #tpu.memory_space<vmem_shared>> -> memref<64x128xf32, #tpu.memory_space<vmem_shared>>
      %dma_wait3A_397 = arith.constant 0 : i32
      %dma_wait3A_398 = tpu.memref_slice %arg11[%add3A_385, %dma_wait3A_397] : memref<10240x128xf32, #tpu.memory_space<vmem_shared>> -> memref<64x128xf32, #tpu.memory_space<vmem_shared>>
      tpu.wait_dma2 semaphore(%run_scoped3A_390 : memref<!tpu.dma_semaphore, #tpu.memory_space<semaphore_mem>>) src(%dma_wait3A_398 : memref<64x128xf32, #tpu.memory_space<vmem_shared>>) dst(%arg7 : memref<64x128xf32, #tpu.memory_space<vmem>>)
      tpu.yield
    }) : () -> ()
    %mul3A_386 = arith.constant 640 : i32
    %mul3A_387 = arith.muli %arg1, %mul3A_386 : i32
    %add3A_388 = arith.constant 576 : i32
    %add3A_389 = arith.addi %mul3A_387, %add3A_388 : i32
    "tpu.region"() ({
      %run_scoped3A_390 = tpu.sem_alloc : memref<!tpu.dma_semaphore, #tpu.memory_space<semaphore_mem>>
      %dma_start3A_391 = arith.constant 0 : i32
      %dma_start3A_392 = tpu.memref_slice %arg4[%arg0, %add3A_389, %dma_start3A_391] : memref<2x10240x128xf32, #tpu.memory_space<hbm>> -> memref<1x64x128xf32, #tpu.memory_space<hbm>>
      %dma_start3A_393 = tpu.memref_squeeze %dma_start3A_392 : memref<1x64x128xf32, #tpu.memory_space<hbm>> -> memref<64x128xf32, #tpu.memory_space<hbm>>
      %dma_start3A_394 = arith.constant 0 : i32
      %dma_start3A_395 = tpu.memref_slice %arg4[%arg0, %add3A_389, %dma_start3A_394] : memref<2x10240x128xf32, #tpu.memory_space<hbm>> -> memref<1x64x128xf32, #tpu.memory_space<hbm>>
      %dma_start3A_396 = tpu.memref_squeeze %dma_start3A_395 : memref<1x64x128xf32, #tpu.memory_space<hbm>> -> memref<64x128xf32, #tpu.memory_space<hbm>>
      tpu.enqueue_dma source(%arg7 : memref<64x128xf32, #tpu.memory_space<vmem>>) target(%dma_start3A_396 : memref<64x128xf32, #tpu.memory_space<hbm>>) target_semaphore(%run_scoped3A_390 : memref<!tpu.dma_semaphore, #tpu.memory_space<semaphore_mem>>)
      %dma_wait3A_397 = arith.constant 0 : i32
      %dma_wait3A_398 = tpu.memref_slice %arg4[%arg0, %add3A_389, %dma_wait3A_397] : memref<2x10240x128xf32, #tpu.memory_space<hbm>> -> memref<1x64x128xf32, #tpu.memory_space<hbm>>
      %dma_wait3A_399 = tpu.memref_squeeze %dma_wait3A_398 : memref<1x64x128xf32, #tpu.memory_space<hbm>> -> memref<64x128xf32, #tpu.memory_space<hbm>>
      %dma_wait3A_400 = arith.constant 0 : i32
      %dma_wait3A_401 = tpu.memref_slice %arg4[%arg0, %add3A_389, %dma_wait3A_400] : memref<2x10240x128xf32, #tpu.memory_space<hbm>> -> memref<1x64x128xf32, #tpu.memory_space<hbm>>
      %dma_wait3A_402 = tpu.memref_squeeze %dma_wait3A_401 : memref<1x64x128xf32, #tpu.memory_space<hbm>> -> memref<64x128xf32, #tpu.memory_space<hbm>>
      tpu.wait_dma2 semaphore(%run_scoped3A_390 : memref<!tpu.dma_semaphore, #tpu.memory_space<semaphore_mem>>) src(%arg7 : memref<64x128xf32, #tpu.memory_space<vmem>>) dst(%dma_wait3A_402 : memref<64x128xf32, #tpu.memory_space<hbm>>)
      tpu.yield
    }) : () -> ()
    return
  }
}

module attributes {stable_mosaic.version = 14 : i64} {
  func.func @_zw_body(%arg0: i32, %arg1: memref<2048x128xf32, #tpu.memory_space<vmem>>, %arg2: memref<128x128xf32, #tpu.memory_space<vmem>>, %arg3: memref<2048x128xf32, #tpu.memory_space<vmem>>) attributes {dimension_semantics = [#tpu.dimension_semantics<arbitrary>], iteration_bounds = array<i64: 5>, scalar_prefetch = 0 : i64, scratch_operands = 0 : i64, tpu.core_type = #tpu.core_type<tc>, window_params = [{transform_indices = @transform_0, window_bounds = array<i64: 2048, 128>}, {pipeline_mode = #tpu.pipeline_mode<synchronous>, transform_indices = @transform_1, window_bounds = array<i64: 128, 128>}, {transform_indices = @transform_2, window_bounds = array<i64: 2048, 128>}]} {
    %get3A = arith.constant 0 : index
    %get3A_0 = arith.constant 0 : index
    %get3A_1 = vector.load %arg1[%get3A, %get3A_0] : memref<2048x128xf32, #tpu.memory_space<vmem>>, vector<2048x128xf32>
    %get3A_2 = arith.constant 0 : index
    %get3A_3 = arith.constant 0 : index
    %get3A_4 = vector.load %arg2[%get3A_2, %get3A_3] : memref<128x128xf32, #tpu.memory_space<vmem>>, vector<128x128xf32>
    %dot_general3A = arith.constant dense<0.000000e+00> : vector<2048x128xf32>
    %dot_general3A_5 = tpu.matmul %get3A_1, %get3A_4, %dot_general3A {dimension_numbers = #tpu.dot_dimension_numbers<[1], [0], [0], [1], [0, 0, 1, 1], [], []>, transpose_lhs_hint = false} : vector<2048x128xf32>, vector<128x128xf32>, vector<2048x128xf32> -> vector<2048x128xf32>
    %swap3A = arith.constant 0 : index
    %swap3A_6 = arith.constant 0 : index
    %swap3A_7 = vector.load %arg3[%swap3A, %swap3A_6] : memref<2048x128xf32, #tpu.memory_space<vmem>>, vector<2048x128xf32>
    tpu.vector_store %arg3[%swap3A, %swap3A_6], %dot_general3A_5 {strides = array<i32>} : memref<2048x128xf32, #tpu.memory_space<vmem>>, vector<2048x128xf32>,
    return
  }
  func.func @transform_0(%arg0: i32) -> (i32, i32) {
    %c0_i32 = arith.constant 0 : i32
    %c0_i32_0 = arith.constant 0 : i32
    return %arg0, %c0_i32 : i32, i32
  }
  func.func @transform_1(%arg0: i32) -> (i32, i32) {
    %c0_i32 = arith.constant 0 : i32
    %c0_i32_0 = arith.constant 0 : i32
    %c0_i32_1 = arith.constant 0 : i32
    return %c0_i32, %c0_i32_0 : i32, i32
  }
  func.func @transform_2(%arg0: i32) -> (i32, i32) {
    %c0_i32 = arith.constant 0 : i32
    %c0_i32_0 = arith.constant 0 : i32
    return %arg0, %c0_i32 : i32, i32
  }
}

module attributes {stable_mosaic.version = 14 : i64} {
  func.func @_scale_body(%arg0: i32, %arg1: memref<2048x128xf32, #tpu.memory_space<vmem>>, %arg2: memref<2x2048xf32, #tpu.memory_space<vmem>>, %arg3: memref<2048x128xf32, #tpu.memory_space<vmem>>) attributes {dimension_semantics = [#tpu.dimension_semantics<arbitrary>], iteration_bounds = array<i64: 5>, scalar_prefetch = 0 : i64, scratch_operands = 0 : i64, tpu.core_type = #tpu.core_type<tc>, window_params = [{transform_indices = @transform_0, window_bounds = array<i64: 2048, 128>}, {transform_indices = @transform_1, window_bounds = array<i64: 2, 2048>}, {transform_indices = @transform_2, window_bounds = array<i64: 2048, 128>}]} {
    %get3A = arith.constant 0 : index
    %get3A_0 = arith.constant 0 : index
    %get3A_1 = vector.load %arg2[%get3A, %get3A_0] : memref<2x2048xf32, #tpu.memory_space<vmem>>, vector<1x2048xf32>
    %get3A_2 = vector.shape_cast %get3A_1 : vector<1x2048xf32> to vector<2048xf32>
    %get3A_3 = arith.constant 1 : index
    %get3A_4 = arith.constant 0 : index
    %get3A_5 = vector.load %arg2[%get3A_3, %get3A_4] : memref<2x2048xf32, #tpu.memory_space<vmem>>, vector<1x2048xf32>
    %get3A_6 = vector.shape_cast %get3A_5 : vector<1x2048xf32> to vector<2048xf32>
    %add3A = arith.addf %get3A_2, %get3A_6 : vector<2048xf32>
    %add3A_7 = arith.constant 1.000000e+00 : f32
    %add3A_8 = vector.broadcast %add3A_7 : f32 to vector<2048xf32>
    %add3A_9 = arith.addf %add3A, %add3A_8 : vector<2048xf32>
    %rsqrt3A = math.rsqrt %add3A_9 : vector<2048xf32>
    %mul3A = arith.constant 2048 : i32
    %mul3A_10 = arith.muli %arg0, %mul3A : i32
    %iota3A = tpu.iota {dimensions = array<i32: 0>} : vector<2048x1xi32>
    %add3A_11 = vector.broadcast %mul3A_10 : i32 to vector<2048x1xi32>
    %add3A_12 = arith.addi %add3A_11, %iota3A : vector<2048x1xi32>
    %get3A_13 = arith.constant 0 : index
    %get3A_14 = arith.constant 0 : index
    %get3A_15 = vector.load %arg1[%get3A_13, %get3A_14] : memref<2048x128xf32, #tpu.memory_space<vmem>>, vector<2048x128xf32>
    %broadcast_in_dim3A = vector.shape_cast %rsqrt3A : vector<2048xf32> to vector<2048x1xf32>
    %mul3A_16 = vector.broadcast %broadcast_in_dim3A : vector<2048x1xf32> to vector<2048x128xf32>
    %mul3A_17 = arith.mulf %get3A_15, %mul3A_16 : vector<2048x128xf32>
    %lt3A = arith.constant 10000 : i32
    %lt3A_18 = vector.broadcast %lt3A : i32 to vector<2048x1xi32>
    %lt3A_19 = arith.cmpi slt, %add3A_12, %lt3A_18 : vector<2048x1xi32>
    %jit3A = arith.constant 0.000000e+00 : f32
    %broadcast_in_dim3A_20 = vector.shape_cast %lt3A_19 : vector<2048x1xi1> to vector<2048x1xi1>
    %broadcast_in_dim3A_21 = vector.broadcast %broadcast_in_dim3A_20 : vector<2048x1xi1> to vector<2048x128xi1>
    %broadcast_in_dim3A_22 = vector.broadcast %jit3A : f32 to vector<2048x128xf32>
    %select_n3A = arith.select %broadcast_in_dim3A_21, %mul3A_17, %broadcast_in_dim3A_22 : vector<2048x128xi1>, vector<2048x128xf32>
    %swap3A = arith.constant 0 : index
    %swap3A_23 = arith.constant 0 : index
    %swap3A_24 = vector.load %arg3[%swap3A, %swap3A_23] : memref<2048x128xf32, #tpu.memory_space<vmem>>, vector<2048x128xf32>
    tpu.vector_store %arg3[%swap3A, %swap3A_23], %select_n3A {strides = array<i32>} : memref<2048x128xf32, #tpu.memory_space<vmem>>, vector<2048x128xf32>,
    return
  }
  func.func @transform_0(%arg0: i32) -> (i32, i32) {
    %c0_i32 = arith.constant 0 : i32
    %c0_i32_0 = arith.constant 0 : i32
    return %arg0, %c0_i32 : i32, i32
  }
  func.func @transform_1(%arg0: i32) -> (i32, i32) {
    %c0_i32 = arith.constant 0 : i32
    %c0_i32_0 = arith.constant 0 : i32
    return %c0_i32, %arg0 : i32, i32
  }
  func.func @transform_2(%arg0: i32) -> (i32, i32) {
    %c0_i32 = arith.constant 0 : i32
    %c0_i32_0 = arith.constant 0 : i32
    return %arg0, %c0_i32 : i32, i32
  }
}

module attributes {stable_mosaic.version = 14 : i64} {
  func.func @_g_body(%arg0: i32, %arg1: memref<2x2048x128xf32, #tpu.memory_space<vmem>>, %arg2: memref<2048x128xf32, #tpu.memory_space<vmem>>, %arg3: memref<2x2048xf32, #tpu.memory_space<vmem>>, %arg4: memref<1x128xf32, #tpu.memory_space<vmem>>, %arg5: memref<2048x128xbf16, #tpu.memory_space<vmem>>, %arg6: memref<128x2048xbf16, #tpu.memory_space<vmem>>) attributes {dimension_semantics = [#tpu.dimension_semantics<arbitrary>], iteration_bounds = array<i64: 5>, scalar_prefetch = 0 : i64, scratch_operands = 0 : i64, tpu.core_type = #tpu.core_type<tc>, window_params = [{transform_indices = @transform_0, window_bounds = array<i64: 2, 2048, 128>}, {transform_indices = @transform_1, window_bounds = array<i64: 2048, 128>}, {transform_indices = @transform_2, window_bounds = array<i64: 2, 2048>}, {pipeline_mode = #tpu.pipeline_mode<synchronous>, transform_indices = @transform_3, window_bounds = array<i64: 1, 128>}, {transform_indices = @transform_4, window_bounds = array<i64: 2048, 128>}, {transform_indices = @transform_5, window_bounds = array<i64: 128, 2048>}]} {
    %get3A = arith.constant 0 : index
    %get3A_0 = arith.constant 0 : index
    %get3A_1 = vector.load %arg3[%get3A, %get3A_0] : memref<2x2048xf32, #tpu.memory_space<vmem>>, vector<1x2048xf32>
    %get3A_2 = vector.shape_cast %get3A_1 : vector<1x2048xf32> to vector<2048xf32>
    %get3A_3 = arith.constant 1 : index
    %get3A_4 = arith.constant 0 : index
    %get3A_5 = vector.load %arg3[%get3A_3, %get3A_4] : memref<2x2048xf32, #tpu.memory_space<vmem>>, vector<1x2048xf32>
    %get3A_6 = vector.shape_cast %get3A_5 : vector<1x2048xf32> to vector<2048xf32>
    %add3A = arith.addf %get3A_2, %get3A_6 : vector<2048xf32>
    %add3A_7 = arith.constant 1.000000e+00 : f32
    %add3A_8 = vector.broadcast %add3A_7 : f32 to vector<2048xf32>
    %add3A_9 = arith.addf %add3A, %add3A_8 : vector<2048xf32>
    %rsqrt3A = math.rsqrt %add3A_9 : vector<2048xf32>
    %get3A_10 = arith.constant 0 : index
    %get3A_11 = arith.constant 0 : index
    %get3A_12 = arith.constant 0 : index
    %get3A_13 = vector.load %arg1[%get3A_10, %get3A_11, %get3A_12] : memref<2x2048x128xf32, #tpu.memory_space<vmem>>, vector<1x2048x128xf32>
    %get3A_14 = vector.shape_cast %get3A_13 : vector<1x2048x128xf32> to vector<2048x128xf32>
    %get3A_15 = arith.constant 1 : index
    %get3A_16 = arith.constant 0 : index
    %get3A_17 = arith.constant 0 : index
    %get3A_18 = vector.load %arg1[%get3A_15, %get3A_16, %get3A_17] : memref<2x2048x128xf32, #tpu.memory_space<vmem>>, vector<1x2048x128xf32>
    %get3A_19 = vector.shape_cast %get3A_18 : vector<1x2048x128xf32> to vector<2048x128xf32>
    %add3A_20 = arith.addf %get3A_14, %get3A_19 : vector<2048x128xf32>
    %get3A_21 = arith.constant 0 : index
    %get3A_22 = arith.constant 0 : index
    %get3A_23 = vector.load %arg2[%get3A_21, %get3A_22] : memref<2048x128xf32, #tpu.memory_space<vmem>>, vector<2048x128xf32>
    %add3A_24 = arith.addf %add3A_20, %get3A_23 : vector<2048x128xf32>
    %broadcast_in_dim3A = vector.shape_cast %rsqrt3A : vector<2048xf32> to vector<2048x1xf32>
    %mul3A = vector.broadcast %broadcast_in_dim3A : vector<2048x1xf32> to vector<2048x128xf32>
    %mul3A_25 = arith.mulf %add3A_24, %mul3A : vector<2048x128xf32>
    %get3A_26 = arith.constant 0 : index
    %get3A_27 = arith.constant 0 : index
    %get3A_28 = vector.load %arg4[%get3A_26, %get3A_27] : memref<1x128xf32, #tpu.memory_space<vmem>>, vector<1x128xf32>
    %add3A_29 = vector.broadcast %get3A_28 : vector<1x128xf32> to vector<2048x128xf32>
    %add3A_30 = arith.addf %mul3A_25, %add3A_29 : vector<2048x128xf32>
    %max3A = arith.constant 0.000000e+00 : f32
    %max3A_31 = vector.broadcast %max3A : f32 to vector<2048x128xf32>
    %max3A_32 = arith.maximumf %add3A_30, %max3A_31 : vector<2048x128xf32>
    %convert_element_type3A = arith.truncf %max3A_32 : vector<2048x128xf32> to vector<2048x128xbf16>
    %swap3A = arith.constant 0 : index
    %swap3A_33 = arith.constant 0 : index
    %swap3A_34 = vector.load %arg5[%swap3A, %swap3A_33] : memref<2048x128xbf16, #tpu.memory_space<vmem>>, vector<2048x128xbf16>
    tpu.vector_store %arg5[%swap3A, %swap3A_33], %convert_element_type3A {strides = array<i32>} : memref<2048x128xbf16, #tpu.memory_space<vmem>>, vector<2048x128xbf16>,
    %transpose3A = tpu.transpose %convert_element_type3A, [1, 0] : vector<2048x128xbf16> -> vector<128x2048xbf16>
    %swap3A_35 = arith.constant 0 : index
    %swap3A_36 = arith.constant 0 : index
    %swap3A_37 = vector.load %arg6[%swap3A_35, %swap3A_36] : memref<128x2048xbf16, #tpu.memory_space<vmem>>, vector<128x2048xbf16>
    tpu.vector_store %arg6[%swap3A_35, %swap3A_36], %transpose3A {strides = array<i32>} : memref<128x2048xbf16, #tpu.memory_space<vmem>>, vector<128x2048xbf16>,
    return
  }
  func.func @transform_0(%arg0: i32) -> (i32, i32, i32) {
    %c0_i32 = arith.constant 0 : i32
    %c0_i32_0 = arith.constant 0 : i32
    %c0_i32_1 = arith.constant 0 : i32
    return %c0_i32, %arg0, %c0_i32_0 : i32, i32, i32
  }
  func.func @transform_1(%arg0: i32) -> (i32, i32) {
    %c0_i32 = arith.constant 0 : i32
    %c0_i32_0 = arith.constant 0 : i32
    return %arg0, %c0_i32 : i32, i32
  }
  func.func @transform_2(%arg0: i32) -> (i32, i32) {
    %c0_i32 = arith.constant 0 : i32
    %c0_i32_0 = arith.constant 0 : i32
    return %c0_i32, %arg0 : i32, i32
  }
  func.func @transform_3(%arg0: i32) -> (i32, i32) {
    %c0_i32 = arith.constant 0 : i32
    %c0_i32_0 = arith.constant 0 : i32
    %c0_i32_1 = arith.constant 0 : i32
    return %c0_i32, %c0_i32_0 : i32, i32
  }
  func.func @transform_4(%arg0: i32) -> (i32, i32) {
    %c0_i32 = arith.constant 0 : i32
    %c0_i32_0 = arith.constant 0 : i32
    return %arg0, %c0_i32 : i32, i32
  }
  func.func @transform_5(%arg0: i32) -> (i32, i32) {
    %c0_i32 = arith.constant 0 : i32
    %c0_i32_0 = arith.constant 0 : i32
    return %c0_i32, %arg0 : i32, i32
  }
}

module attributes {stable_mosaic.version = 14 : i64} {
  func.func @_mm_body(%arg0: i32, %arg1: memref<400x128xbf16, #tpu.memory_space<vmem>>, %arg2: memref<128x10000xbf16, #tpu.memory_space<vmem>>, %arg3: memref<400x10000xf32, #tpu.memory_space<vmem>>) attributes {dimension_semantics = [#tpu.dimension_semantics<arbitrary>], iteration_bounds = array<i64: 25>, scalar_prefetch = 0 : i64, scratch_operands = 0 : i64, tpu.core_type = #tpu.core_type<tc>, window_params = [{transform_indices = @transform_0, window_bounds = array<i64: 400, 128>}, {pipeline_mode = #tpu.pipeline_mode<synchronous>, transform_indices = @transform_1, window_bounds = array<i64: 128, 10000>}, {transform_indices = @transform_2, window_bounds = array<i64: 400, 10000>}]} {
    %get3A = arith.constant 0 : index
    %get3A_0 = arith.constant 0 : index
    %get3A_1 = vector.load %arg1[%get3A, %get3A_0] : memref<400x128xbf16, #tpu.memory_space<vmem>>, vector<400x128xbf16>
    %get3A_2 = arith.constant 0 : index
    %get3A_3 = arith.constant 0 : index
    %get3A_4 = vector.load %arg2[%get3A_2, %get3A_3] : memref<128x10000xbf16, #tpu.memory_space<vmem>>, vector<128x10000xbf16>
    %dot_general3A = arith.constant dense<0.000000e+00> : vector<400x10000xf32>
    %dot_general3A_5 = tpu.matmul %get3A_1, %get3A_4, %dot_general3A {dimension_numbers = #tpu.dot_dimension_numbers<[1], [0], [0], [1], [0, 0, 1, 1], [], []>, transpose_lhs_hint = false} : vector<400x128xbf16>, vector<128x10000xbf16>, vector<400x10000xf32> -> vector<400x10000xf32>
    %swap3A = arith.constant 0 : index
    %swap3A_6 = arith.constant 0 : index
    %swap3A_7 = vector.load %arg3[%swap3A, %swap3A_6] : memref<400x10000xf32, #tpu.memory_space<vmem>>, vector<400x10000xf32>
    tpu.vector_store %arg3[%swap3A, %swap3A_6], %dot_general3A_5 {strides = array<i32>} : memref<400x10000xf32, #tpu.memory_space<vmem>>, vector<400x10000xf32>,
    return
  }
  func.func @transform_0(%arg0: i32) -> (i32, i32) {
    %c0_i32 = arith.constant 0 : i32
    %c0_i32_0 = arith.constant 0 : i32
    return %arg0, %c0_i32 : i32, i32
  }
  func.func @transform_1(%arg0: i32) -> (i32, i32) {
    %c0_i32 = arith.constant 0 : i32
    %c0_i32_0 = arith.constant 0 : i32
    %c0_i32_1 = arith.constant 0 : i32
    return %c0_i32, %c0_i32_0 : i32, i32
  }
  func.func @transform_2(%arg0: i32) -> (i32, i32) {
    %c0_i32 = arith.constant 0 : i32
    %c0_i32_0 = arith.constant 0 : i32
    return %arg0, %c0_i32 : i32, i32
  }
}

</mosaic_0001>

<sc_bundles>
// kernel: kernel.11.cloned.1.call-start
scs
__scs_entry_jumppad:
0x0: {  	(pc) =	sbr.rel $0x88, $3  }
0x1: {  	(tag) =	ssettag $0x0;
	lr =	simm.s32 $0x1  }
0x2: {  	[smem:$0x3F9D] =	sst lr;
	_ =	strace $0xD0000000  }
0x3: {  	_ = 	snop  }
0x4: {  	_ = 	snop  }
0x5: {  	_ = 	snop  }
0x6: {  	_ = 	snop  }
0x7: {  	_ = 	snop  }
__scs_overlays_trampoline_lowered:
0x8: {  	[smem:$0x3FAC] =	sst s0  }
0x9: {  	[smem:$0x3FAD] =	sst s1  }
0xa: {  	[smem:$0x3FAE] =	sst s2  }
0xb: {  	[smem:$0x3FAF] =	sst s3  }
0xc: {  	[smem:$0x3FB0] =	sst s4  }
0xd: {  	[smem:$0x3FB1] =	sst s5  }
0xe: {  	[smem:$0x3FB2] =	sst s6  }
0xf: {  	[smem:$0x3FB3] =	sst s7  }
0x10: {  	[smem:$0x3FB4] =	sst s8  }
0x11: {  	[smem:$0x3FB5] =	sst s9;
	s0 =	simm.s32 @!p0 $0x0  }
0x12: {  	s1 =	sld [smem:$0x3F9B];
	s0 =	simm.s32 @p0 $0x1  }
0x13: {  	[smem:$0x3FB6] =	sst s0;
	s0 =	simm.s32 @!p1 $0x0  }
0x14: {  	s2 =	sld [smem:$0x3F9A];
	s0 =	simm.s32 @p1 $0x1  }
0x15: {  	[smem:$0x3FB7] =	sst s0;
	s0 =	simm.s32 @!p2 $0x0  }
0x16: {  	s3 =	sld [smem:$0x3FDB];
	s0 =	simm.s32 @p2 $0x1  }
0x17: {  	s4 =	simm.s32 $0x1BF5;
	[smem:$0x3FB9] =	sst s0  }
0x18: {  	s0 =	sld [smem:$0x3F9C];
	_ =	swait.ge [sflag:s4], $0x0  }
0x19: {  	s7 =	sld [smem:$0x3F9D]  }
0x1a: {  	s8 =	sadd.s32 $0xFFFFE003, lr  }
0x1b: {  	s9 =	sadd.s32 $0xFFFFFEF7, lr;
	s5 =	simm.s32 $0xFFFFFFFF;
	p2 =	slt.u32 s8, $0xFFFFF086  }
0x1c: {  	p1 =	slt.u32 s9, $0xF7A;
	s5 =	simm.s32 @!p2 $0x0  }
0x1d: {  	s5 =	simm.s32 @p1 $0x1;
	p0 =	seq.s32 s7, s2  }
0x1e: {  	s7 =	smul.u32 @!p0 $0xF7A, s2;
	p2 =	seq.s32 @!p0 s5, $0x0  }
0x1f: {  	s9 =	smul.u32 $0xF7A, s1;
	s8 =	simm.s32 @!p0 $0x1BF5;
	p2 =	por !p2, p0  }
0x20: {  	[sflag:s8] =	ssyncset.s32 @!p0 $0xFFFFF086;
	s6 =	sadd.s32 @!p0 s3, s7;
	s7 =	simm.s32 @!p0 $0x108  }
0x21: {  	s3 =	sadd.s32 s3, s9;
	s6 =	sadd.s32 @!p0 $0x88, s6;
	s7 =	simm.s32 @p2 $0x1082  }
0x22: {  	[simem:s7], [sflag:s8] =	dma.local @!p0 [hbm:s6], $0xF7A  }
0x23: {  	s9 =	sor.u32 $0xD0000000, s2;
	s6 =	simm.s32 $0x108;
	_ =	swait.ge @!p0 [sflag:s8], $0x0  }
0x24: {  	s3 =	sadd.s32 $0x88, s3;
	s6 =	simm.s32 @!p1 $0x1082;
	[sflag:s4] =	ssyncset.s32 $0xFFFFF086  }
0x25: {  	[simem:s6], [sflag:s4] =	dma.local [hbm:s3], $0xF7A  }
0x26: {  	[smem:$0x3F9D] =	sst s1;
	(tag) =	ssettag s2;
	_ =	strace s9  }
0x27: {  	s1 =	sld [smem:$0x3FAD]  }
0x28: {  	s2 =	sld [smem:$0x3FAE]  }
0x29: {  	s4 =	sld [smem:$0x3FB0]  }
0x2a: {  	p0 =	seq.s32 s5, $0x0;
	s5 =	sld [smem:$0x3FB1]  }
0x2b: {  	s6 =	sld [smem:$0x3FB2]  }
0x2c: {  	s7 =	sld [smem:$0x3FB3]  }
0x2d: {  	s3 =	simm.s32 $0x108;
	s8 =	sld [smem:$0x3FB4]  }
0x2e: {  	s3 =	simm.s32 @!p0 $0x1082;
	s9 =	sld [smem:$0x3FB5]  }
0x2f: {  	lr =	sadd.s32 s0, s3;
	s0 =	sld [smem:$0x3FAC]  }
0x30: {  	s3 =	sld [smem:$0x3FAF]  }
0x31: {  	[smem:$0x3FB8] =	sst s10  }
0x32: {  	s10 =	sld [smem:$0x3FB6];
	_ =	sdelay $0x3  }
0x33: {  	p0 =	seq.s32 s10, $0x1;
	s10 =	sld [smem:$0x3FB8];
	_ =	sdelay $0x3  }
0x34: {  	[smem:$0x3FB8] =	sst s10  }
0x35: {  	s10 =	sld [smem:$0x3FB7];
	_ =	sdelay $0x3  }
0x36: {  	p1 =	seq.s32 s10, $0x1;
	s10 =	sld [smem:$0x3FB8];
	_ =	sdelay $0x3  }
0x37: {  	[smem:$0x3FB8] =	sst s10  }
0x38: {  	s10 =	sld [smem:$0x3FB9]  }
0x39: {  	_ = 	snop;
	(pc) =	sbr.ind lr, $3  }
0x3a: {  	_ = 	snop  }
0x3b: {  	_ = 	snop  }
0x3c: {  	p2 =	seq.s32 s10, $0x1;
	s10 =	sld [smem:$0x3FB8]  }
0x3d: {  	_ =	shalt  }
0x3e: {  	_ =	shalt  }
0x3f: {  	_ =	shalt  }
0x40: {  	_ =	shalt  }
0x41: {  	_ =	shalt  }
0x42: {  	_ =	shalt  }
0x43: {  	_ =	shalt  }
0x44: {  	_ =	shalt  }
0x45: {  	_ =	shalt  }
0x46: {  	_ =	shalt  }
0x47: {  	_ =	shalt  }
0x48: {  	_ =	shalt  }
0x49: {  	_ =	shalt  }
0x4a: {  	_ =	shalt  }
0x4b: {  	_ =	shalt  }
0x4c: {  	_ =	shalt  }
0x4d: {  	_ =	shalt  }
0x4e: {  	_ =	shalt  }
0x4f: {  	_ =	shalt  }
0x50: {  	_ =	shalt  }
0x51: {  	_ =	shalt  }
0x52: {  	_ =	shalt  }
0x53: {  	_ =	shalt  }
0x54: {  	_ =	shalt  }
0x55: {  	_ =	shalt  }
0x56: {  	_ =	shalt  }
0x57: {  	_ =	shalt  }
0x58: {  	_ =	shalt  }
0x59: {  	_ =	shalt  }
0x5a: {  	_ =	shalt  }
0x5b: {  	_ =	shalt  }
0x5c: {  	_ =	shalt  }
0x5d: {  	_ =	shalt  }
0x5e: {  	_ =	shalt  }
0x5f: {  	_ =	shalt  }
0x60: {  	_ =	shalt  }
0x61: {  	_ =	shalt  }
0x62: {  	_ =	shalt  }
0x63: {  	_ =	shalt  }
0x64: {  	_ =	shalt  }
0x65: {  	_ =	shalt  }
0x66: {  	_ =	shalt  }
0x67: {  	_ =	shalt  }
0x68: {  	_ =	shalt  }
0x69: {  	_ =	shalt  }
0x6a: {  	_ =	shalt  }
0x6b: {  	_ =	shalt  }
0x6c: {  	_ =	shalt  }
0x6d: {  	_ =	shalt  }
0x6e: {  	_ =	shalt  }
0x6f: {  	_ =	shalt  }
0x70: {  	_ =	shalt  }
0x71: {  	_ =	shalt  }
0x72: {  	_ =	shalt  }
0x73: {  	_ =	shalt  }
0x74: {  	_ =	shalt  }
0x75: {  	_ =	shalt  }
0x76: {  	_ =	shalt  }
0x77: {  	_ =	shalt  }
0x78: {  	_ =	shalt  }
0x79: {  	_ =	shalt  }
0x7a: {  	_ =	shalt  }
0x7b: {  	_ =	shalt  }
0x7c: {  	_ =	shalt  }
0x7d: {  	_ =	shalt  }
0x7e: {  	_ =	shalt  }
0x7f: {  	_ =	shalt  }
0x80: {  	_ =	shalt  }
0x81: {  	_ =	shalt  }
0x82: {  	_ =	shalt  }
0x83: {  	_ =	shalt  }
0x84: {  	_ =	shalt  }
0x85: {  	_ =	shalt  }
0x86: {  	_ =	shalt  }
0x87: {  	_ =	shalt  }
.Lfunc_end0:
.L_simem_size_0:
called_computation.1_lowered:
.L_overlay_start_0:
0x88: {  	s2 =	sld [smem:$0x3FD9]  }
0x89: {  	s3 =	sld [smem:$0x3FFE];
	_ =	sdelay $0x1  }
0x8a: {  	s1 =	srdreg.scid  }
0x8b: {  	s0 =	sand.u32 $0x1, s1  }
0x8c: {  	s17 =	sshll.u32 s0, $0xA;
	s2 =	sadd.s32 s3, s2  }
0x8d: {  	s2 =	sadd.s32 s2, s17  }
0x8e: {  	[smem:$0x3FC4] =	sst s2  }
0x8f: {  	_ = 	snop  }
0x90: {  	s2 =	sld [smem:$0x3FD0];
	(tm) =	ssettm $0x1  }
0x91: {  	s18 =	sld [smem:$0x3FFB];
	_ =	sdelay $0x3  }
0x92: {  	_ =	strace s18  }
0x93: {  	s3 =	sld [smem:$0x3FFC];
	_ =	sdelay $0x3  }
0x94: {  	_ =	strace s3  }
0x95: {  	s3 =	sld [smem:$0x3FFD];
	_ =	sdelay $0x3  }
0x96: {  	_ =	strace s3  }
0x97: {  	_ =	strace $0x8FFFFFFF  }
0x98: {  	s19 =	sld [smem:$0x3FDB];
	_ =	sdelay $0x1  }
0x99: {  	s4 =	simm.s32 $_scs_section_size  }
0x9a: {  	s5 =	simm.s32 $_size__tile_overlayer_lowered;
	s6 =	simm.s32 $_tile_overlayer_lowered  }
0x9b: {  	s22 =	simm.s32 $0x1BFF;
	s21 =	sshll.u32 s6, $0x1;
	s3 =	sadd.s32 s4, s19  }
0x9c: {  	s7 =	simm.s32 $0x0;
	s20 =	sshll.u32 s5, $0x1;
	s5 =	sadd.s32 s21, s3  }
0x9d: {  	[timem:s7], [sflag:s22] =	dma.local [hbm:s5], s20  }
0x9e: {  	_ =	swait.ge [sflag:s22], s20  }
0x9f: {  	s4 =	ssub.s32 $0x0, s20;
	[sflag:s22] =	ssyncset.done $0x0  }
0xa0: {  	[sflag:s22] =	ssyncadd.s32 s4;
	_ =	sdelay $0x1  }
0xa1: {  	s23 =	simm.s32 $0x1B8B  }
0xa2: {  	_ =	swait.ge [sflag:s23], $0x1  }
0xa3: {  	[sflag:s23] =	ssyncset.done $0x0  }
0xa4: {  	s25 =	simm.s32 $0x1B8E;
	s24 =	sld [smem:$0x3FFE];
	[sflag:s23] =	ssyncadd.s32 $0xFFFFFFFF  }
0xa5: {  	s26 =	simm.s32 $execute0_lowered;
	[smem:$0x3FD2] =	sst s25  }
0xa6: {  	s5 =	sshll.u32 s26, $0x1;
	_ =	strace $0x80000049;
	[dreg:$0x1] =	wrdreg $0xFFFFFFFF  }
0xa7: {  	s28 =	simm.s32 $_size_execute0_lowered;
	s3 =	sadd.s32 s3, s5;
	[dreg:$0x0] =	wrdreg $0x0  }
0xa8: {  	s5 =	sshll.u32 s28, $0x1;
	[dreg:$0x2] =	wrdreg s3  }
0xa9: {  	[dreg:$0x3] =	wrdreg s5  }
0xaa: {  	[dreg:$0x4] =	wrdreg $0xC0  }
0xab: {  	_ =	task [dreg:s7], $0x5FFFF  }
0xac: {  	[dreg:$0x1] =	wrdreg $0xFFFFFFFF  }
0xad: {  	[dreg:$0x0] =	wrdreg $0x60  }
0xae: {  	[dreg:$0x2] =	wrdreg s24  }
0xaf: {  	[dreg:$0x3] =	wrdreg s2  }
0xb0: {  	[dreg:$0x4] =	wrdreg $0xA0000  }
0xb1: {  	[dreg:$0x5] =	wrdreg $0x9  }
0xb2: {  	_ =	task.clear_ibuf [dreg:s7], $0x6FFFF;
	_ =	strace $0x90000049  }
0xb3: {  	s29 =	simm.s32 $0x9;
	_ =	strace $0x8000004B  }
0xb4: {  	_ =	swait.ge [sflag:s29], $0x1  }
0xb5: {  	[sflag:s29] =	ssyncadd.s32 $0xFFFFFFFF  }
0xb6: {  	_ =	strace $0x9000004B  }
0xb7: {  	_ =	sfence  }
0xb8: {  	s30 =	sld [smem:$0x0];
	_ =	sdelay $0x2  }
0xb9: {  	s31 =	sshll.u32 s1, $0xD;
	s1 =	sshrl.u32 s1, $0x2  }
0xba: {  	s3 =	sand.u32 $0x4000, s31;
	s1 =	sadd.s32 s1, s30  }
0xbb: {  	s0 =	sor.u32 s3, s0;
	s1 =	sshll.u32 s1, $0x11  }
0xbc: {  	s0 =	sor.u32 s1, s0  }
0xbd: {  	s0 =	sadd.s32 $0x8F2B, s0  }
0xbe: {  	[sflag:s0] =	ssyncadd.remote.s32 $0x1  }
0xbf: {  	_ =	sfence.sel $0xFFFF  }
0xc0: {  	[dreg:$0x0] =	wrdreg $0xFFFFFFFF;
	(pc) =	sbr.abs _section_cstart, $3  }
0xc1: {  	[dreg:$0x1] =	wrdreg $0xFFFFFFFF  }
0xc2: {  	_ =	task.clear_ibuf [dreg:s7], $0x2FFFF;
	_ =	strace $0x9FFFFFFF  }
0xc3: {  	(tm) =	ssettm $0x7FFFFFFF  }
tec
execute0_lowered:
.L_overlay_start_1:
0x0: {  	(tag) =	ssettag $0x1  }
0x1: {  	s3 =	rddreg [dreg:$0x0]  }
0x2: {  	s4 =	rddreg [dreg:$0x1]  }
0x3: {  	s1 =	rddreg [dreg:$0x2]  }
0x4: {  	s0 =	srdreg.scid;
	s18 =	stileid.u32  }
0x5: {  	s2 =	simm.s32 $0x0;
	s5 =	sand.u32 $0x1, s0;
	s7 =	smul.u32 $0x14000, s18  }
0x6: {  	[smem:$0x7FF] =	sst s2;
	s0 =	sshll.u32 s5, $0x4;
	s6 =	ssub.s32 $0x2, s5  }
0x7: {  	s5 =	smul.u32 $0x140000, s5;
	s0 =	sor.u32 s18, s0;
	s8 =	sshrl.u32 s6, $0x1  }
0x8: {  	s10 =	sadd.s32 $0x6000, s7;
	s11 =	sadd.s32 $0x8000, s7;
	s12 =	sadd.s32 $0xA000, s7  }
0x9: {  	s13 =	sadd.s32 $0xC000, s7;
	s15 =	sadd.s32 $0xE000, s7;
	s16 =	sadd.s32 $0x10000, s7  }
0xa: {  	s9 =	smul.u32 $0x5000, s0;
	s0 =	ssub.s32 s6, s8;
	s6 =	sor.u32 $0x2000, s7  }
0xb: {  	s8 =	sadd.s32 $0x4000, s7;
	s14 =	sadd.s32 s7, s5;
	s7 =	sadd.s32 $0x12000, s7  }
0xc: {  	s20 =	sadd.s32 s5, s10;
	s22 =	sadd.s32 s5, s11;
	s24 =	sadd.s32 s5, s12  }
0xd: {  	s14 =	sshrl.u32 s14, $0x3;
	s17 =	sadd.s32 s5, s6;
	s26 =	sadd.s32 s5, s8  }
0xe: {  	s21 =	sshrl.u32 s20, $0x3;
	s23 =	sshrl.u32 s22, $0x3;
	s20 =	sadd.s32 s5, s15  }
0xf: {  	s22 =	sadd.s32 s5, s16;
	s14 =	sadd.s32 s4, s14;
	s25 =	sshrl.u32 s17, $0x3  }
0x10: {  	s19 =	sshrl.u32 s26, $0x3;
	[dreg:$0x4] =	wrdreg s14;
	s14 =	sadd.s32 s4, s25  }
0x11: {  	s26 =	sadd.s32 s5, s13;
	[dreg:$0x5] =	wrdreg s14;
	s14 =	sadd.s32 s4, s19  }
0x12: {  	s5 =	sadd.s32 s5, s7;
	[dreg:$0x6] =	wrdreg s14;
	s14 =	sadd.s32 s4, s21  }
0x13: {  	s25 =	sshrl.u32 s24, $0x3;
	[dreg:$0x7] =	wrdreg s14;
	s14 =	sadd.s32 s4, s23  }
0x14: {  	s19 =	sshrl.u32 s26, $0x3;
	[dreg:$0x8] =	wrdreg s14;
	s14 =	sadd.s32 s4, s25  }
0x15: {  	s21 =	sshrl.u32 s20, $0x3;
	[dreg:$0x9] =	wrdreg s14;
	s14 =	sadd.s32 s4, s19  }
0x16: {  	s23 =	sshrl.u32 s22, $0x3;
	[dreg:$0xa] =	wrdreg s14;
	s14 =	sadd.s32 s4, s21  }
0x17: {  	s5 =	sshrl.u32 s5, $0x3;
	[dreg:$0xb] =	wrdreg s14;
	s14 =	sadd.s32 s4, s23  }
0x18: {  	s4 =	sadd.s32 s4, s5;
	[dreg:$0xc] =	wrdreg s14  }
0x19: {  	s25 =	sshrl.u32 s9, $0x3;
	[dreg:$0xd] =	wrdreg s4  }
0x1a: {  	s4 =	sadd.s32 s25, s3;
	s14 =	sadd.s32 $0x29E00, s3;
	s3 =	sadd.s32 $0x51A00, s3  }
0x1b: {  	s0 =	smax.u32 s0, $0x1;
	_ =	strace $0x8000004A;
	[dreg:$0xe] =	wrdreg s3  }
0x1c: {  	s24 =	smul.u32 $0x50000, s18;
	s22 =	sadd.s32 s11, s1;
	[dreg:$0x1e] =	wrdreg s0  }
0x1d: {  	s23 =	sadd.s32 s12, s1;
	[dreg:$0xf] =	wrdreg s22  }
0x1e: {  	s26 =	sshrl.u32 s24, $0x2;
	s24 =	sadd.s32 s13, s1;
	[dreg:$0x10] =	wrdreg s23  }
0x1f: {  	s25 =	sadd.s32 s15, s1;
	[dreg:$0x11] =	wrdreg s24  }
0x20: {  	s28 =	simm.s32 $0x6000;
	s9 =	sadd.s32 s16, s1;
	[dreg:$0x12] =	wrdreg s25  }
0x21: {  	s19 =	sadd.s32 s6, s1;
	s6 =	sadd.s32 $0x1E00, s4;
	[dreg:$0x13] =	wrdreg s9  }
0x22: {  	s13 =	sadd.s32 s7, s1;
	s7 =	sadd.s32 $0x15E00, s4;
	[dreg:$0x14] =	wrdreg s6  }
0x23: {  	s20 =	sadd.s32 s8, s1;
	s8 =	sadd.s32 $0x2000, s4;
	[dreg:$0x15] =	wrdreg s7  }
0x24: {  	s21 =	sadd.s32 s10, s1;
	s10 =	sadd.s32 $0x16000, s4;
	[dreg:$0x16] =	wrdreg s8  }
0x25: {  	s29 =	simm.s32 $0x1;
	s11 =	sadd.s32 $0x2200, s4;
	[dreg:$0x17] =	wrdreg s10  }
0x26: {  	s30 =	simm.s32 $0x2;
	s12 =	sadd.s32 $0x16200, s4;
	[dreg:$0x18] =	wrdreg s11  }
0x27: {  	s31 =	simm.s32 $0x3;
	s15 =	sadd.s32 $0x2400, s4;
	[dreg:$0x19] =	wrdreg s12  }
0x28: {  	s18 =	sadd.s32 s26, s1;
	s16 =	sadd.s32 $0x16400, s4;
	[dreg:$0x1a] =	wrdreg s15  }
0x29: {  	s5 =	simm.s32 $0x1F00;
	s17 =	sadd.s32 $0x2600, s4;
	[dreg:$0x1b] =	wrdreg s16  }
0x2a: {  	s26 =	sadd.s32 $0x16600, s4;
	s0 =	simm.s32 $0xF80;
	[dreg:$0x1c] =	wrdreg s17  }
0x2b: {  	s3 =	simm.s32 $0x1E00;
	s4 =	simm.s32 $0x1E80;
	[dreg:$0x1d] =	wrdreg s26  }
0x2c: {  	s7 =	simm.s32 $0x8000;
	s8 =	simm.s32 $0x5;
	s10 =	simm.s32 $0x40  }
0x2d: {  	s12 =	simm.s32 $0x2000;
	s15 =	simm.s32 $0x4000;
	s26 =	simm.s32 $0x100  }
0x2e: {  	s11 =	simm.s32 $0x4;
	s6 =	simm.s32 $0x1F80;
	s16 =	simm.s32 $0x0  }
.LBB2_1:
0x2f: {  	s17 =	rddreg [dreg:$0xe]  }
0x30: {  	[tilespmem:s7], [sflag:$0x5] =	stream.linear.gather [hbm4b:s17+s2], $0x2000, $0x38;
	[tilespmem:$0x1E000] =	vst v63  }
0x31: {  	_ =	swait.ge [sflag:s8], $0x2000  }
0x32: {  	[sflag:s8] =	ssyncset.done $0x0  }
0x33: {  	[sflag:s8] =	ssyncadd.s32 $0xFFFFE000  }
0x34: {  	[spmem:s18] =	stream.linear.scatter [tilespmem:s7], [sflag:$0x5], $0x2000, $0x38;
	[tilespmem:$0x1E000] =	vst v63  }
0x35: {  	_ =	swait.ge [sflag:s8], $0x2000  }
0x36: {  	[sflag:s8] =	ssyncset.done $0x0  }
0x37: {  	[sflag:s8] =	ssyncadd.s32 $0xFFFFE000  }
0x38: {  	[spmem:s19] =	stream.linear.scatter [tilespmem:s7], [sflag:$0x5], $0x2000, $0x38;
	[tilespmem:$0x1E000] =	vst v63  }
0x39: {  	_ =	swait.ge [sflag:s8], $0x2000  }
0x3a: {  	[sflag:s8] =	ssyncset.done $0x0  }
0x3b: {  	[sflag:s8] =	ssyncadd.s32 $0xFFFFE000  }
0x3c: {  	[spmem:s20] =	stream.linear.scatter [tilespmem:s7], [sflag:$0x5], $0x2000, $0x38;
	[tilespmem:$0x1E000] =	vst v63  }
0x3d: {  	_ =	swait.ge [sflag:s8], $0x2000  }
0x3e: {  	[sflag:s8] =	ssyncset.done $0x0  }
0x3f: {  	[sflag:s8] =	ssyncadd.s32 $0xFFFFE000  }
0x40: {  	[spmem:s21] =	stream.linear.scatter [tilespmem:s7], [sflag:$0x5], $0x2000, $0x38;
	[tilespmem:$0x1E000] =	vst v63  }
0x41: {  	_ =	swait.ge [sflag:s8], $0x2000  }
0x42: {  	[sflag:s8] =	ssyncset.done $0x0  }
0x43: {  	s17 =	smov.u32 s22;
	[sflag:s8] =	ssyncadd.s32 $0xFFFFE000  }
0x44: {  	[spmem:s17] =	stream.linear.scatter [tilespmem:s7], [sflag:$0x5], $0x2000, $0x38;
	[tilespmem:$0x1E000] =	vst v63  }
0x45: {  	_ =	swait.ge [sflag:s8], $0x2000  }
0x46: {  	[sflag:s8] =	ssyncset.done $0x0  }
0x47: {  	s22 =	smov.u32 s18;
	s18 =	smov.u32 s23;
	[sflag:s8] =	ssyncadd.s32 $0xFFFFE000  }
0x48: {  	[spmem:s18] =	stream.linear.scatter [tilespmem:s7], [sflag:$0x5], $0x2000, $0x38;
	[tilespmem:$0x1E000] =	vst v63  }
0x49: {  	_ =	swait.ge [sflag:s8], $0x2000  }
0x4a: {  	[sflag:s8] =	ssyncset.done $0x0  }
0x4b: {  	s23 =	smov.u32 s19;
	s19 =	smov.u32 s24;
	[sflag:s8] =	ssyncadd.s32 $0xFFFFE000  }
0x4c: {  	[spmem:s19] =	stream.linear.scatter [tilespmem:s7], [sflag:$0x5], $0x2000, $0x38;
	[tilespmem:$0x1E000] =	vst v63  }
0x4d: {  	_ =	swait.ge [sflag:s8], $0x2000  }
0x4e: {  	[sflag:s8] =	ssyncset.done $0x0  }
0x4f: {  	s24 =	smov.u32 s20;
	s20 =	smov.u32 s25;
	[sflag:s8] =	ssyncadd.s32 $0xFFFFE000  }
0x50: {  	[spmem:s20] =	stream.linear.scatter [tilespmem:s7], [sflag:$0x5], $0x2000, $0x38;
	[tilespmem:$0x1E000] =	vst v63  }
0x51: {  	_ =	swait.ge [sflag:s8], $0x2000  }
0x52: {  	[sflag:s8] =	ssyncset.done $0x0  }
0x53: {  	[sflag:s8] =	ssyncadd.s32 $0xFFFFE000  }
0x54: {  	[spmem:s9] =	stream.linear.scatter [tilespmem:s7], [sflag:$0x5], $0x2000, $0x38;
	[tilespmem:$0x1E000] =	vst v63  }
0x55: {  	_ =	swait.ge [sflag:s8], $0x2000  }
0x56: {  	[sflag:s8] =	ssyncset.done $0x0  }
0x57: {  	[sflag:s8] =	ssyncadd.s32 $0xFFFFE000  }
0x58: {  	[spmem:s13] =	stream.linear.scatter [tilespmem:s7], [sflag:$0x5], $0x2000, $0x38;
	[tilespmem:$0x1E000] =	vst v63  }
0x59: {  	_ =	swait.ge [sflag:s8], $0x2000  }
0x5a: {  	[sflag:s8] =	ssyncset.done $0x0  }
0x5b: {  	[sflag:s8] =	ssyncadd.s32 $0xFFFFE000  }
0x5c: {  	[bflag:$0x0] =	sbarrier.arrive $0xFFFF  }
0x5d: {  	s19 =	rddreg [dreg:$0x14]  }
0x5e: {  	[tilespmem:s2], [sflag:$0x5] =	stream.linear.gather [hbm4b:s19+s2], $0x1000, $0x38;
	[tilespmem:$0x1E000] =	vst v63  }
0x5f: {  	_ =	swait.ge [sflag:s8], $0x1000  }
0x60: {  	s25 =	smov.u32 s21;
	[sflag:s8] =	ssyncset.done $0x0  }
0x61: {  	s21 =	simm.s32 $0x1000;
	s20 =	rddreg [dreg:$0x15];
	[sflag:s8] =	ssyncadd.s32 $0xFFFFF000  }
0x62: {  	[tilespmem:s21], [sflag:$0x5] =	stream.linear.gather [hbm4b:s20+s2], $0x1000, $0x38;
	[tilespmem:$0x1E000] =	vst v63  }
0x63: {  	_ =	swait.ge [sflag:s8], $0x1000  }
0x64: {  	[sflag:s8] =	ssyncset.done $0x0  }
0x65: {  	[sflag:s8] =	ssyncadd.s32 $0xFFFFF000  }
0x66: {  	[tilespmem:s12], [sflag:$0x1] =	stream.indirect.gather [hbm4b:s14+s10], $0x80, s2, s10, $0xb8;
	[tilespmem:$0x1E000] =	vst v63  }
0x67: {  	s18 =	simm.s32 $0x80  }
0x68: {  	[tilespmem:s15], [sflag:$0x2] =	stream.indirect.gather [hbm4b:s14+s10], $0x80, s18, s10, $0xb8;
	[tilespmem:$0x1E000] =	vst v63  }
0x69: {  	_ = 	snop  }
0x6a: {  	[tilespmem:s28], [sflag:$0x3] =	stream.indirect.gather [hbm4b:s14+s10], $0x80, s26, s10, $0xb8;
	[tilespmem:$0x1E000] =	vst v63  }
0x6b: {  	s19 =	simm.s32 $0x180  }
0x6c: {  	[tilespmem:s7], [sflag:$0x4] =	stream.indirect.gather [hbm4b:s14+s10], $0x80, s19, s10, $0xb8;
	[tilespmem:$0x1E000] =	vst v63  }
0x6d: {  	_ =	swait.ge [sflag:s29], $0x2000  }
0x6e: {  	[sflag:s29] =	ssyncset.done $0x0  }
0x6f: {  	s20 =	simm.s32 $0x1000;
	[sflag:s29] =	ssyncadd.s32 $0xFFFFE000  }
0x70: {  	[spmem:s1] =	stream.indirect.scatter.add.f32 [tilespmem:s12], [sflag:$0x5], $0x80, s20, s10, $0xb8;
	[tilespmem:$0x1E000] =	vst v63  }
0x71: {  	_ =	swait.ge [sflag:s8], $0x2000  }
0x72: {  	[sflag:s8] =	ssyncset.done $0x0  }
0x73: {  	s21 =	simm.s32 $0x200;
	[sflag:s8] =	ssyncadd.s32 $0xFFFFE000  }
0x74: {  	[tilespmem:s12], [sflag:$0x1] =	stream.indirect.gather [hbm4b:s14+s10], $0x80, s21, s10, $0xb8;
	[tilespmem:$0x1E000] =	vst v63  }
0x75: {  	_ =	swait.ge [sflag:s30], $0x2000  }
0x76: {  	[sflag:s30] =	ssyncset.done $0x0  }
0x77: {  	s9 =	simm.s32 $0x1080;
	[sflag:s30] =	ssyncadd.s32 $0xFFFFE000  }
0x78: {  	[spmem:s1] =	stream.indirect.scatter.add.f32 [tilespmem:s15], [sflag:$0x5], $0x80, s9, s10, $0xb8;
	[tilespmem:$0x1E000] =	vst v63  }
0x79: {  	_ =	swait.ge [sflag:s8], $0x2000  }
0x7a: {  	[sflag:s8] =	ssyncset.done $0x0  }
0x7b: {  	s18 =	simm.s32 $0x280;
	[sflag:s8] =	ssyncadd.s32 $0xFFFFE000  }
0x7c: {  	[tilespmem:s15], [sflag:$0x2] =	stream.indirect.gather [hbm4b:s14+s10], $0x80, s18, s10, $0xb8;
	[tilespmem:$0x1E000] =	vst v63  }
0x7d: {  	_ =	swait.ge [sflag:s31], $0x2000  }
0x7e: {  	[sflag:s31] =	ssyncset.done $0x0  }
0x7f: {  	s19 =	simm.s32 $0x1100;
	[sflag:s31] =	ssyncadd.s32 $0xFFFFE000  }
0x80: {  	[spmem:s1] =	stream.indirect.scatter.add.f32 [tilespmem:s28], [sflag:$0x5], $0x80, s19, s10, $0xb8;
	[tilespmem:$0x1E000] =	vst v63  }
0x81: {  	_ =	swait.ge [sflag:s8], $0x2000  }
0x82: {  	[sflag:s8] =	ssyncset.done $0x0  }
0x83: {  	s20 =	simm.s32 $0x300;
	[sflag:s8] =	ssyncadd.s32 $0xFFFFE000  }
0x84: {  	[tilespmem:s28], [sflag:$0x3] =	stream.indirect.gather [hbm4b:s14+s10], $0x80, s20, s10, $0xb8;
	[tilespmem:$0x1E000] =	vst v63  }
0x85: {  	_ =	swait.ge [sflag:s11], $0x2000  }
0x86: {  	[sflag:s11] =	ssyncset.done $0x0  }
0x87: {  	s21 =	simm.s32 $0x1180;
	[sflag:s11] =	ssyncadd.s32 $0xFFFFE000  }
0x88: {  	[spmem:s1] =	stream.indirect.scatter.add.f32 [tilespmem:s7], [sflag:$0x5], $0x80, s21, s10, $0xb8;
	[tilespmem:$0x1E000] =	vst v63  }
0x89: {  	s17 =	simm.s32 $0x200;
	_ =	swait.ge [sflag:s8], $0x2000  }
0x8a: {  	s9 =	smov.u32 s13;
	s18 =	simm.s32 $0x1000;
	[sflag:s8] =	ssyncset.done $0x0  }
.LBB2_2:
0x8b: {  	s21 =	sadd.s32 $0x180, s17  }
0x8c: {  	[sflag:s8] =	ssyncadd.s32 $0xFFFFE000;
	s19 =	smov.u32 s18;
	s20 =	sadd.s32 $0x800, s18  }
0x8d: {  	[tilespmem:s7], [sflag:$0x4] =	stream.indirect.gather [hbm4b:s14+s10], $0x80, s21, s10, $0xb8;
	[tilespmem:$0x1E000] =	vst v63  }
0x8e: {  	p0 =	sne.s32 s18, $0x3000;
	_ =	swait.ge [sflag:s29], $0x2000  }
0x8f: {  	[sflag:s29] =	ssyncset.done $0x0  }
0x90: {  	s18 =	sadd.s32 $0x1000, s17;
	[sflag:s29] =	ssyncadd.s32 $0xFFFFE000  }
0x91: {  	[spmem:s1] =	stream.indirect.scatter.add.f32 [tilespmem:s12], [sflag:$0x5], $0x80, s18, s10, $0xb8;
	[tilespmem:$0x1E000] =	vst v63  }
0x92: {  	_ =	swait.ge [sflag:s8], $0x2000  }
0x93: {  	[sflag:s8] =	ssyncset.done $0x0  }
0x94: {  	s18 =	sadd.s32 $0x200, s17;
	[sflag:s8] =	ssyncadd.s32 $0xFFFFE000  }
0x95: {  	[tilespmem:s12], [sflag:$0x1] =	stream.indirect.gather [hbm4b:s14+s10], $0x80, s18, s10, $0xb8;
	[tilespmem:$0x1E000] =	vst v63  }
0x96: {  	_ =	swait.ge [sflag:s30], $0x2000  }
0x97: {  	[sflag:s30] =	ssyncset.done $0x0  }
0x98: {  	s18 =	sadd.s32 $0x1080, s17;
	[sflag:s30] =	ssyncadd.s32 $0xFFFFE000  }
0x99: {  	[spmem:s1] =	stream.indirect.scatter.add.f32 [tilespmem:s15], [sflag:$0x5], $0x80, s18, s10, $0xb8;
	[tilespmem:$0x1E000] =	vst v63  }
0x9a: {  	_ =	swait.ge [sflag:s8], $0x2000  }
0x9b: {  	[sflag:s8] =	ssyncset.done $0x0  }
0x9c: {  	s18 =	sadd.s32 $0x280, s17;
	[sflag:s8] =	ssyncadd.s32 $0xFFFFE000  }
0x9d: {  	[tilespmem:s15], [sflag:$0x2] =	stream.indirect.gather [hbm4b:s14+s10], $0x80, s18, s10, $0xb8;
	[tilespmem:$0x1E000] =	vst v63  }
0x9e: {  	_ =	swait.ge [sflag:s31], $0x2000  }
0x9f: {  	[sflag:s31] =	ssyncset.done $0x0  }
0xa0: {  	s18 =	sadd.s32 $0x1100, s17;
	[sflag:s31] =	ssyncadd.s32 $0xFFFFE000  }
0xa1: {  	[spmem:s1] =	stream.indirect.scatter.add.f32 [tilespmem:s28], [sflag:$0x5], $0x80, s18, s10, $0xb8;
	[tilespmem:$0x1E000] =	vst v63  }
0xa2: {  	_ =	swait.ge [sflag:s8], $0x2000  }
0xa3: {  	[sflag:s8] =	ssyncset.done $0x0  }
0xa4: {  	s18 =	sadd.s32 $0x300, s17;
	[sflag:s8] =	ssyncadd.s32 $0xFFFFE000  }
0xa5: {  	[tilespmem:s28], [sflag:$0x3] =	stream.indirect.gather [hbm4b:s14+s10], $0x80, s18, s10, $0xb8;
	[tilespmem:$0x1E000] =	vst v63  }
0xa6: {  	_ =	swait.ge [sflag:s11], $0x2000  }
.Ltmp0:
0xa7: {  	[sflag:s11] =	ssyncset.done $0x0;
	(pc) =	sbr.rel @p0 .LBB2_2-.Ltmp0, $4  }
0xa8: {  	s17 =	sadd.s32 $0x1180, s17;
	[sflag:s11] =	ssyncadd.s32 $0xFFFFE000  }
0xa9: {  	[spmem:s1] =	stream.indirect.scatter.add.f32 [tilespmem:s7], [sflag:$0x5], $0x80, s17, s10, $0xb8;
	[tilespmem:$0x1E000] =	vst v63  }
0xaa: {  	_ =	swait.ge [sflag:s8], $0x2000  }
0xab: {  	s18 =	smov.u32 s20;
	s17 =	sshra.s32 s19, $0x2;
	[sflag:s8] =	ssyncset.done $0x0  }
0xac: {  	s18 =	sadd.s32 $0x180, s17;
	[sflag:s8] =	ssyncadd.s32 $0xFFFFE000  }
0xad: {  	[tilespmem:s7], [sflag:$0x4] =	stream.indirect.gather [hbm4b:s14+s10], $0x80, s18, s10, $0xb8;
	[tilespmem:$0x1E000] =	vst v63  }
0xae: {  	_ =	swait.ge [sflag:s29], $0x2000  }
0xaf: {  	[sflag:s29] =	ssyncset.done $0x0  }
0xb0: {  	s21 =	sadd.s32 $0x1000, s17;
	[sflag:s29] =	ssyncadd.s32 $0xFFFFE000  }
0xb1: {  	[spmem:s1] =	stream.indirect.scatter.add.f32 [tilespmem:s12], [sflag:$0x5], $0x80, s21, s10, $0xb8;
	[tilespmem:$0x1E000] =	vst v63  }
0xb2: {  	_ =	swait.ge [sflag:s8], $0x2000  }
0xb3: {  	[sflag:s8] =	ssyncset.done $0x0  }
0xb4: {  	s13 =	sadd.s32 $0x200, s17;
	[sflag:s8] =	ssyncadd.s32 $0xFFFFE000  }
0xb5: {  	[tilespmem:s12], [sflag:$0x1] =	stream.indirect.gather [hbm4b:s14+s10], $0x80, s13, s10, $0xb8;
	[tilespmem:$0x1E000] =	vst v63  }
0xb6: {  	_ =	swait.ge [sflag:s30], $0x2000  }
0xb7: {  	[sflag:s30] =	ssyncset.done $0x0  }
0xb8: {  	s19 =	sadd.s32 $0x1080, s17;
	[sflag:s30] =	ssyncadd.s32 $0xFFFFE000  }
0xb9: {  	[spmem:s1] =	stream.indirect.scatter.add.f32 [tilespmem:s15], [sflag:$0x5], $0x80, s19, s10, $0xb8;
	[tilespmem:$0x1E000] =	vst v63  }
0xba: {  	_ =	swait.ge [sflag:s8], $0x2000  }
0xbb: {  	[sflag:s8] =	ssyncset.done $0x0  }
0xbc: {  	s20 =	sadd.s32 $0x280, s17;
	[sflag:s8] =	ssyncadd.s32 $0xFFFFE000  }
0xbd: {  	[tilespmem:s15], [sflag:$0x2] =	stream.indirect.gather [hbm4b:s14+s10], $0x80, s20, s10, $0xb8;
	[tilespmem:$0x1E000] =	vst v63  }
0xbe: {  	_ =	swait.ge [sflag:s31], $0x2000  }
0xbf: {  	[sflag:s31] =	ssyncset.done $0x0  }
0xc0: {  	s21 =	sadd.s32 $0x1100, s17;
	[sflag:s31] =	ssyncadd.s32 $0xFFFFE000  }
0xc1: {  	[spmem:s1] =	stream.indirect.scatter.add.f32 [tilespmem:s28], [sflag:$0x5], $0x80, s21, s10, $0xb8;
	[tilespmem:$0x1E000] =	vst v63  }
0xc2: {  	_ =	swait.ge [sflag:s8], $0x2000  }
0xc3: {  	[sflag:s8] =	ssyncset.done $0x0  }
0xc4: {  	s13 =	sadd.s32 $0x300, s17;
	[sflag:s8] =	ssyncadd.s32 $0xFFFFE000  }
0xc5: {  	[tilespmem:s28], [sflag:$0x3] =	stream.indirect.gather [hbm4b:s14+s10], $0x80, s13, s10, $0xb8;
	[tilespmem:$0x1E000] =	vst v63  }
0xc6: {  	_ =	swait.ge [sflag:s11], $0x2000  }
0xc7: {  	[sflag:s11] =	ssyncset.done $0x0  }
0xc8: {  	s18 =	sadd.s32 $0x1180, s17;
	[sflag:s11] =	ssyncadd.s32 $0xFFFFE000  }
0xc9: {  	[spmem:s1] =	stream.indirect.scatter.add.f32 [tilespmem:s7], [sflag:$0x5], $0x80, s18, s10, $0xb8;
	[tilespmem:$0x1E000] =	vst v63  }
0xca: {  	_ =	swait.ge [sflag:s8], $0x2000  }
0xcb: {  	[sflag:s8] =	ssyncset.done $0x0  }
0xcc: {  	[sflag:s8] =	ssyncadd.s32 $0xFFFFE000  }
0xcd: {  	[tilespmem:s7], [sflag:$0x4] =	stream.indirect.gather [hbm4b:s14+s10], $0x80, s0, s10, $0xb8;
	[tilespmem:$0x1E000] =	vst v63  }
0xce: {  	_ =	swait.ge [sflag:s29], $0x2000  }
0xcf: {  	[sflag:s29] =	ssyncset.done $0x0  }
0xd0: {  	[sflag:s29] =	ssyncadd.s32 $0xFFFFE000  }
0xd1: {  	[spmem:s1] =	stream.indirect.scatter.add.f32 [tilespmem:s12], [sflag:$0x5], $0x80, s3, s10, $0xb8;
	[tilespmem:$0x1E000] =	vst v63  }
0xd2: {  	_ =	swait.ge [sflag:s8], $0x2000  }
0xd3: {  	[sflag:s8] =	ssyncset.done $0x0  }
0xd4: {  	[sflag:s8] =	ssyncadd.s32 $0xFFFFE000  }
0xd5: {  	[tilespmem:s12], [sflag:$0x1] =	stream.indirect.gather [hbm4b:s14+s10], $0x80, s0, s10, $0xb8;
	[tilespmem:$0x1E000] =	vst v63  }
0xd6: {  	_ =	swait.ge [sflag:s30], $0x2000  }
0xd7: {  	[sflag:s30] =	ssyncset.done $0x0  }
0xd8: {  	[sflag:s30] =	ssyncadd.s32 $0xFFFFE000  }
0xd9: {  	[spmem:s1] =	stream.indirect.scatter.add.f32 [tilespmem:s15], [sflag:$0x5], $0x80, s4, s10, $0xb8;
	[tilespmem:$0x1E000] =	vst v63  }
0xda: {  	_ =	swait.ge [sflag:s8], $0x2000  }
0xdb: {  	[sflag:s8] =	ssyncset.done $0x0  }
0xdc: {  	[sflag:s8] =	ssyncadd.s32 $0xFFFFE000  }
0xdd: {  	[tilespmem:s15], [sflag:$0x2] =	stream.indirect.gather [hbm4b:s14+s10], $0x80, s0, s10, $0xb8;
	[tilespmem:$0x1E000] =	vst v63  }
0xde: {  	_ =	swait.ge [sflag:s31], $0x2000  }
0xdf: {  	[sflag:s31] =	ssyncset.done $0x0  }
0xe0: {  	[sflag:s31] =	ssyncadd.s32 $0xFFFFE000  }
0xe1: {  	[spmem:s1] =	stream.indirect.scatter.add.f32 [tilespmem:s28], [sflag:$0x5], $0x80, s5, s10, $0xb8;
	[tilespmem:$0x1E000] =	vst v63  }
0xe2: {  	_ =	swait.ge [sflag:s8], $0x2000  }
0xe3: {  	[sflag:s8] =	ssyncset.done $0x0  }
0xe4: {  	[sflag:s8] =	ssyncadd.s32 $0xFFFFE000  }
0xe5: {  	[tilespmem:s28], [sflag:$0x3] =	stream.indirect.gather [hbm4b:s14+s10], $0x80, s0, s10, $0xb8;
	[tilespmem:$0x1E000] =	vst v63  }
0xe6: {  	_ =	swait.ge [sflag:s11], $0x2000  }
0xe7: {  	[sflag:s11] =	ssyncset.done $0x0  }
0xe8: {  	[sflag:s11] =	ssyncadd.s32 $0xFFFFE000  }
0xe9: {  	[spmem:s1] =	stream.indirect.scatter.add.f32 [tilespmem:s7], [sflag:$0x5], $0x80, s6, s10, $0xb8;
	[tilespmem:$0x1E000] =	vst v63  }
0xea: {  	_ =	swait.ge [sflag:s8], $0x2000  }
0xeb: {  	[sflag:s8] =	ssyncset.done $0x0  }
0xec: {  	[sflag:s8] =	ssyncadd.s32 $0xFFFFE000  }
0xed: {  	_ =	swait.ge [sflag:s29], $0x2000  }
0xee: {  	[sflag:s29] =	ssyncset.done $0x0  }
0xef: {  	[sflag:s29] =	ssyncadd.s32 $0xFFFFE000  }
0xf0: {  	_ =	swait.ge [sflag:s30], $0x2000  }
0xf1: {  	[sflag:s30] =	ssyncset.done $0x0  }
0xf2: {  	[sflag:s30] =	ssyncadd.s32 $0xFFFFE000  }
0xf3: {  	_ =	swait.ge [sflag:s31], $0x2000  }
0xf4: {  	[sflag:s31] =	ssyncset.done $0x0  }
0xf5: {  	s19 =	simm.s32 $0x0;
	s13 =	rddreg [dreg:$0x16];
	[sflag:s31] =	ssyncadd.s32 $0xFFFFE000  }
0xf6: {  	[tilespmem:s19], [sflag:$0x5] =	stream.linear.gather [hbm4b:s13+s19], $0x1000, $0x38;
	[tilespmem:$0x1E000] =	vst v63  }
0xf7: {  	_ =	swait.ge [sflag:s8], $0x1000  }
0xf8: {  	[sflag:s8] =	ssyncset.done $0x0  }
0xf9: {  	s21 =	simm.s32 $0x1000;
	s20 =	rddreg [dreg:$0x17];
	[sflag:s8] =	ssyncadd.s32 $0xFFFFF000  }
0xfa: {  	[tilespmem:s21], [sflag:$0x5] =	stream.linear.gather [hbm4b:s20+s19], $0x1000, $0x38;
	[tilespmem:$0x1E000] =	vst v63  }
0xfb: {  	_ =	swait.ge [sflag:s8], $0x1000  }
0xfc: {  	[sflag:s8] =	ssyncset.done $0x0  }
0xfd: {  	[sflag:s8] =	ssyncadd.s32 $0xFFFFF000  }
0xfe: {  	[tilespmem:s12], [sflag:$0x1] =	stream.indirect.gather [hbm4b:s14+s10], $0x80, s19, s10, $0xb8;
	[tilespmem:$0x1E000] =	vst v63  }
0xff: {  	s18 =	simm.s32 $0x80  }
0x100: {  	[tilespmem:s15], [sflag:$0x2] =	stream.indirect.gather [hbm4b:s14+s10], $0x80, s18, s10, $0xb8;
	[tilespmem:$0x1E000] =	vst v63  }
0x101: {  	_ = 	snop  }
0x102: {  	[tilespmem:s28], [sflag:$0x3] =	stream.indirect.gather [hbm4b:s14+s10], $0x80, s26, s10, $0xb8;
	[tilespmem:$0x1E000] =	vst v63  }
0x103: {  	s19 =	simm.s32 $0x180  }
0x104: {  	[tilespmem:s7], [sflag:$0x4] =	stream.indirect.gather [hbm4b:s14+s10], $0x80, s19, s10, $0xb8;
	[tilespmem:$0x1E000] =	vst v63  }
0x105: {  	_ =	swait.ge [sflag:s29], $0x2000  }
0x106: {  	[sflag:s29] =	ssyncset.done $0x0  }
0x107: {  	s20 =	simm.s32 $0x1000;
	[sflag:s29] =	ssyncadd.s32 $0xFFFFE000  }
0x108: {  	[spmem:s1] =	stream.indirect.scatter.add.f32 [tilespmem:s12], [sflag:$0x5], $0x80, s20, s10, $0xb8;
	[tilespmem:$0x1E000] =	vst v63  }
0x109: {  	_ =	swait.ge [sflag:s8], $0x2000  }
0x10a: {  	[sflag:s8] =	ssyncset.done $0x0  }
0x10b: {  	s21 =	simm.s32 $0x200;
	[sflag:s8] =	ssyncadd.s32 $0xFFFFE000  }
0x10c: {  	[tilespmem:s12], [sflag:$0x1] =	stream.indirect.gather [hbm4b:s14+s10], $0x80, s21, s10, $0xb8;
	[tilespmem:$0x1E000] =	vst v63  }
0x10d: {  	_ =	swait.ge [sflag:s30], $0x2000  }
0x10e: {  	[sflag:s30] =	ssyncset.done $0x0  }
0x10f: {  	s13 =	simm.s32 $0x1080;
	[sflag:s30] =	ssyncadd.s32 $0xFFFFE000  }
0x110: {  	[spmem:s1] =	stream.indirect.scatter.add.f32 [tilespmem:s15], [sflag:$0x5], $0x80, s13, s10, $0xb8;
	[tilespmem:$0x1E000] =	vst v63  }
0x111: {  	_ =	swait.ge [sflag:s8], $0x2000  }
0x112: {  	[sflag:s8] =	ssyncset.done $0x0  }
0x113: {  	s18 =	simm.s32 $0x280;
	[sflag:s8] =	ssyncadd.s32 $0xFFFFE000  }
0x114: {  	[tilespmem:s15], [sflag:$0x2] =	stream.indirect.gather [hbm4b:s14+s10], $0x80, s18, s10, $0xb8;
	[tilespmem:$0x1E000] =	vst v63  }
0x115: {  	_ =	swait.ge [sflag:s31], $0x2000  }
0x116: {  	[sflag:s31] =	ssyncset.done $0x0  }
0x117: {  	s19 =	simm.s32 $0x1100;
	[sflag:s31] =	ssyncadd.s32 $0xFFFFE000  }
0x118: {  	[spmem:s1] =	stream.indirect.scatter.add.f32 [tilespmem:s28], [sflag:$0x5], $0x80, s19, s10, $0xb8;
	[tilespmem:$0x1E000] =	vst v63  }
0x119: {  	_ =	swait.ge [sflag:s8], $0x2000  }
0x11a: {  	[sflag:s8] =	ssyncset.done $0x0  }
0x11b: {  	s20 =	simm.s32 $0x300;
	[sflag:s8] =	ssyncadd.s32 $0xFFFFE000  }
0x11c: {  	[tilespmem:s28], [sflag:$0x3] =	stream.indirect.gather [hbm4b:s14+s10], $0x80, s20, s10, $0xb8;
	[tilespmem:$0x1E000] =	vst v63  }
0x11d: {  	_ =	swait.ge [sflag:s11], $0x2000  }
0x11e: {  	[sflag:s11] =	ssyncset.done $0x0  }
0x11f: {  	s21 =	simm.s32 $0x1180;
	[sflag:s11] =	ssyncadd.s32 $0xFFFFE000  }
0x120: {  	[spmem:s1] =	stream.indirect.scatter.add.f32 [tilespmem:s7], [sflag:$0x5], $0x80, s21, s10, $0xb8;
	[tilespmem:$0x1E000] =	vst v63  }
0x121: {  	_ =	swait.ge [sflag:s8], $0x2000  }
0x122: {  	s17 =	simm.s32 $0x200;
	s20 =	simm.s32 $0x1000;
	[sflag:s8] =	ssyncset.done $0x0  }
.LBB2_4:
0x123: {  	s21 =	sadd.s32 $0x180, s17  }
0x124: {  	[sflag:s8] =	ssyncadd.s32 $0xFFFFE000;
	s19 =	smov.u32 s20;
	s18 =	sadd.s32 $0x800, s20  }
0x125: {  	[tilespmem:s7], [sflag:$0x4] =	stream.indirect.gather [hbm4b:s14+s10], $0x80, s21, s10, $0xb8;
	[tilespmem:$0x1E000] =	vst v63  }
0x126: {  	p0 =	sne.s32 s20, $0x3000;
	_ =	swait.ge [sflag:s29], $0x2000  }
0x127: {  	[sflag:s29] =	ssyncset.done $0x0  }
0x128: {  	s20 =	sadd.s32 $0x1000, s17;
	[sflag:s29] =	ssyncadd.s32 $0xFFFFE000  }
0x129: {  	[spmem:s1] =	stream.indirect.scatter.add.f32 [tilespmem:s12], [sflag:$0x5], $0x80, s20, s10, $0xb8;
	[tilespmem:$0x1E000] =	vst v63  }
0x12a: {  	_ =	swait.ge [sflag:s8], $0x2000  }
0x12b: {  	[sflag:s8] =	ssyncset.done $0x0  }
0x12c: {  	s20 =	sadd.s32 $0x200, s17;
	[sflag:s8] =	ssyncadd.s32 $0xFFFFE000  }
0x12d: {  	[tilespmem:s12], [sflag:$0x1] =	stream.indirect.gather [hbm4b:s14+s10], $0x80, s20, s10, $0xb8;
	[tilespmem:$0x1E000] =	vst v63  }
0x12e: {  	_ =	swait.ge [sflag:s30], $0x2000  }
0x12f: {  	[sflag:s30] =	ssyncset.done $0x0  }
0x130: {  	s20 =	sadd.s32 $0x1080, s17;
	[sflag:s30] =	ssyncadd.s32 $0xFFFFE000  }
0x131: {  	[spmem:s1] =	stream.indirect.scatter.add.f32 [tilespmem:s15], [sflag:$0x5], $0x80, s20, s10, $0xb8;
	[tilespmem:$0x1E000] =	vst v63  }
0x132: {  	_ =	swait.ge [sflag:s8], $0x2000  }
0x133: {  	[sflag:s8] =	ssyncset.done $0x0  }
0x134: {  	s20 =	sadd.s32 $0x280, s17;
	[sflag:s8] =	ssyncadd.s32 $0xFFFFE000  }
0x135: {  	[tilespmem:s15], [sflag:$0x2] =	stream.indirect.gather [hbm4b:s14+s10], $0x80, s20, s10, $0xb8;
	[tilespmem:$0x1E000] =	vst v63  }
0x136: {  	_ =	swait.ge [sflag:s31], $0x2000  }
0x137: {  	[sflag:s31] =	ssyncset.done $0x0  }
0x138: {  	s20 =	sadd.s32 $0x1100, s17;
	[sflag:s31] =	ssyncadd.s32 $0xFFFFE000  }
0x139: {  	[spmem:s1] =	stream.indirect.scatter.add.f32 [tilespmem:s28], [sflag:$0x5], $0x80, s20, s10, $0xb8;
	[tilespmem:$0x1E000] =	vst v63  }
0x13a: {  	_ =	swait.ge [sflag:s8], $0x2000  }
0x13b: {  	[sflag:s8] =	ssyncset.done $0x0  }
0x13c: {  	s20 =	sadd.s32 $0x300, s17;
	[sflag:s8] =	ssyncadd.s32 $0xFFFFE000  }
0x13d: {  	[tilespmem:s28], [sflag:$0x3] =	stream.indirect.gather [hbm4b:s14+s10], $0x80, s20, s10, $0xb8;
	[tilespmem:$0x1E000] =	vst v63  }
0x13e: {  	_ =	swait.ge [sflag:s11], $0x2000  }
.Ltmp1:
0x13f: {  	[sflag:s11] =	ssyncset.done $0x0;
	(pc) =	sbr.rel @p0 .LBB2_4-.Ltmp1, $4  }
0x140: {  	s17 =	sadd.s32 $0x1180, s17;
	[sflag:s11] =	ssyncadd.s32 $0xFFFFE000  }
0x141: {  	[spmem:s1] =	stream.indirect.scatter.add.f32 [tilespmem:s7], [sflag:$0x5], $0x80, s17, s10, $0xb8;
	[tilespmem:$0x1E000] =	vst v63  }
0x142: {  	_ =	swait.ge [sflag:s8], $0x2000  }
0x143: {  	s20 =	smov.u32 s18;
	s17 =	sshra.s32 s19, $0x2;
	[sflag:s8] =	ssyncset.done $0x0  }
0x144: {  	s18 =	sadd.s32 $0x180, s17;
	[sflag:s8] =	ssyncadd.s32 $0xFFFFE000  }
0x145: {  	[tilespmem:s7], [sflag:$0x4] =	stream.indirect.gather [hbm4b:s14+s10], $0x80, s18, s10, $0xb8;
	[tilespmem:$0x1E000] =	vst v63  }
0x146: {  	_ =	swait.ge [sflag:s29], $0x2000  }
0x147: {  	[sflag:s29] =	ssyncset.done $0x0  }
0x148: {  	s21 =	sadd.s32 $0x1000, s17;
	[sflag:s29] =	ssyncadd.s32 $0xFFFFE000  }
0x149: {  	[spmem:s1] =	stream.indirect.scatter.add.f32 [tilespmem:s12], [sflag:$0x5], $0x80, s21, s10, $0xb8;
	[tilespmem:$0x1E000] =	vst v63  }
0x14a: {  	_ =	swait.ge [sflag:s8], $0x2000  }
0x14b: {  	[sflag:s8] =	ssyncset.done $0x0  }
0x14c: {  	s13 =	sadd.s32 $0x200, s17;
	[sflag:s8] =	ssyncadd.s32 $0xFFFFE000  }
0x14d: {  	[tilespmem:s12], [sflag:$0x1] =	stream.indirect.gather [hbm4b:s14+s10], $0x80, s13, s10, $0xb8;
	[tilespmem:$0x1E000] =	vst v63  }
0x14e: {  	_ =	swait.ge [sflag:s30], $0x2000  }
0x14f: {  	[sflag:s30] =	ssyncset.done $0x0  }
0x150: {  	s19 =	sadd.s32 $0x1080, s17;
	[sflag:s30] =	ssyncadd.s32 $0xFFFFE000  }
0x151: {  	[spmem:s1] =	stream.indirect.scatter.add.f32 [tilespmem:s15], [sflag:$0x5], $0x80, s19, s10, $0xb8;
	[tilespmem:$0x1E000] =	vst v63  }
0x152: {  	_ =	swait.ge [sflag:s8], $0x2000  }
0x153: {  	[sflag:s8] =	ssyncset.done $0x0  }
0x154: {  	s20 =	sadd.s32 $0x280, s17;
	[sflag:s8] =	ssyncadd.s32 $0xFFFFE000  }
0x155: {  	[tilespmem:s15], [sflag:$0x2] =	stream.indirect.gather [hbm4b:s14+s10], $0x80, s20, s10, $0xb8;
	[tilespmem:$0x1E000] =	vst v63  }
0x156: {  	_ =	swait.ge [sflag:s31], $0x2000  }
0x157: {  	[sflag:s31] =	ssyncset.done $0x0  }
0x158: {  	s21 =	sadd.s32 $0x1100, s17;
	[sflag:s31] =	ssyncadd.s32 $0xFFFFE000  }
0x159: {  	[spmem:s1] =	stream.indirect.scatter.add.f32 [tilespmem:s28], [sflag:$0x5], $0x80, s21, s10, $0xb8;
	[tilespmem:$0x1E000] =	vst v63  }
0x15a: {  	_ =	swait.ge [sflag:s8], $0x2000  }
0x15b: {  	[sflag:s8] =	ssyncset.done $0x0  }
0x15c: {  	s13 =	sadd.s32 $0x300, s17;
	[sflag:s8] =	ssyncadd.s32 $0xFFFFE000  }
0x15d: {  	[tilespmem:s28], [sflag:$0x3] =	stream.indirect.gather [hbm4b:s14+s10], $0x80, s13, s10, $0xb8;
	[tilespmem:$0x1E000] =	vst v63  }
0x15e: {  	_ =	swait.ge [sflag:s11], $0x2000  }
0x15f: {  	[sflag:s11] =	ssyncset.done $0x0  }
0x160: {  	s18 =	sadd.s32 $0x1180, s17;
	[sflag:s11] =	ssyncadd.s32 $0xFFFFE000  }
0x161: {  	[spmem:s1] =	stream.indirect.scatter.add.f32 [tilespmem:s7], [sflag:$0x5], $0x80, s18, s10, $0xb8;
	[tilespmem:$0x1E000] =	vst v63  }
0x162: {  	_ =	swait.ge [sflag:s8], $0x2000  }
0x163: {  	[sflag:s8] =	ssyncset.done $0x0  }
0x164: {  	[sflag:s8] =	ssyncadd.s32 $0xFFFFE000  }
0x165: {  	[tilespmem:s7], [sflag:$0x4] =	stream.indirect.gather [hbm4b:s14+s10], $0x80, s0, s10, $0xb8;
	[tilespmem:$0x1E000] =	vst v63  }
0x166: {  	_ =	swait.ge [sflag:s29], $0x2000  }
0x167: {  	[sflag:s29] =	ssyncset.done $0x0  }
0x168: {  	[sflag:s29] =	ssyncadd.s32 $0xFFFFE000  }
0x169: {  	[spmem:s1] =	stream.indirect.scatter.add.f32 [tilespmem:s12], [sflag:$0x5], $0x80, s3, s10, $0xb8;
	[tilespmem:$0x1E000] =	vst v63  }
0x16a: {  	_ =	swait.ge [sflag:s8], $0x2000  }
0x16b: {  	[sflag:s8] =	ssyncset.done $0x0  }
0x16c: {  	[sflag:s8] =	ssyncadd.s32 $0xFFFFE000  }
0x16d: {  	[tilespmem:s12], [sflag:$0x1] =	stream.indirect.gather [hbm4b:s14+s10], $0x80, s0, s10, $0xb8;
	[tilespmem:$0x1E000] =	vst v63  }
0x16e: {  	_ =	swait.ge [sflag:s30], $0x2000  }
0x16f: {  	[sflag:s30] =	ssyncset.done $0x0  }
0x170: {  	[sflag:s30] =	ssyncadd.s32 $0xFFFFE000  }
0x171: {  	[spmem:s1] =	stream.indirect.scatter.add.f32 [tilespmem:s15], [sflag:$0x5], $0x80, s4, s10, $0xb8;
	[tilespmem:$0x1E000] =	vst v63  }
0x172: {  	_ =	swait.ge [sflag:s8], $0x2000  }
0x173: {  	[sflag:s8] =	ssyncset.done $0x0  }
0x174: {  	[sflag:s8] =	ssyncadd.s32 $0xFFFFE000  }
0x175: {  	[tilespmem:s15], [sflag:$0x2] =	stream.indirect.gather [hbm4b:s14+s10], $0x80, s0, s10, $0xb8;
	[tilespmem:$0x1E000] =	vst v63  }
0x176: {  	_ =	swait.ge [sflag:s31], $0x2000  }
0x177: {  	[sflag:s31] =	ssyncset.done $0x0  }
0x178: {  	[sflag:s31] =	ssyncadd.s32 $0xFFFFE000  }
0x179: {  	[spmem:s1] =	stream.indirect.scatter.add.f32 [tilespmem:s28], [sflag:$0x5], $0x80, s5, s10, $0xb8;
	[tilespmem:$0x1E000] =	vst v63  }
0x17a: {  	_ =	swait.ge [sflag:s8], $0x2000  }
0x17b: {  	[sflag:s8] =	ssyncset.done $0x0  }
0x17c: {  	[sflag:s8] =	ssyncadd.s32 $0xFFFFE000  }
0x17d: {  	[tilespmem:s28], [sflag:$0x3] =	stream.indirect.gather [hbm4b:s14+s10], $0x80, s0, s10, $0xb8;
	[tilespmem:$0x1E000] =	vst v63  }
0x17e: {  	_ =	swait.ge [sflag:s11], $0x2000  }
0x17f: {  	[sflag:s11] =	ssyncset.done $0x0  }
0x180: {  	[sflag:s11] =	ssyncadd.s32 $0xFFFFE000  }
0x181: {  	[spmem:s1] =	stream.indirect.scatter.add.f32 [tilespmem:s7], [sflag:$0x5], $0x80, s6, s10, $0xb8;
	[tilespmem:$0x1E000] =	vst v63  }
0x182: {  	_ =	swait.ge [sflag:s8], $0x2000  }
0x183: {  	[sflag:s8] =	ssyncset.done $0x0  }
0x184: {  	[sflag:s8] =	ssyncadd.s32 $0xFFFFE000  }
0x185: {  	_ =	swait.ge [sflag:s29], $0x2000  }
0x186: {  	[sflag:s29] =	ssyncset.done $0x0  }
0x187: {  	[sflag:s29] =	ssyncadd.s32 $0xFFFFE000  }
0x188: {  	_ =	swait.ge [sflag:s30], $0x2000  }
0x189: {  	[sflag:s30] =	ssyncset.done $0x0  }
0x18a: {  	[sflag:s30] =	ssyncadd.s32 $0xFFFFE000  }
0x18b: {  	_ =	swait.ge [sflag:s31], $0x2000  }
0x18c: {  	[sflag:s31] =	ssyncset.done $0x0  }
0x18d: {  	s19 =	simm.s32 $0x0;
	s13 =	rddreg [dreg:$0x18];
	[sflag:s31] =	ssyncadd.s32 $0xFFFFE000  }
0x18e: {  	[tilespmem:s19], [sflag:$0x5] =	stream.linear.gather [hbm4b:s13+s19], $0x1000, $0x38;
	[tilespmem:$0x1E000] =	vst v63  }
0x18f: {  	_ =	swait.ge [sflag:s8], $0x1000  }
0x190: {  	[sflag:s8] =	ssyncset.done $0x0  }
0x191: {  	s21 =	simm.s32 $0x1000;
	s20 =	rddreg [dreg:$0x19];
	[sflag:s8] =	ssyncadd.s32 $0xFFFFF000  }
0x192: {  	[tilespmem:s21], [sflag:$0x5] =	stream.linear.gather [hbm4b:s20+s19], $0x1000, $0x38;
	[tilespmem:$0x1E000] =	vst v63  }
0x193: {  	_ =	swait.ge [sflag:s8], $0x1000  }
0x194: {  	[sflag:s8] =	ssyncset.done $0x0  }
0x195: {  	[sflag:s8] =	ssyncadd.s32 $0xFFFFF000  }
0x196: {  	[tilespmem:s12], [sflag:$0x1] =	stream.indirect.gather [hbm4b:s14+s10], $0x80, s19, s10, $0xb8;
	[tilespmem:$0x1E000] =	vst v63  }
0x197: {  	s18 =	simm.s32 $0x80  }
0x198: {  	[tilespmem:s15], [sflag:$0x2] =	stream.indirect.gather [hbm4b:s14+s10], $0x80, s18, s10, $0xb8;
	[tilespmem:$0x1E000] =	vst v63  }
0x199: {  	_ = 	snop  }
0x19a: {  	[tilespmem:s28], [sflag:$0x3] =	stream.indirect.gather [hbm4b:s14+s10], $0x80, s26, s10, $0xb8;
	[tilespmem:$0x1E000] =	vst v63  }
0x19b: {  	s19 =	simm.s32 $0x180  }
0x19c: {  	[tilespmem:s7], [sflag:$0x4] =	stream.indirect.gather [hbm4b:s14+s10], $0x80, s19, s10, $0xb8;
	[tilespmem:$0x1E000] =	vst v63  }
0x19d: {  	_ =	swait.ge [sflag:s29], $0x2000  }
0x19e: {  	[sflag:s29] =	ssyncset.done $0x0  }
0x19f: {  	s20 =	simm.s32 $0x1000;
	[sflag:s29] =	ssyncadd.s32 $0xFFFFE000  }
0x1a0: {  	[spmem:s1] =	stream.indirect.scatter.add.f32 [tilespmem:s12], [sflag:$0x5], $0x80, s20, s10, $0xb8;
	[tilespmem:$0x1E000] =	vst v63  }
0x1a1: {  	_ =	swait.ge [sflag:s8], $0x2000  }
0x1a2: {  	[sflag:s8] =	ssyncset.done $0x0  }
0x1a3: {  	s21 =	simm.s32 $0x200;
	[sflag:s8] =	ssyncadd.s32 $0xFFFFE000  }
0x1a4: {  	[tilespmem:s12], [sflag:$0x1] =	stream.indirect.gather [hbm4b:s14+s10], $0x80, s21, s10, $0xb8;
	[tilespmem:$0x1E000] =	vst v63  }
0x1a5: {  	_ =	swait.ge [sflag:s30], $0x2000  }
0x1a6: {  	[sflag:s30] =	ssyncset.done $0x0  }
0x1a7: {  	s13 =	simm.s32 $0x1080;
	[sflag:s30] =	ssyncadd.s32 $0xFFFFE000  }
0x1a8: {  	[spmem:s1] =	stream.indirect.scatter.add.f32 [tilespmem:s15], [sflag:$0x5], $0x80, s13, s10, $0xb8;
	[tilespmem:$0x1E000] =	vst v63  }
0x1a9: {  	_ =	swait.ge [sflag:s8], $0x2000  }
0x1aa: {  	[sflag:s8] =	ssyncset.done $0x0  }
0x1ab: {  	s18 =	simm.s32 $0x280;
	[sflag:s8] =	ssyncadd.s32 $0xFFFFE000  }
0x1ac: {  	[tilespmem:s15], [sflag:$0x2] =	stream.indirect.gather [hbm4b:s14+s10], $0x80, s18, s10, $0xb8;
	[tilespmem:$0x1E000] =	vst v63  }
0x1ad: {  	_ =	swait.ge [sflag:s31], $0x2000  }
0x1ae: {  	[sflag:s31] =	ssyncset.done $0x0  }
0x1af: {  	s19 =	simm.s32 $0x1100;
	[sflag:s31] =	ssyncadd.s32 $0xFFFFE000  }
0x1b0: {  	[spmem:s1] =	stream.indirect.scatter.add.f32 [tilespmem:s28], [sflag:$0x5], $0x80, s19, s10, $0xb8;
	[tilespmem:$0x1E000] =	vst v63  }
0x1b1: {  	_ =	swait.ge [sflag:s8], $0x2000  }
0x1b2: {  	[sflag:s8] =	ssyncset.done $0x0  }
0x1b3: {  	s20 =	simm.s32 $0x300;
	[sflag:s8] =	ssyncadd.s32 $0xFFFFE000  }
0x1b4: {  	[tilespmem:s28], [sflag:$0x3] =	stream.indirect.gather [hbm4b:s14+s10], $0x80, s20, s10, $0xb8;
	[tilespmem:$0x1E000] =	vst v63  }
0x1b5: {  	_ =	swait.ge [sflag:s11], $0x2000  }
0x1b6: {  	[sflag:s11] =	ssyncset.done $0x0  }
0x1b7: {  	s21 =	simm.s32 $0x1180;
	[sflag:s11] =	ssyncadd.s32 $0xFFFFE000  }
0x1b8: {  	[spmem:s1] =	stream.indirect.scatter.add.f32 [tilespmem:s7], [sflag:$0x5], $0x80, s21, s10, $0xb8;
	[tilespmem:$0x1E000] =	vst v63  }
0x1b9: {  	_ =	swait.ge [sflag:s8], $0x2000  }
0x1ba: {  	s17 =	simm.s32 $0x200;
	s20 =	simm.s32 $0x1000;
	[sflag:s8] =	ssyncset.done $0x0  }
.LBB2_6:
0x1bb: {  	s21 =	sadd.s32 $0x180, s17  }
0x1bc: {  	[sflag:s8] =	ssyncadd.s32 $0xFFFFE000;
	s19 =	smov.u32 s20;
	s18 =	sadd.s32 $0x800, s20  }
0x1bd: {  	[tilespmem:s7], [sflag:$0x4] =	stream.indirect.gather [hbm4b:s14+s10], $0x80, s21, s10, $0xb8;
	[tilespmem:$0x1E000] =	vst v63  }
0x1be: {  	p0 =	sne.s32 s20, $0x3000;
	_ =	swait.ge [sflag:s29], $0x2000  }
0x1bf: {  	[sflag:s29] =	ssyncset.done $0x0  }
0x1c0: {  	s20 =	sadd.s32 $0x1000, s17;
	[sflag:s29] =	ssyncadd.s32 $0xFFFFE000  }
0x1c1: {  	[spmem:s1] =	stream.indirect.scatter.add.f32 [tilespmem:s12], [sflag:$0x5], $0x80, s20, s10, $0xb8;
	[tilespmem:$0x1E000] =	vst v63  }
0x1c2: {  	_ =	swait.ge [sflag:s8], $0x2000  }
0x1c3: {  	[sflag:s8] =	ssyncset.done $0x0  }
0x1c4: {  	s20 =	sadd.s32 $0x200, s17;
	[sflag:s8] =	ssyncadd.s32 $0xFFFFE000  }
0x1c5: {  	[tilespmem:s12], [sflag:$0x1] =	stream.indirect.gather [hbm4b:s14+s10], $0x80, s20, s10, $0xb8;
	[tilespmem:$0x1E000] =	vst v63  }
0x1c6: {  	_ =	swait.ge [sflag:s30], $0x2000  }
0x1c7: {  	[sflag:s30] =	ssyncset.done $0x0  }
0x1c8: {  	s20 =	sadd.s32 $0x1080, s17;
	[sflag:s30] =	ssyncadd.s32 $0xFFFFE000  }
0x1c9: {  	[spmem:s1] =	stream.indirect.scatter.add.f32 [tilespmem:s15], [sflag:$0x5], $0x80, s20, s10, $0xb8;
	[tilespmem:$0x1E000] =	vst v63  }
0x1ca: {  	_ =	swait.ge [sflag:s8], $0x2000  }
0x1cb: {  	[sflag:s8] =	ssyncset.done $0x0  }
0x1cc: {  	s20 =	sadd.s32 $0x280, s17;
	[sflag:s8] =	ssyncadd.s32 $0xFFFFE000  }
0x1cd: {  	[tilespmem:s15], [sflag:$0x2] =	stream.indirect.gather [hbm4b:s14+s10], $0x80, s20, s10, $0xb8;
	[tilespmem:$0x1E000] =	vst v63  }
0x1ce: {  	_ =	swait.ge [sflag:s31], $0x2000  }
0x1cf: {  	[sflag:s31] =	ssyncset.done $0x0  }
0x1d0: {  	s20 =	sadd.s32 $0x1100, s17;
	[sflag:s31] =	ssyncadd.s32 $0xFFFFE000  }
0x1d1: {  	[spmem:s1] =	stream.indirect.scatter.add.f32 [tilespmem:s28], [sflag:$0x5], $0x80, s20, s10, $0xb8;
	[tilespmem:$0x1E000] =	vst v63  }
0x1d2: {  	_ =	swait.ge [sflag:s8], $0x2000  }
0x1d3: {  	[sflag:s8] =	ssyncset.done $0x0  }
0x1d4: {  	s20 =	sadd.s32 $0x300, s17;
	[sflag:s8] =	ssyncadd.s32 $0xFFFFE000  }
0x1d5: {  	[tilespmem:s28], [sflag:$0x3] =	stream.indirect.gather [hbm4b:s14+s10], $0x80, s20, s10, $0xb8;
	[tilespmem:$0x1E000] =	vst v63  }
0x1d6: {  	_ =	swait.ge [sflag:s11], $0x2000  }
.Ltmp2:
0x1d7: {  	[sflag:s11] =	ssyncset.done $0x0;
	(pc) =	sbr.rel @p0 .LBB2_6-.Ltmp2, $4  }
0x1d8: {  	s17 =	sadd.s32 $0x1180, s17;
	[sflag:s11] =	ssyncadd.s32 $0xFFFFE000  }
0x1d9: {  	[spmem:s1] =	stream.indirect.scatter.add.f32 [tilespmem:s7], [sflag:$0x5], $0x80, s17, s10, $0xb8;
	[tilespmem:$0x1E000] =	vst v63  }
0x1da: {  	_ =	swait.ge [sflag:s8], $0x2000  }
0x1db: {  	s20 =	smov.u32 s18;
	s17 =	sshra.s32 s19, $0x2;
	[sflag:s8] =	ssyncset.done $0x0  }
0x1dc: {  	s18 =	sadd.s32 $0x180, s17;
	[sflag:s8] =	ssyncadd.s32 $0xFFFFE000  }
0x1dd: {  	[tilespmem:s7], [sflag:$0x4] =	stream.indirect.gather [hbm4b:s14+s10], $0x80, s18, s10, $0xb8;
	[tilespmem:$0x1E000] =	vst v63  }
0x1de: {  	_ =	swait.ge [sflag:s29], $0x2000  }
0x1df: {  	[sflag:s29] =	ssyncset.done $0x0  }
0x1e0: {  	s21 =	sadd.s32 $0x1000, s17;
	[sflag:s29] =	ssyncadd.s32 $0xFFFFE000  }
0x1e1: {  	[spmem:s1] =	stream.indirect.scatter.add.f32 [tilespmem:s12], [sflag:$0x5], $0x80, s21, s10, $0xb8;
	[tilespmem:$0x1E000] =	vst v63  }
0x1e2: {  	_ =	swait.ge [sflag:s8], $0x2000  }
0x1e3: {  	[sflag:s8] =	ssyncset.done $0x0  }
0x1e4: {  	s13 =	sadd.s32 $0x200, s17;
	[sflag:s8] =	ssyncadd.s32 $0xFFFFE000  }
0x1e5: {  	[tilespmem:s12], [sflag:$0x1] =	stream.indirect.gather [hbm4b:s14+s10], $0x80, s13, s10, $0xb8;
	[tilespmem:$0x1E000] =	vst v63  }
0x1e6: {  	_ =	swait.ge [sflag:s30], $0x2000  }
0x1e7: {  	[sflag:s30] =	ssyncset.done $0x0  }
0x1e8: {  	s19 =	sadd.s32 $0x1080, s17;
	[sflag:s30] =	ssyncadd.s32 $0xFFFFE000  }
0x1e9: {  	[spmem:s1] =	stream.indirect.scatter.add.f32 [tilespmem:s15], [sflag:$0x5], $0x80, s19, s10, $0xb8;
	[tilespmem:$0x1E000] =	vst v63  }
0x1ea: {  	_ =	swait.ge [sflag:s8], $0x2000  }
0x1eb: {  	[sflag:s8] =	ssyncset.done $0x0  }
0x1ec: {  	s20 =	sadd.s32 $0x280, s17;
	[sflag:s8] =	ssyncadd.s32 $0xFFFFE000  }
0x1ed: {  	[tilespmem:s15], [sflag:$0x2] =	stream.indirect.gather [hbm4b:s14+s10], $0x80, s20, s10, $0xb8;
	[tilespmem:$0x1E000] =	vst v63  }
0x1ee: {  	_ =	swait.ge [sflag:s31], $0x2000  }
0x1ef: {  	[sflag:s31] =	ssyncset.done $0x0  }
0x1f0: {  	s21 =	sadd.s32 $0x1100, s17;
	[sflag:s31] =	ssyncadd.s32 $0xFFFFE000  }
0x1f1: {  	[spmem:s1] =	stream.indirect.scatter.add.f32 [tilespmem:s28], [sflag:$0x5], $0x80, s21, s10, $0xb8;
	[tilespmem:$0x1E000] =	vst v63  }
0x1f2: {  	_ =	swait.ge [sflag:s8], $0x2000  }
0x1f3: {  	[sflag:s8] =	ssyncset.done $0x0  }
0x1f4: {  	s13 =	sadd.s32 $0x300, s17;
	[sflag:s8] =	ssyncadd.s32 $0xFFFFE000  }
0x1f5: {  	[tilespmem:s28], [sflag:$0x3] =	stream.indirect.gather [hbm4b:s14+s10], $0x80, s13, s10, $0xb8;
	[tilespmem:$0x1E000] =	vst v63  }
0x1f6: {  	_ =	swait.ge [sflag:s11], $0x2000  }
0x1f7: {  	[sflag:s11] =	ssyncset.done $0x0  }
0x1f8: {  	s18 =	sadd.s32 $0x1180, s17;
	[sflag:s11] =	ssyncadd.s32 $0xFFFFE000  }
0x1f9: {  	[spmem:s1] =	stream.indirect.scatter.add.f32 [tilespmem:s7], [sflag:$0x5], $0x80, s18, s10, $0xb8;
	[tilespmem:$0x1E000] =	vst v63  }
0x1fa: {  	_ =	swait.ge [sflag:s8], $0x2000  }
0x1fb: {  	[sflag:s8] =	ssyncset.done $0x0  }
0x1fc: {  	[sflag:s8] =	ssyncadd.s32 $0xFFFFE000  }
0x1fd: {  	[tilespmem:s7], [sflag:$0x4] =	stream.indirect.gather [hbm4b:s14+s10], $0x80, s0, s10, $0xb8;
	[tilespmem:$0x1E000] =	vst v63  }
0x1fe: {  	_ =	swait.ge [sflag:s29], $0x2000  }
0x1ff: {  	[sflag:s29] =	ssyncset.done $0x0  }
0x200: {  	[sflag:s29] =	ssyncadd.s32 $0xFFFFE000  }
0x201: {  	[spmem:s1] =	stream.indirect.scatter.add.f32 [tilespmem:s12], [sflag:$0x5], $0x80, s3, s10, $0xb8;
	[tilespmem:$0x1E000] =	vst v63  }
0x202: {  	_ =	swait.ge [sflag:s8], $0x2000  }
0x203: {  	[sflag:s8] =	ssyncset.done $0x0  }
0x204: {  	[sflag:s8] =	ssyncadd.s32 $0xFFFFE000  }
0x205: {  	[tilespmem:s12], [sflag:$0x1] =	stream.indirect.gather [hbm4b:s14+s10], $0x80, s0, s10, $0xb8;
	[tilespmem:$0x1E000] =	vst v63  }
0x206: {  	_ =	swait.ge [sflag:s30], $0x2000  }
0x207: {  	[sflag:s30] =	ssyncset.done $0x0  }
0x208: {  	[sflag:s30] =	ssyncadd.s32 $0xFFFFE000  }
0x209: {  	[spmem:s1] =	stream.indirect.scatter.add.f32 [tilespmem:s15], [sflag:$0x5], $0x80, s4, s10, $0xb8;
	[tilespmem:$0x1E000] =	vst v63  }
0x20a: {  	_ =	swait.ge [sflag:s8], $0x2000  }
0x20b: {  	[sflag:s8] =	ssyncset.done $0x0  }
0x20c: {  	[sflag:s8] =	ssyncadd.s32 $0xFFFFE000  }
0x20d: {  	[tilespmem:s15], [sflag:$0x2] =	stream.indirect.gather [hbm4b:s14+s10], $0x80, s0, s10, $0xb8;
	[tilespmem:$0x1E000] =	vst v63  }
0x20e: {  	_ =	swait.ge [sflag:s31], $0x2000  }
0x20f: {  	[sflag:s31] =	ssyncset.done $0x0  }
0x210: {  	[sflag:s31] =	ssyncadd.s32 $0xFFFFE000  }
0x211: {  	[spmem:s1] =	stream.indirect.scatter.add.f32 [tilespmem:s28], [sflag:$0x5], $0x80, s5, s10, $0xb8;
	[tilespmem:$0x1E000] =	vst v63  }
0x212: {  	_ =	swait.ge [sflag:s8], $0x2000  }
0x213: {  	[sflag:s8] =	ssyncset.done $0x0  }
0x214: {  	[sflag:s8] =	ssyncadd.s32 $0xFFFFE000  }
0x215: {  	[tilespmem:s28], [sflag:$0x3] =	stream.indirect.gather [hbm4b:s14+s10], $0x80, s0, s10, $0xb8;
	[tilespmem:$0x1E000] =	vst v63  }
0x216: {  	_ =	swait.ge [sflag:s11], $0x2000  }
0x217: {  	[sflag:s11] =	ssyncset.done $0x0  }
0x218: {  	[sflag:s11] =	ssyncadd.s32 $0xFFFFE000  }
0x219: {  	[spmem:s1] =	stream.indirect.scatter.add.f32 [tilespmem:s7], [sflag:$0x5], $0x80, s6, s10, $0xb8;
	[tilespmem:$0x1E000] =	vst v63  }
0x21a: {  	_ =	swait.ge [sflag:s8], $0x2000  }
0x21b: {  	[sflag:s8] =	ssyncset.done $0x0  }
0x21c: {  	[sflag:s8] =	ssyncadd.s32 $0xFFFFE000  }
0x21d: {  	_ =	swait.ge [sflag:s29], $0x2000  }
0x21e: {  	[sflag:s29] =	ssyncset.done $0x0  }
0x21f: {  	[sflag:s29] =	ssyncadd.s32 $0xFFFFE000  }
0x220: {  	_ =	swait.ge [sflag:s30], $0x2000  }
0x221: {  	[sflag:s30] =	ssyncset.done $0x0  }
0x222: {  	[sflag:s30] =	ssyncadd.s32 $0xFFFFE000  }
0x223: {  	_ =	swait.ge [sflag:s31], $0x2000  }
0x224: {  	[sflag:s31] =	ssyncset.done $0x0  }
0x225: {  	s19 =	simm.s32 $0x0;
	s13 =	rddreg [dreg:$0x1a];
	[sflag:s31] =	ssyncadd.s32 $0xFFFFE000  }
0x226: {  	[tilespmem:s19], [sflag:$0x5] =	stream.linear.gather [hbm4b:s13+s19], $0x1000, $0x38;
	[tilespmem:$0x1E000] =	vst v63  }
0x227: {  	_ =	swait.ge [sflag:s8], $0x1000  }
0x228: {  	[sflag:s8] =	ssyncset.done $0x0  }
0x229: {  	s21 =	simm.s32 $0x1000;
	s20 =	rddreg [dreg:$0x1b];
	[sflag:s8] =	ssyncadd.s32 $0xFFFFF000  }
0x22a: {  	[tilespmem:s21], [sflag:$0x5] =	stream.linear.gather [hbm4b:s20+s19], $0x1000, $0x38;
	[tilespmem:$0x1E000] =	vst v63  }
0x22b: {  	_ =	swait.ge [sflag:s8], $0x1000  }
0x22c: {  	[sflag:s8] =	ssyncset.done $0x0  }
0x22d: {  	[sflag:s8] =	ssyncadd.s32 $0xFFFFF000  }
0x22e: {  	[tilespmem:s12], [sflag:$0x1] =	stream.indirect.gather [hbm4b:s14+s10], $0x80, s19, s10, $0xb8;
	[tilespmem:$0x1E000] =	vst v63  }
0x22f: {  	s18 =	simm.s32 $0x80  }
0x230: {  	[tilespmem:s15], [sflag:$0x2] =	stream.indirect.gather [hbm4b:s14+s10], $0x80, s18, s10, $0xb8;
	[tilespmem:$0x1E000] =	vst v63  }
0x231: {  	_ = 	snop  }
0x232: {  	[tilespmem:s28], [sflag:$0x3] =	stream.indirect.gather [hbm4b:s14+s10], $0x80, s26, s10, $0xb8;
	[tilespmem:$0x1E000] =	vst v63  }
0x233: {  	s19 =	simm.s32 $0x180  }
0x234: {  	[tilespmem:s7], [sflag:$0x4] =	stream.indirect.gather [hbm4b:s14+s10], $0x80, s19, s10, $0xb8;
	[tilespmem:$0x1E000] =	vst v63  }
0x235: {  	_ =	swait.ge [sflag:s29], $0x2000  }
0x236: {  	[sflag:s29] =	ssyncset.done $0x0  }
0x237: {  	s20 =	simm.s32 $0x1000;
	[sflag:s29] =	ssyncadd.s32 $0xFFFFE000  }
0x238: {  	[spmem:s1] =	stream.indirect.scatter.add.f32 [tilespmem:s12], [sflag:$0x5], $0x80, s20, s10, $0xb8;
	[tilespmem:$0x1E000] =	vst v63  }
0x239: {  	_ =	swait.ge [sflag:s8], $0x2000  }
0x23a: {  	[sflag:s8] =	ssyncset.done $0x0  }
0x23b: {  	s21 =	simm.s32 $0x200;
	[sflag:s8] =	ssyncadd.s32 $0xFFFFE000  }
0x23c: {  	[tilespmem:s12], [sflag:$0x1] =	stream.indirect.gather [hbm4b:s14+s10], $0x80, s21, s10, $0xb8;
	[tilespmem:$0x1E000] =	vst v63  }
0x23d: {  	_ =	swait.ge [sflag:s30], $0x2000  }
0x23e: {  	[sflag:s30] =	ssyncset.done $0x0  }
0x23f: {  	s13 =	simm.s32 $0x1080;
	[sflag:s30] =	ssyncadd.s32 $0xFFFFE000  }
0x240: {  	[spmem:s1] =	stream.indirect.scatter.add.f32 [tilespmem:s15], [sflag:$0x5], $0x80, s13, s10, $0xb8;
	[tilespmem:$0x1E000] =	vst v63  }
0x241: {  	_ =	swait.ge [sflag:s8], $0x2000  }
0x242: {  	[sflag:s8] =	ssyncset.done $0x0  }
0x243: {  	s18 =	simm.s32 $0x280;
	[sflag:s8] =	ssyncadd.s32 $0xFFFFE000  }
0x244: {  	[tilespmem:s15], [sflag:$0x2] =	stream.indirect.gather [hbm4b:s14+s10], $0x80, s18, s10, $0xb8;
	[tilespmem:$0x1E000] =	vst v63  }
0x245: {  	_ =	swait.ge [sflag:s31], $0x2000  }
0x246: {  	[sflag:s31] =	ssyncset.done $0x0  }
0x247: {  	s19 =	simm.s32 $0x1100;
	[sflag:s31] =	ssyncadd.s32 $0xFFFFE000  }
0x248: {  	[spmem:s1] =	stream.indirect.scatter.add.f32 [tilespmem:s28], [sflag:$0x5], $0x80, s19, s10, $0xb8;
	[tilespmem:$0x1E000] =	vst v63  }
0x249: {  	_ =	swait.ge [sflag:s8], $0x2000  }
0x24a: {  	[sflag:s8] =	ssyncset.done $0x0  }
0x24b: {  	s20 =	simm.s32 $0x300;
	[sflag:s8] =	ssyncadd.s32 $0xFFFFE000  }
0x24c: {  	[tilespmem:s28], [sflag:$0x3] =	stream.indirect.gather [hbm4b:s14+s10], $0x80, s20, s10, $0xb8;
	[tilespmem:$0x1E000] =	vst v63  }
0x24d: {  	_ =	swait.ge [sflag:s11], $0x2000  }
0x24e: {  	[sflag:s11] =	ssyncset.done $0x0  }
0x24f: {  	s21 =	simm.s32 $0x1180;
	[sflag:s11] =	ssyncadd.s32 $0xFFFFE000  }
0x250: {  	[spmem:s1] =	stream.indirect.scatter.add.f32 [tilespmem:s7], [sflag:$0x5], $0x80, s21, s10, $0xb8;
	[tilespmem:$0x1E000] =	vst v63  }
0x251: {  	_ =	swait.ge [sflag:s8], $0x2000  }
0x252: {  	s17 =	simm.s32 $0x200;
	s20 =	simm.s32 $0x1000;
	[sflag:s8] =	ssyncset.done $0x0  }
.LBB2_8:
0x253: {  	s21 =	sadd.s32 $0x180, s17  }
0x254: {  	[sflag:s8] =	ssyncadd.s32 $0xFFFFE000;
	s19 =	smov.u32 s20;
	s18 =	sadd.s32 $0x800, s20  }
0x255: {  	[tilespmem:s7], [sflag:$0x4] =	stream.indirect.gather [hbm4b:s14+s10], $0x80, s21, s10, $0xb8;
	[tilespmem:$0x1E000] =	vst v63  }
0x256: {  	p0 =	sne.s32 s20, $0x3000;
	_ =	swait.ge [sflag:s29], $0x2000  }
0x257: {  	[sflag:s29] =	ssyncset.done $0x0  }
0x258: {  	s20 =	sadd.s32 $0x1000, s17;
	[sflag:s29] =	ssyncadd.s32 $0xFFFFE000  }
0x259: {  	[spmem:s1] =	stream.indirect.scatter.add.f32 [tilespmem:s12], [sflag:$0x5], $0x80, s20, s10, $0xb8;
	[tilespmem:$0x1E000] =	vst v63  }
0x25a: {  	_ =	swait.ge [sflag:s8], $0x2000  }
0x25b: {  	[sflag:s8] =	ssyncset.done $0x0  }
0x25c: {  	s20 =	sadd.s32 $0x200, s17;
	[sflag:s8] =	ssyncadd.s32 $0xFFFFE000  }
0x25d: {  	[tilespmem:s12], [sflag:$0x1] =	stream.indirect.gather [hbm4b:s14+s10], $0x80, s20, s10, $0xb8;
	[tilespmem:$0x1E000] =	vst v63  }
0x25e: {  	_ =	swait.ge [sflag:s30], $0x2000  }
0x25f: {  	[sflag:s30] =	ssyncset.done $0x0  }
0x260: {  	s20 =	sadd.s32 $0x1080, s17;
	[sflag:s30] =	ssyncadd.s32 $0xFFFFE000  }
0x261: {  	[spmem:s1] =	stream.indirect.scatter.add.f32 [tilespmem:s15], [sflag:$0x5], $0x80, s20, s10, $0xb8;
	[tilespmem:$0x1E000] =	vst v63  }
0x262: {  	_ =	swait.ge [sflag:s8], $0x2000  }
0x263: {  	[sflag:s8] =	ssyncset.done $0x0  }
0x264: {  	s20 =	sadd.s32 $0x280, s17;
	[sflag:s8] =	ssyncadd.s32 $0xFFFFE000  }
0x265: {  	[tilespmem:s15], [sflag:$0x2] =	stream.indirect.gather [hbm4b:s14+s10], $0x80, s20, s10, $0xb8;
	[tilespmem:$0x1E000] =	vst v63  }
0x266: {  	_ =	swait.ge [sflag:s31], $0x2000  }
0x267: {  	[sflag:s31] =	ssyncset.done $0x0  }
0x268: {  	s20 =	sadd.s32 $0x1100, s17;
	[sflag:s31] =	ssyncadd.s32 $0xFFFFE000  }
0x269: {  	[spmem:s1] =	stream.indirect.scatter.add.f32 [tilespmem:s28], [sflag:$0x5], $0x80, s20, s10, $0xb8;
	[tilespmem:$0x1E000] =	vst v63  }
0x26a: {  	_ =	swait.ge [sflag:s8], $0x2000  }
0x26b: {  	[sflag:s8] =	ssyncset.done $0x0  }
0x26c: {  	s20 =	sadd.s32 $0x300, s17;
	[sflag:s8] =	ssyncadd.s32 $0xFFFFE000  }
0x26d: {  	[tilespmem:s28], [sflag:$0x3] =	stream.indirect.gather [hbm4b:s14+s10], $0x80, s20, s10, $0xb8;
	[tilespmem:$0x1E000] =	vst v63  }
0x26e: {  	_ =	swait.ge [sflag:s11], $0x2000  }
.Ltmp3:
0x26f: {  	[sflag:s11] =	ssyncset.done $0x0;
	(pc) =	sbr.rel @p0 .LBB2_8-.Ltmp3, $4  }
0x270: {  	s17 =	sadd.s32 $0x1180, s17;
	[sflag:s11] =	ssyncadd.s32 $0xFFFFE000  }
0x271: {  	[spmem:s1] =	stream.indirect.scatter.add.f32 [tilespmem:s7], [sflag:$0x5], $0x80, s17, s10, $0xb8;
	[tilespmem:$0x1E000] =	vst v63  }
0x272: {  	_ =	swait.ge [sflag:s8], $0x2000  }
0x273: {  	s20 =	smov.u32 s18;
	s17 =	sshra.s32 s19, $0x2;
	[sflag:s8] =	ssyncset.done $0x0  }
0x274: {  	s18 =	sadd.s32 $0x180, s17;
	[sflag:s8] =	ssyncadd.s32 $0xFFFFE000  }
0x275: {  	[tilespmem:s7], [sflag:$0x4] =	stream.indirect.gather [hbm4b:s14+s10], $0x80, s18, s10, $0xb8;
	[tilespmem:$0x1E000] =	vst v63  }
0x276: {  	_ =	swait.ge [sflag:s29], $0x2000  }
0x277: {  	[sflag:s29] =	ssyncset.done $0x0  }
0x278: {  	s21 =	sadd.s32 $0x1000, s17;
	[sflag:s29] =	ssyncadd.s32 $0xFFFFE000  }
0x279: {  	[spmem:s1] =	stream.indirect.scatter.add.f32 [tilespmem:s12], [sflag:$0x5], $0x80, s21, s10, $0xb8;
	[tilespmem:$0x1E000] =	vst v63  }
0x27a: {  	_ =	swait.ge [sflag:s8], $0x2000  }
0x27b: {  	[sflag:s8] =	ssyncset.done $0x0  }
0x27c: {  	s13 =	smov.u32 s9;
	s9 =	sadd.s32 $0x200, s17;
	[sflag:s8] =	ssyncadd.s32 $0xFFFFE000  }
0x27d: {  	[tilespmem:s12], [sflag:$0x1] =	stream.indirect.gather [hbm4b:s14+s10], $0x80, s9, s10, $0xb8;
	[tilespmem:$0x1E000] =	vst v63  }
0x27e: {  	_ =	swait.ge [sflag:s30], $0x2000  }
0x27f: {  	[sflag:s30] =	ssyncset.done $0x0  }
0x280: {  	s19 =	sadd.s32 $0x1080, s17;
	[sflag:s30] =	ssyncadd.s32 $0xFFFFE000  }
0x281: {  	[spmem:s1] =	stream.indirect.scatter.add.f32 [tilespmem:s15], [sflag:$0x5], $0x80, s19, s10, $0xb8;
	[tilespmem:$0x1E000] =	vst v63  }
0x282: {  	_ =	swait.ge [sflag:s8], $0x2000  }
0x283: {  	[sflag:s8] =	ssyncset.done $0x0  }
0x284: {  	s20 =	sadd.s32 $0x280, s17;
	[sflag:s8] =	ssyncadd.s32 $0xFFFFE000  }
0x285: {  	[tilespmem:s15], [sflag:$0x2] =	stream.indirect.gather [hbm4b:s14+s10], $0x80, s20, s10, $0xb8;
	[tilespmem:$0x1E000] =	vst v63  }
0x286: {  	_ =	swait.ge [sflag:s31], $0x2000  }
0x287: {  	[sflag:s31] =	ssyncset.done $0x0  }
0x288: {  	s21 =	sadd.s32 $0x1100, s17;
	[sflag:s31] =	ssyncadd.s32 $0xFFFFE000  }
0x289: {  	[spmem:s1] =	stream.indirect.scatter.add.f32 [tilespmem:s28], [sflag:$0x5], $0x80, s21, s10, $0xb8;
	[tilespmem:$0x1E000] =	vst v63  }
0x28a: {  	_ =	swait.ge [sflag:s8], $0x2000  }
0x28b: {  	[sflag:s8] =	ssyncset.done $0x0  }
0x28c: {  	s9 =	sadd.s32 $0x300, s17;
	[sflag:s8] =	ssyncadd.s32 $0xFFFFE000  }
0x28d: {  	[tilespmem:s28], [sflag:$0x3] =	stream.indirect.gather [hbm4b:s14+s10], $0x80, s9, s10, $0xb8;
	[tilespmem:$0x1E000] =	vst v63  }
0x28e: {  	_ =	swait.ge [sflag:s11], $0x2000  }
0x28f: {  	[sflag:s11] =	ssyncset.done $0x0  }
0x290: {  	s18 =	sadd.s32 $0x1180, s17;
	[sflag:s11] =	ssyncadd.s32 $0xFFFFE000  }
0x291: {  	[spmem:s1] =	stream.indirect.scatter.add.f32 [tilespmem:s7], [sflag:$0x5], $0x80, s18, s10, $0xb8;
	[tilespmem:$0x1E000] =	vst v63  }
0x292: {  	_ =	swait.ge [sflag:s8], $0x2000  }
0x293: {  	[sflag:s8] =	ssyncset.done $0x0  }
0x294: {  	[sflag:s8] =	ssyncadd.s32 $0xFFFFE000  }
0x295: {  	[tilespmem:s7], [sflag:$0x4] =	stream.indirect.gather [hbm4b:s14+s10], $0x80, s0, s10, $0xb8;
	[tilespmem:$0x1E000] =	vst v63  }
0x296: {  	_ =	swait.ge [sflag:s29], $0x2000  }
0x297: {  	[sflag:s29] =	ssyncset.done $0x0  }
0x298: {  	[sflag:s29] =	ssyncadd.s32 $0xFFFFE000  }
0x299: {  	[spmem:s1] =	stream.indirect.scatter.add.f32 [tilespmem:s12], [sflag:$0x5], $0x80, s3, s10, $0xb8;
	[tilespmem:$0x1E000] =	vst v63  }
0x29a: {  	_ =	swait.ge [sflag:s8], $0x2000  }
0x29b: {  	[sflag:s8] =	ssyncset.done $0x0  }
0x29c: {  	[sflag:s8] =	ssyncadd.s32 $0xFFFFE000  }
0x29d: {  	[tilespmem:s12], [sflag:$0x1] =	stream.indirect.gather [hbm4b:s14+s10], $0x80, s0, s10, $0xb8;
	[tilespmem:$0x1E000] =	vst v63  }
0x29e: {  	_ =	swait.ge [sflag:s30], $0x2000  }
0x29f: {  	[sflag:s30] =	ssyncset.done $0x0  }
0x2a0: {  	[sflag:s30] =	ssyncadd.s32 $0xFFFFE000  }
0x2a1: {  	[spmem:s1] =	stream.indirect.scatter.add.f32 [tilespmem:s15], [sflag:$0x5], $0x80, s4, s10, $0xb8;
	[tilespmem:$0x1E000] =	vst v63  }
0x2a2: {  	_ =	swait.ge [sflag:s8], $0x2000  }
0x2a3: {  	[sflag:s8] =	ssyncset.done $0x0  }
0x2a4: {  	[sflag:s8] =	ssyncadd.s32 $0xFFFFE000  }
0x2a5: {  	[tilespmem:s15], [sflag:$0x2] =	stream.indirect.gather [hbm4b:s14+s10], $0x80, s0, s10, $0xb8;
	[tilespmem:$0x1E000] =	vst v63  }
0x2a6: {  	_ =	swait.ge [sflag:s31], $0x2000  }
0x2a7: {  	[sflag:s31] =	ssyncset.done $0x0  }
0x2a8: {  	[sflag:s31] =	ssyncadd.s32 $0xFFFFE000  }
0x2a9: {  	[spmem:s1] =	stream.indirect.scatter.add.f32 [tilespmem:s28], [sflag:$0x5], $0x80, s5, s10, $0xb8;
	[tilespmem:$0x1E000] =	vst v63  }
0x2aa: {  	_ =	swait.ge [sflag:s8], $0x2000  }
0x2ab: {  	[sflag:s8] =	ssyncset.done $0x0  }
0x2ac: {  	[sflag:s8] =	ssyncadd.s32 $0xFFFFE000  }
0x2ad: {  	[tilespmem:s28], [sflag:$0x3] =	stream.indirect.gather [hbm4b:s14+s10], $0x80, s0, s10, $0xb8;
	[tilespmem:$0x1E000] =	vst v63  }
0x2ae: {  	_ =	swait.ge [sflag:s11], $0x2000  }
0x2af: {  	[sflag:s11] =	ssyncset.done $0x0  }
0x2b0: {  	[sflag:s11] =	ssyncadd.s32 $0xFFFFE000  }
0x2b1: {  	[spmem:s1] =	stream.indirect.scatter.add.f32 [tilespmem:s7], [sflag:$0x5], $0x80, s6, s10, $0xb8;
	[tilespmem:$0x1E000] =	vst v63  }
0x2b2: {  	_ =	swait.ge [sflag:s8], $0x2000  }
0x2b3: {  	[sflag:s8] =	ssyncset.done $0x0  }
0x2b4: {  	[sflag:s8] =	ssyncadd.s32 $0xFFFFE000  }
0x2b5: {  	_ =	swait.ge [sflag:s29], $0x2000  }
0x2b6: {  	[sflag:s29] =	ssyncset.done $0x0  }
0x2b7: {  	[sflag:s29] =	ssyncadd.s32 $0xFFFFE000  }
0x2b8: {  	_ =	swait.ge [sflag:s30], $0x2000  }
0x2b9: {  	[sflag:s30] =	ssyncset.done $0x0  }
0x2ba: {  	[sflag:s30] =	ssyncadd.s32 $0xFFFFE000  }
0x2bb: {  	_ =	swait.ge [sflag:s31], $0x2000  }
0x2bc: {  	[sflag:s31] =	ssyncset.done $0x0  }
0x2bd: {  	s17 =	simm.s32 $0x0;
	s19 =	rddreg [dreg:$0x1c];
	[sflag:s31] =	ssyncadd.s32 $0xFFFFE000  }
0x2be: {  	[tilespmem:s17], [sflag:$0x5] =	stream.linear.gather [hbm4b:s19+s17], $0x1000, $0x38;
	[tilespmem:$0x1E000] =	vst v63  }
0x2bf: {  	_ =	swait.ge [sflag:s8], $0x1000  }
0x2c0: {  	[sflag:s8] =	ssyncset.done $0x0  }
0x2c1: {  	s21 =	simm.s32 $0x1000;
	s20 =	rddreg [dreg:$0x1d];
	[sflag:s8] =	ssyncadd.s32 $0xFFFFF000  }
0x2c2: {  	[tilespmem:s21], [sflag:$0x5] =	stream.linear.gather [hbm4b:s20+s17], $0x1000, $0x38;
	[tilespmem:$0x1E000] =	vst v63  }
0x2c3: {  	_ =	swait.ge [sflag:s8], $0x1000  }
0x2c4: {  	[sflag:s8] =	ssyncset.done $0x0  }
0x2c5: {  	[sflag:s8] =	ssyncadd.s32 $0xFFFFF000  }
0x2c6: {  	[tilespmem:s12], [sflag:$0x1] =	stream.indirect.gather [hbm4b:s14+s10], $0x80, s17, s10, $0xb8;
	[tilespmem:$0x1E000] =	vst v63  }
0x2c7: {  	s18 =	simm.s32 $0x80  }
0x2c8: {  	[tilespmem:s15], [sflag:$0x2] =	stream.indirect.gather [hbm4b:s14+s10], $0x80, s18, s10, $0xb8;
	[tilespmem:$0x1E000] =	vst v63  }
0x2c9: {  	_ = 	snop  }
0x2ca: {  	[tilespmem:s28], [sflag:$0x3] =	stream.indirect.gather [hbm4b:s14+s10], $0x80, s26, s10, $0xb8;
	[tilespmem:$0x1E000] =	vst v63  }
0x2cb: {  	s19 =	simm.s32 $0x180  }
0x2cc: {  	[tilespmem:s7], [sflag:$0x4] =	stream.indirect.gather [hbm4b:s14+s10], $0x80, s19, s10, $0xb8;
	[tilespmem:$0x1E000] =	vst v63  }
0x2cd: {  	_ =	swait.ge [sflag:s29], $0x2000  }
0x2ce: {  	[sflag:s29] =	ssyncset.done $0x0  }
0x2cf: {  	s20 =	simm.s32 $0x1000;
	[sflag:s29] =	ssyncadd.s32 $0xFFFFE000  }
0x2d0: {  	[spmem:s1] =	stream.indirect.scatter.add.f32 [tilespmem:s12], [sflag:$0x5], $0x80, s20, s10, $0xb8;
	[tilespmem:$0x1E000] =	vst v63  }
0x2d1: {  	_ =	swait.ge [sflag:s8], $0x2000  }
0x2d2: {  	[sflag:s8] =	ssyncset.done $0x0  }
0x2d3: {  	s21 =	simm.s32 $0x200;
	[sflag:s8] =	ssyncadd.s32 $0xFFFFE000  }
0x2d4: {  	[tilespmem:s12], [sflag:$0x1] =	stream.indirect.gather [hbm4b:s14+s10], $0x80, s21, s10, $0xb8;
	[tilespmem:$0x1E000] =	vst v63  }
0x2d5: {  	_ =	swait.ge [sflag:s30], $0x2000  }
0x2d6: {  	[sflag:s30] =	ssyncset.done $0x0  }
0x2d7: {  	s9 =	simm.s32 $0x1080;
	[sflag:s30] =	ssyncadd.s32 $0xFFFFE000  }
0x2d8: {  	[spmem:s1] =	stream.indirect.scatter.add.f32 [tilespmem:s15], [sflag:$0x5], $0x80, s9, s10, $0xb8;
	[tilespmem:$0x1E000] =	vst v63  }
0x2d9: {  	_ =	swait.ge [sflag:s8], $0x2000  }
0x2da: {  	[sflag:s8] =	ssyncset.done $0x0  }
0x2db: {  	s18 =	simm.s32 $0x280;
	[sflag:s8] =	ssyncadd.s32 $0xFFFFE000  }
0x2dc: {  	[tilespmem:s15], [sflag:$0x2] =	stream.indirect.gather [hbm4b:s14+s10], $0x80, s18, s10, $0xb8;
	[tilespmem:$0x1E000] =	vst v63  }
0x2dd: {  	_ =	swait.ge [sflag:s31], $0x2000  }
0x2de: {  	[sflag:s31] =	ssyncset.done $0x0  }
0x2df: {  	s19 =	simm.s32 $0x1100;
	[sflag:s31] =	ssyncadd.s32 $0xFFFFE000  }
0x2e0: {  	[spmem:s1] =	stream.indirect.scatter.add.f32 [tilespmem:s28], [sflag:$0x5], $0x80, s19, s10, $0xb8;
	[tilespmem:$0x1E000] =	vst v63  }
0x2e1: {  	_ =	swait.ge [sflag:s8], $0x2000  }
0x2e2: {  	[sflag:s8] =	ssyncset.done $0x0  }
0x2e3: {  	s20 =	simm.s32 $0x300;
	[sflag:s8] =	ssyncadd.s32 $0xFFFFE000  }
0x2e4: {  	[tilespmem:s28], [sflag:$0x3] =	stream.indirect.gather [hbm4b:s14+s10], $0x80, s20, s10, $0xb8;
	[tilespmem:$0x1E000] =	vst v63  }
0x2e5: {  	_ =	swait.ge [sflag:s11], $0x2000  }
0x2e6: {  	[sflag:s11] =	ssyncset.done $0x0  }
0x2e7: {  	s21 =	simm.s32 $0x1180;
	[sflag:s11] =	ssyncadd.s32 $0xFFFFE000  }
0x2e8: {  	[spmem:s1] =	stream.indirect.scatter.add.f32 [tilespmem:s7], [sflag:$0x5], $0x80, s21, s10, $0xb8;
	[tilespmem:$0x1E000] =	vst v63  }
0x2e9: {  	_ =	swait.ge [sflag:s8], $0x2000  }
0x2ea: {  	s17 =	simm.s32 $0x200;
	s20 =	simm.s32 $0x1000;
	[sflag:s8] =	ssyncset.done $0x0  }
.LBB2_10:
0x2eb: {  	s21 =	sadd.s32 $0x180, s17  }
0x2ec: {  	[sflag:s8] =	ssyncadd.s32 $0xFFFFE000;
	s19 =	smov.u32 s20;
	s18 =	sadd.s32 $0x800, s20  }
0x2ed: {  	[tilespmem:s7], [sflag:$0x4] =	stream.indirect.gather [hbm4b:s14+s10], $0x80, s21, s10, $0xb8;
	[tilespmem:$0x1E000] =	vst v63  }
0x2ee: {  	p0 =	sne.s32 s20, $0x3000;
	_ =	swait.ge [sflag:s29], $0x2000  }
0x2ef: {  	[sflag:s29] =	ssyncset.done $0x0  }
0x2f0: {  	s20 =	sadd.s32 $0x1000, s17;
	[sflag:s29] =	ssyncadd.s32 $0xFFFFE000  }
0x2f1: {  	[spmem:s1] =	stream.indirect.scatter.add.f32 [tilespmem:s12], [sflag:$0x5], $0x80, s20, s10, $0xb8;
	[tilespmem:$0x1E000] =	vst v63  }
0x2f2: {  	_ =	swait.ge [sflag:s8], $0x2000  }
0x2f3: {  	[sflag:s8] =	ssyncset.done $0x0  }
0x2f4: {  	s20 =	sadd.s32 $0x200, s17;
	[sflag:s8] =	ssyncadd.s32 $0xFFFFE000  }
0x2f5: {  	[tilespmem:s12], [sflag:$0x1] =	stream.indirect.gather [hbm4b:s14+s10], $0x80, s20, s10, $0xb8;
	[tilespmem:$0x1E000] =	vst v63  }
0x2f6: {  	_ =	swait.ge [sflag:s30], $0x2000  }
0x2f7: {  	[sflag:s30] =	ssyncset.done $0x0  }
0x2f8: {  	s20 =	sadd.s32 $0x1080, s17;
	[sflag:s30] =	ssyncadd.s32 $0xFFFFE000  }
0x2f9: {  	[spmem:s1] =	stream.indirect.scatter.add.f32 [tilespmem:s15], [sflag:$0x5], $0x80, s20, s10, $0xb8;
	[tilespmem:$0x1E000] =	vst v63  }
0x2fa: {  	_ =	swait.ge [sflag:s8], $0x2000  }
0x2fb: {  	[sflag:s8] =	ssyncset.done $0x0  }
0x2fc: {  	s20 =	sadd.s32 $0x280, s17;
	[sflag:s8] =	ssyncadd.s32 $0xFFFFE000  }
0x2fd: {  	[tilespmem:s15], [sflag:$0x2] =	stream.indirect.gather [hbm4b:s14+s10], $0x80, s20, s10, $0xb8;
	[tilespmem:$0x1E000] =	vst v63  }
0x2fe: {  	_ =	swait.ge [sflag:s31], $0x2000  }
0x2ff: {  	[sflag:s31] =	ssyncset.done $0x0  }
0x300: {  	s20 =	sadd.s32 $0x1100, s17;
	[sflag:s31] =	ssyncadd.s32 $0xFFFFE000  }
0x301: {  	[spmem:s1] =	stream.indirect.scatter.add.f32 [tilespmem:s28], [sflag:$0x5], $0x80, s20, s10, $0xb8;
	[tilespmem:$0x1E000] =	vst v63  }
0x302: {  	_ =	swait.ge [sflag:s8], $0x2000  }
0x303: {  	[sflag:s8] =	ssyncset.done $0x0  }
0x304: {  	s20 =	sadd.s32 $0x300, s17;
	[sflag:s8] =	ssyncadd.s32 $0xFFFFE000  }
0x305: {  	[tilespmem:s28], [sflag:$0x3] =	stream.indirect.gather [hbm4b:s14+s10], $0x80, s20, s10, $0xb8;
	[tilespmem:$0x1E000] =	vst v63  }
0x306: {  	_ =	swait.ge [sflag:s11], $0x2000  }
.Ltmp4:
0x307: {  	[sflag:s11] =	ssyncset.done $0x0;
	(pc) =	sbr.rel @p0 .LBB2_10-.Ltmp4, $4  }
0x308: {  	s17 =	sadd.s32 $0x1180, s17;
	[sflag:s11] =	ssyncadd.s32 $0xFFFFE000  }
0x309: {  	[spmem:s1] =	stream.indirect.scatter.add.f32 [tilespmem:s7], [sflag:$0x5], $0x80, s17, s10, $0xb8;
	[tilespmem:$0x1E000] =	vst v63  }
0x30a: {  	_ =	swait.ge [sflag:s8], $0x2000  }
0x30b: {  	s20 =	smov.u32 s18;
	s17 =	sshra.s32 s19, $0x2;
	[sflag:s8] =	ssyncset.done $0x0  }
0x30c: {  	s18 =	sadd.s32 $0x180, s17;
	[sflag:s8] =	ssyncadd.s32 $0xFFFFE000  }
0x30d: {  	[tilespmem:s7], [sflag:$0x4] =	stream.indirect.gather [hbm4b:s14+s10], $0x80, s18, s10, $0xb8;
	[tilespmem:$0x1E000] =	vst v63  }
0x30e: {  	_ =	swait.ge [sflag:s29], $0x2000  }
0x30f: {  	[sflag:s29] =	ssyncset.done $0x0  }
0x310: {  	s21 =	sadd.s32 $0x1000, s17;
	[sflag:s29] =	ssyncadd.s32 $0xFFFFE000  }
0x311: {  	[spmem:s1] =	stream.indirect.scatter.add.f32 [tilespmem:s12], [sflag:$0x5], $0x80, s21, s10, $0xb8;
	[tilespmem:$0x1E000] =	vst v63  }
0x312: {  	_ =	swait.ge [sflag:s8], $0x2000  }
0x313: {  	[sflag:s8] =	ssyncset.done $0x0  }
0x314: {  	s9 =	sadd.s32 $0x200, s17;
	[sflag:s8] =	ssyncadd.s32 $0xFFFFE000  }
0x315: {  	[tilespmem:s12], [sflag:$0x1] =	stream.indirect.gather [hbm4b:s14+s10], $0x80, s9, s10, $0xb8;
	[tilespmem:$0x1E000] =	vst v63  }
0x316: {  	_ =	swait.ge [sflag:s30], $0x2000  }
0x317: {  	[sflag:s30] =	ssyncset.done $0x0  }
0x318: {  	s19 =	sadd.s32 $0x1080, s17;
	[sflag:s30] =	ssyncadd.s32 $0xFFFFE000  }
0x319: {  	[spmem:s1] =	stream.indirect.scatter.add.f32 [tilespmem:s15], [sflag:$0x5], $0x80, s19, s10, $0xb8;
	[tilespmem:$0x1E000] =	vst v63  }
0x31a: {  	_ =	swait.ge [sflag:s8], $0x2000  }
0x31b: {  	[sflag:s8] =	ssyncset.done $0x0  }
0x31c: {  	s20 =	sadd.s32 $0x280, s17;
	[sflag:s8] =	ssyncadd.s32 $0xFFFFE000  }
0x31d: {  	[tilespmem:s15], [sflag:$0x2] =	stream.indirect.gather [hbm4b:s14+s10], $0x80, s20, s10, $0xb8;
	[tilespmem:$0x1E000] =	vst v63  }
0x31e: {  	_ =	swait.ge [sflag:s31], $0x2000  }
0x31f: {  	[sflag:s31] =	ssyncset.done $0x0  }
0x320: {  	s21 =	sadd.s32 $0x1100, s17;
	[sflag:s31] =	ssyncadd.s32 $0xFFFFE000  }
0x321: {  	[spmem:s1] =	stream.indirect.scatter.add.f32 [tilespmem:s28], [sflag:$0x5], $0x80, s21, s10, $0xb8;
	[tilespmem:$0x1E000] =	vst v63  }
0x322: {  	_ =	swait.ge [sflag:s8], $0x2000  }
0x323: {  	[sflag:s8] =	ssyncset.done $0x0  }
0x324: {  	s9 =	sadd.s32 $0x300, s17;
	[sflag:s8] =	ssyncadd.s32 $0xFFFFE000  }
0x325: {  	[tilespmem:s28], [sflag:$0x3] =	stream.indirect.gather [hbm4b:s14+s10], $0x80, s9, s10, $0xb8;
	[tilespmem:$0x1E000] =	vst v63  }
0x326: {  	_ =	swait.ge [sflag:s11], $0x2000  }
0x327: {  	[sflag:s11] =	ssyncset.done $0x0  }
0x328: {  	s18 =	sadd.s32 $0x1180, s17;
	[sflag:s11] =	ssyncadd.s32 $0xFFFFE000  }
0x329: {  	[spmem:s1] =	stream.indirect.scatter.add.f32 [tilespmem:s7], [sflag:$0x5], $0x80, s18, s10, $0xb8;
	[tilespmem:$0x1E000] =	vst v63  }
0x32a: {  	_ =	swait.ge [sflag:s8], $0x2000  }
0x32b: {  	[sflag:s8] =	ssyncset.done $0x0  }
0x32c: {  	[sflag:s8] =	ssyncadd.s32 $0xFFFFE000  }
0x32d: {  	[tilespmem:s7], [sflag:$0x4] =	stream.indirect.gather [hbm4b:s14+s10], $0x80, s0, s10, $0xb8;
	[tilespmem:$0x1E000] =	vst v63  }
0x32e: {  	_ =	swait.ge [sflag:s29], $0x2000  }
0x32f: {  	[sflag:s29] =	ssyncset.done $0x0  }
0x330: {  	[sflag:s29] =	ssyncadd.s32 $0xFFFFE000  }
0x331: {  	[spmem:s1] =	stream.indirect.scatter.add.f32 [tilespmem:s12], [sflag:$0x5], $0x80, s3, s10, $0xb8;
	[tilespmem:$0x1E000] =	vst v63  }
0x332: {  	_ =	swait.ge [sflag:s8], $0x2000  }
0x333: {  	[sflag:s8] =	ssyncset.done $0x0  }
0x334: {  	[sflag:s8] =	ssyncadd.s32 $0xFFFFE000  }
0x335: {  	[tilespmem:s12], [sflag:$0x1] =	stream.indirect.gather [hbm4b:s14+s10], $0x80, s0, s10, $0xb8;
	[tilespmem:$0x1E000] =	vst v63  }
0x336: {  	_ =	swait.ge [sflag:s30], $0x2000  }
0x337: {  	[sflag:s30] =	ssyncset.done $0x0  }
0x338: {  	[sflag:s30] =	ssyncadd.s32 $0xFFFFE000  }
0x339: {  	[spmem:s1] =	stream.indirect.scatter.add.f32 [tilespmem:s15], [sflag:$0x5], $0x80, s4, s10, $0xb8;
	[tilespmem:$0x1E000] =	vst v63  }
0x33a: {  	_ =	swait.ge [sflag:s8], $0x2000  }
0x33b: {  	[sflag:s8] =	ssyncset.done $0x0  }
0x33c: {  	[sflag:s8] =	ssyncadd.s32 $0xFFFFE000  }
0x33d: {  	[tilespmem:s15], [sflag:$0x2] =	stream.indirect.gather [hbm4b:s14+s10], $0x80, s0, s10, $0xb8;
	[tilespmem:$0x1E000] =	vst v63  }
0x33e: {  	_ =	swait.ge [sflag:s31], $0x2000  }
0x33f: {  	[sflag:s31] =	ssyncset.done $0x0  }
0x340: {  	[sflag:s31] =	ssyncadd.s32 $0xFFFFE000  }
0x341: {  	[spmem:s1] =	stream.indirect.scatter.add.f32 [tilespmem:s28], [sflag:$0x5], $0x80, s5, s10, $0xb8;
	[tilespmem:$0x1E000] =	vst v63  }
0x342: {  	_ =	swait.ge [sflag:s8], $0x2000  }
0x343: {  	[sflag:s8] =	ssyncset.done $0x0  }
0x344: {  	[sflag:s8] =	ssyncadd.s32 $0xFFFFE000  }
0x345: {  	[tilespmem:s28], [sflag:$0x3] =	stream.indirect.gather [hbm4b:s14+s10], $0x80, s0, s10, $0xb8;
	[tilespmem:$0x1E000] =	vst v63  }
0x346: {  	_ =	swait.ge [sflag:s11], $0x2000  }
0x347: {  	[sflag:s11] =	ssyncset.done $0x0  }
0x348: {  	[sflag:s11] =	ssyncadd.s32 $0xFFFFE000  }
0x349: {  	[spmem:s1] =	stream.indirect.scatter.add.f32 [tilespmem:s7], [sflag:$0x5], $0x80, s6, s10, $0xb8;
	[tilespmem:$0x1E000] =	vst v63  }
0x34a: {  	_ =	swait.ge [sflag:s8], $0x2000  }
0x34b: {  	[sflag:s8] =	ssyncset.done $0x0  }
0x34c: {  	[sflag:s8] =	ssyncadd.s32 $0xFFFFE000  }
0x34d: {  	_ =	swait.ge [sflag:s29], $0x2000  }
0x34e: {  	[sflag:s29] =	ssyncset.done $0x0  }
0x34f: {  	[sflag:s29] =	ssyncadd.s32 $0xFFFFE000  }
0x350: {  	_ =	swait.ge [sflag:s30], $0x2000  }
0x351: {  	[sflag:s30] =	ssyncset.done $0x0  }
0x352: {  	[sflag:s30] =	ssyncadd.s32 $0xFFFFE000  }
0x353: {  	_ =	swait.ge [sflag:s31], $0x2000  }
0x354: {  	[sflag:s31] =	ssyncset.done $0x0  }
0x355: {  	[sflag:s31] =	ssyncadd.s32 $0xFFFFE000  }
0x356: {  	[bflag:$0x0] =	sbarrier.arrive $0xFFFF  }
0x357: {  	[tilespmem:s12], [sflag:$0x5] =	stream.linear.gather [spmem:s22], $0x2000, $0x38;
	[tilespmem:$0x1E000] =	vst v63  }
0x358: {  	_ =	swait.ge [sflag:s8], $0x2000  }
0x359: {  	[sflag:s8] =	ssyncset.done $0x0  }
0x35a: {  	s19 =	rddreg [dreg:$0x4];
	[sflag:s8] =	ssyncadd.s32 $0xFFFFE000  }
0x35b: {  	[hbm4b:s19+s2] =	stream.linear.scatter [tilespmem:s12], [sflag:$0x5], $0x2000, $0x38;
	[tilespmem:$0x1E000] =	vst v63  }
0x35c: {  	_ =	swait.ge [sflag:s8], $0x2000  }
0x35d: {  	[sflag:s8] =	ssyncset.done $0x0  }
0x35e: {  	[sflag:s8] =	ssyncadd.s32 $0xFFFFE000  }
0x35f: {  	[tilespmem:s12], [sflag:$0x5] =	stream.linear.gather [spmem:s23], $0x2000, $0x38;
	[tilespmem:$0x1E000] =	vst v63  }
0x360: {  	_ =	swait.ge [sflag:s8], $0x2000  }
0x361: {  	[sflag:s8] =	ssyncset.done $0x0  }
0x362: {  	s20 =	rddreg [dreg:$0x5];
	[sflag:s8] =	ssyncadd.s32 $0xFFFFE000  }
0x363: {  	[hbm4b:s20+s2] =	stream.linear.scatter [tilespmem:s12], [sflag:$0x5], $0x2000, $0x38;
	[tilespmem:$0x1E000] =	vst v63  }
0x364: {  	_ =	swait.ge [sflag:s8], $0x2000  }
0x365: {  	[sflag:s8] =	ssyncset.done $0x0  }
0x366: {  	[sflag:s8] =	ssyncadd.s32 $0xFFFFE000  }
0x367: {  	[tilespmem:s12], [sflag:$0x5] =	stream.linear.gather [spmem:s24], $0x2000, $0x38;
	[tilespmem:$0x1E000] =	vst v63  }
0x368: {  	_ =	swait.ge [sflag:s8], $0x2000  }
0x369: {  	[sflag:s8] =	ssyncset.done $0x0  }
0x36a: {  	s21 =	rddreg [dreg:$0x6];
	[sflag:s8] =	ssyncadd.s32 $0xFFFFE000  }
0x36b: {  	[hbm4b:s21+s2] =	stream.linear.scatter [tilespmem:s12], [sflag:$0x5], $0x2000, $0x38;
	[tilespmem:$0x1E000] =	vst v63  }
0x36c: {  	_ =	swait.ge [sflag:s8], $0x2000  }
0x36d: {  	[sflag:s8] =	ssyncset.done $0x0  }
0x36e: {  	[sflag:s8] =	ssyncadd.s32 $0xFFFFE000  }
0x36f: {  	[tilespmem:s12], [sflag:$0x5] =	stream.linear.gather [spmem:s25], $0x2000, $0x38;
	[tilespmem:$0x1E000] =	vst v63  }
0x370: {  	_ =	swait.ge [sflag:s8], $0x2000  }
0x371: {  	[sflag:s8] =	ssyncset.done $0x0  }
0x372: {  	s18 =	smov.u32 s22;
	s22 =	rddreg [dreg:$0x7];
	[sflag:s8] =	ssyncadd.s32 $0xFFFFE000  }
0x373: {  	[hbm4b:s22+s2] =	stream.linear.scatter [tilespmem:s12], [sflag:$0x5], $0x2000, $0x38;
	[tilespmem:$0x1E000] =	vst v63  }
0x374: {  	_ =	swait.ge [sflag:s8], $0x2000  }
0x375: {  	[sflag:s8] =	ssyncset.done $0x0  }
0x376: {  	s22 =	rddreg [dreg:$0xf];
	[sflag:s8] =	ssyncadd.s32 $0xFFFFE000  }
0x377: {  	[tilespmem:s12], [sflag:$0x5] =	stream.linear.gather [spmem:s22], $0x2000, $0x38;
	[tilespmem:$0x1E000] =	vst v63  }
0x378: {  	_ =	swait.ge [sflag:s8], $0x2000  }
0x379: {  	[sflag:s8] =	ssyncset.done $0x0  }
0x37a: {  	s19 =	smov.u32 s23;
	s23 =	rddreg [dreg:$0x8];
	[sflag:s8] =	ssyncadd.s32 $0xFFFFE000  }
0x37b: {  	[hbm4b:s23+s2] =	stream.linear.scatter [tilespmem:s12], [sflag:$0x5], $0x2000, $0x38;
	[tilespmem:$0x1E000] =	vst v63  }
0x37c: {  	_ =	swait.ge [sflag:s8], $0x2000  }
0x37d: {  	[sflag:s8] =	ssyncset.done $0x0  }
0x37e: {  	s23 =	rddreg [dreg:$0x10];
	[sflag:s8] =	ssyncadd.s32 $0xFFFFE000  }
0x37f: {  	[tilespmem:s12], [sflag:$0x5] =	stream.linear.gather [spmem:s23], $0x2000, $0x38;
	[tilespmem:$0x1E000] =	vst v63  }
0x380: {  	_ =	swait.ge [sflag:s8], $0x2000  }
0x381: {  	[sflag:s8] =	ssyncset.done $0x0  }
0x382: {  	s20 =	smov.u32 s24;
	s24 =	rddreg [dreg:$0x9];
	[sflag:s8] =	ssyncadd.s32 $0xFFFFE000  }
0x383: {  	[hbm4b:s24+s2] =	stream.linear.scatter [tilespmem:s12], [sflag:$0x5], $0x2000, $0x38;
	[tilespmem:$0x1E000] =	vst v63  }
0x384: {  	_ =	swait.ge [sflag:s8], $0x2000  }
0x385: {  	[sflag:s8] =	ssyncset.done $0x0  }
0x386: {  	s24 =	rddreg [dreg:$0x11];
	[sflag:s8] =	ssyncadd.s32 $0xFFFFE000  }
0x387: {  	[tilespmem:s12], [sflag:$0x5] =	stream.linear.gather [spmem:s24], $0x2000, $0x38;
	[tilespmem:$0x1E000] =	vst v63  }
0x388: {  	_ =	swait.ge [sflag:s8], $0x2000  }
0x389: {  	[sflag:s8] =	ssyncset.done $0x0  }
0x38a: {  	s21 =	smov.u32 s25;
	s25 =	rddreg [dreg:$0xa];
	[sflag:s8] =	ssyncadd.s32 $0xFFFFE000  }
0x38b: {  	[hbm4b:s25+s2] =	stream.linear.scatter [tilespmem:s12], [sflag:$0x5], $0x2000, $0x38;
	[tilespmem:$0x1E000] =	vst v63  }
0x38c: {  	_ =	swait.ge [sflag:s8], $0x2000  }
0x38d: {  	[sflag:s8] =	ssyncset.done $0x0  }
0x38e: {  	s25 =	rddreg [dreg:$0x12];
	[sflag:s8] =	ssyncadd.s32 $0xFFFFE000  }
0x38f: {  	[tilespmem:s12], [sflag:$0x5] =	stream.linear.gather [spmem:s25], $0x2000, $0x38;
	[tilespmem:$0x1E000] =	vst v63  }
0x390: {  	_ =	swait.ge [sflag:s8], $0x2000  }
0x391: {  	[sflag:s8] =	ssyncset.done $0x0  }
0x392: {  	s9 =	rddreg [dreg:$0xb];
	[sflag:s8] =	ssyncadd.s32 $0xFFFFE000  }
0x393: {  	[hbm4b:s9+s2] =	stream.linear.scatter [tilespmem:s12], [sflag:$0x5], $0x2000, $0x38;
	[tilespmem:$0x1E000] =	vst v63  }
0x394: {  	_ =	swait.ge [sflag:s8], $0x2000  }
0x395: {  	[sflag:s8] =	ssyncset.done $0x0  }
0x396: {  	s9 =	rddreg [dreg:$0x13];
	[sflag:s8] =	ssyncadd.s32 $0xFFFFE000  }
0x397: {  	[tilespmem:s12], [sflag:$0x5] =	stream.linear.gather [spmem:s9], $0x2000, $0x38;
	[tilespmem:$0x1E000] =	vst v63  }
0x398: {  	_ =	swait.ge [sflag:s8], $0x2000  }
0x399: {  	[sflag:s8] =	ssyncset.done $0x0  }
0x39a: {  	s17 =	rddreg [dreg:$0xc];
	[sflag:s8] =	ssyncadd.s32 $0xFFFFE000  }
0x39b: {  	[hbm4b:s17+s2] =	stream.linear.scatter [tilespmem:s12], [sflag:$0x5], $0x2000, $0x38;
	[tilespmem:$0x1E000] =	vst v63  }
0x39c: {  	_ =	swait.ge [sflag:s8], $0x2000  }
0x39d: {  	[sflag:s8] =	ssyncset.done $0x0  }
0x39e: {  	[sflag:s8] =	ssyncadd.s32 $0xFFFFE000  }
0x39f: {  	[tilespmem:s12], [sflag:$0x5] =	stream.linear.gather [spmem:s13], $0x2000, $0x38;
	[tilespmem:$0x1E000] =	vst v63  }
0x3a0: {  	_ =	swait.ge [sflag:s8], $0x2000  }
0x3a1: {  	[sflag:s8] =	ssyncset.done $0x0  }
0x3a2: {  	s17 =	rddreg [dreg:$0xd];
	[sflag:s8] =	ssyncadd.s32 $0xFFFFE000  }
0x3a3: {  	[hbm4b:s17+s2] =	stream.linear.scatter [tilespmem:s12], [sflag:$0x5], $0x2000, $0x38;
	[tilespmem:$0x1E000] =	vst v63  }
0x3a4: {  	_ =	swait.ge [sflag:s8], $0x2000  }
0x3a5: {  	s16 =	sadd.s32 $0x1, s16;
	s17 =	rddreg [dreg:$0x1e]  }
0x3a6: {  	p0 =	sne.s32 s16, s17  }
.Ltmp5:
0x3a7: {  	_ = 	snop;
	(pc) =	sbr.rel @p0 .LBB2_1-.Ltmp5, $3  }
0x3a8: {  	_ =	sdelay $0x1  }
0x3a9: {  	[sflag:s8] =	ssyncset.done $0x0  }
0x3aa: {  	[sflag:s8] =	ssyncadd.s32 $0xFFFFE000  }
0x3ab: {  	_ =	sfence.sel $0x180000  }
0x3ac: {  	[bflag:$0x0] =	sbarrier.arrive $0xFFFF  }
0x3ad: {  	_ =	strace $0x9000004A  }
0x3ae: {  	s0 =	stileid.u32;
	[bflag:$0x2] =	sbarrier.arrive $0xFFFF  }
0x3af: {  	p0 =	sne.s32 s0, $0x0;
	s0 =	rddreg [dreg:$0x3]  }
0x3b0: {  	s0 =	sadd.s32 @!p0 $0x100000, s0  }
0x3b1: {  	[sflag:s0] =	ssyncadd.tile.s32 @!p0 $0x1;
	_ =	shalt  }
.Lfunc_end2:
_tile_overlayer_lowered:
.L_overlay_start_2:
0x3b2: {  	(tag) =	ssettag $0x2  }
0x3b3: {  	s0 =	rddreg [dreg:$0x0];
	s2 =	stileid.u32  }
0x3b4: {  	s1 =	rddreg [dreg:$0x1];
	p0 =	sne.s32 s2, $0x0  }
0x3b5: {  	s3 =	rddreg [dreg:$0x2];
	[bflag:$0x3] =	sbarrier.arrive $0xFFFF;
	s2 =	simm.s32 @!p0 $0x1C05  }
0x3b6: {  	[timem:s3], [sflag:s2] =	dma.local @!p0 [hbm:s0], s1  }
0x3b7: {  	s0 =	simm.s32 @!p0 $0x5  }
0x3b8: {  	_ =	swait.ge @!p0 [sflag:s0], s1  }
0x3b9: {  	s1 =	ssub.s32 @!p0 $0x0, s1;
	[sflag:s0] =	ssyncset.done @!p0 $0x0  }
0x3ba: {  	[sflag:s0] =	ssyncadd.s32 @!p0 s1  }
0x3bb: {  	[bflag:$0x3] =	sbarrier.arrive $0xFFFF  }
0x3bc: {  	_ =	shalt  }

// kernel: kernel.8.cloned.1.call-start
scs
__scs_entry_jumppad:
0x0: {  	(pc) =	sbr.rel $0x88, $3  }
0x1: {  	(tag) =	ssettag $0x0;
	lr =	simm.s32 $0x1  }
0x2: {  	[smem:$0x3F9D] =	sst lr;
	_ =	strace $0xD0000000  }
0x3: {  	_ = 	snop  }
0x4: {  	_ = 	snop  }
0x5: {  	_ = 	snop  }
0x6: {  	_ = 	snop  }
0x7: {  	_ = 	snop  }
__scs_overlays_trampoline_lowered:
0x8: {  	[smem:$0x3FAC] =	sst s0  }
0x9: {  	[smem:$0x3FAD] =	sst s1  }
0xa: {  	[smem:$0x3FAE] =	sst s2  }
0xb: {  	[smem:$0x3FAF] =	sst s3  }
0xc: {  	[smem:$0x3FB0] =	sst s4  }
0xd: {  	[smem:$0x3FB1] =	sst s5  }
0xe: {  	[smem:$0x3FB2] =	sst s6  }
0xf: {  	[smem:$0x3FB3] =	sst s7  }
0x10: {  	[smem:$0x3FB4] =	sst s8  }
0x11: {  	[smem:$0x3FB5] =	sst s9;
	s0 =	simm.s32 @!p0 $0x0  }
0x12: {  	s1 =	sld [smem:$0x3F9B];
	s0 =	simm.s32 @p0 $0x1  }
0x13: {  	[smem:$0x3FB6] =	sst s0;
	s0 =	simm.s32 @!p1 $0x0  }
0x14: {  	s2 =	sld [smem:$0x3F9A];
	s0 =	simm.s32 @p1 $0x1  }
0x15: {  	[smem:$0x3FB7] =	sst s0;
	s0 =	simm.s32 @!p2 $0x0  }
0x16: {  	s3 =	sld [smem:$0x3FDB];
	s0 =	simm.s32 @p2 $0x1  }
0x17: {  	s4 =	simm.s32 $0x1BF5;
	[smem:$0x3FB9] =	sst s0  }
0x18: {  	s0 =	sld [smem:$0x3F9C];
	_ =	swait.ge [sflag:s4], $0x0  }
0x19: {  	s7 =	sld [smem:$0x3F9D]  }
0x1a: {  	s8 =	sadd.s32 $0xFFFFE003, lr  }
0x1b: {  	s9 =	sadd.s32 $0xFFFFFEF7, lr;
	s5 =	simm.s32 $0xFFFFFFFF;
	p2 =	slt.u32 s8, $0xFFFFF086  }
0x1c: {  	p1 =	slt.u32 s9, $0xF7A;
	s5 =	simm.s32 @!p2 $0x0  }
0x1d: {  	s5 =	simm.s32 @p1 $0x1;
	p0 =	seq.s32 s7, s2  }
0x1e: {  	s7 =	smul.u32 @!p0 $0xF7A, s2;
	p2 =	seq.s32 @!p0 s5, $0x0  }
0x1f: {  	s9 =	smul.u32 $0xF7A, s1;
	s8 =	simm.s32 @!p0 $0x1BF5;
	p2 =	por !p2, p0  }
0x20: {  	[sflag:s8] =	ssyncset.s32 @!p0 $0xFFFFF086;
	s6 =	sadd.s32 @!p0 s3, s7;
	s7 =	simm.s32 @!p0 $0x108  }
0x21: {  	s3 =	sadd.s32 s3, s9;
	s6 =	sadd.s32 @!p0 $0x88, s6;
	s7 =	simm.s32 @p2 $0x1082  }
0x22: {  	[simem:s7], [sflag:s8] =	dma.local @!p0 [hbm:s6], $0xF7A  }
0x23: {  	s9 =	sor.u32 $0xD0000000, s2;
	s6 =	simm.s32 $0x108;
	_ =	swait.ge @!p0 [sflag:s8], $0x0  }
0x24: {  	s3 =	sadd.s32 $0x88, s3;
	s6 =	simm.s32 @!p1 $0x1082;
	[sflag:s4] =	ssyncset.s32 $0xFFFFF086  }
0x25: {  	[simem:s6], [sflag:s4] =	dma.local [hbm:s3], $0xF7A  }
0x26: {  	[smem:$0x3F9D] =	sst s1;
	(tag) =	ssettag s2;
	_ =	strace s9  }
0x27: {  	s1 =	sld [smem:$0x3FAD]  }
0x28: {  	s2 =	sld [smem:$0x3FAE]  }
0x29: {  	s4 =	sld [smem:$0x3FB0]  }
0x2a: {  	p0 =	seq.s32 s5, $0x0;
	s5 =	sld [smem:$0x3FB1]  }
0x2b: {  	s6 =	sld [smem:$0x3FB2]  }
0x2c: {  	s7 =	sld [smem:$0x3FB3]  }
0x2d: {  	s3 =	simm.s32 $0x108;
	s8 =	sld [smem:$0x3FB4]  }
0x2e: {  	s3 =	simm.s32 @!p0 $0x1082;
	s9 =	sld [smem:$0x3FB5]  }
0x2f: {  	lr =	sadd.s32 s0, s3;
	s0 =	sld [smem:$0x3FAC]  }
0x30: {  	s3 =	sld [smem:$0x3FAF]  }
0x31: {  	[smem:$0x3FB8] =	sst s10  }
0x32: {  	s10 =	sld [smem:$0x3FB6];
	_ =	sdelay $0x3  }
0x33: {  	p0 =	seq.s32 s10, $0x1;
	s10 =	sld [smem:$0x3FB8];
	_ =	sdelay $0x3  }
0x34: {  	[smem:$0x3FB8] =	sst s10  }
0x35: {  	s10 =	sld [smem:$0x3FB7];
	_ =	sdelay $0x3  }
0x36: {  	p1 =	seq.s32 s10, $0x1;
	s10 =	sld [smem:$0x3FB8];
	_ =	sdelay $0x3  }
0x37: {  	[smem:$0x3FB8] =	sst s10  }
0x38: {  	s10 =	sld [smem:$0x3FB9]  }
0x39: {  	_ = 	snop;
	(pc) =	sbr.ind lr, $3  }
0x3a: {  	_ = 	snop  }
0x3b: {  	_ = 	snop  }
0x3c: {  	p2 =	seq.s32 s10, $0x1;
	s10 =	sld [smem:$0x3FB8]  }
0x3d: {  	_ =	shalt  }
0x3e: {  	_ =	shalt  }
0x3f: {  	_ =	shalt  }
0x40: {  	_ =	shalt  }
0x41: {  	_ =	shalt  }
0x42: {  	_ =	shalt  }
0x43: {  	_ =	shalt  }
0x44: {  	_ =	shalt  }
0x45: {  	_ =	shalt  }
0x46: {  	_ =	shalt  }
0x47: {  	_ =	shalt  }
0x48: {  	_ =	shalt  }
0x49: {  	_ =	shalt  }
0x4a: {  	_ =	shalt  }
0x4b: {  	_ =	shalt  }
0x4c: {  	_ =	shalt  }
0x4d: {  	_ =	shalt  }
0x4e: {  	_ =	shalt  }
0x4f: {  	_ =	shalt  }
0x50: {  	_ =	shalt  }
0x51: {  	_ =	shalt  }
0x52: {  	_ =	shalt  }
0x53: {  	_ =	shalt  }
0x54: {  	_ =	shalt  }
0x55: {  	_ =	shalt  }
0x56: {  	_ =	shalt  }
0x57: {  	_ =	shalt  }
0x58: {  	_ =	shalt  }
0x59: {  	_ =	shalt  }
0x5a: {  	_ =	shalt  }
0x5b: {  	_ =	shalt  }
0x5c: {  	_ =	shalt  }
0x5d: {  	_ =	shalt  }
0x5e: {  	_ =	shalt  }
0x5f: {  	_ =	shalt  }
0x60: {  	_ =	shalt  }
0x61: {  	_ =	shalt  }
0x62: {  	_ =	shalt  }
0x63: {  	_ =	shalt  }
0x64: {  	_ =	shalt  }
0x65: {  	_ =	shalt  }
0x66: {  	_ =	shalt  }
0x67: {  	_ =	shalt  }
0x68: {  	_ =	shalt  }
0x69: {  	_ =	shalt  }
0x6a: {  	_ =	shalt  }
0x6b: {  	_ =	shalt  }
0x6c: {  	_ =	shalt  }
0x6d: {  	_ =	shalt  }
0x6e: {  	_ =	shalt  }
0x6f: {  	_ =	shalt  }
0x70: {  	_ =	shalt  }
0x71: {  	_ =	shalt  }
0x72: {  	_ =	shalt  }
0x73: {  	_ =	shalt  }
0x74: {  	_ =	shalt  }
0x75: {  	_ =	shalt  }
0x76: {  	_ =	shalt  }
0x77: {  	_ =	shalt  }
0x78: {  	_ =	shalt  }
0x79: {  	_ =	shalt  }
0x7a: {  	_ =	shalt  }
0x7b: {  	_ =	shalt  }
0x7c: {  	_ =	shalt  }
0x7d: {  	_ =	shalt  }
0x7e: {  	_ =	shalt  }
0x7f: {  	_ =	shalt  }
0x80: {  	_ =	shalt  }
0x81: {  	_ =	shalt  }
0x82: {  	_ =	shalt  }
0x83: {  	_ =	shalt  }
0x84: {  	_ =	shalt  }
0x85: {  	_ =	shalt  }
0x86: {  	_ =	shalt  }
0x87: {  	_ =	shalt  }
.Lfunc_end0:
.L_simem_size_0:
called_computation_lowered:
.L_overlay_start_0:
0x88: {  	s2 =	sld [smem:$0x3FD9]  }
0x89: {  	s3 =	sld [smem:$0x3FFE];
	_ =	sdelay $0x1  }
0x8a: {  	s1 =	srdreg.scid  }
0x8b: {  	s0 =	sand.u32 $0x1, s1  }
0x8c: {  	s17 =	sshll.u32 s0, $0xA;
	s2 =	sadd.s32 s3, s2  }
0x8d: {  	s2 =	sadd.s32 s2, s17  }
0x8e: {  	[smem:$0x3FC4] =	sst s2  }
0x8f: {  	_ = 	snop  }
0x90: {  	s2 =	sld [smem:$0x3FD0];
	(tm) =	ssettm $0x1  }
0x91: {  	s18 =	sld [smem:$0x3FFB];
	_ =	sdelay $0x3  }
0x92: {  	_ =	strace s18  }
0x93: {  	s3 =	sld [smem:$0x3FFC];
	_ =	sdelay $0x3  }
0x94: {  	_ =	strace s3  }
0x95: {  	s3 =	sld [smem:$0x3FFD];
	_ =	sdelay $0x3  }
0x96: {  	_ =	strace s3  }
0x97: {  	_ =	strace $0x8FFFFFFF  }
0x98: {  	s19 =	sld [smem:$0x3FDB];
	_ =	sdelay $0x1  }
0x99: {  	s4 =	simm.s32 $_scs_section_size  }
0x9a: {  	s5 =	simm.s32 $_size__tile_overlayer_lowered;
	s6 =	simm.s32 $_tile_overlayer_lowered  }
0x9b: {  	s22 =	simm.s32 $0x1BFF;
	s21 =	sshll.u32 s6, $0x1;
	s3 =	sadd.s32 s4, s19  }
0x9c: {  	s7 =	simm.s32 $0x0;
	s20 =	sshll.u32 s5, $0x1;
	s5 =	sadd.s32 s21, s3  }
0x9d: {  	[timem:s7], [sflag:s22] =	dma.local [hbm:s5], s20  }
0x9e: {  	_ =	swait.ge [sflag:s22], s20  }
0x9f: {  	s4 =	ssub.s32 $0x0, s20;
	[sflag:s22] =	ssyncset.done $0x0  }
0xa0: {  	[sflag:s22] =	ssyncadd.s32 s4;
	_ =	sdelay $0x1  }
0xa1: {  	s23 =	simm.s32 $0x1B8B  }
0xa2: {  	_ =	swait.ge [sflag:s23], $0x1  }
0xa3: {  	[sflag:s23] =	ssyncset.done $0x0  }
0xa4: {  	s25 =	simm.s32 $0x1B8E;
	s24 =	sld [smem:$0x3FFE];
	[sflag:s23] =	ssyncadd.s32 $0xFFFFFFFF  }
0xa5: {  	s26 =	simm.s32 $execute0_lowered;
	[smem:$0x3FD2] =	sst s25  }
0xa6: {  	s5 =	sshll.u32 s26, $0x1;
	_ =	strace $0x80000046;
	[dreg:$0x1] =	wrdreg $0xFFFFFFFF  }
0xa7: {  	s28 =	simm.s32 $_size_execute0_lowered;
	s3 =	sadd.s32 s3, s5;
	[dreg:$0x0] =	wrdreg $0x0  }
0xa8: {  	s5 =	sshll.u32 s28, $0x1;
	[dreg:$0x2] =	wrdreg s3  }
0xa9: {  	[dreg:$0x3] =	wrdreg s5  }
0xaa: {  	[dreg:$0x4] =	wrdreg $0xC0  }
0xab: {  	_ =	task [dreg:s7], $0x5FFFF  }
0xac: {  	[dreg:$0x1] =	wrdreg $0xFFFFFFFF  }
0xad: {  	[dreg:$0x0] =	wrdreg $0x60  }
0xae: {  	[dreg:$0x2] =	wrdreg s24  }
0xaf: {  	[dreg:$0x3] =	wrdreg s2  }
0xb0: {  	[dreg:$0x4] =	wrdreg $0x53000  }
0xb1: {  	[dreg:$0x5] =	wrdreg $0x9  }
0xb2: {  	_ =	task.clear_ibuf [dreg:s7], $0x6FFFF;
	_ =	strace $0x90000046  }
0xb3: {  	s29 =	simm.s32 $0x9;
	_ =	strace $0x80000048  }
0xb4: {  	_ =	swait.ge [sflag:s29], $0x1  }
0xb5: {  	[sflag:s29] =	ssyncadd.s32 $0xFFFFFFFF  }
0xb6: {  	_ =	strace $0x90000048  }
0xb7: {  	_ =	sfence  }
0xb8: {  	s30 =	sld [smem:$0x0];
	_ =	sdelay $0x2  }
0xb9: {  	s31 =	sshll.u32 s1, $0xD;
	s1 =	sshrl.u32 s1, $0x2  }
0xba: {  	s3 =	sand.u32 $0x4000, s31;
	s1 =	sadd.s32 s1, s30  }
0xbb: {  	s0 =	sor.u32 s3, s0;
	s1 =	sshll.u32 s1, $0x11  }
0xbc: {  	s0 =	sor.u32 s1, s0  }
0xbd: {  	s0 =	sadd.s32 $0x8F2B, s0  }
0xbe: {  	[sflag:s0] =	ssyncadd.remote.s32 $0x1  }
0xbf: {  	_ =	sfence.sel $0xFFFF  }
0xc0: {  	[dreg:$0x0] =	wrdreg $0xFFFFFFFF;
	(pc) =	sbr.abs _section_cstart, $3  }
0xc1: {  	[dreg:$0x1] =	wrdreg $0xFFFFFFFF  }
0xc2: {  	_ =	task.clear_ibuf [dreg:s7], $0x2FFFF;
	_ =	strace $0x9FFFFFFF  }
0xc3: {  	(tm) =	ssettm $0x7FFFFFFF  }
tec
execute0_lowered:
.L_overlay_start_1:
0x0: {  	(tag) =	ssettag $0x1  }
0x1: {  	s4 =	rddreg [dreg:$0x0]  }
0x2: {  	s6 =	rddreg [dreg:$0x1];
	s0 =	srdreg.scid  }
0x3: {  	s2 =	rddreg [dreg:$0x2];
	s1 =	stileid.u32  }
0x4: {  	s3 =	simm.s32 $0x0;
	s12 =	simm.s32 $0x1;
	s13 =	simm.s32 $0x2  }
0x5: {  	s14 =	simm.s32 $0x4F80;
	s15 =	simm.s32 $0x80;
	s16 =	simm.s32 $0x100  }
0x6: {  	s5 =	sand.u32 $0x1, s0;
	s0 =	rddreg [dreg:$0x3];
	s8 =	smul.u32 $0xA00, s1  }
0x7: {  	s17 =	simm.s32 $0x0;
	[smem:$0x7FF] =	sst s3;
	s11 =	smul.u32 $0x500, s1  }
0x8: {  	s7 =	sshll.u32 s5, $0x4;
	s9 =	ssub.s32 $0x2, s5;
	_ =	strace $0x80000047  }
0x9: {  	s5 =	sshll.u32 s5, $0x7;
	s7 =	sor.u32 s1, s7;
	s10 =	sshrl.u32 s9, $0x1  }
0xa: {  	s8 =	sshrl.u32 s8, $0x2;
	s30 =	sor.u32 s5, s11;
	s7 =	smul.u32 $0x5000, s7  }
0xb: {  	s11 =	simm.s32 $0x5000;
	s9 =	ssub.s32 s9, s10;
	s31 =	sshrl.u32 s30, $0x3  }
0xc: {  	s10 =	simm.s32 $0x40;
	s6 =	sadd.s32 s6, s31;
	s7 =	sshrl.u32 s7, $0x3  }
0xd: {  	s7 =	sadd.s32 s4, s7;
	s4 =	sadd.s32 s8, s2;
	s8 =	simm.s32 $0x5080  }
0xe: {  	v0 =	vimm.f32 $1.000000000e+00;
	v1 =	vimm.f32 $0.0e+00;
	s5 =	sadd.s32 $0x15E00, s7;
	s7 =	smax.u32 s9, $0x1;
	s9 =	simm.s32 $0x3  }
.LBB2_1:
0xf: {  	[tilespmem:$0x5000] =	vst v0  }
0x10: {  	[tilespmem:$0x5010] =	vst v0  }
0x11: {  	[tilespmem:$0x5020] =	vst v0  }
0x12: {  	[tilespmem:$0x5030] =	vst v0  }
0x13: {  	[tilespmem:$0x5080] =	vst v1  }
0x14: {  	[tilespmem:$0x5090] =	vst v1  }
0x15: {  	[tilespmem:$0x50A0] =	vst v1  }
0x16: {  	[tilespmem:$0x50B0] =	vst v1  }
0x17: {  	[tilespmem:$0x50C0] =	vst v1  }
0x18: {  	[tilespmem:$0x50D0] =	vst v1  }
0x19: {  	[tilespmem:$0x50E0] =	vst v1  }
0x1a: {  	[tilespmem:$0x50F0] =	vst v1  }
0x1b: {  	[tilespmem:$0x5100] =	vst v1  }
0x1c: {  	[tilespmem:$0x5110] =	vst v1  }
0x1d: {  	[tilespmem:$0x5120] =	vst v1  }
0x1e: {  	[tilespmem:$0x5130] =	vst v1  }
0x1f: {  	[tilespmem:$0x5140] =	vst v1  }
0x20: {  	[tilespmem:$0x5150] =	vst v1  }
0x21: {  	[tilespmem:$0x5160] =	vst v1  }
0x22: {  	[tilespmem:$0x5170] =	vst v1  }
0x23: {  	[tilespmem:$0x5180] =	vst v1  }
0x24: {  	[tilespmem:$0x5190] =	vst v1  }
0x25: {  	[tilespmem:$0x51A0] =	vst v1  }
0x26: {  	[tilespmem:$0x51B0] =	vst v1  }
0x27: {  	[tilespmem:$0x51C0] =	vst v1  }
0x28: {  	[tilespmem:$0x51D0] =	vst v1  }
0x29: {  	[tilespmem:$0x51E0] =	vst v1  }
0x2a: {  	[tilespmem:$0x51F0] =	vst v1  }
0x2b: {  	[tilespmem:$0x5200] =	vst v1  }
0x2c: {  	[tilespmem:$0x5210] =	vst v1  }
0x2d: {  	[tilespmem:$0x5220] =	vst v1  }
0x2e: {  	[tilespmem:$0x5230] =	vst v1  }
0x2f: {  	[tilespmem:$0x5240] =	vst v1  }
0x30: {  	[tilespmem:$0x5250] =	vst v1  }
0x31: {  	[tilespmem:$0x5260] =	vst v1  }
0x32: {  	[tilespmem:$0x5270] =	vst v1  }
0x33: {  	[tilespmem:$0x5280] =	vst v1  }
0x34: {  	[tilespmem:$0x5290] =	vst v1  }
0x35: {  	[tilespmem:$0x52A0] =	vst v1  }
0x36: {  	[tilespmem:$0x52B0] =	vst v1  }
0x37: {  	[tilespmem:$0x52C0] =	vst v1  }
0x38: {  	[tilespmem:$0x52D0] =	vst v1  }
0x39: {  	[tilespmem:$0x52E0] =	vst v1  }
0x3a: {  	[tilespmem:$0x52F0] =	vst v1  }
0x3b: {  	[spmem:s4] =	stream.linear.scatter [tilespmem:s8], [sflag:$0x3], $0x280, $0x38;
	[tilespmem:$0x5580] =	vst v63  }
0x3c: {  	_ =	swait.ge [sflag:s9], $0x280  }
0x3d: {  	[sflag:s9] =	ssyncset.done $0x0  }
0x3e: {  	[sflag:s9] =	ssyncadd.s32 $0xFFFFFD80  }
0x3f: {  	[tilespmem:s3], [sflag:$0x3] =	stream.linear.gather [hbm4b:s5+s3], $0x5000, $0x38;
	[tilespmem:$0x5580] =	vst v63  }
0x40: {  	_ =	swait.ge [sflag:s9], $0x5000  }
0x41: {  	[sflag:s9] =	ssyncset.done $0x0  }
0x42: {  	[sflag:s9] =	ssyncadd.s32 $0xFFFFB000  }
0x43: {  	[bflag:$0x0] =	sbarrier.arrive $0xFFFF  }
0x44: {  	[spmem:s2] =	stream.indirect.scatter.add.f32 [tilespmem:s11], [sflag:$0x1], $0x1, s3, s10, $0xb8;
	[tilespmem:$0x5580] =	vst v63  }
0x45: {  	s18 =	simm.s32 $0x80  }
0x46: {  	[spmem:s2] =	stream.indirect.scatter.add.f32 [tilespmem:s11], [sflag:$0x2], $0x1, s18, s10, $0xb8;
	[tilespmem:$0x5580] =	vst v63  }
0x47: {  	_ =	swait.ge [sflag:s12], $0x40  }
0x48: {  	[sflag:s12] =	ssyncset.done $0x0  }
0x49: {  	s31 =	simm.s32 $0x100;
	[sflag:s12] =	ssyncadd.s32 $0xFFFFFFC0  }
0x4a: {  	[spmem:s2] =	stream.indirect.scatter.add.f32 [tilespmem:s11], [sflag:$0x1], $0x1, s31, s10, $0xb8;
	[tilespmem:$0x5580] =	vst v63  }
0x4b: {  	_ =	swait.ge [sflag:s13], $0x40  }
0x4c: {  	s19 =	simm.s32 $0xFFFECC00;
	s18 =	simm.s32 $0xFFFFB200;
	[sflag:s13] =	ssyncset.done $0x0  }
.LBB2_2:
0x4d: {  	s20 =	sadd.s32 $0x4F80, s18  }
0x4e: {  	[sflag:s13] =	ssyncadd.s32 $0xFFFFFFC0;
	s21 =	smov.u32 s19;
	s22 =	sadd.s32 $0x400, s19  }
0x4f: {  	[spmem:s2] =	stream.indirect.scatter.add.f32 [tilespmem:s11], [sflag:$0x2], $0x1, s20, s10, $0xb8;
	[tilespmem:$0x5580] =	vst v63  }
0x50: {  	p0 =	sne.s32 s19, $0xFFFFFC00;
	_ =	swait.ge [sflag:s12], $0x40  }
.Ltmp0:
0x51: {  	[sflag:s12] =	ssyncset.done $0x0;
	(pc) =	sbr.rel @p0 .LBB2_2-.Ltmp0, $4  }
0x52: {  	s18 =	sadd.s32 $0x5000, s18;
	[sflag:s12] =	ssyncadd.s32 $0xFFFFFFC0  }
0x53: {  	[spmem:s2] =	stream.indirect.scatter.add.f32 [tilespmem:s11], [sflag:$0x1], $0x1, s18, s10, $0xb8;
	[tilespmem:$0x5580] =	vst v63  }
0x54: {  	_ =	swait.ge [sflag:s13], $0x40  }
0x55: {  	s19 =	smov.u32 s22;
	s18 =	sshra.s32 s21, $0x2;
	[sflag:s13] =	ssyncset.done $0x0  }
0x56: {  	s19 =	sadd.s32 $0x4F80, s18;
	[sflag:s13] =	ssyncadd.s32 $0xFFFFFFC0  }
0x57: {  	[spmem:s2] =	stream.indirect.scatter.add.f32 [tilespmem:s11], [sflag:$0x2], $0x1, s19, s10, $0xb8;
	[tilespmem:$0x5580] =	vst v63  }
0x58: {  	_ =	swait.ge [sflag:s12], $0x40  }
0x59: {  	[sflag:s12] =	ssyncset.done $0x0  }
0x5a: {  	s31 =	sadd.s32 $0x5000, s18;
	[sflag:s12] =	ssyncadd.s32 $0xFFFFFFC0  }
0x5b: {  	[spmem:s2] =	stream.indirect.scatter.add.f32 [tilespmem:s11], [sflag:$0x1], $0x1, s31, s10, $0xb8;
	[tilespmem:$0x5580] =	vst v63  }
0x5c: {  	_ =	swait.ge [sflag:s13], $0x40  }
0x5d: {  	[sflag:s13] =	ssyncset.done $0x0  }
0x5e: {  	[sflag:s13] =	ssyncadd.s32 $0xFFFFFFC0  }
0x5f: {  	[spmem:s2] =	stream.indirect.scatter.add.f32 [tilespmem:s11], [sflag:$0x2], $0x1, s14, s10, $0xb8;
	[tilespmem:$0x5580] =	vst v63  }
0x60: {  	_ =	swait.ge [sflag:s12], $0x40  }
0x61: {  	[sflag:s12] =	ssyncset.done $0x0  }
0x62: {  	[sflag:s12] =	ssyncadd.s32 $0xFFFFFFC0  }
0x63: {  	_ =	swait.ge [sflag:s13], $0x40  }
0x64: {  	[sflag:s13] =	ssyncset.done $0x0  }
0x65: {  	[sflag:s13] =	ssyncadd.s32 $0xFFFFFFC0  }
0x66: {  	[bflag:$0x0] =	sbarrier.arrive $0xFFFF  }
0x67: {  	[tilespmem:s8], [sflag:$0x3] =	stream.linear.gather [spmem:s4], $0x280, $0x38;
	[tilespmem:$0x5580] =	vst v63  }
0x68: {  	s17 =	sadd.s32 $0x1, s17;
	_ =	swait.ge [sflag:s9], $0x280  }
0x69: {  	p0 =	sne.s32 s17, s7;
	[sflag:s9] =	ssyncset.done $0x0  }
.Ltmp1:
0x6a: {  	[sflag:s9] =	ssyncadd.s32 $0xFFFFFD80;
	(pc) =	sbr.rel @p0 .LBB2_1-.Ltmp1, $4  }
0x6b: {  	[hbm4b:s6+s15] =	stream.strided.scatter [tilespmem:s8], [sflag:$0x3], $0x280, s16, s15, $0x38;
	[tilespmem:$0x5580] =	vst v63  }
0x6c: {  	_ =	swait.ge [sflag:s9], $0x280  }
0x6d: {  	[sflag:s9] =	ssyncset.done $0x0  }
0x6e: {  	[sflag:s9] =	ssyncadd.s32 $0xFFFFFD80  }
0x6f: {  	_ =	sfence.sel $0x180000  }
0x70: {  	[bflag:$0x0] =	sbarrier.arrive $0xFFFF  }
0x71: {  	p0 =	sne.s32 s1, $0x0;
	_ =	strace $0x90000047  }
0x72: {  	s0 =	sadd.s32 @!p0 $0x100000, s0;
	[bflag:$0x2] =	sbarrier.arrive $0xFFFF  }
0x73: {  	[sflag:s0] =	ssyncadd.tile.s32 @!p0 $0x1;
	_ =	shalt  }
.Lfunc_end2:
_tile_overlayer_lowered:
.L_overlay_start_2:
0x74: {  	(tag) =	ssettag $0x2  }
0x75: {  	s0 =	rddreg [dreg:$0x0];
	s2 =	stileid.u32  }
0x76: {  	s1 =	rddreg [dreg:$0x1];
	p0 =	sne.s32 s2, $0x0  }
0x77: {  	s3 =	rddreg [dreg:$0x2];
	[bflag:$0x3] =	sbarrier.arrive $0xFFFF;
	s2 =	simm.s32 @!p0 $0x1C03  }
0x78: {  	[timem:s3], [sflag:s2] =	dma.local @!p0 [hbm:s0], s1  }
0x79: {  	s0 =	simm.s32 @!p0 $0x3  }
0x7a: {  	_ =	swait.ge @!p0 [sflag:s0], s1  }
0x7b: {  	s1 =	ssub.s32 @!p0 $0x0, s1;
	[sflag:s0] =	ssyncset.done @!p0 $0x0  }
0x7c: {  	[sflag:s0] =	ssyncadd.s32 @!p0 s1  }
0x7d: {  	[bflag:$0x3] =	sbarrier.arrive $0xFFFF  }
0x7e: {  	_ =	shalt  }

</sc_bundles>
